<compile_context>
chip_gen: v7x
topology: tpu7x:2x2x1
jax: 0.10.2.dev20260603
libtpu: 0.0.44.dev20260713+nightly
codegen_flags: <defaults>
</compile_context>

<pallas_src>
import jax
import jax.numpy as jnp
from jax import lax
from jax.experimental import pallas as pl
from jax.experimental.pallas import tpu as pltpu
from jax.experimental.pallas import tpu_sc as plsc

B = 16384
NC = 2
NS = 16
NW = NC * NS
BPW = B // NW
C = 16
NCHUNK = BPW // C
NENT = 20
L = 16

_C3 = -1.0 / 6.0
_C5 = 1.0 / 120.0


def _sin_poly(x):
    x2 = x * x
    return x * (1.0 + x2 * (_C3 + x2 * _C5))


def _body(s_hbm, r_hbm, o_hbm, y_hbm, m_hbm, d_hbm, *refs):
    ent = refs[:NENT]
    relf = refs[NENT]
    reli = refs[NENT + 1]
    out_hbm = refs[NENT + 2]
    soidx, soidx2, ridx, tall, ebuf, rbuf, outv, sem = refs[NENT + 3:]

    wid = lax.axis_index("s") * NC + lax.axis_index("c")
    base = wid * BPW

    pltpu.sync_copy(s_hbm.at[pl.ds(base, BPW)], soidx.at[pl.ds(0, BPW)])
    pltpu.sync_copy(o_hbm.at[pl.ds(base, BPW)], soidx.at[pl.ds(BPW, BPW)])
    pltpu.sync_copy(r_hbm.at[pl.ds(base, BPW)], ridx)
    pltpu.sync_copy(y_hbm.at[pl.ds(base, BPW)], tall.at[pl.ds(0, BPW)])
    pltpu.sync_copy(m_hbm.at[pl.ds(base, BPW)], tall.at[pl.ds(BPW, BPW)])
    pltpu.sync_copy(d_hbm.at[pl.ds(base, BPW)], tall.at[pl.ds(2 * BPW, BPW)])

    def halve(i, carry):
        v = soidx[pl.ds(i * L, L)]
        soidx2[pl.ds(i * L, L)] = lax.shift_right_logical(v, 1)
        return carry

    lax.fori_loop(0, (2 * BPW) // L, halve, 0)

    lane = lax.iota(jnp.int32, L)

    def chunk_body(c, carry):
        cc = c * C
        cps = []
        for k in range(NENT):
            cps.append(pltpu.async_copy(
                ent[k].at[soidx2.at[pl.ds(cc, C)]], ebuf.at[k], sem))
            cps.append(pltpu.async_copy(
                ent[k].at[soidx2.at[pl.ds(BPW + cc, C)]],
                ebuf.at[NENT + k], sem))
        cps.append(pltpu.async_copy(
            relf.at[ridx.at[pl.ds(cc, C)]], rbuf.at[0], sem))
        cps.append(pltpu.async_copy(
            reli.at[ridx.at[pl.ds(cc, C)]], rbuf.at[1], sem))
        for cp in cps:
            cp.wait()

        trows = tuple(tall[pl.ds(p * BPW + cc, C)] for p in range(3))
        half = (soidx[pl.ds(cc, C)] & 1) * 64
        halfo = (soidx[pl.ds(BPW + cc, C)] & 1) * 64

        def elem_body(e, score_vec):
            emask = lane == e
            tvals = tuple(
                jnp.sum(jnp.where(emask, trows[p], 0.0)) for p in range(3))
            h_s = jnp.sum(jnp.where(emask, half, 0))
            h_o = jnp.sum(jnp.where(emask, halfo, 0))
            hs = (h_s, h_o)

            def tcol(k, at, j):
                return ebuf[at * NENT + k, e, pl.ds(hs[at] + j * L, L)]

            def temb(side, at, j):
                r = None
                for p in range(3):
                    kb = 2 + p * 6 + side * 3
                    frq = tcol(kb + 0, at, j)
                    phi = tcol(kb + 1, at, j)
                    amp = tcol(kb + 2, at, j)
                    term = amp * _sin_poly(frq * tvals[p] + phi)
                    r = term if r is None else r + term
                return r

            acc = None
            for j in range(4):
                sl = pl.ds(j * L, L)
                slt = pl.ds(64 + j * L, L)
                e_ss = tcol(0, 0, j)
                e_os = tcol(1, 0, j)
                e_so = tcol(0, 1, j)
                e_oo = tcol(1, 1, j)
                rf_e = rbuf[0, e, sl]
                rf_t = rbuf[0, e, slt]
                ri_e = rbuf[1, e, sl]
                ri_t = rbuf[1, e, slt]
                t_ss = temb(0, 0, j)
                t_oo = temb(1, 1, j)
                t_os = temb(0, 1, j)
                t_so = temb(1, 0, j)
                part = (e_ss * rf_e * e_oo + t_ss * rf_t * t_oo
                        + e_so * ri_e * e_os + t_os * ri_t * t_so)
                acc = part if acc is None else acc + part
            return jnp.where(lane == e, jnp.sum(acc), score_vec)

        score = lax.fori_loop(0, C, elem_body, jnp.zeros((L,), jnp.float32))
        outv[pl.ds(cc, C)] = 0.5 * score
        return carry

    lax.fori_loop(0, NCHUNK, chunk_body, 0)
    pltpu.sync_copy(outv, out_hbm.at[pl.ds(base, BPW)])


_sc_call = pl.kernel(
    _body,
    out_type=jax.ShapeDtypeStruct((B,), jnp.float32),
    mesh=plsc.VectorSubcoreMesh(core_axis_name="c", subcore_axis_name="s"),
    compiler_params=pltpu.CompilerParams(
        needs_layout_passes=False, use_tc_tiling_on_sc=True),
    scratch_types=[
        pltpu.VMEM((2 * BPW,), jnp.int32),
        pltpu.VMEM((2 * BPW,), jnp.int32),
        pltpu.VMEM((BPW,), jnp.int32),
        pltpu.VMEM((3 * BPW,), jnp.float32),
        pltpu.VMEM((2 * NENT, C, 128), jnp.float32),
        pltpu.VMEM((2, C, 128), jnp.float32),
        pltpu.VMEM((BPW,), jnp.float32),
        pltpu.SemaphoreType.DMA,
    ],
)


def kernel(s, r, o, y, m, d, tables):
    ent_list = [tables["e_emb_s"], tables["e_emb_o"]]
    for p in ("y", "m", "d"):
        for side in ("s", "o"):
            for kind in ("frq", "phi", "amp"):
                ent_list.append(tables[p + "_" + kind + "_" + side])
    ent_list = [jnp.reshape(t, (t.shape[0] // 2, 128)) for t in ent_list]
    return _sc_call(s, r, o, y, m, d, *ent_list,
                    tables["r_emb_f"], tables["r_emb_i"])

# --- scband reference (transcript-rebuilt; emitter-appended) ---
"""Pipeline reference for scband-desimpl-e-42975442764574 (READ-ONLY COPY).

The authoritative reference and input builder live on the scoring server;
editing this copy changes nothing except your own understanding.
"""

import jax, jax.numpy as jnp
import numpy as np

NE = 100000
NR = 500
S_DIM = 64
T_DIM = 64
B = 16384


def _make_tables(key):
    names = ["e_emb_s", "e_emb_o", "r_emb_f", "r_emb_i"]
    for p in ["y", "m", "d"]:
        for kind in ["frq", "phi", "amp"]:
            for side in ["s", "o"]:
                names.append(p + "_" + kind + "_" + side)
    tables = {}
    for i, n in enumerate(names):
        k = jax.random.fold_in(key, i)
        if n in ("e_emb_s", "e_emb_o"):
            shape = (NE, S_DIM)
        elif n in ("r_emb_f", "r_emb_i"):
            shape = (NR, S_DIM + T_DIM)
        else:
            shape = (NE, T_DIM)
        scale = float(np.sqrt(6.0 / (shape[0] + shape[1])))
        tables[n] = jax.random.uniform(k, shape, jnp.float32, -scale, scale)
    return tables


def setup_inputs(seed: int = 0):
    key = jax.random.key(seed)
    k1, k2, k3, k4, k5, k6, k7 = jax.random.split(key, 7)
    inp = {
        "s": jax.random.randint(k1, (B,), 0, NE, dtype=jnp.int32),
        "r": jax.random.randint(k2, (B,), 0, NR, dtype=jnp.int32),
        "o": jax.random.randint(k3, (B,), 0, NE, dtype=jnp.int32),
        "y": jax.random.uniform(k4, (B,), jnp.float32),
        "m": jax.random.uniform(k5, (B,), jnp.float32),
        "d": jax.random.uniform(k6, (B,), jnp.float32),
    }
    inp["tables"] = _make_tables(k7)
    return inp


def _t_emb(T, side, e, y, m, d):
    y_emb = T["y_amp_" + side][e] * jnp.sin(T["y_frq_" + side][e] * y + T["y_phi_" + side][e])
    m_emb = T["m_amp_" + side][e] * jnp.sin(T["m_frq_" + side][e] * m + T["m_phi_" + side][e])
    d_emb = T["d_amp_" + side][e] * jnp.sin(T["d_frq_" + side][e] * d + T["d_phi_" + side][e])
    return y_emb + m_emb + d_emb


def _forward(tables, s, r, o, y, m, d):
    y2 = y.reshape(-1, 1)
    m2 = m.reshape(-1, 1)
    d2 = d.reshape(-1, 1)
    s_emb_s = jnp.concatenate([tables["e_emb_s"][s], _t_emb(tables, "s", s, y2, m2, d2)], axis=1)
    o_emb_o = jnp.concatenate([tables["e_emb_o"][o], _t_emb(tables, "o", o, y2, m2, d2)], axis=1)
    r_emb_f = tables["r_emb_f"][r]
    o_emb_s = jnp.concatenate([tables["e_emb_s"][o], _t_emb(tables, "s", o, y2, m2, d2)], axis=1)
    s_emb_o = jnp.concatenate([tables["e_emb_o"][s], _t_emb(tables, "o", s, y2, m2, d2)], axis=1)
    r_emb_i = tables["r_emb_i"][r]
    sc = (s_emb_s * r_emb_f * o_emb_o + o_emb_s * r_emb_i * s_emb_o) / 2.0
    # dropout p=0.0 (args.drp=0.0) -> identity
    return jnp.sum(sc, axis=1)


def reference(s, r, o, y, m, d, tables):
    return _forward(tables, s, r, o, y, m, d)

if __name__ == "__main__":
    import jax
    _d = setup_inputs()
    print(jax.jit(kernel)(*tuple(_d.values())))

</pallas_src>

<mosaic_0001>
#map = affine_map<(d0, d1) -> (0)>
#map1 = affine_map<(d0, d1) -> (0, 0)>
module attributes {stable_mosaic.version = 14 : i64} {
  func.func @_body(%arg0: i32, %arg1: i32, %arg2: memref<16384xi32, #tpu.memory_space<hbm>>, %arg3: memref<16384xi32, #tpu.memory_space<hbm>>, %arg4: memref<16384xi32, #tpu.memory_space<hbm>>, %arg5: memref<16384xf32, #tpu.memory_space<hbm>>, %arg6: memref<16384xf32, #tpu.memory_space<hbm>>, %arg7: memref<16384xf32, #tpu.memory_space<hbm>>, %arg8: memref<50000x128xf32, #tpu.memory_space<hbm>>, %arg9: memref<50000x128xf32, #tpu.memory_space<hbm>>, %arg10: memref<50000x128xf32, #tpu.memory_space<hbm>>, %arg11: memref<50000x128xf32, #tpu.memory_space<hbm>>, %arg12: memref<50000x128xf32, #tpu.memory_space<hbm>>, %arg13: memref<50000x128xf32, #tpu.memory_space<hbm>>, %arg14: memref<50000x128xf32, #tpu.memory_space<hbm>>, %arg15: memref<50000x128xf32, #tpu.memory_space<hbm>>, %arg16: memref<50000x128xf32, #tpu.memory_space<hbm>>, %arg17: memref<50000x128xf32, #tpu.memory_space<hbm>>, %arg18: memref<50000x128xf32, #tpu.memory_space<hbm>>, %arg19: memref<50000x128xf32, #tpu.memory_space<hbm>>, %arg20: memref<50000x128xf32, #tpu.memory_space<hbm>>, %arg21: memref<50000x128xf32, #tpu.memory_space<hbm>>, %arg22: memref<50000x128xf32, #tpu.memory_space<hbm>>, %arg23: memref<50000x128xf32, #tpu.memory_space<hbm>>, %arg24: memref<50000x128xf32, #tpu.memory_space<hbm>>, %arg25: memref<50000x128xf32, #tpu.memory_space<hbm>>, %arg26: memref<50000x128xf32, #tpu.memory_space<hbm>>, %arg27: memref<50000x128xf32, #tpu.memory_space<hbm>>, %arg28: memref<500x128xf32, #tpu.memory_space<hbm>>, %arg29: memref<500x128xf32, #tpu.memory_space<hbm>>, %arg30: memref<16384xf32, #tpu.memory_space<hbm>>, %arg31: memref<1024xi32, #tpu.memory_space<vmem>>, %arg32: memref<1024xi32, #tpu.memory_space<vmem>>, %arg33: memref<512xi32, #tpu.memory_space<vmem>>, %arg34: memref<1536xf32, #tpu.memory_space<vmem>>, %arg35: memref<40x16x128xf32, #tpu.memory_space<vmem>>, %arg36: memref<2x16x128xf32, #tpu.memory_space<vmem>>, %arg37: memref<512xf32, #tpu.memory_space<vmem>>, %arg38: memref<!tpu.dma_semaphore, #tpu.memory_space<semaphore_mem>>) attributes {dimension_semantics = [#tpu.dimension_semantics<core_parallel>, #tpu.dimension_semantics<subcore_parallel>], iteration_bounds = array<i64: 2, 16>, scalar_prefetch = 0 : i64, scratch_operands = 8 : i64, tpu.core_type = #tpu.core_type<sc_vector_subcore>, window_params = [{transform_indices = #map}, {transform_indices = #map}, {transform_indices = #map}, {transform_indices = #map}, {transform_indices = #map}, {transform_indices = #map}, {transform_indices = #map1}, {transform_indices = #map1}, {transform_indices = #map1}, {transform_indices = #map1}, {transform_indices = #map1}, {transform_indices = #map1}, {transform_indices = #map1}, {transform_indices = #map1}, {transform_indices = #map1}, {transform_indices = #map1}, {transform_indices = #map1}, {transform_indices = #map1}, {transform_indices = #map1}, {transform_indices = #map1}, {transform_indices = #map1}, {transform_indices = #map1}, {transform_indices = #map1}, {transform_indices = #map1}, {transform_indices = #map1}, {transform_indices = #map1}, {transform_indices = #map1}, {transform_indices = #map1}, {transform_indices = #map}]} {
    %mul3A = arith.constant 2 : i32
    %mul3A_0 = arith.muli %arg1, %mul3A : i32
    %add3A = arith.addi %mul3A_0, %arg0 : i32
    %mul3A_1 = arith.constant 512 : i32
    %mul3A_2 = arith.muli %add3A, %mul3A_1 : i32
    "tpu.region"() ({
      %run_scoped3A = tpu.sem_alloc : memref<!tpu.dma_semaphore, #tpu.memory_space<semaphore_mem>>
      %dma_start3A = arith.constant 0 : i32
      %dma_start3A_14 = tpu.memref_slice %arg31[%dma_start3A] : memref<1024xi32, #tpu.memory_space<vmem>> -> memref<512xi32, #tpu.memory_space<vmem>>
      %dma_start3A_15 = tpu.memref_slice %arg2[%mul3A_2] : memref<16384xi32, #tpu.memory_space<hbm>> -> memref<512xi32, #tpu.memory_space<hbm>>
      %dma_start3A_16 = arith.constant 0 : i32
      %dma_start3A_17 = tpu.memref_slice %arg31[%dma_start3A_16] : memref<1024xi32, #tpu.memory_space<vmem>> -> memref<512xi32, #tpu.memory_space<vmem>>
      %dma_start3A_18 = tpu.memref_slice %arg2[%mul3A_2] : memref<16384xi32, #tpu.memory_space<hbm>> -> memref<512xi32, #tpu.memory_space<hbm>>
      tpu.enqueue_dma source(%dma_start3A_18 : memref<512xi32, #tpu.memory_space<hbm>>) target(%dma_start3A_17 : memref<512xi32, #tpu.memory_space<vmem>>) target_semaphore(%run_scoped3A : memref<!tpu.dma_semaphore, #tpu.memory_space<semaphore_mem>>)
      %dma_wait3A = arith.constant 0 : i32
      %dma_wait3A_19 = tpu.memref_slice %arg31[%dma_wait3A] : memref<1024xi32, #tpu.memory_space<vmem>> -> memref<512xi32, #tpu.memory_space<vmem>>
      %dma_wait3A_20 = tpu.memref_slice %arg2[%mul3A_2] : memref<16384xi32, #tpu.memory_space<hbm>> -> memref<512xi32, #tpu.memory_space<hbm>>
      %dma_wait3A_21 = arith.constant 0 : i32
      %dma_wait3A_22 = tpu.memref_slice %arg31[%dma_wait3A_21] : memref<1024xi32, #tpu.memory_space<vmem>> -> memref<512xi32, #tpu.memory_space<vmem>>
      %dma_wait3A_23 = tpu.memref_slice %arg2[%mul3A_2] : memref<16384xi32, #tpu.memory_space<hbm>> -> memref<512xi32, #tpu.memory_space<hbm>>
      tpu.wait_dma2 semaphore(%run_scoped3A : memref<!tpu.dma_semaphore, #tpu.memory_space<semaphore_mem>>) src(%dma_wait3A_23 : memref<512xi32, #tpu.memory_space<hbm>>) dst(%dma_wait3A_22 : memref<512xi32, #tpu.memory_space<vmem>>)
      tpu.yield
    }) : () -> ()
    "tpu.region"() ({
      %run_scoped3A = tpu.sem_alloc : memref<!tpu.dma_semaphore, #tpu.memory_space<semaphore_mem>>
      %dma_start3A = arith.constant 512 : i32
      %dma_start3A_14 = tpu.memref_slice %arg31[%dma_start3A] : memref<1024xi32, #tpu.memory_space<vmem>> -> memref<512xi32, #tpu.memory_space<vmem>>
      %dma_start3A_15 = tpu.memref_slice %arg4[%mul3A_2] : memref<16384xi32, #tpu.memory_space<hbm>> -> memref<512xi32, #tpu.memory_space<hbm>>
      %dma_start3A_16 = arith.constant 512 : i32
      %dma_start3A_17 = tpu.memref_slice %arg31[%dma_start3A_16] : memref<1024xi32, #tpu.memory_space<vmem>> -> memref<512xi32, #tpu.memory_space<vmem>>
      %dma_start3A_18 = tpu.memref_slice %arg4[%mul3A_2] : memref<16384xi32, #tpu.memory_space<hbm>> -> memref<512xi32, #tpu.memory_space<hbm>>
      tpu.enqueue_dma source(%dma_start3A_18 : memref<512xi32, #tpu.memory_space<hbm>>) target(%dma_start3A_17 : memref<512xi32, #tpu.memory_space<vmem>>) target_semaphore(%run_scoped3A : memref<!tpu.dma_semaphore, #tpu.memory_space<semaphore_mem>>)
      %dma_wait3A = arith.constant 512 : i32
      %dma_wait3A_19 = tpu.memref_slice %arg31[%dma_wait3A] : memref<1024xi32, #tpu.memory_space<vmem>> -> memref<512xi32, #tpu.memory_space<vmem>>
      %dma_wait3A_20 = tpu.memref_slice %arg4[%mul3A_2] : memref<16384xi32, #tpu.memory_space<hbm>> -> memref<512xi32, #tpu.memory_space<hbm>>
      %dma_wait3A_21 = arith.constant 512 : i32
      %dma_wait3A_22 = tpu.memref_slice %arg31[%dma_wait3A_21] : memref<1024xi32, #tpu.memory_space<vmem>> -> memref<512xi32, #tpu.memory_space<vmem>>
      %dma_wait3A_23 = tpu.memref_slice %arg4[%mul3A_2] : memref<16384xi32, #tpu.memory_space<hbm>> -> memref<512xi32, #tpu.memory_space<hbm>>
      tpu.wait_dma2 semaphore(%run_scoped3A : memref<!tpu.dma_semaphore, #tpu.memory_space<semaphore_mem>>) src(%dma_wait3A_23 : memref<512xi32, #tpu.memory_space<hbm>>) dst(%dma_wait3A_22 : memref<512xi32, #tpu.memory_space<vmem>>)
      tpu.yield
    }) : () -> ()
    "tpu.region"() ({
      %run_scoped3A = tpu.sem_alloc : memref<!tpu.dma_semaphore, #tpu.memory_space<semaphore_mem>>
      %dma_start3A = tpu.memref_slice %arg3[%mul3A_2] : memref<16384xi32, #tpu.memory_space<hbm>> -> memref<512xi32, #tpu.memory_space<hbm>>
      %dma_start3A_14 = tpu.memref_slice %arg3[%mul3A_2] : memref<16384xi32, #tpu.memory_space<hbm>> -> memref<512xi32, #tpu.memory_space<hbm>>
      tpu.enqueue_dma source(%dma_start3A_14 : memref<512xi32, #tpu.memory_space<hbm>>) target(%arg33 : memref<512xi32, #tpu.memory_space<vmem>>) target_semaphore(%run_scoped3A : memref<!tpu.dma_semaphore, #tpu.memory_space<semaphore_mem>>)
      %dma_wait3A = tpu.memref_slice %arg3[%mul3A_2] : memref<16384xi32, #tpu.memory_space<hbm>> -> memref<512xi32, #tpu.memory_space<hbm>>
      %dma_wait3A_15 = tpu.memref_slice %arg3[%mul3A_2] : memref<16384xi32, #tpu.memory_space<hbm>> -> memref<512xi32, #tpu.memory_space<hbm>>
      tpu.wait_dma2 semaphore(%run_scoped3A : memref<!tpu.dma_semaphore, #tpu.memory_space<semaphore_mem>>) src(%dma_wait3A_15 : memref<512xi32, #tpu.memory_space<hbm>>) dst(%arg33 : memref<512xi32, #tpu.memory_space<vmem>>)
      tpu.yield
    }) : () -> ()
    "tpu.region"() ({
      %run_scoped3A = tpu.sem_alloc : memref<!tpu.dma_semaphore, #tpu.memory_space<semaphore_mem>>
      %dma_start3A = arith.constant 0 : i32
      %dma_start3A_14 = tpu.memref_slice %arg34[%dma_start3A] : memref<1536xf32, #tpu.memory_space<vmem>> -> memref<512xf32, #tpu.memory_space<vmem>>
      %dma_start3A_15 = tpu.memref_slice %arg5[%mul3A_2] : memref<16384xf32, #tpu.memory_space<hbm>> -> memref<512xf32, #tpu.memory_space<hbm>>
      %dma_start3A_16 = arith.constant 0 : i32
      %dma_start3A_17 = tpu.memref_slice %arg34[%dma_start3A_16] : memref<1536xf32, #tpu.memory_space<vmem>> -> memref<512xf32, #tpu.memory_space<vmem>>
      %dma_start3A_18 = tpu.memref_slice %arg5[%mul3A_2] : memref<16384xf32, #tpu.memory_space<hbm>> -> memref<512xf32, #tpu.memory_space<hbm>>
      tpu.enqueue_dma source(%dma_start3A_18 : memref<512xf32, #tpu.memory_space<hbm>>) target(%dma_start3A_17 : memref<512xf32, #tpu.memory_space<vmem>>) target_semaphore(%run_scoped3A : memref<!tpu.dma_semaphore, #tpu.memory_space<semaphore_mem>>)
      %dma_wait3A = arith.constant 0 : i32
      %dma_wait3A_19 = tpu.memref_slice %arg34[%dma_wait3A] : memref<1536xf32, #tpu.memory_space<vmem>> -> memref<512xf32, #tpu.memory_space<vmem>>
      %dma_wait3A_20 = tpu.memref_slice %arg5[%mul3A_2] : memref<16384xf32, #tpu.memory_space<hbm>> -> memref<512xf32, #tpu.memory_space<hbm>>
      %dma_wait3A_21 = arith.constant 0 : i32
      %dma_wait3A_22 = tpu.memref_slice %arg34[%dma_wait3A_21] : memref<1536xf32, #tpu.memory_space<vmem>> -> memref<512xf32, #tpu.memory_space<vmem>>
      %dma_wait3A_23 = tpu.memref_slice %arg5[%mul3A_2] : memref<16384xf32, #tpu.memory_space<hbm>> -> memref<512xf32, #tpu.memory_space<hbm>>
      tpu.wait_dma2 semaphore(%run_scoped3A : memref<!tpu.dma_semaphore, #tpu.memory_space<semaphore_mem>>) src(%dma_wait3A_23 : memref<512xf32, #tpu.memory_space<hbm>>) dst(%dma_wait3A_22 : memref<512xf32, #tpu.memory_space<vmem>>)
      tpu.yield
    }) : () -> ()
    "tpu.region"() ({
      %run_scoped3A = tpu.sem_alloc : memref<!tpu.dma_semaphore, #tpu.memory_space<semaphore_mem>>
      %dma_start3A = arith.constant 512 : i32
      %dma_start3A_14 = tpu.memref_slice %arg34[%dma_start3A] : memref<1536xf32, #tpu.memory_space<vmem>> -> memref<512xf32, #tpu.memory_space<vmem>>
      %dma_start3A_15 = tpu.memref_slice %arg6[%mul3A_2] : memref<16384xf32, #tpu.memory_space<hbm>> -> memref<512xf32, #tpu.memory_space<hbm>>
      %dma_start3A_16 = arith.constant 512 : i32
      %dma_start3A_17 = tpu.memref_slice %arg34[%dma_start3A_16] : memref<1536xf32, #tpu.memory_space<vmem>> -> memref<512xf32, #tpu.memory_space<vmem>>
      %dma_start3A_18 = tpu.memref_slice %arg6[%mul3A_2] : memref<16384xf32, #tpu.memory_space<hbm>> -> memref<512xf32, #tpu.memory_space<hbm>>
      tpu.enqueue_dma source(%dma_start3A_18 : memref<512xf32, #tpu.memory_space<hbm>>) target(%dma_start3A_17 : memref<512xf32, #tpu.memory_space<vmem>>) target_semaphore(%run_scoped3A : memref<!tpu.dma_semaphore, #tpu.memory_space<semaphore_mem>>)
      %dma_wait3A = arith.constant 512 : i32
      %dma_wait3A_19 = tpu.memref_slice %arg34[%dma_wait3A] : memref<1536xf32, #tpu.memory_space<vmem>> -> memref<512xf32, #tpu.memory_space<vmem>>
      %dma_wait3A_20 = tpu.memref_slice %arg6[%mul3A_2] : memref<16384xf32, #tpu.memory_space<hbm>> -> memref<512xf32, #tpu.memory_space<hbm>>
      %dma_wait3A_21 = arith.constant 512 : i32
      %dma_wait3A_22 = tpu.memref_slice %arg34[%dma_wait3A_21] : memref<1536xf32, #tpu.memory_space<vmem>> -> memref<512xf32, #tpu.memory_space<vmem>>
      %dma_wait3A_23 = tpu.memref_slice %arg6[%mul3A_2] : memref<16384xf32, #tpu.memory_space<hbm>> -> memref<512xf32, #tpu.memory_space<hbm>>
      tpu.wait_dma2 semaphore(%run_scoped3A : memref<!tpu.dma_semaphore, #tpu.memory_space<semaphore_mem>>) src(%dma_wait3A_23 : memref<512xf32, #tpu.memory_space<hbm>>) dst(%dma_wait3A_22 : memref<512xf32, #tpu.memory_space<vmem>>)
      tpu.yield
    }) : () -> ()
    "tpu.region"() ({
      %run_scoped3A = tpu.sem_alloc : memref<!tpu.dma_semaphore, #tpu.memory_space<semaphore_mem>>
      %dma_start3A = arith.constant 1024 : i32
      %dma_start3A_14 = tpu.memref_slice %arg34[%dma_start3A] : memref<1536xf32, #tpu.memory_space<vmem>> -> memref<512xf32, #tpu.memory_space<vmem>>
      %dma_start3A_15 = tpu.memref_slice %arg7[%mul3A_2] : memref<16384xf32, #tpu.memory_space<hbm>> -> memref<512xf32, #tpu.memory_space<hbm>>
      %dma_start3A_16 = arith.constant 1024 : i32
      %dma_start3A_17 = tpu.memref_slice %arg34[%dma_start3A_16] : memref<1536xf32, #tpu.memory_space<vmem>> -> memref<512xf32, #tpu.memory_space<vmem>>
      %dma_start3A_18 = tpu.memref_slice %arg7[%mul3A_2] : memref<16384xf32, #tpu.memory_space<hbm>> -> memref<512xf32, #tpu.memory_space<hbm>>
      tpu.enqueue_dma source(%dma_start3A_18 : memref<512xf32, #tpu.memory_space<hbm>>) target(%dma_start3A_17 : memref<512xf32, #tpu.memory_space<vmem>>) target_semaphore(%run_scoped3A : memref<!tpu.dma_semaphore, #tpu.memory_space<semaphore_mem>>)
      %dma_wait3A = arith.constant 1024 : i32
      %dma_wait3A_19 = tpu.memref_slice %arg34[%dma_wait3A] : memref<1536xf32, #tpu.memory_space<vmem>> -> memref<512xf32, #tpu.memory_space<vmem>>
      %dma_wait3A_20 = tpu.memref_slice %arg7[%mul3A_2] : memref<16384xf32, #tpu.memory_space<hbm>> -> memref<512xf32, #tpu.memory_space<hbm>>
      %dma_wait3A_21 = arith.constant 1024 : i32
      %dma_wait3A_22 = tpu.memref_slice %arg34[%dma_wait3A_21] : memref<1536xf32, #tpu.memory_space<vmem>> -> memref<512xf32, #tpu.memory_space<vmem>>
      %dma_wait3A_23 = tpu.memref_slice %arg7[%mul3A_2] : memref<16384xf32, #tpu.memory_space<hbm>> -> memref<512xf32, #tpu.memory_space<hbm>>
      tpu.wait_dma2 semaphore(%run_scoped3A : memref<!tpu.dma_semaphore, #tpu.memory_space<semaphore_mem>>) src(%dma_wait3A_23 : memref<512xf32, #tpu.memory_space<hbm>>) dst(%dma_wait3A_22 : memref<512xf32, #tpu.memory_space<vmem>>)
      tpu.yield
    }) : () -> ()
    %scan3A = arith.constant 0 : i32
    %scan3A_3 = arith.constant 0 : i32
    %scan3A_4 = arith.constant 64 : i32
    %scan3A_5 = arith.addi %scan3A_3, %scan3A_4 : i32
    %scan3A_6 = arith.constant 1 : i32
    scf.for %scan3A_14 = %scan3A_3 to %scan3A_5 step %scan3A_6  : i32 {
      %mul3A_15 = arith.constant 16 : i32
      %mul3A_16 = arith.muli %scan3A_14, %mul3A_15 : i32
      %get3A = arith.index_cast %mul3A_16 : i32 to index
      %get3A_17 = tpu.vector_load %arg31[%get3A] {strides = array<i32>} : memref<1024xi32, #tpu.memory_space<vmem>>, vector<16xi32>,
      %shift_right_logical3A = arith.constant 1 : i32
      %shift_right_logical3A_18 = vector.broadcast %shift_right_logical3A : i32 to vector<16xi32>
      %shift_right_logical3A_19 = arith.shrui %get3A_17, %shift_right_logical3A_18 : vector<16xi32>
      %mul3A_20 = arith.constant 16 : i32
      %mul3A_21 = arith.muli %scan3A_14, %mul3A_20 : i32
      %swap3A = arith.index_cast %mul3A_21 : i32 to index
      %swap3A_22 = tpu.vector_load %arg32[%swap3A] {strides = array<i32>} : memref<1024xi32, #tpu.memory_space<vmem>>, vector<16xi32>,
      tpu.vector_store %arg32[%swap3A], %shift_right_logical3A_19 {strides = array<i32>} : memref<1024xi32, #tpu.memory_space<vmem>>, vector<16xi32>,
    }
    %scan3A_7 = arith.constant 64 : i32
    %iota3A = tpu.iota {dimensions = array<i32: 0>} : vector<16xi32>
    %scan3A_8 = arith.constant 0 : i32
    %scan3A_9 = arith.constant 0 : i32
    %scan3A_10 = arith.constant 32 : i32
    %scan3A_11 = arith.addi %scan3A_9, %scan3A_10 : i32
    %scan3A_12 = arith.constant 1 : i32
    scf.for %scan3A_14 = %scan3A_9 to %scan3A_11 step %scan3A_12  : i32 {
      %mul3A_15 = arith.constant 16 : i32
      %mul3A_16 = arith.muli %scan3A_14, %mul3A_15 : i32
      %dma_start3A = arith.constant 0 : i32
      %dma_start3A_17 = arith.constant 0 : i32
      %dma_start3A_18 = arith.constant 0 : i32
      %dma_start3A_19 = tpu.memref_slice %arg35[%dma_start3A, %dma_start3A_17, %dma_start3A_18] : memref<40x16x128xf32, #tpu.memory_space<vmem>> -> memref<1x16x128xf32, #tpu.memory_space<vmem>>
      %dma_start3A_20 = tpu.memref_squeeze %dma_start3A_19 : memref<1x16x128xf32, #tpu.memory_space<vmem>> -> memref<16x128xf32, #tpu.memory_space<vmem>>
      %dma_start3A_21 = tpu.memref_slice %arg32[%mul3A_16] : memref<1024xi32, #tpu.memory_space<vmem>> -> memref<16xi32, #tpu.memory_space<vmem>>
      %dma_start3A_22 = arith.constant 0 : i32
      %dma_start3A_23 = arith.constant 0 : i32
      %dma_start3A_24 = tpu.memref_slice %arg8[%dma_start3A_22, %dma_start3A_23] : memref<50000x128xf32, #tpu.memory_space<hbm>> -> memref<50000x128xf32, #tpu.memory_space<hbm>>
      tpu.enqueue_indirect_dma source(%dma_start3A_24 : memref<50000x128xf32, #tpu.memory_space<hbm>>) target(%dma_start3A_20 : memref<16x128xf32, #tpu.memory_space<vmem>>) offsets(%dma_start3A_21 : memref<16xi32, #tpu.memory_space<vmem>>) semaphore(%arg38 : memref<!tpu.dma_semaphore, #tpu.memory_space<semaphore_mem>>)
      %add3A_25 = arith.constant 512 : i32
      %add3A_26 = arith.addi %add3A_25, %mul3A_16 : i32
      %dma_start3A_27 = arith.constant 20 : i32
      %dma_start3A_28 = arith.constant 0 : i32
      %dma_start3A_29 = arith.constant 0 : i32
      %dma_start3A_30 = tpu.memref_slice %arg35[%dma_start3A_27, %dma_start3A_28, %dma_start3A_29] : memref<40x16x128xf32, #tpu.memory_space<vmem>> -> memref<1x16x128xf32, #tpu.memory_space<vmem>>
      %dma_start3A_31 = tpu.memref_squeeze %dma_start3A_30 : memref<1x16x128xf32, #tpu.memory_space<vmem>> -> memref<16x128xf32, #tpu.memory_space<vmem>>
      %dma_start3A_32 = tpu.memref_slice %arg32[%add3A_26] : memref<1024xi32, #tpu.memory_space<vmem>> -> memref<16xi32, #tpu.memory_space<vmem>>
      %dma_start3A_33 = arith.constant 0 : i32
      %dma_start3A_34 = arith.constant 0 : i32
      %dma_start3A_35 = tpu.memref_slice %arg8[%dma_start3A_33, %dma_start3A_34] : memref<50000x128xf32, #tpu.memory_space<hbm>> -> memref<50000x128xf32, #tpu.memory_space<hbm>>
      tpu.enqueue_indirect_dma source(%dma_start3A_35 : memref<50000x128xf32, #tpu.memory_space<hbm>>) target(%dma_start3A_31 : memref<16x128xf32, #tpu.memory_space<vmem>>) offsets(%dma_start3A_32 : memref<16xi32, #tpu.memory_space<vmem>>) semaphore(%arg38 : memref<!tpu.dma_semaphore, #tpu.memory_space<semaphore_mem>>)
      %dma_start3A_36 = arith.constant 1 : i32
      %dma_start3A_37 = arith.constant 0 : i32
      %dma_start3A_38 = arith.constant 0 : i32
      %dma_start3A_39 = tpu.memref_slice %arg35[%dma_start3A_36, %dma_start3A_37, %dma_start3A_38] : memref<40x16x128xf32, #tpu.memory_space<vmem>> -> memref<1x16x128xf32, #tpu.memory_space<vmem>>
      %dma_start3A_40 = tpu.memref_squeeze %dma_start3A_39 : memref<1x16x128xf32, #tpu.memory_space<vmem>> -> memref<16x128xf32, #tpu.memory_space<vmem>>
      %dma_start3A_41 = tpu.memref_slice %arg32[%mul3A_16] : memref<1024xi32, #tpu.memory_space<vmem>> -> memref<16xi32, #tpu.memory_space<vmem>>
      %dma_start3A_42 = arith.constant 0 : i32
      %dma_start3A_43 = arith.constant 0 : i32
      %dma_start3A_44 = tpu.memref_slice %arg9[%dma_start3A_42, %dma_start3A_43] : memref<50000x128xf32, #tpu.memory_space<hbm>> -> memref<50000x128xf32, #tpu.memory_space<hbm>>
      tpu.enqueue_indirect_dma source(%dma_start3A_44 : memref<50000x128xf32, #tpu.memory_space<hbm>>) target(%dma_start3A_40 : memref<16x128xf32, #tpu.memory_space<vmem>>) offsets(%dma_start3A_41 : memref<16xi32, #tpu.memory_space<vmem>>) semaphore(%arg38 : memref<!tpu.dma_semaphore, #tpu.memory_space<semaphore_mem>>)
      %add3A_45 = arith.constant 512 : i32
      %add3A_46 = arith.addi %add3A_45, %mul3A_16 : i32
      %dma_start3A_47 = arith.constant 21 : i32
      %dma_start3A_48 = arith.constant 0 : i32
      %dma_start3A_49 = arith.constant 0 : i32
      %dma_start3A_50 = tpu.memref_slice %arg35[%dma_start3A_47, %dma_start3A_48, %dma_start3A_49] : memref<40x16x128xf32, #tpu.memory_space<vmem>> -> memref<1x16x128xf32, #tpu.memory_space<vmem>>
      %dma_start3A_51 = tpu.memref_squeeze %dma_start3A_50 : memref<1x16x128xf32, #tpu.memory_space<vmem>> -> memref<16x128xf32, #tpu.memory_space<vmem>>
      %dma_start3A_52 = tpu.memref_slice %arg32[%add3A_46] : memref<1024xi32, #tpu.memory_space<vmem>> -> memref<16xi32, #tpu.memory_space<vmem>>
      %dma_start3A_53 = arith.constant 0 : i32
      %dma_start3A_54 = arith.constant 0 : i32
      %dma_start3A_55 = tpu.memref_slice %arg9[%dma_start3A_53, %dma_start3A_54] : memref<50000x128xf32, #tpu.memory_space<hbm>> -> memref<50000x128xf32, #tpu.memory_space<hbm>>
      tpu.enqueue_indirect_dma source(%dma_start3A_55 : memref<50000x128xf32, #tpu.memory_space<hbm>>) target(%dma_start3A_51 : memref<16x128xf32, #tpu.memory_space<vmem>>) offsets(%dma_start3A_52 : memref<16xi32, #tpu.memory_space<vmem>>) semaphore(%arg38 : memref<!tpu.dma_semaphore, #tpu.memory_space<semaphore_mem>>)
      %dma_start3A_56 = arith.constant 2 : i32
      %dma_start3A_57 = arith.constant 0 : i32
      %dma_start3A_58 = arith.constant 0 : i32
      %dma_start3A_59 = tpu.memref_slice %arg35[%dma_start3A_56, %dma_start3A_57, %dma_start3A_58] : memref<40x16x128xf32, #tpu.memory_space<vmem>> -> memref<1x16x128xf32, #tpu.memory_space<vmem>>
      %dma_start3A_60 = tpu.memref_squeeze %dma_start3A_59 : memref<1x16x128xf32, #tpu.memory_space<vmem>> -> memref<16x128xf32, #tpu.memory_space<vmem>>
      %dma_start3A_61 = tpu.memref_slice %arg32[%mul3A_16] : memref<1024xi32, #tpu.memory_space<vmem>> -> memref<16xi32, #tpu.memory_space<vmem>>
      %dma_start3A_62 = arith.constant 0 : i32
      %dma_start3A_63 = arith.constant 0 : i32
      %dma_start3A_64 = tpu.memref_slice %arg10[%dma_start3A_62, %dma_start3A_63] : memref<50000x128xf32, #tpu.memory_space<hbm>> -> memref<50000x128xf32, #tpu.memory_space<hbm>>
      tpu.enqueue_indirect_dma source(%dma_start3A_64 : memref<50000x128xf32, #tpu.memory_space<hbm>>) target(%dma_start3A_60 : memref<16x128xf32, #tpu.memory_space<vmem>>) offsets(%dma_start3A_61 : memref<16xi32, #tpu.memory_space<vmem>>) semaphore(%arg38 : memref<!tpu.dma_semaphore, #tpu.memory_space<semaphore_mem>>)
      %add3A_65 = arith.constant 512 : i32
      %add3A_66 = arith.addi %add3A_65, %mul3A_16 : i32
      %dma_start3A_67 = arith.constant 22 : i32
      %dma_start3A_68 = arith.constant 0 : i32
      %dma_start3A_69 = arith.constant 0 : i32
      %dma_start3A_70 = tpu.memref_slice %arg35[%dma_start3A_67, %dma_start3A_68, %dma_start3A_69] : memref<40x16x128xf32, #tpu.memory_space<vmem>> -> memref<1x16x128xf32, #tpu.memory_space<vmem>>
      %dma_start3A_71 = tpu.memref_squeeze %dma_start3A_70 : memref<1x16x128xf32, #tpu.memory_space<vmem>> -> memref<16x128xf32, #tpu.memory_space<vmem>>
      %dma_start3A_72 = tpu.memref_slice %arg32[%add3A_66] : memref<1024xi32, #tpu.memory_space<vmem>> -> memref<16xi32, #tpu.memory_space<vmem>>
      %dma_start3A_73 = arith.constant 0 : i32
      %dma_start3A_74 = arith.constant 0 : i32
      %dma_start3A_75 = tpu.memref_slice %arg10[%dma_start3A_73, %dma_start3A_74] : memref<50000x128xf32, #tpu.memory_space<hbm>> -> memref<50000x128xf32, #tpu.memory_space<hbm>>
      tpu.enqueue_indirect_dma source(%dma_start3A_75 : memref<50000x128xf32, #tpu.memory_space<hbm>>) target(%dma_start3A_71 : memref<16x128xf32, #tpu.memory_space<vmem>>) offsets(%dma_start3A_72 : memref<16xi32, #tpu.memory_space<vmem>>) semaphore(%arg38 : memref<!tpu.dma_semaphore, #tpu.memory_space<semaphore_mem>>)
      %dma_start3A_76 = arith.constant 3 : i32
      %dma_start3A_77 = arith.constant 0 : i32
      %dma_start3A_78 = arith.constant 0 : i32
      %dma_start3A_79 = tpu.memref_slice %arg35[%dma_start3A_76, %dma_start3A_77, %dma_start3A_78] : memref<40x16x128xf32, #tpu.memory_space<vmem>> -> memref<1x16x128xf32, #tpu.memory_space<vmem>>
      %dma_start3A_80 = tpu.memref_squeeze %dma_start3A_79 : memref<1x16x128xf32, #tpu.memory_space<vmem>> -> memref<16x128xf32, #tpu.memory_space<vmem>>
      %dma_start3A_81 = tpu.memref_slice %arg32[%mul3A_16] : memref<1024xi32, #tpu.memory_space<vmem>> -> memref<16xi32, #tpu.memory_space<vmem>>
      %dma_start3A_82 = arith.constant 0 : i32
      %dma_start3A_83 = arith.constant 0 : i32
      %dma_start3A_84 = tpu.memref_slice %arg11[%dma_start3A_82, %dma_start3A_83] : memref<50000x128xf32, #tpu.memory_space<hbm>> -> memref<50000x128xf32, #tpu.memory_space<hbm>>
      tpu.enqueue_indirect_dma source(%dma_start3A_84 : memref<50000x128xf32, #tpu.memory_space<hbm>>) target(%dma_start3A_80 : memref<16x128xf32, #tpu.memory_space<vmem>>) offsets(%dma_start3A_81 : memref<16xi32, #tpu.memory_space<vmem>>) semaphore(%arg38 : memref<!tpu.dma_semaphore, #tpu.memory_space<semaphore_mem>>)
      %add3A_85 = arith.constant 512 : i32
      %add3A_86 = arith.addi %add3A_85, %mul3A_16 : i32
      %dma_start3A_87 = arith.constant 23 : i32
      %dma_start3A_88 = arith.constant 0 : i32
      %dma_start3A_89 = arith.constant 0 : i32
      %dma_start3A_90 = tpu.memref_slice %arg35[%dma_start3A_87, %dma_start3A_88, %dma_start3A_89] : memref<40x16x128xf32, #tpu.memory_space<vmem>> -> memref<1x16x128xf32, #tpu.memory_space<vmem>>
      %dma_start3A_91 = tpu.memref_squeeze %dma_start3A_90 : memref<1x16x128xf32, #tpu.memory_space<vmem>> -> memref<16x128xf32, #tpu.memory_space<vmem>>
      %dma_start3A_92 = tpu.memref_slice %arg32[%add3A_86] : memref<1024xi32, #tpu.memory_space<vmem>> -> memref<16xi32, #tpu.memory_space<vmem>>
      %dma_start3A_93 = arith.constant 0 : i32
      %dma_start3A_94 = arith.constant 0 : i32
      %dma_start3A_95 = tpu.memref_slice %arg11[%dma_start3A_93, %dma_start3A_94] : memref<50000x128xf32, #tpu.memory_space<hbm>> -> memref<50000x128xf32, #tpu.memory_space<hbm>>
      tpu.enqueue_indirect_dma source(%dma_start3A_95 : memref<50000x128xf32, #tpu.memory_space<hbm>>) target(%dma_start3A_91 : memref<16x128xf32, #tpu.memory_space<vmem>>) offsets(%dma_start3A_92 : memref<16xi32, #tpu.memory_space<vmem>>) semaphore(%arg38 : memref<!tpu.dma_semaphore, #tpu.memory_space<semaphore_mem>>)
      %dma_start3A_96 = arith.constant 4 : i32
      %dma_start3A_97 = arith.constant 0 : i32
      %dma_start3A_98 = arith.constant 0 : i32
      %dma_start3A_99 = tpu.memref_slice %arg35[%dma_start3A_96, %dma_start3A_97, %dma_start3A_98] : memref<40x16x128xf32, #tpu.memory_space<vmem>> -> memref<1x16x128xf32, #tpu.memory_space<vmem>>
      %dma_start3A_100 = tpu.memref_squeeze %dma_start3A_99 : memref<1x16x128xf32, #tpu.memory_space<vmem>> -> memref<16x128xf32, #tpu.memory_space<vmem>>
      %dma_start3A_101 = tpu.memref_slice %arg32[%mul3A_16] : memref<1024xi32, #tpu.memory_space<vmem>> -> memref<16xi32, #tpu.memory_space<vmem>>
      %dma_start3A_102 = arith.constant 0 : i32
      %dma_start3A_103 = arith.constant 0 : i32
      %dma_start3A_104 = tpu.memref_slice %arg12[%dma_start3A_102, %dma_start3A_103] : memref<50000x128xf32, #tpu.memory_space<hbm>> -> memref<50000x128xf32, #tpu.memory_space<hbm>>
      tpu.enqueue_indirect_dma source(%dma_start3A_104 : memref<50000x128xf32, #tpu.memory_space<hbm>>) target(%dma_start3A_100 : memref<16x128xf32, #tpu.memory_space<vmem>>) offsets(%dma_start3A_101 : memref<16xi32, #tpu.memory_space<vmem>>) semaphore(%arg38 : memref<!tpu.dma_semaphore, #tpu.memory_space<semaphore_mem>>)
      %add3A_105 = arith.constant 512 : i32
      %add3A_106 = arith.addi %add3A_105, %mul3A_16 : i32
      %dma_start3A_107 = arith.constant 24 : i32
      %dma_start3A_108 = arith.constant 0 : i32
      %dma_start3A_109 = arith.constant 0 : i32
      %dma_start3A_110 = tpu.memref_slice %arg35[%dma_start3A_107, %dma_start3A_108, %dma_start3A_109] : memref<40x16x128xf32, #tpu.memory_space<vmem>> -> memref<1x16x128xf32, #tpu.memory_space<vmem>>
      %dma_start3A_111 = tpu.memref_squeeze %dma_start3A_110 : memref<1x16x128xf32, #tpu.memory_space<vmem>> -> memref<16x128xf32, #tpu.memory_space<vmem>>
      %dma_start3A_112 = tpu.memref_slice %arg32[%add3A_106] : memref<1024xi32, #tpu.memory_space<vmem>> -> memref<16xi32, #tpu.memory_space<vmem>>
      %dma_start3A_113 = arith.constant 0 : i32
      %dma_start3A_114 = arith.constant 0 : i32
      %dma_start3A_115 = tpu.memref_slice %arg12[%dma_start3A_113, %dma_start3A_114] : memref<50000x128xf32, #tpu.memory_space<hbm>> -> memref<50000x128xf32, #tpu.memory_space<hbm>>
      tpu.enqueue_indirect_dma source(%dma_start3A_115 : memref<50000x128xf32, #tpu.memory_space<hbm>>) target(%dma_start3A_111 : memref<16x128xf32, #tpu.memory_space<vmem>>) offsets(%dma_start3A_112 : memref<16xi32, #tpu.memory_space<vmem>>) semaphore(%arg38 : memref<!tpu.dma_semaphore, #tpu.memory_space<semaphore_mem>>)
      %dma_start3A_116 = arith.constant 5 : i32
      %dma_start3A_117 = arith.constant 0 : i32
      %dma_start3A_118 = arith.constant 0 : i32
      %dma_start3A_119 = tpu.memref_slice %arg35[%dma_start3A_116, %dma_start3A_117, %dma_start3A_118] : memref<40x16x128xf32, #tpu.memory_space<vmem>> -> memref<1x16x128xf32, #tpu.memory_space<vmem>>
      %dma_start3A_120 = tpu.memref_squeeze %dma_start3A_119 : memref<1x16x128xf32, #tpu.memory_space<vmem>> -> memref<16x128xf32, #tpu.memory_space<vmem>>
      %dma_start3A_121 = tpu.memref_slice %arg32[%mul3A_16] : memref<1024xi32, #tpu.memory_space<vmem>> -> memref<16xi32, #tpu.memory_space<vmem>>
      %dma_start3A_122 = arith.constant 0 : i32
      %dma_start3A_123 = arith.constant 0 : i32
      %dma_start3A_124 = tpu.memref_slice %arg13[%dma_start3A_122, %dma_start3A_123] : memref<50000x128xf32, #tpu.memory_space<hbm>> -> memref<50000x128xf32, #tpu.memory_space<hbm>>
      tpu.enqueue_indirect_dma source(%dma_start3A_124 : memref<50000x128xf32, #tpu.memory_space<hbm>>) target(%dma_start3A_120 : memref<16x128xf32, #tpu.memory_space<vmem>>) offsets(%dma_start3A_121 : memref<16xi32, #tpu.memory_space<vmem>>) semaphore(%arg38 : memref<!tpu.dma_semaphore, #tpu.memory_space<semaphore_mem>>)
      %add3A_125 = arith.constant 512 : i32
      %add3A_126 = arith.addi %add3A_125, %mul3A_16 : i32
      %dma_start3A_127 = arith.constant 25 : i32
      %dma_start3A_128 = arith.constant 0 : i32
      %dma_start3A_129 = arith.constant 0 : i32
      %dma_start3A_130 = tpu.memref_slice %arg35[%dma_start3A_127, %dma_start3A_128, %dma_start3A_129] : memref<40x16x128xf32, #tpu.memory_space<vmem>> -> memref<1x16x128xf32, #tpu.memory_space<vmem>>
      %dma_start3A_131 = tpu.memref_squeeze %dma_start3A_130 : memref<1x16x128xf32, #tpu.memory_space<vmem>> -> memref<16x128xf32, #tpu.memory_space<vmem>>
      %dma_start3A_132 = tpu.memref_slice %arg32[%add3A_126] : memref<1024xi32, #tpu.memory_space<vmem>> -> memref<16xi32, #tpu.memory_space<vmem>>
      %dma_start3A_133 = arith.constant 0 : i32
      %dma_start3A_134 = arith.constant 0 : i32
      %dma_start3A_135 = tpu.memref_slice %arg13[%dma_start3A_133, %dma_start3A_134] : memref<50000x128xf32, #tpu.memory_space<hbm>> -> memref<50000x128xf32, #tpu.memory_space<hbm>>
      tpu.enqueue_indirect_dma source(%dma_start3A_135 : memref<50000x128xf32, #tpu.memory_space<hbm>>) target(%dma_start3A_131 : memref<16x128xf32, #tpu.memory_space<vmem>>) offsets(%dma_start3A_132 : memref<16xi32, #tpu.memory_space<vmem>>) semaphore(%arg38 : memref<!tpu.dma_semaphore, #tpu.memory_space<semaphore_mem>>)
      %dma_start3A_136 = arith.constant 6 : i32
      %dma_start3A_137 = arith.constant 0 : i32
      %dma_start3A_138 = arith.constant 0 : i32
      %dma_start3A_139 = tpu.memref_slice %arg35[%dma_start3A_136, %dma_start3A_137, %dma_start3A_138] : memref<40x16x128xf32, #tpu.memory_space<vmem>> -> memref<1x16x128xf32, #tpu.memory_space<vmem>>
      %dma_start3A_140 = tpu.memref_squeeze %dma_start3A_139 : memref<1x16x128xf32, #tpu.memory_space<vmem>> -> memref<16x128xf32, #tpu.memory_space<vmem>>
      %dma_start3A_141 = tpu.memref_slice %arg32[%mul3A_16] : memref<1024xi32, #tpu.memory_space<vmem>> -> memref<16xi32, #tpu.memory_space<vmem>>
      %dma_start3A_142 = arith.constant 0 : i32
      %dma_start3A_143 = arith.constant 0 : i32
      %dma_start3A_144 = tpu.memref_slice %arg14[%dma_start3A_142, %dma_start3A_143] : memref<50000x128xf32, #tpu.memory_space<hbm>> -> memref<50000x128xf32, #tpu.memory_space<hbm>>
      tpu.enqueue_indirect_dma source(%dma_start3A_144 : memref<50000x128xf32, #tpu.memory_space<hbm>>) target(%dma_start3A_140 : memref<16x128xf32, #tpu.memory_space<vmem>>) offsets(%dma_start3A_141 : memref<16xi32, #tpu.memory_space<vmem>>) semaphore(%arg38 : memref<!tpu.dma_semaphore, #tpu.memory_space<semaphore_mem>>)
      %add3A_145 = arith.constant 512 : i32
      %add3A_146 = arith.addi %add3A_145, %mul3A_16 : i32
      %dma_start3A_147 = arith.constant 26 : i32
      %dma_start3A_148 = arith.constant 0 : i32
      %dma_start3A_149 = arith.constant 0 : i32
      %dma_start3A_150 = tpu.memref_slice %arg35[%dma_start3A_147, %dma_start3A_148, %dma_start3A_149] : memref<40x16x128xf32, #tpu.memory_space<vmem>> -> memref<1x16x128xf32, #tpu.memory_space<vmem>>
      %dma_start3A_151 = tpu.memref_squeeze %dma_start3A_150 : memref<1x16x128xf32, #tpu.memory_space<vmem>> -> memref<16x128xf32, #tpu.memory_space<vmem>>
      %dma_start3A_152 = tpu.memref_slice %arg32[%add3A_146] : memref<1024xi32, #tpu.memory_space<vmem>> -> memref<16xi32, #tpu.memory_space<vmem>>
      %dma_start3A_153 = arith.constant 0 : i32
      %dma_start3A_154 = arith.constant 0 : i32
      %dma_start3A_155 = tpu.memref_slice %arg14[%dma_start3A_153, %dma_start3A_154] : memref<50000x128xf32, #tpu.memory_space<hbm>> -> memref<50000x128xf32, #tpu.memory_space<hbm>>
      tpu.enqueue_indirect_dma source(%dma_start3A_155 : memref<50000x128xf32, #tpu.memory_space<hbm>>) target(%dma_start3A_151 : memref<16x128xf32, #tpu.memory_space<vmem>>) offsets(%dma_start3A_152 : memref<16xi32, #tpu.memory_space<vmem>>) semaphore(%arg38 : memref<!tpu.dma_semaphore, #tpu.memory_space<semaphore_mem>>)
      %dma_start3A_156 = arith.constant 7 : i32
      %dma_start3A_157 = arith.constant 0 : i32
      %dma_start3A_158 = arith.constant 0 : i32
      %dma_start3A_159 = tpu.memref_slice %arg35[%dma_start3A_156, %dma_start3A_157, %dma_start3A_158] : memref<40x16x128xf32, #tpu.memory_space<vmem>> -> memref<1x16x128xf32, #tpu.memory_space<vmem>>
      %dma_start3A_160 = tpu.memref_squeeze %dma_start3A_159 : memref<1x16x128xf32, #tpu.memory_space<vmem>> -> memref<16x128xf32, #tpu.memory_space<vmem>>
      %dma_start3A_161 = tpu.memref_slice %arg32[%mul3A_16] : memref<1024xi32, #tpu.memory_space<vmem>> -> memref<16xi32, #tpu.memory_space<vmem>>
      %dma_start3A_162 = arith.constant 0 : i32
      %dma_start3A_163 = arith.constant 0 : i32
      %dma_start3A_164 = tpu.memref_slice %arg15[%dma_start3A_162, %dma_start3A_163] : memref<50000x128xf32, #tpu.memory_space<hbm>> -> memref<50000x128xf32, #tpu.memory_space<hbm>>
      tpu.enqueue_indirect_dma source(%dma_start3A_164 : memref<50000x128xf32, #tpu.memory_space<hbm>>) target(%dma_start3A_160 : memref<16x128xf32, #tpu.memory_space<vmem>>) offsets(%dma_start3A_161 : memref<16xi32, #tpu.memory_space<vmem>>) semaphore(%arg38 : memref<!tpu.dma_semaphore, #tpu.memory_space<semaphore_mem>>)
      %add3A_165 = arith.constant 512 : i32
      %add3A_166 = arith.addi %add3A_165, %mul3A_16 : i32
      %dma_start3A_167 = arith.constant 27 : i32
      %dma_start3A_168 = arith.constant 0 : i32
      %dma_start3A_169 = arith.constant 0 : i32
      %dma_start3A_170 = tpu.memref_slice %arg35[%dma_start3A_167, %dma_start3A_168, %dma_start3A_169] : memref<40x16x128xf32, #tpu.memory_space<vmem>> -> memref<1x16x128xf32, #tpu.memory_space<vmem>>
      %dma_start3A_171 = tpu.memref_squeeze %dma_start3A_170 : memref<1x16x128xf32, #tpu.memory_space<vmem>> -> memref<16x128xf32, #tpu.memory_space<vmem>>
      %dma_start3A_172 = tpu.memref_slice %arg32[%add3A_166] : memref<1024xi32, #tpu.memory_space<vmem>> -> memref<16xi32, #tpu.memory_space<vmem>>
      %dma_start3A_173 = arith.constant 0 : i32
      %dma_start3A_174 = arith.constant 0 : i32
      %dma_start3A_175 = tpu.memref_slice %arg15[%dma_start3A_173, %dma_start3A_174] : memref<50000x128xf32, #tpu.memory_space<hbm>> -> memref<50000x128xf32, #tpu.memory_space<hbm>>
      tpu.enqueue_indirect_dma source(%dma_start3A_175 : memref<50000x128xf32, #tpu.memory_space<hbm>>) target(%dma_start3A_171 : memref<16x128xf32, #tpu.memory_space<vmem>>) offsets(%dma_start3A_172 : memref<16xi32, #tpu.memory_space<vmem>>) semaphore(%arg38 : memref<!tpu.dma_semaphore, #tpu.memory_space<semaphore_mem>>)
      %dma_start3A_176 = arith.constant 8 : i32
      %dma_start3A_177 = arith.constant 0 : i32
      %dma_start3A_178 = arith.constant 0 : i32
      %dma_start3A_179 = tpu.memref_slice %arg35[%dma_start3A_176, %dma_start3A_177, %dma_start3A_178] : memref<40x16x128xf32, #tpu.memory_space<vmem>> -> memref<1x16x128xf32, #tpu.memory_space<vmem>>
      %dma_start3A_180 = tpu.memref_squeeze %dma_start3A_179 : memref<1x16x128xf32, #tpu.memory_space<vmem>> -> memref<16x128xf32, #tpu.memory_space<vmem>>
      %dma_start3A_181 = tpu.memref_slice %arg32[%mul3A_16] : memref<1024xi32, #tpu.memory_space<vmem>> -> memref<16xi32, #tpu.memory_space<vmem>>
      %dma_start3A_182 = arith.constant 0 : i32
      %dma_start3A_183 = arith.constant 0 : i32
      %dma_start3A_184 = tpu.memref_slice %arg16[%dma_start3A_182, %dma_start3A_183] : memref<50000x128xf32, #tpu.memory_space<hbm>> -> memref<50000x128xf32, #tpu.memory_space<hbm>>
      tpu.enqueue_indirect_dma source(%dma_start3A_184 : memref<50000x128xf32, #tpu.memory_space<hbm>>) target(%dma_start3A_180 : memref<16x128xf32, #tpu.memory_space<vmem>>) offsets(%dma_start3A_181 : memref<16xi32, #tpu.memory_space<vmem>>) semaphore(%arg38 : memref<!tpu.dma_semaphore, #tpu.memory_space<semaphore_mem>>)
      %add3A_185 = arith.constant 512 : i32
      %add3A_186 = arith.addi %add3A_185, %mul3A_16 : i32
      %dma_start3A_187 = arith.constant 28 : i32
      %dma_start3A_188 = arith.constant 0 : i32
      %dma_start3A_189 = arith.constant 0 : i32
      %dma_start3A_190 = tpu.memref_slice %arg35[%dma_start3A_187, %dma_start3A_188, %dma_start3A_189] : memref<40x16x128xf32, #tpu.memory_space<vmem>> -> memref<1x16x128xf32, #tpu.memory_space<vmem>>
      %dma_start3A_191 = tpu.memref_squeeze %dma_start3A_190 : memref<1x16x128xf32, #tpu.memory_space<vmem>> -> memref<16x128xf32, #tpu.memory_space<vmem>>
      %dma_start3A_192 = tpu.memref_slice %arg32[%add3A_186] : memref<1024xi32, #tpu.memory_space<vmem>> -> memref<16xi32, #tpu.memory_space<vmem>>
      %dma_start3A_193 = arith.constant 0 : i32
      %dma_start3A_194 = arith.constant 0 : i32
      %dma_start3A_195 = tpu.memref_slice %arg16[%dma_start3A_193, %dma_start3A_194] : memref<50000x128xf32, #tpu.memory_space<hbm>> -> memref<50000x128xf32, #tpu.memory_space<hbm>>
      tpu.enqueue_indirect_dma source(%dma_start3A_195 : memref<50000x128xf32, #tpu.memory_space<hbm>>) target(%dma_start3A_191 : memref<16x128xf32, #tpu.memory_space<vmem>>) offsets(%dma_start3A_192 : memref<16xi32, #tpu.memory_space<vmem>>) semaphore(%arg38 : memref<!tpu.dma_semaphore, #tpu.memory_space<semaphore_mem>>)
      %dma_start3A_196 = arith.constant 9 : i32
      %dma_start3A_197 = arith.constant 0 : i32
      %dma_start3A_198 = arith.constant 0 : i32
      %dma_start3A_199 = tpu.memref_slice %arg35[%dma_start3A_196, %dma_start3A_197, %dma_start3A_198] : memref<40x16x128xf32, #tpu.memory_space<vmem>> -> memref<1x16x128xf32, #tpu.memory_space<vmem>>
      %dma_start3A_200 = tpu.memref_squeeze %dma_start3A_199 : memref<1x16x128xf32, #tpu.memory_space<vmem>> -> memref<16x128xf32, #tpu.memory_space<vmem>>
      %dma_start3A_201 = tpu.memref_slice %arg32[%mul3A_16] : memref<1024xi32, #tpu.memory_space<vmem>> -> memref<16xi32, #tpu.memory_space<vmem>>
      %dma_start3A_202 = arith.constant 0 : i32
      %dma_start3A_203 = arith.constant 0 : i32
      %dma_start3A_204 = tpu.memref_slice %arg17[%dma_start3A_202, %dma_start3A_203] : memref<50000x128xf32, #tpu.memory_space<hbm>> -> memref<50000x128xf32, #tpu.memory_space<hbm>>
      tpu.enqueue_indirect_dma source(%dma_start3A_204 : memref<50000x128xf32, #tpu.memory_space<hbm>>) target(%dma_start3A_200 : memref<16x128xf32, #tpu.memory_space<vmem>>) offsets(%dma_start3A_201 : memref<16xi32, #tpu.memory_space<vmem>>) semaphore(%arg38 : memref<!tpu.dma_semaphore, #tpu.memory_space<semaphore_mem>>)
      %add3A_205 = arith.constant 512 : i32
      %add3A_206 = arith.addi %add3A_205, %mul3A_16 : i32
      %dma_start3A_207 = arith.constant 29 : i32
      %dma_start3A_208 = arith.constant 0 : i32
      %dma_start3A_209 = arith.constant 0 : i32
      %dma_start3A_210 = tpu.memref_slice %arg35[%dma_start3A_207, %dma_start3A_208, %dma_start3A_209] : memref<40x16x128xf32, #tpu.memory_space<vmem>> -> memref<1x16x128xf32, #tpu.memory_space<vmem>>
      %dma_start3A_211 = tpu.memref_squeeze %dma_start3A_210 : memref<1x16x128xf32, #tpu.memory_space<vmem>> -> memref<16x128xf32, #tpu.memory_space<vmem>>
      %dma_start3A_212 = tpu.memref_slice %arg32[%add3A_206] : memref<1024xi32, #tpu.memory_space<vmem>> -> memref<16xi32, #tpu.memory_space<vmem>>
      %dma_start3A_213 = arith.constant 0 : i32
      %dma_start3A_214 = arith.constant 0 : i32
      %dma_start3A_215 = tpu.memref_slice %arg17[%dma_start3A_213, %dma_start3A_214] : memref<50000x128xf32, #tpu.memory_space<hbm>> -> memref<50000x128xf32, #tpu.memory_space<hbm>>
      tpu.enqueue_indirect_dma source(%dma_start3A_215 : memref<50000x128xf32, #tpu.memory_space<hbm>>) target(%dma_start3A_211 : memref<16x128xf32, #tpu.memory_space<vmem>>) offsets(%dma_start3A_212 : memref<16xi32, #tpu.memory_space<vmem>>) semaphore(%arg38 : memref<!tpu.dma_semaphore, #tpu.memory_space<semaphore_mem>>)
      %dma_start3A_216 = arith.constant 10 : i32
      %dma_start3A_217 = arith.constant 0 : i32
      %dma_start3A_218 = arith.constant 0 : i32
      %dma_start3A_219 = tpu.memref_slice %arg35[%dma_start3A_216, %dma_start3A_217, %dma_start3A_218] : memref<40x16x128xf32, #tpu.memory_space<vmem>> -> memref<1x16x128xf32, #tpu.memory_space<vmem>>
      %dma_start3A_220 = tpu.memref_squeeze %dma_start3A_219 : memref<1x16x128xf32, #tpu.memory_space<vmem>> -> memref<16x128xf32, #tpu.memory_space<vmem>>
      %dma_start3A_221 = tpu.memref_slice %arg32[%mul3A_16] : memref<1024xi32, #tpu.memory_space<vmem>> -> memref<16xi32, #tpu.memory_space<vmem>>
      %dma_start3A_222 = arith.constant 0 : i32
      %dma_start3A_223 = arith.constant 0 : i32
      %dma_start3A_224 = tpu.memref_slice %arg18[%dma_start3A_222, %dma_start3A_223] : memref<50000x128xf32, #tpu.memory_space<hbm>> -> memref<50000x128xf32, #tpu.memory_space<hbm>>
      tpu.enqueue_indirect_dma source(%dma_start3A_224 : memref<50000x128xf32, #tpu.memory_space<hbm>>) target(%dma_start3A_220 : memref<16x128xf32, #tpu.memory_space<vmem>>) offsets(%dma_start3A_221 : memref<16xi32, #tpu.memory_space<vmem>>) semaphore(%arg38 : memref<!tpu.dma_semaphore, #tpu.memory_space<semaphore_mem>>)
      %add3A_225 = arith.constant 512 : i32
      %add3A_226 = arith.addi %add3A_225, %mul3A_16 : i32
      %dma_start3A_227 = arith.constant 30 : i32
      %dma_start3A_228 = arith.constant 0 : i32
      %dma_start3A_229 = arith.constant 0 : i32
      %dma_start3A_230 = tpu.memref_slice %arg35[%dma_start3A_227, %dma_start3A_228, %dma_start3A_229] : memref<40x16x128xf32, #tpu.memory_space<vmem>> -> memref<1x16x128xf32, #tpu.memory_space<vmem>>
      %dma_start3A_231 = tpu.memref_squeeze %dma_start3A_230 : memref<1x16x128xf32, #tpu.memory_space<vmem>> -> memref<16x128xf32, #tpu.memory_space<vmem>>
      %dma_start3A_232 = tpu.memref_slice %arg32[%add3A_226] : memref<1024xi32, #tpu.memory_space<vmem>> -> memref<16xi32, #tpu.memory_space<vmem>>
      %dma_start3A_233 = arith.constant 0 : i32
      %dma_start3A_234 = arith.constant 0 : i32
      %dma_start3A_235 = tpu.memref_slice %arg18[%dma_start3A_233, %dma_start3A_234] : memref<50000x128xf32, #tpu.memory_space<hbm>> -> memref<50000x128xf32, #tpu.memory_space<hbm>>
      tpu.enqueue_indirect_dma source(%dma_start3A_235 : memref<50000x128xf32, #tpu.memory_space<hbm>>) target(%dma_start3A_231 : memref<16x128xf32, #tpu.memory_space<vmem>>) offsets(%dma_start3A_232 : memref<16xi32, #tpu.memory_space<vmem>>) semaphore(%arg38 : memref<!tpu.dma_semaphore, #tpu.memory_space<semaphore_mem>>)
      %dma_start3A_236 = arith.constant 11 : i32
      %dma_start3A_237 = arith.constant 0 : i32
      %dma_start3A_238 = arith.constant 0 : i32
      %dma_start3A_239 = tpu.memref_slice %arg35[%dma_start3A_236, %dma_start3A_237, %dma_start3A_238] : memref<40x16x128xf32, #tpu.memory_space<vmem>> -> memref<1x16x128xf32, #tpu.memory_space<vmem>>
      %dma_start3A_240 = tpu.memref_squeeze %dma_start3A_239 : memref<1x16x128xf32, #tpu.memory_space<vmem>> -> memref<16x128xf32, #tpu.memory_space<vmem>>
      %dma_start3A_241 = tpu.memref_slice %arg32[%mul3A_16] : memref<1024xi32, #tpu.memory_space<vmem>> -> memref<16xi32, #tpu.memory_space<vmem>>
      %dma_start3A_242 = arith.constant 0 : i32
      %dma_start3A_243 = arith.constant 0 : i32
      %dma_start3A_244 = tpu.memref_slice %arg19[%dma_start3A_242, %dma_start3A_243] : memref<50000x128xf32, #tpu.memory_space<hbm>> -> memref<50000x128xf32, #tpu.memory_space<hbm>>
      tpu.enqueue_indirect_dma source(%dma_start3A_244 : memref<50000x128xf32, #tpu.memory_space<hbm>>) target(%dma_start3A_240 : memref<16x128xf32, #tpu.memory_space<vmem>>) offsets(%dma_start3A_241 : memref<16xi32, #tpu.memory_space<vmem>>) semaphore(%arg38 : memref<!tpu.dma_semaphore, #tpu.memory_space<semaphore_mem>>)
      %add3A_245 = arith.constant 512 : i32
      %add3A_246 = arith.addi %add3A_245, %mul3A_16 : i32
      %dma_start3A_247 = arith.constant 31 : i32
      %dma_start3A_248 = arith.constant 0 : i32
      %dma_start3A_249 = arith.constant 0 : i32
      %dma_start3A_250 = tpu.memref_slice %arg35[%dma_start3A_247, %dma_start3A_248, %dma_start3A_249] : memref<40x16x128xf32, #tpu.memory_space<vmem>> -> memref<1x16x128xf32, #tpu.memory_space<vmem>>
      %dma_start3A_251 = tpu.memref_squeeze %dma_start3A_250 : memref<1x16x128xf32, #tpu.memory_space<vmem>> -> memref<16x128xf32, #tpu.memory_space<vmem>>
      %dma_start3A_252 = tpu.memref_slice %arg32[%add3A_246] : memref<1024xi32, #tpu.memory_space<vmem>> -> memref<16xi32, #tpu.memory_space<vmem>>
      %dma_start3A_253 = arith.constant 0 : i32
      %dma_start3A_254 = arith.constant 0 : i32
      %dma_start3A_255 = tpu.memref_slice %arg19[%dma_start3A_253, %dma_start3A_254] : memref<50000x128xf32, #tpu.memory_space<hbm>> -> memref<50000x128xf32, #tpu.memory_space<hbm>>
      tpu.enqueue_indirect_dma source(%dma_start3A_255 : memref<50000x128xf32, #tpu.memory_space<hbm>>) target(%dma_start3A_251 : memref<16x128xf32, #tpu.memory_space<vmem>>) offsets(%dma_start3A_252 : memref<16xi32, #tpu.memory_space<vmem>>) semaphore(%arg38 : memref<!tpu.dma_semaphore, #tpu.memory_space<semaphore_mem>>)
      %dma_start3A_256 = arith.constant 12 : i32
      %dma_start3A_257 = arith.constant 0 : i32
      %dma_start3A_258 = arith.constant 0 : i32
      %dma_start3A_259 = tpu.memref_slice %arg35[%dma_start3A_256, %dma_start3A_257, %dma_start3A_258] : memref<40x16x128xf32, #tpu.memory_space<vmem>> -> memref<1x16x128xf32, #tpu.memory_space<vmem>>
      %dma_start3A_260 = tpu.memref_squeeze %dma_start3A_259 : memref<1x16x128xf32, #tpu.memory_space<vmem>> -> memref<16x128xf32, #tpu.memory_space<vmem>>
      %dma_start3A_261 = tpu.memref_slice %arg32[%mul3A_16] : memref<1024xi32, #tpu.memory_space<vmem>> -> memref<16xi32, #tpu.memory_space<vmem>>
      %dma_start3A_262 = arith.constant 0 : i32
      %dma_start3A_263 = arith.constant 0 : i32
      %dma_start3A_264 = tpu.memref_slice %arg20[%dma_start3A_262, %dma_start3A_263] : memref<50000x128xf32, #tpu.memory_space<hbm>> -> memref<50000x128xf32, #tpu.memory_space<hbm>>
      tpu.enqueue_indirect_dma source(%dma_start3A_264 : memref<50000x128xf32, #tpu.memory_space<hbm>>) target(%dma_start3A_260 : memref<16x128xf32, #tpu.memory_space<vmem>>) offsets(%dma_start3A_261 : memref<16xi32, #tpu.memory_space<vmem>>) semaphore(%arg38 : memref<!tpu.dma_semaphore, #tpu.memory_space<semaphore_mem>>)
      %add3A_265 = arith.constant 512 : i32
      %add3A_266 = arith.addi %add3A_265, %mul3A_16 : i32
      %dma_start3A_267 = arith.constant 32 : i32
      %dma_start3A_268 = arith.constant 0 : i32
      %dma_start3A_269 = arith.constant 0 : i32
      %dma_start3A_270 = tpu.memref_slice %arg35[%dma_start3A_267, %dma_start3A_268, %dma_start3A_269] : memref<40x16x128xf32, #tpu.memory_space<vmem>> -> memref<1x16x128xf32, #tpu.memory_space<vmem>>
      %dma_start3A_271 = tpu.memref_squeeze %dma_start3A_270 : memref<1x16x128xf32, #tpu.memory_space<vmem>> -> memref<16x128xf32, #tpu.memory_space<vmem>>
      %dma_start3A_272 = tpu.memref_slice %arg32[%add3A_266] : memref<1024xi32, #tpu.memory_space<vmem>> -> memref<16xi32, #tpu.memory_space<vmem>>
      %dma_start3A_273 = arith.constant 0 : i32
      %dma_start3A_274 = arith.constant 0 : i32
      %dma_start3A_275 = tpu.memref_slice %arg20[%dma_start3A_273, %dma_start3A_274] : memref<50000x128xf32, #tpu.memory_space<hbm>> -> memref<50000x128xf32, #tpu.memory_space<hbm>>
      tpu.enqueue_indirect_dma source(%dma_start3A_275 : memref<50000x128xf32, #tpu.memory_space<hbm>>) target(%dma_start3A_271 : memref<16x128xf32, #tpu.memory_space<vmem>>) offsets(%dma_start3A_272 : memref<16xi32, #tpu.memory_space<vmem>>) semaphore(%arg38 : memref<!tpu.dma_semaphore, #tpu.memory_space<semaphore_mem>>)
      %dma_start3A_276 = arith.constant 13 : i32
      %dma_start3A_277 = arith.constant 0 : i32
      %dma_start3A_278 = arith.constant 0 : i32
      %dma_start3A_279 = tpu.memref_slice %arg35[%dma_start3A_276, %dma_start3A_277, %dma_start3A_278] : memref<40x16x128xf32, #tpu.memory_space<vmem>> -> memref<1x16x128xf32, #tpu.memory_space<vmem>>
      %dma_start3A_280 = tpu.memref_squeeze %dma_start3A_279 : memref<1x16x128xf32, #tpu.memory_space<vmem>> -> memref<16x128xf32, #tpu.memory_space<vmem>>
      %dma_start3A_281 = tpu.memref_slice %arg32[%mul3A_16] : memref<1024xi32, #tpu.memory_space<vmem>> -> memref<16xi32, #tpu.memory_space<vmem>>
      %dma_start3A_282 = arith.constant 0 : i32
      %dma_start3A_283 = arith.constant 0 : i32
      %dma_start3A_284 = tpu.memref_slice %arg21[%dma_start3A_282, %dma_start3A_283] : memref<50000x128xf32, #tpu.memory_space<hbm>> -> memref<50000x128xf32, #tpu.memory_space<hbm>>
      tpu.enqueue_indirect_dma source(%dma_start3A_284 : memref<50000x128xf32, #tpu.memory_space<hbm>>) target(%dma_start3A_280 : memref<16x128xf32, #tpu.memory_space<vmem>>) offsets(%dma_start3A_281 : memref<16xi32, #tpu.memory_space<vmem>>) semaphore(%arg38 : memref<!tpu.dma_semaphore, #tpu.memory_space<semaphore_mem>>)
      %add3A_285 = arith.constant 512 : i32
      %add3A_286 = arith.addi %add3A_285, %mul3A_16 : i32
      %dma_start3A_287 = arith.constant 33 : i32
      %dma_start3A_288 = arith.constant 0 : i32
      %dma_start3A_289 = arith.constant 0 : i32
      %dma_start3A_290 = tpu.memref_slice %arg35[%dma_start3A_287, %dma_start3A_288, %dma_start3A_289] : memref<40x16x128xf32, #tpu.memory_space<vmem>> -> memref<1x16x128xf32, #tpu.memory_space<vmem>>
      %dma_start3A_291 = tpu.memref_squeeze %dma_start3A_290 : memref<1x16x128xf32, #tpu.memory_space<vmem>> -> memref<16x128xf32, #tpu.memory_space<vmem>>
      %dma_start3A_292 = tpu.memref_slice %arg32[%add3A_286] : memref<1024xi32, #tpu.memory_space<vmem>> -> memref<16xi32, #tpu.memory_space<vmem>>
      %dma_start3A_293 = arith.constant 0 : i32
      %dma_start3A_294 = arith.constant 0 : i32
      %dma_start3A_295 = tpu.memref_slice %arg21[%dma_start3A_293, %dma_start3A_294] : memref<50000x128xf32, #tpu.memory_space<hbm>> -> memref<50000x128xf32, #tpu.memory_space<hbm>>
      tpu.enqueue_indirect_dma source(%dma_start3A_295 : memref<50000x128xf32, #tpu.memory_space<hbm>>) target(%dma_start3A_291 : memref<16x128xf32, #tpu.memory_space<vmem>>) offsets(%dma_start3A_292 : memref<16xi32, #tpu.memory_space<vmem>>) semaphore(%arg38 : memref<!tpu.dma_semaphore, #tpu.memory_space<semaphore_mem>>)
      %dma_start3A_296 = arith.constant 14 : i32
      %dma_start3A_297 = arith.constant 0 : i32
      %dma_start3A_298 = arith.constant 0 : i32
      %dma_start3A_299 = tpu.memref_slice %arg35[%dma_start3A_296, %dma_start3A_297, %dma_start3A_298] : memref<40x16x128xf32, #tpu.memory_space<vmem>> -> memref<1x16x128xf32, #tpu.memory_space<vmem>>
      %dma_start3A_300 = tpu.memref_squeeze %dma_start3A_299 : memref<1x16x128xf32, #tpu.memory_space<vmem>> -> memref<16x128xf32, #tpu.memory_space<vmem>>
      %dma_start3A_301 = tpu.memref_slice %arg32[%mul3A_16] : memref<1024xi32, #tpu.memory_space<vmem>> -> memref<16xi32, #tpu.memory_space<vmem>>
      %dma_start3A_302 = arith.constant 0 : i32
      %dma_start3A_303 = arith.constant 0 : i32
      %dma_start3A_304 = tpu.memref_slice %arg22[%dma_start3A_302, %dma_start3A_303] : memref<50000x128xf32, #tpu.memory_space<hbm>> -> memref<50000x128xf32, #tpu.memory_space<hbm>>
      tpu.enqueue_indirect_dma source(%dma_start3A_304 : memref<50000x128xf32, #tpu.memory_space<hbm>>) target(%dma_start3A_300 : memref<16x128xf32, #tpu.memory_space<vmem>>) offsets(%dma_start3A_301 : memref<16xi32, #tpu.memory_space<vmem>>) semaphore(%arg38 : memref<!tpu.dma_semaphore, #tpu.memory_space<semaphore_mem>>)
      %add3A_305 = arith.constant 512 : i32
      %add3A_306 = arith.addi %add3A_305, %mul3A_16 : i32
      %dma_start3A_307 = arith.constant 34 : i32
      %dma_start3A_308 = arith.constant 0 : i32
      %dma_start3A_309 = arith.constant 0 : i32
      %dma_start3A_310 = tpu.memref_slice %arg35[%dma_start3A_307, %dma_start3A_308, %dma_start3A_309] : memref<40x16x128xf32, #tpu.memory_space<vmem>> -> memref<1x16x128xf32, #tpu.memory_space<vmem>>
      %dma_start3A_311 = tpu.memref_squeeze %dma_start3A_310 : memref<1x16x128xf32, #tpu.memory_space<vmem>> -> memref<16x128xf32, #tpu.memory_space<vmem>>
      %dma_start3A_312 = tpu.memref_slice %arg32[%add3A_306] : memref<1024xi32, #tpu.memory_space<vmem>> -> memref<16xi32, #tpu.memory_space<vmem>>
      %dma_start3A_313 = arith.constant 0 : i32
      %dma_start3A_314 = arith.constant 0 : i32
      %dma_start3A_315 = tpu.memref_slice %arg22[%dma_start3A_313, %dma_start3A_314] : memref<50000x128xf32, #tpu.memory_space<hbm>> -> memref<50000x128xf32, #tpu.memory_space<hbm>>
      tpu.enqueue_indirect_dma source(%dma_start3A_315 : memref<50000x128xf32, #tpu.memory_space<hbm>>) target(%dma_start3A_311 : memref<16x128xf32, #tpu.memory_space<vmem>>) offsets(%dma_start3A_312 : memref<16xi32, #tpu.memory_space<vmem>>) semaphore(%arg38 : memref<!tpu.dma_semaphore, #tpu.memory_space<semaphore_mem>>)
      %dma_start3A_316 = arith.constant 15 : i32
      %dma_start3A_317 = arith.constant 0 : i32
      %dma_start3A_318 = arith.constant 0 : i32
      %dma_start3A_319 = tpu.memref_slice %arg35[%dma_start3A_316, %dma_start3A_317, %dma_start3A_318] : memref<40x16x128xf32, #tpu.memory_space<vmem>> -> memref<1x16x128xf32, #tpu.memory_space<vmem>>
      %dma_start3A_320 = tpu.memref_squeeze %dma_start3A_319 : memref<1x16x128xf32, #tpu.memory_space<vmem>> -> memref<16x128xf32, #tpu.memory_space<vmem>>
      %dma_start3A_321 = tpu.memref_slice %arg32[%mul3A_16] : memref<1024xi32, #tpu.memory_space<vmem>> -> memref<16xi32, #tpu.memory_space<vmem>>
      %dma_start3A_322 = arith.constant 0 : i32
      %dma_start3A_323 = arith.constant 0 : i32
      %dma_start3A_324 = tpu.memref_slice %arg23[%dma_start3A_322, %dma_start3A_323] : memref<50000x128xf32, #tpu.memory_space<hbm>> -> memref<50000x128xf32, #tpu.memory_space<hbm>>
      tpu.enqueue_indirect_dma source(%dma_start3A_324 : memref<50000x128xf32, #tpu.memory_space<hbm>>) target(%dma_start3A_320 : memref<16x128xf32, #tpu.memory_space<vmem>>) offsets(%dma_start3A_321 : memref<16xi32, #tpu.memory_space<vmem>>) semaphore(%arg38 : memref<!tpu.dma_semaphore, #tpu.memory_space<semaphore_mem>>)
      %add3A_325 = arith.constant 512 : i32
      %add3A_326 = arith.addi %add3A_325, %mul3A_16 : i32
      %dma_start3A_327 = arith.constant 35 : i32
      %dma_start3A_328 = arith.constant 0 : i32
      %dma_start3A_329 = arith.constant 0 : i32
      %dma_start3A_330 = tpu.memref_slice %arg35[%dma_start3A_327, %dma_start3A_328, %dma_start3A_329] : memref<40x16x128xf32, #tpu.memory_space<vmem>> -> memref<1x16x128xf32, #tpu.memory_space<vmem>>
      %dma_start3A_331 = tpu.memref_squeeze %dma_start3A_330 : memref<1x16x128xf32, #tpu.memory_space<vmem>> -> memref<16x128xf32, #tpu.memory_space<vmem>>
      %dma_start3A_332 = tpu.memref_slice %arg32[%add3A_326] : memref<1024xi32, #tpu.memory_space<vmem>> -> memref<16xi32, #tpu.memory_space<vmem>>
      %dma_start3A_333 = arith.constant 0 : i32
      %dma_start3A_334 = arith.constant 0 : i32
      %dma_start3A_335 = tpu.memref_slice %arg23[%dma_start3A_333, %dma_start3A_334] : memref<50000x128xf32, #tpu.memory_space<hbm>> -> memref<50000x128xf32, #tpu.memory_space<hbm>>
      tpu.enqueue_indirect_dma source(%dma_start3A_335 : memref<50000x128xf32, #tpu.memory_space<hbm>>) target(%dma_start3A_331 : memref<16x128xf32, #tpu.memory_space<vmem>>) offsets(%dma_start3A_332 : memref<16xi32, #tpu.memory_space<vmem>>) semaphore(%arg38 : memref<!tpu.dma_semaphore, #tpu.memory_space<semaphore_mem>>)
      %dma_start3A_336 = arith.constant 16 : i32
      %dma_start3A_337 = arith.constant 0 : i32
      %dma_start3A_338 = arith.constant 0 : i32
      %dma_start3A_339 = tpu.memref_slice %arg35[%dma_start3A_336, %dma_start3A_337, %dma_start3A_338] : memref<40x16x128xf32, #tpu.memory_space<vmem>> -> memref<1x16x128xf32, #tpu.memory_space<vmem>>
      %dma_start3A_340 = tpu.memref_squeeze %dma_start3A_339 : memref<1x16x128xf32, #tpu.memory_space<vmem>> -> memref<16x128xf32, #tpu.memory_space<vmem>>
      %dma_start3A_341 = tpu.memref_slice %arg32[%mul3A_16] : memref<1024xi32, #tpu.memory_space<vmem>> -> memref<16xi32, #tpu.memory_space<vmem>>
      %dma_start3A_342 = arith.constant 0 : i32
      %dma_start3A_343 = arith.constant 0 : i32
      %dma_start3A_344 = tpu.memref_slice %arg24[%dma_start3A_342, %dma_start3A_343] : memref<50000x128xf32, #tpu.memory_space<hbm>> -> memref<50000x128xf32, #tpu.memory_space<hbm>>
      tpu.enqueue_indirect_dma source(%dma_start3A_344 : memref<50000x128xf32, #tpu.memory_space<hbm>>) target(%dma_start3A_340 : memref<16x128xf32, #tpu.memory_space<vmem>>) offsets(%dma_start3A_341 : memref<16xi32, #tpu.memory_space<vmem>>) semaphore(%arg38 : memref<!tpu.dma_semaphore, #tpu.memory_space<semaphore_mem>>)
      %add3A_345 = arith.constant 512 : i32
      %add3A_346 = arith.addi %add3A_345, %mul3A_16 : i32
      %dma_start3A_347 = arith.constant 36 : i32
      %dma_start3A_348 = arith.constant 0 : i32
      %dma_start3A_349 = arith.constant 0 : i32
      %dma_start3A_350 = tpu.memref_slice %arg35[%dma_start3A_347, %dma_start3A_348, %dma_start3A_349] : memref<40x16x128xf32, #tpu.memory_space<vmem>> -> memref<1x16x128xf32, #tpu.memory_space<vmem>>
      %dma_start3A_351 = tpu.memref_squeeze %dma_start3A_350 : memref<1x16x128xf32, #tpu.memory_space<vmem>> -> memref<16x128xf32, #tpu.memory_space<vmem>>
      %dma_start3A_352 = tpu.memref_slice %arg32[%add3A_346] : memref<1024xi32, #tpu.memory_space<vmem>> -> memref<16xi32, #tpu.memory_space<vmem>>
      %dma_start3A_353 = arith.constant 0 : i32
      %dma_start3A_354 = arith.constant 0 : i32
      %dma_start3A_355 = tpu.memref_slice %arg24[%dma_start3A_353, %dma_start3A_354] : memref<50000x128xf32, #tpu.memory_space<hbm>> -> memref<50000x128xf32, #tpu.memory_space<hbm>>
      tpu.enqueue_indirect_dma source(%dma_start3A_355 : memref<50000x128xf32, #tpu.memory_space<hbm>>) target(%dma_start3A_351 : memref<16x128xf32, #tpu.memory_space<vmem>>) offsets(%dma_start3A_352 : memref<16xi32, #tpu.memory_space<vmem>>) semaphore(%arg38 : memref<!tpu.dma_semaphore, #tpu.memory_space<semaphore_mem>>)
      %dma_start3A_356 = arith.constant 17 : i32
      %dma_start3A_357 = arith.constant 0 : i32
      %dma_start3A_358 = arith.constant 0 : i32
      %dma_start3A_359 = tpu.memref_slice %arg35[%dma_start3A_356, %dma_start3A_357, %dma_start3A_358] : memref<40x16x128xf32, #tpu.memory_space<vmem>> -> memref<1x16x128xf32, #tpu.memory_space<vmem>>
      %dma_start3A_360 = tpu.memref_squeeze %dma_start3A_359 : memref<1x16x128xf32, #tpu.memory_space<vmem>> -> memref<16x128xf32, #tpu.memory_space<vmem>>
      %dma_start3A_361 = tpu.memref_slice %arg32[%mul3A_16] : memref<1024xi32, #tpu.memory_space<vmem>> -> memref<16xi32, #tpu.memory_space<vmem>>
      %dma_start3A_362 = arith.constant 0 : i32
      %dma_start3A_363 = arith.constant 0 : i32
      %dma_start3A_364 = tpu.memref_slice %arg25[%dma_start3A_362, %dma_start3A_363] : memref<50000x128xf32, #tpu.memory_space<hbm>> -> memref<50000x128xf32, #tpu.memory_space<hbm>>
      tpu.enqueue_indirect_dma source(%dma_start3A_364 : memref<50000x128xf32, #tpu.memory_space<hbm>>) target(%dma_start3A_360 : memref<16x128xf32, #tpu.memory_space<vmem>>) offsets(%dma_start3A_361 : memref<16xi32, #tpu.memory_space<vmem>>) semaphore(%arg38 : memref<!tpu.dma_semaphore, #tpu.memory_space<semaphore_mem>>)
      %add3A_365 = arith.constant 512 : i32
      %add3A_366 = arith.addi %add3A_365, %mul3A_16 : i32
      %dma_start3A_367 = arith.constant 37 : i32
      %dma_start3A_368 = arith.constant 0 : i32
      %dma_start3A_369 = arith.constant 0 : i32
      %dma_start3A_370 = tpu.memref_slice %arg35[%dma_start3A_367, %dma_start3A_368, %dma_start3A_369] : memref<40x16x128xf32, #tpu.memory_space<vmem>> -> memref<1x16x128xf32, #tpu.memory_space<vmem>>
      %dma_start3A_371 = tpu.memref_squeeze %dma_start3A_370 : memref<1x16x128xf32, #tpu.memory_space<vmem>> -> memref<16x128xf32, #tpu.memory_space<vmem>>
      %dma_start3A_372 = tpu.memref_slice %arg32[%add3A_366] : memref<1024xi32, #tpu.memory_space<vmem>> -> memref<16xi32, #tpu.memory_space<vmem>>
      %dma_start3A_373 = arith.constant 0 : i32
      %dma_start3A_374 = arith.constant 0 : i32
      %dma_start3A_375 = tpu.memref_slice %arg25[%dma_start3A_373, %dma_start3A_374] : memref<50000x128xf32, #tpu.memory_space<hbm>> -> memref<50000x128xf32, #tpu.memory_space<hbm>>
      tpu.enqueue_indirect_dma source(%dma_start3A_375 : memref<50000x128xf32, #tpu.memory_space<hbm>>) target(%dma_start3A_371 : memref<16x128xf32, #tpu.memory_space<vmem>>) offsets(%dma_start3A_372 : memref<16xi32, #tpu.memory_space<vmem>>) semaphore(%arg38 : memref<!tpu.dma_semaphore, #tpu.memory_space<semaphore_mem>>)
      %dma_start3A_376 = arith.constant 18 : i32
      %dma_start3A_377 = arith.constant 0 : i32
      %dma_start3A_378 = arith.constant 0 : i32
      %dma_start3A_379 = tpu.memref_slice %arg35[%dma_start3A_376, %dma_start3A_377, %dma_start3A_378] : memref<40x16x128xf32, #tpu.memory_space<vmem>> -> memref<1x16x128xf32, #tpu.memory_space<vmem>>
      %dma_start3A_380 = tpu.memref_squeeze %dma_start3A_379 : memref<1x16x128xf32, #tpu.memory_space<vmem>> -> memref<16x128xf32, #tpu.memory_space<vmem>>
      %dma_start3A_381 = tpu.memref_slice %arg32[%mul3A_16] : memref<1024xi32, #tpu.memory_space<vmem>> -> memref<16xi32, #tpu.memory_space<vmem>>
      %dma_start3A_382 = arith.constant 0 : i32
      %dma_start3A_383 = arith.constant 0 : i32
      %dma_start3A_384 = tpu.memref_slice %arg26[%dma_start3A_382, %dma_start3A_383] : memref<50000x128xf32, #tpu.memory_space<hbm>> -> memref<50000x128xf32, #tpu.memory_space<hbm>>
      tpu.enqueue_indirect_dma source(%dma_start3A_384 : memref<50000x128xf32, #tpu.memory_space<hbm>>) target(%dma_start3A_380 : memref<16x128xf32, #tpu.memory_space<vmem>>) offsets(%dma_start3A_381 : memref<16xi32, #tpu.memory_space<vmem>>) semaphore(%arg38 : memref<!tpu.dma_semaphore, #tpu.memory_space<semaphore_mem>>)
      %add3A_385 = arith.constant 512 : i32
      %add3A_386 = arith.addi %add3A_385, %mul3A_16 : i32
      %dma_start3A_387 = arith.constant 38 : i32
      %dma_start3A_388 = arith.constant 0 : i32
      %dma_start3A_389 = arith.constant 0 : i32
      %dma_start3A_390 = tpu.memref_slice %arg35[%dma_start3A_387, %dma_start3A_388, %dma_start3A_389] : memref<40x16x128xf32, #tpu.memory_space<vmem>> -> memref<1x16x128xf32, #tpu.memory_space<vmem>>
      %dma_start3A_391 = tpu.memref_squeeze %dma_start3A_390 : memref<1x16x128xf32, #tpu.memory_space<vmem>> -> memref<16x128xf32, #tpu.memory_space<vmem>>
      %dma_start3A_392 = tpu.memref_slice %arg32[%add3A_386] : memref<1024xi32, #tpu.memory_space<vmem>> -> memref<16xi32, #tpu.memory_space<vmem>>
      %dma_start3A_393 = arith.constant 0 : i32
      %dma_start3A_394 = arith.constant 0 : i32
      %dma_start3A_395 = tpu.memref_slice %arg26[%dma_start3A_393, %dma_start3A_394] : memref<50000x128xf32, #tpu.memory_space<hbm>> -> memref<50000x128xf32, #tpu.memory_space<hbm>>
      tpu.enqueue_indirect_dma source(%dma_start3A_395 : memref<50000x128xf32, #tpu.memory_space<hbm>>) target(%dma_start3A_391 : memref<16x128xf32, #tpu.memory_space<vmem>>) offsets(%dma_start3A_392 : memref<16xi32, #tpu.memory_space<vmem>>) semaphore(%arg38 : memref<!tpu.dma_semaphore, #tpu.memory_space<semaphore_mem>>)
      %dma_start3A_396 = arith.constant 19 : i32
      %dma_start3A_397 = arith.constant 0 : i32
      %dma_start3A_398 = arith.constant 0 : i32
      %dma_start3A_399 = tpu.memref_slice %arg35[%dma_start3A_396, %dma_start3A_397, %dma_start3A_398] : memref<40x16x128xf32, #tpu.memory_space<vmem>> -> memref<1x16x128xf32, #tpu.memory_space<vmem>>
      %dma_start3A_400 = tpu.memref_squeeze %dma_start3A_399 : memref<1x16x128xf32, #tpu.memory_space<vmem>> -> memref<16x128xf32, #tpu.memory_space<vmem>>
      %dma_start3A_401 = tpu.memref_slice %arg32[%mul3A_16] : memref<1024xi32, #tpu.memory_space<vmem>> -> memref<16xi32, #tpu.memory_space<vmem>>
      %dma_start3A_402 = arith.constant 0 : i32
      %dma_start3A_403 = arith.constant 0 : i32
      %dma_start3A_404 = tpu.memref_slice %arg27[%dma_start3A_402, %dma_start3A_403] : memref<50000x128xf32, #tpu.memory_space<hbm>> -> memref<50000x128xf32, #tpu.memory_space<hbm>>
      tpu.enqueue_indirect_dma source(%dma_start3A_404 : memref<50000x128xf32, #tpu.memory_space<hbm>>) target(%dma_start3A_400 : memref<16x128xf32, #tpu.memory_space<vmem>>) offsets(%dma_start3A_401 : memref<16xi32, #tpu.memory_space<vmem>>) semaphore(%arg38 : memref<!tpu.dma_semaphore, #tpu.memory_space<semaphore_mem>>)
      %add3A_405 = arith.constant 512 : i32
      %add3A_406 = arith.addi %add3A_405, %mul3A_16 : i32
      %dma_start3A_407 = arith.constant 39 : i32
      %dma_start3A_408 = arith.constant 0 : i32
      %dma_start3A_409 = arith.constant 0 : i32
      %dma_start3A_410 = tpu.memref_slice %arg35[%dma_start3A_407, %dma_start3A_408, %dma_start3A_409] : memref<40x16x128xf32, #tpu.memory_space<vmem>> -> memref<1x16x128xf32, #tpu.memory_space<vmem>>
      %dma_start3A_411 = tpu.memref_squeeze %dma_start3A_410 : memref<1x16x128xf32, #tpu.memory_space<vmem>> -> memref<16x128xf32, #tpu.memory_space<vmem>>
      %dma_start3A_412 = tpu.memref_slice %arg32[%add3A_406] : memref<1024xi32, #tpu.memory_space<vmem>> -> memref<16xi32, #tpu.memory_space<vmem>>
      %dma_start3A_413 = arith.constant 0 : i32
      %dma_start3A_414 = arith.constant 0 : i32
      %dma_start3A_415 = tpu.memref_slice %arg27[%dma_start3A_413, %dma_start3A_414] : memref<50000x128xf32, #tpu.memory_space<hbm>> -> memref<50000x128xf32, #tpu.memory_space<hbm>>
      tpu.enqueue_indirect_dma source(%dma_start3A_415 : memref<50000x128xf32, #tpu.memory_space<hbm>>) target(%dma_start3A_411 : memref<16x128xf32, #tpu.memory_space<vmem>>) offsets(%dma_start3A_412 : memref<16xi32, #tpu.memory_space<vmem>>) semaphore(%arg38 : memref<!tpu.dma_semaphore, #tpu.memory_space<semaphore_mem>>)
      %dma_start3A_416 = arith.constant 0 : i32
      %dma_start3A_417 = arith.constant 0 : i32
      %dma_start3A_418 = arith.constant 0 : i32
      %dma_start3A_419 = tpu.memref_slice %arg36[%dma_start3A_416, %dma_start3A_417, %dma_start3A_418] : memref<2x16x128xf32, #tpu.memory_space<vmem>> -> memref<1x16x128xf32, #tpu.memory_space<vmem>>
      %dma_start3A_420 = tpu.memref_squeeze %dma_start3A_419 : memref<1x16x128xf32, #tpu.memory_space<vmem>> -> memref<16x128xf32, #tpu.memory_space<vmem>>
      %dma_start3A_421 = tpu.memref_slice %arg33[%mul3A_16] : memref<512xi32, #tpu.memory_space<vmem>> -> memref<16xi32, #tpu.memory_space<vmem>>
      %dma_start3A_422 = arith.constant 0 : i32
      %dma_start3A_423 = arith.constant 0 : i32
      %dma_start3A_424 = tpu.memref_slice %arg28[%dma_start3A_422, %dma_start3A_423] : memref<500x128xf32, #tpu.memory_space<hbm>> -> memref<500x128xf32, #tpu.memory_space<hbm>>
      tpu.enqueue_indirect_dma source(%dma_start3A_424 : memref<500x128xf32, #tpu.memory_space<hbm>>) target(%dma_start3A_420 : memref<16x128xf32, #tpu.memory_space<vmem>>) offsets(%dma_start3A_421 : memref<16xi32, #tpu.memory_space<vmem>>) semaphore(%arg38 : memref<!tpu.dma_semaphore, #tpu.memory_space<semaphore_mem>>)
      %dma_start3A_425 = arith.constant 1 : i32
      %dma_start3A_426 = arith.constant 0 : i32
      %dma_start3A_427 = arith.constant 0 : i32
      %dma_start3A_428 = tpu.memref_slice %arg36[%dma_start3A_425, %dma_start3A_426, %dma_start3A_427] : memref<2x16x128xf32, #tpu.memory_space<vmem>> -> memref<1x16x128xf32, #tpu.memory_space<vmem>>
      %dma_start3A_429 = tpu.memref_squeeze %dma_start3A_428 : memref<1x16x128xf32, #tpu.memory_space<vmem>> -> memref<16x128xf32, #tpu.memory_space<vmem>>
      %dma_start3A_430 = tpu.memref_slice %arg33[%mul3A_16] : memref<512xi32, #tpu.memory_space<vmem>> -> memref<16xi32, #tpu.memory_space<vmem>>
      %dma_start3A_431 = arith.constant 0 : i32
      %dma_start3A_432 = arith.constant 0 : i32
      %dma_start3A_433 = tpu.memref_slice %arg29[%dma_start3A_431, %dma_start3A_432] : memref<500x128xf32, #tpu.memory_space<hbm>> -> memref<500x128xf32, #tpu.memory_space<hbm>>
      tpu.enqueue_indirect_dma source(%dma_start3A_433 : memref<500x128xf32, #tpu.memory_space<hbm>>) target(%dma_start3A_429 : memref<16x128xf32, #tpu.memory_space<vmem>>) offsets(%dma_start3A_430 : memref<16xi32, #tpu.memory_space<vmem>>) semaphore(%arg38 : memref<!tpu.dma_semaphore, #tpu.memory_space<semaphore_mem>>)
      %dma_wait3A = arith.constant 0 : i32
      %dma_wait3A_434 = arith.constant 0 : i32
      %dma_wait3A_435 = arith.constant 0 : i32
      %dma_wait3A_436 = tpu.memref_slice %arg35[%dma_wait3A, %dma_wait3A_434, %dma_wait3A_435] : memref<40x16x128xf32, #tpu.memory_space<vmem>> -> memref<1x16x128xf32, #tpu.memory_space<vmem>>
      %dma_wait3A_437 = tpu.memref_squeeze %dma_wait3A_436 : memref<1x16x128xf32, #tpu.memory_space<vmem>> -> memref<16x128xf32, #tpu.memory_space<vmem>>
      %dma_wait3A_438 = tpu.memref_slice %arg32[%mul3A_16] : memref<1024xi32, #tpu.memory_space<vmem>> -> memref<16xi32, #tpu.memory_space<vmem>>
      %dma_wait3A_439 = arith.constant 0 : i32
      %dma_wait3A_440 = arith.constant 0 : i32
      %dma_wait3A_441 = tpu.memref_slice %arg8[%dma_wait3A_439, %dma_wait3A_440] : memref<50000x128xf32, #tpu.memory_space<hbm>> -> memref<50000x128xf32, #tpu.memory_space<hbm>>
      tpu.wait_indirect_dma semaphore(%arg38 : memref<!tpu.dma_semaphore, #tpu.memory_space<semaphore_mem>>) src(%dma_wait3A_441 : memref<50000x128xf32, #tpu.memory_space<hbm>>) dst(%dma_wait3A_437 : memref<16x128xf32, #tpu.memory_space<vmem>>)
      %dma_wait3A_442 = arith.constant 20 : i32
      %dma_wait3A_443 = arith.constant 0 : i32
      %dma_wait3A_444 = arith.constant 0 : i32
      %dma_wait3A_445 = tpu.memref_slice %arg35[%dma_wait3A_442, %dma_wait3A_443, %dma_wait3A_444] : memref<40x16x128xf32, #tpu.memory_space<vmem>> -> memref<1x16x128xf32, #tpu.memory_space<vmem>>
      %dma_wait3A_446 = tpu.memref_squeeze %dma_wait3A_445 : memref<1x16x128xf32, #tpu.memory_space<vmem>> -> memref<16x128xf32, #tpu.memory_space<vmem>>
      %dma_wait3A_447 = tpu.memref_slice %arg32[%add3A_26] : memref<1024xi32, #tpu.memory_space<vmem>> -> memref<16xi32, #tpu.memory_space<vmem>>
      %dma_wait3A_448 = arith.constant 0 : i32
      %dma_wait3A_449 = arith.constant 0 : i32
      %dma_wait3A_450 = tpu.memref_slice %arg8[%dma_wait3A_448, %dma_wait3A_449] : memref<50000x128xf32, #tpu.memory_space<hbm>> -> memref<50000x128xf32, #tpu.memory_space<hbm>>
      tpu.wait_indirect_dma semaphore(%arg38 : memref<!tpu.dma_semaphore, #tpu.memory_space<semaphore_mem>>) src(%dma_wait3A_450 : memref<50000x128xf32, #tpu.memory_space<hbm>>) dst(%dma_wait3A_446 : memref<16x128xf32, #tpu.memory_space<vmem>>)
      %dma_wait3A_451 = arith.constant 1 : i32
      %dma_wait3A_452 = arith.constant 0 : i32
      %dma_wait3A_453 = arith.constant 0 : i32
      %dma_wait3A_454 = tpu.memref_slice %arg35[%dma_wait3A_451, %dma_wait3A_452, %dma_wait3A_453] : memref<40x16x128xf32, #tpu.memory_space<vmem>> -> memref<1x16x128xf32, #tpu.memory_space<vmem>>
      %dma_wait3A_455 = tpu.memref_squeeze %dma_wait3A_454 : memref<1x16x128xf32, #tpu.memory_space<vmem>> -> memref<16x128xf32, #tpu.memory_space<vmem>>
      %dma_wait3A_456 = tpu.memref_slice %arg32[%mul3A_16] : memref<1024xi32, #tpu.memory_space<vmem>> -> memref<16xi32, #tpu.memory_space<vmem>>
      %dma_wait3A_457 = arith.constant 0 : i32
      %dma_wait3A_458 = arith.constant 0 : i32
      %dma_wait3A_459 = tpu.memref_slice %arg9[%dma_wait3A_457, %dma_wait3A_458] : memref<50000x128xf32, #tpu.memory_space<hbm>> -> memref<50000x128xf32, #tpu.memory_space<hbm>>
      tpu.wait_indirect_dma semaphore(%arg38 : memref<!tpu.dma_semaphore, #tpu.memory_space<semaphore_mem>>) src(%dma_wait3A_459 : memref<50000x128xf32, #tpu.memory_space<hbm>>) dst(%dma_wait3A_455 : memref<16x128xf32, #tpu.memory_space<vmem>>)
      %dma_wait3A_460 = arith.constant 21 : i32
      %dma_wait3A_461 = arith.constant 0 : i32
      %dma_wait3A_462 = arith.constant 0 : i32
      %dma_wait3A_463 = tpu.memref_slice %arg35[%dma_wait3A_460, %dma_wait3A_461, %dma_wait3A_462] : memref<40x16x128xf32, #tpu.memory_space<vmem>> -> memref<1x16x128xf32, #tpu.memory_space<vmem>>
      %dma_wait3A_464 = tpu.memref_squeeze %dma_wait3A_463 : memref<1x16x128xf32, #tpu.memory_space<vmem>> -> memref<16x128xf32, #tpu.memory_space<vmem>>
      %dma_wait3A_465 = tpu.memref_slice %arg32[%add3A_46] : memref<1024xi32, #tpu.memory_space<vmem>> -> memref<16xi32, #tpu.memory_space<vmem>>
      %dma_wait3A_466 = arith.constant 0 : i32
      %dma_wait3A_467 = arith.constant 0 : i32
      %dma_wait3A_468 = tpu.memref_slice %arg9[%dma_wait3A_466, %dma_wait3A_467] : memref<50000x128xf32, #tpu.memory_space<hbm>> -> memref<50000x128xf32, #tpu.memory_space<hbm>>
      tpu.wait_indirect_dma semaphore(%arg38 : memref<!tpu.dma_semaphore, #tpu.memory_space<semaphore_mem>>) src(%dma_wait3A_468 : memref<50000x128xf32, #tpu.memory_space<hbm>>) dst(%dma_wait3A_464 : memref<16x128xf32, #tpu.memory_space<vmem>>)
      %dma_wait3A_469 = arith.constant 2 : i32
      %dma_wait3A_470 = arith.constant 0 : i32
      %dma_wait3A_471 = arith.constant 0 : i32
      %dma_wait3A_472 = tpu.memref_slice %arg35[%dma_wait3A_469, %dma_wait3A_470, %dma_wait3A_471] : memref<40x16x128xf32, #tpu.memory_space<vmem>> -> memref<1x16x128xf32, #tpu.memory_space<vmem>>
      %dma_wait3A_473 = tpu.memref_squeeze %dma_wait3A_472 : memref<1x16x128xf32, #tpu.memory_space<vmem>> -> memref<16x128xf32, #tpu.memory_space<vmem>>
      %dma_wait3A_474 = tpu.memref_slice %arg32[%mul3A_16] : memref<1024xi32, #tpu.memory_space<vmem>> -> memref<16xi32, #tpu.memory_space<vmem>>
      %dma_wait3A_475 = arith.constant 0 : i32
      %dma_wait3A_476 = arith.constant 0 : i32
      %dma_wait3A_477 = tpu.memref_slice %arg10[%dma_wait3A_475, %dma_wait3A_476] : memref<50000x128xf32, #tpu.memory_space<hbm>> -> memref<50000x128xf32, #tpu.memory_space<hbm>>
      tpu.wait_indirect_dma semaphore(%arg38 : memref<!tpu.dma_semaphore, #tpu.memory_space<semaphore_mem>>) src(%dma_wait3A_477 : memref<50000x128xf32, #tpu.memory_space<hbm>>) dst(%dma_wait3A_473 : memref<16x128xf32, #tpu.memory_space<vmem>>)
      %dma_wait3A_478 = arith.constant 22 : i32
      %dma_wait3A_479 = arith.constant 0 : i32
      %dma_wait3A_480 = arith.constant 0 : i32
      %dma_wait3A_481 = tpu.memref_slice %arg35[%dma_wait3A_478, %dma_wait3A_479, %dma_wait3A_480] : memref<40x16x128xf32, #tpu.memory_space<vmem>> -> memref<1x16x128xf32, #tpu.memory_space<vmem>>
      %dma_wait3A_482 = tpu.memref_squeeze %dma_wait3A_481 : memref<1x16x128xf32, #tpu.memory_space<vmem>> -> memref<16x128xf32, #tpu.memory_space<vmem>>
      %dma_wait3A_483 = tpu.memref_slice %arg32[%add3A_66] : memref<1024xi32, #tpu.memory_space<vmem>> -> memref<16xi32, #tpu.memory_space<vmem>>
      %dma_wait3A_484 = arith.constant 0 : i32
      %dma_wait3A_485 = arith.constant 0 : i32
      %dma_wait3A_486 = tpu.memref_slice %arg10[%dma_wait3A_484, %dma_wait3A_485] : memref<50000x128xf32, #tpu.memory_space<hbm>> -> memref<50000x128xf32, #tpu.memory_space<hbm>>
      tpu.wait_indirect_dma semaphore(%arg38 : memref<!tpu.dma_semaphore, #tpu.memory_space<semaphore_mem>>) src(%dma_wait3A_486 : memref<50000x128xf32, #tpu.memory_space<hbm>>) dst(%dma_wait3A_482 : memref<16x128xf32, #tpu.memory_space<vmem>>)
      %dma_wait3A_487 = arith.constant 3 : i32
      %dma_wait3A_488 = arith.constant 0 : i32
      %dma_wait3A_489 = arith.constant 0 : i32
      %dma_wait3A_490 = tpu.memref_slice %arg35[%dma_wait3A_487, %dma_wait3A_488, %dma_wait3A_489] : memref<40x16x128xf32, #tpu.memory_space<vmem>> -> memref<1x16x128xf32, #tpu.memory_space<vmem>>
      %dma_wait3A_491 = tpu.memref_squeeze %dma_wait3A_490 : memref<1x16x128xf32, #tpu.memory_space<vmem>> -> memref<16x128xf32, #tpu.memory_space<vmem>>
      %dma_wait3A_492 = tpu.memref_slice %arg32[%mul3A_16] : memref<1024xi32, #tpu.memory_space<vmem>> -> memref<16xi32, #tpu.memory_space<vmem>>
      %dma_wait3A_493 = arith.constant 0 : i32
      %dma_wait3A_494 = arith.constant 0 : i32
      %dma_wait3A_495 = tpu.memref_slice %arg11[%dma_wait3A_493, %dma_wait3A_494] : memref<50000x128xf32, #tpu.memory_space<hbm>> -> memref<50000x128xf32, #tpu.memory_space<hbm>>
      tpu.wait_indirect_dma semaphore(%arg38 : memref<!tpu.dma_semaphore, #tpu.memory_space<semaphore_mem>>) src(%dma_wait3A_495 : memref<50000x128xf32, #tpu.memory_space<hbm>>) dst(%dma_wait3A_491 : memref<16x128xf32, #tpu.memory_space<vmem>>)
      %dma_wait3A_496 = arith.constant 23 : i32
      %dma_wait3A_497 = arith.constant 0 : i32
      %dma_wait3A_498 = arith.constant 0 : i32
      %dma_wait3A_499 = tpu.memref_slice %arg35[%dma_wait3A_496, %dma_wait3A_497, %dma_wait3A_498] : memref<40x16x128xf32, #tpu.memory_space<vmem>> -> memref<1x16x128xf32, #tpu.memory_space<vmem>>
      %dma_wait3A_500 = tpu.memref_squeeze %dma_wait3A_499 : memref<1x16x128xf32, #tpu.memory_space<vmem>> -> memref<16x128xf32, #tpu.memory_space<vmem>>
      %dma_wait3A_501 = tpu.memref_slice %arg32[%add3A_86] : memref<1024xi32, #tpu.memory_space<vmem>> -> memref<16xi32, #tpu.memory_space<vmem>>
      %dma_wait3A_502 = arith.constant 0 : i32
      %dma_wait3A_503 = arith.constant 0 : i32
      %dma_wait3A_504 = tpu.memref_slice %arg11[%dma_wait3A_502, %dma_wait3A_503] : memref<50000x128xf32, #tpu.memory_space<hbm>> -> memref<50000x128xf32, #tpu.memory_space<hbm>>
      tpu.wait_indirect_dma semaphore(%arg38 : memref<!tpu.dma_semaphore, #tpu.memory_space<semaphore_mem>>) src(%dma_wait3A_504 : memref<50000x128xf32, #tpu.memory_space<hbm>>) dst(%dma_wait3A_500 : memref<16x128xf32, #tpu.memory_space<vmem>>)
      %dma_wait3A_505 = arith.constant 4 : i32
      %dma_wait3A_506 = arith.constant 0 : i32
      %dma_wait3A_507 = arith.constant 0 : i32
      %dma_wait3A_508 = tpu.memref_slice %arg35[%dma_wait3A_505, %dma_wait3A_506, %dma_wait3A_507] : memref<40x16x128xf32, #tpu.memory_space<vmem>> -> memref<1x16x128xf32, #tpu.memory_space<vmem>>
      %dma_wait3A_509 = tpu.memref_squeeze %dma_wait3A_508 : memref<1x16x128xf32, #tpu.memory_space<vmem>> -> memref<16x128xf32, #tpu.memory_space<vmem>>
      %dma_wait3A_510 = tpu.memref_slice %arg32[%mul3A_16] : memref<1024xi32, #tpu.memory_space<vmem>> -> memref<16xi32, #tpu.memory_space<vmem>>
      %dma_wait3A_511 = arith.constant 0 : i32
      %dma_wait3A_512 = arith.constant 0 : i32
      %dma_wait3A_513 = tpu.memref_slice %arg12[%dma_wait3A_511, %dma_wait3A_512] : memref<50000x128xf32, #tpu.memory_space<hbm>> -> memref<50000x128xf32, #tpu.memory_space<hbm>>
      tpu.wait_indirect_dma semaphore(%arg38 : memref<!tpu.dma_semaphore, #tpu.memory_space<semaphore_mem>>) src(%dma_wait3A_513 : memref<50000x128xf32, #tpu.memory_space<hbm>>) dst(%dma_wait3A_509 : memref<16x128xf32, #tpu.memory_space<vmem>>)
      %dma_wait3A_514 = arith.constant 24 : i32
      %dma_wait3A_515 = arith.constant 0 : i32
      %dma_wait3A_516 = arith.constant 0 : i32
      %dma_wait3A_517 = tpu.memref_slice %arg35[%dma_wait3A_514, %dma_wait3A_515, %dma_wait3A_516] : memref<40x16x128xf32, #tpu.memory_space<vmem>> -> memref<1x16x128xf32, #tpu.memory_space<vmem>>
      %dma_wait3A_518 = tpu.memref_squeeze %dma_wait3A_517 : memref<1x16x128xf32, #tpu.memory_space<vmem>> -> memref<16x128xf32, #tpu.memory_space<vmem>>
      %dma_wait3A_519 = tpu.memref_slice %arg32[%add3A_106] : memref<1024xi32, #tpu.memory_space<vmem>> -> memref<16xi32, #tpu.memory_space<vmem>>
      %dma_wait3A_520 = arith.constant 0 : i32
      %dma_wait3A_521 = arith.constant 0 : i32
      %dma_wait3A_522 = tpu.memref_slice %arg12[%dma_wait3A_520, %dma_wait3A_521] : memref<50000x128xf32, #tpu.memory_space<hbm>> -> memref<50000x128xf32, #tpu.memory_space<hbm>>
      tpu.wait_indirect_dma semaphore(%arg38 : memref<!tpu.dma_semaphore, #tpu.memory_space<semaphore_mem>>) src(%dma_wait3A_522 : memref<50000x128xf32, #tpu.memory_space<hbm>>) dst(%dma_wait3A_518 : memref<16x128xf32, #tpu.memory_space<vmem>>)
      %dma_wait3A_523 = arith.constant 5 : i32
      %dma_wait3A_524 = arith.constant 0 : i32
      %dma_wait3A_525 = arith.constant 0 : i32
      %dma_wait3A_526 = tpu.memref_slice %arg35[%dma_wait3A_523, %dma_wait3A_524, %dma_wait3A_525] : memref<40x16x128xf32, #tpu.memory_space<vmem>> -> memref<1x16x128xf32, #tpu.memory_space<vmem>>
      %dma_wait3A_527 = tpu.memref_squeeze %dma_wait3A_526 : memref<1x16x128xf32, #tpu.memory_space<vmem>> -> memref<16x128xf32, #tpu.memory_space<vmem>>
      %dma_wait3A_528 = tpu.memref_slice %arg32[%mul3A_16] : memref<1024xi32, #tpu.memory_space<vmem>> -> memref<16xi32, #tpu.memory_space<vmem>>
      %dma_wait3A_529 = arith.constant 0 : i32
      %dma_wait3A_530 = arith.constant 0 : i32
      %dma_wait3A_531 = tpu.memref_slice %arg13[%dma_wait3A_529, %dma_wait3A_530] : memref<50000x128xf32, #tpu.memory_space<hbm>> -> memref<50000x128xf32, #tpu.memory_space<hbm>>
      tpu.wait_indirect_dma semaphore(%arg38 : memref<!tpu.dma_semaphore, #tpu.memory_space<semaphore_mem>>) src(%dma_wait3A_531 : memref<50000x128xf32, #tpu.memory_space<hbm>>) dst(%dma_wait3A_527 : memref<16x128xf32, #tpu.memory_space<vmem>>)
      %dma_wait3A_532 = arith.constant 25 : i32
      %dma_wait3A_533 = arith.constant 0 : i32
      %dma_wait3A_534 = arith.constant 0 : i32
      %dma_wait3A_535 = tpu.memref_slice %arg35[%dma_wait3A_532, %dma_wait3A_533, %dma_wait3A_534] : memref<40x16x128xf32, #tpu.memory_space<vmem>> -> memref<1x16x128xf32, #tpu.memory_space<vmem>>
      %dma_wait3A_536 = tpu.memref_squeeze %dma_wait3A_535 : memref<1x16x128xf32, #tpu.memory_space<vmem>> -> memref<16x128xf32, #tpu.memory_space<vmem>>
      %dma_wait3A_537 = tpu.memref_slice %arg32[%add3A_126] : memref<1024xi32, #tpu.memory_space<vmem>> -> memref<16xi32, #tpu.memory_space<vmem>>
      %dma_wait3A_538 = arith.constant 0 : i32
      %dma_wait3A_539 = arith.constant 0 : i32
      %dma_wait3A_540 = tpu.memref_slice %arg13[%dma_wait3A_538, %dma_wait3A_539] : memref<50000x128xf32, #tpu.memory_space<hbm>> -> memref<50000x128xf32, #tpu.memory_space<hbm>>
      tpu.wait_indirect_dma semaphore(%arg38 : memref<!tpu.dma_semaphore, #tpu.memory_space<semaphore_mem>>) src(%dma_wait3A_540 : memref<50000x128xf32, #tpu.memory_space<hbm>>) dst(%dma_wait3A_536 : memref<16x128xf32, #tpu.memory_space<vmem>>)
      %dma_wait3A_541 = arith.constant 6 : i32
      %dma_wait3A_542 = arith.constant 0 : i32
      %dma_wait3A_543 = arith.constant 0 : i32
      %dma_wait3A_544 = tpu.memref_slice %arg35[%dma_wait3A_541, %dma_wait3A_542, %dma_wait3A_543] : memref<40x16x128xf32, #tpu.memory_space<vmem>> -> memref<1x16x128xf32, #tpu.memory_space<vmem>>
      %dma_wait3A_545 = tpu.memref_squeeze %dma_wait3A_544 : memref<1x16x128xf32, #tpu.memory_space<vmem>> -> memref<16x128xf32, #tpu.memory_space<vmem>>
      %dma_wait3A_546 = tpu.memref_slice %arg32[%mul3A_16] : memref<1024xi32, #tpu.memory_space<vmem>> -> memref<16xi32, #tpu.memory_space<vmem>>
      %dma_wait3A_547 = arith.constant 0 : i32
      %dma_wait3A_548 = arith.constant 0 : i32
      %dma_wait3A_549 = tpu.memref_slice %arg14[%dma_wait3A_547, %dma_wait3A_548] : memref<50000x128xf32, #tpu.memory_space<hbm>> -> memref<50000x128xf32, #tpu.memory_space<hbm>>
      tpu.wait_indirect_dma semaphore(%arg38 : memref<!tpu.dma_semaphore, #tpu.memory_space<semaphore_mem>>) src(%dma_wait3A_549 : memref<50000x128xf32, #tpu.memory_space<hbm>>) dst(%dma_wait3A_545 : memref<16x128xf32, #tpu.memory_space<vmem>>)
      %dma_wait3A_550 = arith.constant 26 : i32
      %dma_wait3A_551 = arith.constant 0 : i32
      %dma_wait3A_552 = arith.constant 0 : i32
      %dma_wait3A_553 = tpu.memref_slice %arg35[%dma_wait3A_550, %dma_wait3A_551, %dma_wait3A_552] : memref<40x16x128xf32, #tpu.memory_space<vmem>> -> memref<1x16x128xf32, #tpu.memory_space<vmem>>
      %dma_wait3A_554 = tpu.memref_squeeze %dma_wait3A_553 : memref<1x16x128xf32, #tpu.memory_space<vmem>> -> memref<16x128xf32, #tpu.memory_space<vmem>>
      %dma_wait3A_555 = tpu.memref_slice %arg32[%add3A_146] : memref<1024xi32, #tpu.memory_space<vmem>> -> memref<16xi32, #tpu.memory_space<vmem>>
      %dma_wait3A_556 = arith.constant 0 : i32
      %dma_wait3A_557 = arith.constant 0 : i32
      %dma_wait3A_558 = tpu.memref_slice %arg14[%dma_wait3A_556, %dma_wait3A_557] : memref<50000x128xf32, #tpu.memory_space<hbm>> -> memref<50000x128xf32, #tpu.memory_space<hbm>>
      tpu.wait_indirect_dma semaphore(%arg38 : memref<!tpu.dma_semaphore, #tpu.memory_space<semaphore_mem>>) src(%dma_wait3A_558 : memref<50000x128xf32, #tpu.memory_space<hbm>>) dst(%dma_wait3A_554 : memref<16x128xf32, #tpu.memory_space<vmem>>)
      %dma_wait3A_559 = arith.constant 7 : i32
      %dma_wait3A_560 = arith.constant 0 : i32
      %dma_wait3A_561 = arith.constant 0 : i32
      %dma_wait3A_562 = tpu.memref_slice %arg35[%dma_wait3A_559, %dma_wait3A_560, %dma_wait3A_561] : memref<40x16x128xf32, #tpu.memory_space<vmem>> -> memref<1x16x128xf32, #tpu.memory_space<vmem>>
      %dma_wait3A_563 = tpu.memref_squeeze %dma_wait3A_562 : memref<1x16x128xf32, #tpu.memory_space<vmem>> -> memref<16x128xf32, #tpu.memory_space<vmem>>
      %dma_wait3A_564 = tpu.memref_slice %arg32[%mul3A_16] : memref<1024xi32, #tpu.memory_space<vmem>> -> memref<16xi32, #tpu.memory_space<vmem>>
      %dma_wait3A_565 = arith.constant 0 : i32
      %dma_wait3A_566 = arith.constant 0 : i32
      %dma_wait3A_567 = tpu.memref_slice %arg15[%dma_wait3A_565, %dma_wait3A_566] : memref<50000x128xf32, #tpu.memory_space<hbm>> -> memref<50000x128xf32, #tpu.memory_space<hbm>>
      tpu.wait_indirect_dma semaphore(%arg38 : memref<!tpu.dma_semaphore, #tpu.memory_space<semaphore_mem>>) src(%dma_wait3A_567 : memref<50000x128xf32, #tpu.memory_space<hbm>>) dst(%dma_wait3A_563 : memref<16x128xf32, #tpu.memory_space<vmem>>)
      %dma_wait3A_568 = arith.constant 27 : i32
      %dma_wait3A_569 = arith.constant 0 : i32
      %dma_wait3A_570 = arith.constant 0 : i32
      %dma_wait3A_571 = tpu.memref_slice %arg35[%dma_wait3A_568, %dma_wait3A_569, %dma_wait3A_570] : memref<40x16x128xf32, #tpu.memory_space<vmem>> -> memref<1x16x128xf32, #tpu.memory_space<vmem>>
      %dma_wait3A_572 = tpu.memref_squeeze %dma_wait3A_571 : memref<1x16x128xf32, #tpu.memory_space<vmem>> -> memref<16x128xf32, #tpu.memory_space<vmem>>
      %dma_wait3A_573 = tpu.memref_slice %arg32[%add3A_166] : memref<1024xi32, #tpu.memory_space<vmem>> -> memref<16xi32, #tpu.memory_space<vmem>>
      %dma_wait3A_574 = arith.constant 0 : i32
      %dma_wait3A_575 = arith.constant 0 : i32
      %dma_wait3A_576 = tpu.memref_slice %arg15[%dma_wait3A_574, %dma_wait3A_575] : memref<50000x128xf32, #tpu.memory_space<hbm>> -> memref<50000x128xf32, #tpu.memory_space<hbm>>
      tpu.wait_indirect_dma semaphore(%arg38 : memref<!tpu.dma_semaphore, #tpu.memory_space<semaphore_mem>>) src(%dma_wait3A_576 : memref<50000x128xf32, #tpu.memory_space<hbm>>) dst(%dma_wait3A_572 : memref<16x128xf32, #tpu.memory_space<vmem>>)
      %dma_wait3A_577 = arith.constant 8 : i32
      %dma_wait3A_578 = arith.constant 0 : i32
      %dma_wait3A_579 = arith.constant 0 : i32
      %dma_wait3A_580 = tpu.memref_slice %arg35[%dma_wait3A_577, %dma_wait3A_578, %dma_wait3A_579] : memref<40x16x128xf32, #tpu.memory_space<vmem>> -> memref<1x16x128xf32, #tpu.memory_space<vmem>>
      %dma_wait3A_581 = tpu.memref_squeeze %dma_wait3A_580 : memref<1x16x128xf32, #tpu.memory_space<vmem>> -> memref<16x128xf32, #tpu.memory_space<vmem>>
      %dma_wait3A_582 = tpu.memref_slice %arg32[%mul3A_16] : memref<1024xi32, #tpu.memory_space<vmem>> -> memref<16xi32, #tpu.memory_space<vmem>>
      %dma_wait3A_583 = arith.constant 0 : i32
      %dma_wait3A_584 = arith.constant 0 : i32
      %dma_wait3A_585 = tpu.memref_slice %arg16[%dma_wait3A_583, %dma_wait3A_584] : memref<50000x128xf32, #tpu.memory_space<hbm>> -> memref<50000x128xf32, #tpu.memory_space<hbm>>
      tpu.wait_indirect_dma semaphore(%arg38 : memref<!tpu.dma_semaphore, #tpu.memory_space<semaphore_mem>>) src(%dma_wait3A_585 : memref<50000x128xf32, #tpu.memory_space<hbm>>) dst(%dma_wait3A_581 : memref<16x128xf32, #tpu.memory_space<vmem>>)
      %dma_wait3A_586 = arith.constant 28 : i32
      %dma_wait3A_587 = arith.constant 0 : i32
      %dma_wait3A_588 = arith.constant 0 : i32
      %dma_wait3A_589 = tpu.memref_slice %arg35[%dma_wait3A_586, %dma_wait3A_587, %dma_wait3A_588] : memref<40x16x128xf32, #tpu.memory_space<vmem>> -> memref<1x16x128xf32, #tpu.memory_space<vmem>>
      %dma_wait3A_590 = tpu.memref_squeeze %dma_wait3A_589 : memref<1x16x128xf32, #tpu.memory_space<vmem>> -> memref<16x128xf32, #tpu.memory_space<vmem>>
      %dma_wait3A_591 = tpu.memref_slice %arg32[%add3A_186] : memref<1024xi32, #tpu.memory_space<vmem>> -> memref<16xi32, #tpu.memory_space<vmem>>
      %dma_wait3A_592 = arith.constant 0 : i32
      %dma_wait3A_593 = arith.constant 0 : i32
      %dma_wait3A_594 = tpu.memref_slice %arg16[%dma_wait3A_592, %dma_wait3A_593] : memref<50000x128xf32, #tpu.memory_space<hbm>> -> memref<50000x128xf32, #tpu.memory_space<hbm>>
      tpu.wait_indirect_dma semaphore(%arg38 : memref<!tpu.dma_semaphore, #tpu.memory_space<semaphore_mem>>) src(%dma_wait3A_594 : memref<50000x128xf32, #tpu.memory_space<hbm>>) dst(%dma_wait3A_590 : memref<16x128xf32, #tpu.memory_space<vmem>>)
      %dma_wait3A_595 = arith.constant 9 : i32
      %dma_wait3A_596 = arith.constant 0 : i32
      %dma_wait3A_597 = arith.constant 0 : i32
      %dma_wait3A_598 = tpu.memref_slice %arg35[%dma_wait3A_595, %dma_wait3A_596, %dma_wait3A_597] : memref<40x16x128xf32, #tpu.memory_space<vmem>> -> memref<1x16x128xf32, #tpu.memory_space<vmem>>
      %dma_wait3A_599 = tpu.memref_squeeze %dma_wait3A_598 : memref<1x16x128xf32, #tpu.memory_space<vmem>> -> memref<16x128xf32, #tpu.memory_space<vmem>>
      %dma_wait3A_600 = tpu.memref_slice %arg32[%mul3A_16] : memref<1024xi32, #tpu.memory_space<vmem>> -> memref<16xi32, #tpu.memory_space<vmem>>
      %dma_wait3A_601 = arith.constant 0 : i32
      %dma_wait3A_602 = arith.constant 0 : i32
      %dma_wait3A_603 = tpu.memref_slice %arg17[%dma_wait3A_601, %dma_wait3A_602] : memref<50000x128xf32, #tpu.memory_space<hbm>> -> memref<50000x128xf32, #tpu.memory_space<hbm>>
      tpu.wait_indirect_dma semaphore(%arg38 : memref<!tpu.dma_semaphore, #tpu.memory_space<semaphore_mem>>) src(%dma_wait3A_603 : memref<50000x128xf32, #tpu.memory_space<hbm>>) dst(%dma_wait3A_599 : memref<16x128xf32, #tpu.memory_space<vmem>>)
      %dma_wait3A_604 = arith.constant 29 : i32
      %dma_wait3A_605 = arith.constant 0 : i32
      %dma_wait3A_606 = arith.constant 0 : i32
      %dma_wait3A_607 = tpu.memref_slice %arg35[%dma_wait3A_604, %dma_wait3A_605, %dma_wait3A_606] : memref<40x16x128xf32, #tpu.memory_space<vmem>> -> memref<1x16x128xf32, #tpu.memory_space<vmem>>
      %dma_wait3A_608 = tpu.memref_squeeze %dma_wait3A_607 : memref<1x16x128xf32, #tpu.memory_space<vmem>> -> memref<16x128xf32, #tpu.memory_space<vmem>>
      %dma_wait3A_609 = tpu.memref_slice %arg32[%add3A_206] : memref<1024xi32, #tpu.memory_space<vmem>> -> memref<16xi32, #tpu.memory_space<vmem>>
      %dma_wait3A_610 = arith.constant 0 : i32
      %dma_wait3A_611 = arith.constant 0 : i32
      %dma_wait3A_612 = tpu.memref_slice %arg17[%dma_wait3A_610, %dma_wait3A_611] : memref<50000x128xf32, #tpu.memory_space<hbm>> -> memref<50000x128xf32, #tpu.memory_space<hbm>>
      tpu.wait_indirect_dma semaphore(%arg38 : memref<!tpu.dma_semaphore, #tpu.memory_space<semaphore_mem>>) src(%dma_wait3A_612 : memref<50000x128xf32, #tpu.memory_space<hbm>>) dst(%dma_wait3A_608 : memref<16x128xf32, #tpu.memory_space<vmem>>)
      %dma_wait3A_613 = arith.constant 10 : i32
      %dma_wait3A_614 = arith.constant 0 : i32
      %dma_wait3A_615 = arith.constant 0 : i32
      %dma_wait3A_616 = tpu.memref_slice %arg35[%dma_wait3A_613, %dma_wait3A_614, %dma_wait3A_615] : memref<40x16x128xf32, #tpu.memory_space<vmem>> -> memref<1x16x128xf32, #tpu.memory_space<vmem>>
      %dma_wait3A_617 = tpu.memref_squeeze %dma_wait3A_616 : memref<1x16x128xf32, #tpu.memory_space<vmem>> -> memref<16x128xf32, #tpu.memory_space<vmem>>
      %dma_wait3A_618 = tpu.memref_slice %arg32[%mul3A_16] : memref<1024xi32, #tpu.memory_space<vmem>> -> memref<16xi32, #tpu.memory_space<vmem>>
      %dma_wait3A_619 = arith.constant 0 : i32
      %dma_wait3A_620 = arith.constant 0 : i32
      %dma_wait3A_621 = tpu.memref_slice %arg18[%dma_wait3A_619, %dma_wait3A_620] : memref<50000x128xf32, #tpu.memory_space<hbm>> -> memref<50000x128xf32, #tpu.memory_space<hbm>>
      tpu.wait_indirect_dma semaphore(%arg38 : memref<!tpu.dma_semaphore, #tpu.memory_space<semaphore_mem>>) src(%dma_wait3A_621 : memref<50000x128xf32, #tpu.memory_space<hbm>>) dst(%dma_wait3A_617 : memref<16x128xf32, #tpu.memory_space<vmem>>)
      %dma_wait3A_622 = arith.constant 30 : i32
      %dma_wait3A_623 = arith.constant 0 : i32
      %dma_wait3A_624 = arith.constant 0 : i32
      %dma_wait3A_625 = tpu.memref_slice %arg35[%dma_wait3A_622, %dma_wait3A_623, %dma_wait3A_624] : memref<40x16x128xf32, #tpu.memory_space<vmem>> -> memref<1x16x128xf32, #tpu.memory_space<vmem>>
      %dma_wait3A_626 = tpu.memref_squeeze %dma_wait3A_625 : memref<1x16x128xf32, #tpu.memory_space<vmem>> -> memref<16x128xf32, #tpu.memory_space<vmem>>
      %dma_wait3A_627 = tpu.memref_slice %arg32[%add3A_226] : memref<1024xi32, #tpu.memory_space<vmem>> -> memref<16xi32, #tpu.memory_space<vmem>>
      %dma_wait3A_628 = arith.constant 0 : i32
      %dma_wait3A_629 = arith.constant 0 : i32
      %dma_wait3A_630 = tpu.memref_slice %arg18[%dma_wait3A_628, %dma_wait3A_629] : memref<50000x128xf32, #tpu.memory_space<hbm>> -> memref<50000x128xf32, #tpu.memory_space<hbm>>
      tpu.wait_indirect_dma semaphore(%arg38 : memref<!tpu.dma_semaphore, #tpu.memory_space<semaphore_mem>>) src(%dma_wait3A_630 : memref<50000x128xf32, #tpu.memory_space<hbm>>) dst(%dma_wait3A_626 : memref<16x128xf32, #tpu.memory_space<vmem>>)
      %dma_wait3A_631 = arith.constant 11 : i32
      %dma_wait3A_632 = arith.constant 0 : i32
      %dma_wait3A_633 = arith.constant 0 : i32
      %dma_wait3A_634 = tpu.memref_slice %arg35[%dma_wait3A_631, %dma_wait3A_632, %dma_wait3A_633] : memref<40x16x128xf32, #tpu.memory_space<vmem>> -> memref<1x16x128xf32, #tpu.memory_space<vmem>>
      %dma_wait3A_635 = tpu.memref_squeeze %dma_wait3A_634 : memref<1x16x128xf32, #tpu.memory_space<vmem>> -> memref<16x128xf32, #tpu.memory_space<vmem>>
      %dma_wait3A_636 = tpu.memref_slice %arg32[%mul3A_16] : memref<1024xi32, #tpu.memory_space<vmem>> -> memref<16xi32, #tpu.memory_space<vmem>>
      %dma_wait3A_637 = arith.constant 0 : i32
      %dma_wait3A_638 = arith.constant 0 : i32
      %dma_wait3A_639 = tpu.memref_slice %arg19[%dma_wait3A_637, %dma_wait3A_638] : memref<50000x128xf32, #tpu.memory_space<hbm>> -> memref<50000x128xf32, #tpu.memory_space<hbm>>
      tpu.wait_indirect_dma semaphore(%arg38 : memref<!tpu.dma_semaphore, #tpu.memory_space<semaphore_mem>>) src(%dma_wait3A_639 : memref<50000x128xf32, #tpu.memory_space<hbm>>) dst(%dma_wait3A_635 : memref<16x128xf32, #tpu.memory_space<vmem>>)
      %dma_wait3A_640 = arith.constant 31 : i32
      %dma_wait3A_641 = arith.constant 0 : i32
      %dma_wait3A_642 = arith.constant 0 : i32
      %dma_wait3A_643 = tpu.memref_slice %arg35[%dma_wait3A_640, %dma_wait3A_641, %dma_wait3A_642] : memref<40x16x128xf32, #tpu.memory_space<vmem>> -> memref<1x16x128xf32, #tpu.memory_space<vmem>>
      %dma_wait3A_644 = tpu.memref_squeeze %dma_wait3A_643 : memref<1x16x128xf32, #tpu.memory_space<vmem>> -> memref<16x128xf32, #tpu.memory_space<vmem>>
      %dma_wait3A_645 = tpu.memref_slice %arg32[%add3A_246] : memref<1024xi32, #tpu.memory_space<vmem>> -> memref<16xi32, #tpu.memory_space<vmem>>
      %dma_wait3A_646 = arith.constant 0 : i32
      %dma_wait3A_647 = arith.constant 0 : i32
      %dma_wait3A_648 = tpu.memref_slice %arg19[%dma_wait3A_646, %dma_wait3A_647] : memref<50000x128xf32, #tpu.memory_space<hbm>> -> memref<50000x128xf32, #tpu.memory_space<hbm>>
      tpu.wait_indirect_dma semaphore(%arg38 : memref<!tpu.dma_semaphore, #tpu.memory_space<semaphore_mem>>) src(%dma_wait3A_648 : memref<50000x128xf32, #tpu.memory_space<hbm>>) dst(%dma_wait3A_644 : memref<16x128xf32, #tpu.memory_space<vmem>>)
      %dma_wait3A_649 = arith.constant 12 : i32
      %dma_wait3A_650 = arith.constant 0 : i32
      %dma_wait3A_651 = arith.constant 0 : i32
      %dma_wait3A_652 = tpu.memref_slice %arg35[%dma_wait3A_649, %dma_wait3A_650, %dma_wait3A_651] : memref<40x16x128xf32, #tpu.memory_space<vmem>> -> memref<1x16x128xf32, #tpu.memory_space<vmem>>
      %dma_wait3A_653 = tpu.memref_squeeze %dma_wait3A_652 : memref<1x16x128xf32, #tpu.memory_space<vmem>> -> memref<16x128xf32, #tpu.memory_space<vmem>>
      %dma_wait3A_654 = tpu.memref_slice %arg32[%mul3A_16] : memref<1024xi32, #tpu.memory_space<vmem>> -> memref<16xi32, #tpu.memory_space<vmem>>
      %dma_wait3A_655 = arith.constant 0 : i32
      %dma_wait3A_656 = arith.constant 0 : i32
      %dma_wait3A_657 = tpu.memref_slice %arg20[%dma_wait3A_655, %dma_wait3A_656] : memref<50000x128xf32, #tpu.memory_space<hbm>> -> memref<50000x128xf32, #tpu.memory_space<hbm>>
      tpu.wait_indirect_dma semaphore(%arg38 : memref<!tpu.dma_semaphore, #tpu.memory_space<semaphore_mem>>) src(%dma_wait3A_657 : memref<50000x128xf32, #tpu.memory_space<hbm>>) dst(%dma_wait3A_653 : memref<16x128xf32, #tpu.memory_space<vmem>>)
      %dma_wait3A_658 = arith.constant 32 : i32
      %dma_wait3A_659 = arith.constant 0 : i32
      %dma_wait3A_660 = arith.constant 0 : i32
      %dma_wait3A_661 = tpu.memref_slice %arg35[%dma_wait3A_658, %dma_wait3A_659, %dma_wait3A_660] : memref<40x16x128xf32, #tpu.memory_space<vmem>> -> memref<1x16x128xf32, #tpu.memory_space<vmem>>
      %dma_wait3A_662 = tpu.memref_squeeze %dma_wait3A_661 : memref<1x16x128xf32, #tpu.memory_space<vmem>> -> memref<16x128xf32, #tpu.memory_space<vmem>>
      %dma_wait3A_663 = tpu.memref_slice %arg32[%add3A_266] : memref<1024xi32, #tpu.memory_space<vmem>> -> memref<16xi32, #tpu.memory_space<vmem>>
      %dma_wait3A_664 = arith.constant 0 : i32
      %dma_wait3A_665 = arith.constant 0 : i32
      %dma_wait3A_666 = tpu.memref_slice %arg20[%dma_wait3A_664, %dma_wait3A_665] : memref<50000x128xf32, #tpu.memory_space<hbm>> -> memref<50000x128xf32, #tpu.memory_space<hbm>>
      tpu.wait_indirect_dma semaphore(%arg38 : memref<!tpu.dma_semaphore, #tpu.memory_space<semaphore_mem>>) src(%dma_wait3A_666 : memref<50000x128xf32, #tpu.memory_space<hbm>>) dst(%dma_wait3A_662 : memref<16x128xf32, #tpu.memory_space<vmem>>)
      %dma_wait3A_667 = arith.constant 13 : i32
      %dma_wait3A_668 = arith.constant 0 : i32
      %dma_wait3A_669 = arith.constant 0 : i32
      %dma_wait3A_670 = tpu.memref_slice %arg35[%dma_wait3A_667, %dma_wait3A_668, %dma_wait3A_669] : memref<40x16x128xf32, #tpu.memory_space<vmem>> -> memref<1x16x128xf32, #tpu.memory_space<vmem>>
      %dma_wait3A_671 = tpu.memref_squeeze %dma_wait3A_670 : memref<1x16x128xf32, #tpu.memory_space<vmem>> -> memref<16x128xf32, #tpu.memory_space<vmem>>
      %dma_wait3A_672 = tpu.memref_slice %arg32[%mul3A_16] : memref<1024xi32, #tpu.memory_space<vmem>> -> memref<16xi32, #tpu.memory_space<vmem>>
      %dma_wait3A_673 = arith.constant 0 : i32
      %dma_wait3A_674 = arith.constant 0 : i32
      %dma_wait3A_675 = tpu.memref_slice %arg21[%dma_wait3A_673, %dma_wait3A_674] : memref<50000x128xf32, #tpu.memory_space<hbm>> -> memref<50000x128xf32, #tpu.memory_space<hbm>>
      tpu.wait_indirect_dma semaphore(%arg38 : memref<!tpu.dma_semaphore, #tpu.memory_space<semaphore_mem>>) src(%dma_wait3A_675 : memref<50000x128xf32, #tpu.memory_space<hbm>>) dst(%dma_wait3A_671 : memref<16x128xf32, #tpu.memory_space<vmem>>)
      %dma_wait3A_676 = arith.constant 33 : i32
      %dma_wait3A_677 = arith.constant 0 : i32
      %dma_wait3A_678 = arith.constant 0 : i32
      %dma_wait3A_679 = tpu.memref_slice %arg35[%dma_wait3A_676, %dma_wait3A_677, %dma_wait3A_678] : memref<40x16x128xf32, #tpu.memory_space<vmem>> -> memref<1x16x128xf32, #tpu.memory_space<vmem>>
      %dma_wait3A_680 = tpu.memref_squeeze %dma_wait3A_679 : memref<1x16x128xf32, #tpu.memory_space<vmem>> -> memref<16x128xf32, #tpu.memory_space<vmem>>
      %dma_wait3A_681 = tpu.memref_slice %arg32[%add3A_286] : memref<1024xi32, #tpu.memory_space<vmem>> -> memref<16xi32, #tpu.memory_space<vmem>>
      %dma_wait3A_682 = arith.constant 0 : i32
      %dma_wait3A_683 = arith.constant 0 : i32
      %dma_wait3A_684 = tpu.memref_slice %arg21[%dma_wait3A_682, %dma_wait3A_683] : memref<50000x128xf32, #tpu.memory_space<hbm>> -> memref<50000x128xf32, #tpu.memory_space<hbm>>
      tpu.wait_indirect_dma semaphore(%arg38 : memref<!tpu.dma_semaphore, #tpu.memory_space<semaphore_mem>>) src(%dma_wait3A_684 : memref<50000x128xf32, #tpu.memory_space<hbm>>) dst(%dma_wait3A_680 : memref<16x128xf32, #tpu.memory_space<vmem>>)
      %dma_wait3A_685 = arith.constant 14 : i32
      %dma_wait3A_686 = arith.constant 0 : i32
      %dma_wait3A_687 = arith.constant 0 : i32
      %dma_wait3A_688 = tpu.memref_slice %arg35[%dma_wait3A_685, %dma_wait3A_686, %dma_wait3A_687] : memref<40x16x128xf32, #tpu.memory_space<vmem>> -> memref<1x16x128xf32, #tpu.memory_space<vmem>>
      %dma_wait3A_689 = tpu.memref_squeeze %dma_wait3A_688 : memref<1x16x128xf32, #tpu.memory_space<vmem>> -> memref<16x128xf32, #tpu.memory_space<vmem>>
      %dma_wait3A_690 = tpu.memref_slice %arg32[%mul3A_16] : memref<1024xi32, #tpu.memory_space<vmem>> -> memref<16xi32, #tpu.memory_space<vmem>>
      %dma_wait3A_691 = arith.constant 0 : i32
      %dma_wait3A_692 = arith.constant 0 : i32
      %dma_wait3A_693 = tpu.memref_slice %arg22[%dma_wait3A_691, %dma_wait3A_692] : memref<50000x128xf32, #tpu.memory_space<hbm>> -> memref<50000x128xf32, #tpu.memory_space<hbm>>
      tpu.wait_indirect_dma semaphore(%arg38 : memref<!tpu.dma_semaphore, #tpu.memory_space<semaphore_mem>>) src(%dma_wait3A_693 : memref<50000x128xf32, #tpu.memory_space<hbm>>) dst(%dma_wait3A_689 : memref<16x128xf32, #tpu.memory_space<vmem>>)
      %dma_wait3A_694 = arith.constant 34 : i32
      %dma_wait3A_695 = arith.constant 0 : i32
      %dma_wait3A_696 = arith.constant 0 : i32
      %dma_wait3A_697 = tpu.memref_slice %arg35[%dma_wait3A_694, %dma_wait3A_695, %dma_wait3A_696] : memref<40x16x128xf32, #tpu.memory_space<vmem>> -> memref<1x16x128xf32, #tpu.memory_space<vmem>>
      %dma_wait3A_698 = tpu.memref_squeeze %dma_wait3A_697 : memref<1x16x128xf32, #tpu.memory_space<vmem>> -> memref<16x128xf32, #tpu.memory_space<vmem>>
      %dma_wait3A_699 = tpu.memref_slice %arg32[%add3A_306] : memref<1024xi32, #tpu.memory_space<vmem>> -> memref<16xi32, #tpu.memory_space<vmem>>
      %dma_wait3A_700 = arith.constant 0 : i32
      %dma_wait3A_701 = arith.constant 0 : i32
      %dma_wait3A_702 = tpu.memref_slice %arg22[%dma_wait3A_700, %dma_wait3A_701] : memref<50000x128xf32, #tpu.memory_space<hbm>> -> memref<50000x128xf32, #tpu.memory_space<hbm>>
      tpu.wait_indirect_dma semaphore(%arg38 : memref<!tpu.dma_semaphore, #tpu.memory_space<semaphore_mem>>) src(%dma_wait3A_702 : memref<50000x128xf32, #tpu.memory_space<hbm>>) dst(%dma_wait3A_698 : memref<16x128xf32, #tpu.memory_space<vmem>>)
      %dma_wait3A_703 = arith.constant 15 : i32
      %dma_wait3A_704 = arith.constant 0 : i32
      %dma_wait3A_705 = arith.constant 0 : i32
      %dma_wait3A_706 = tpu.memref_slice %arg35[%dma_wait3A_703, %dma_wait3A_704, %dma_wait3A_705] : memref<40x16x128xf32, #tpu.memory_space<vmem>> -> memref<1x16x128xf32, #tpu.memory_space<vmem>>
      %dma_wait3A_707 = tpu.memref_squeeze %dma_wait3A_706 : memref<1x16x128xf32, #tpu.memory_space<vmem>> -> memref<16x128xf32, #tpu.memory_space<vmem>>
      %dma_wait3A_708 = tpu.memref_slice %arg32[%mul3A_16] : memref<1024xi32, #tpu.memory_space<vmem>> -> memref<16xi32, #tpu.memory_space<vmem>>
      %dma_wait3A_709 = arith.constant 0 : i32
      %dma_wait3A_710 = arith.constant 0 : i32
      %dma_wait3A_711 = tpu.memref_slice %arg23[%dma_wait3A_709, %dma_wait3A_710] : memref<50000x128xf32, #tpu.memory_space<hbm>> -> memref<50000x128xf32, #tpu.memory_space<hbm>>
      tpu.wait_indirect_dma semaphore(%arg38 : memref<!tpu.dma_semaphore, #tpu.memory_space<semaphore_mem>>) src(%dma_wait3A_711 : memref<50000x128xf32, #tpu.memory_space<hbm>>) dst(%dma_wait3A_707 : memref<16x128xf32, #tpu.memory_space<vmem>>)
      %dma_wait3A_712 = arith.constant 35 : i32
      %dma_wait3A_713 = arith.constant 0 : i32
      %dma_wait3A_714 = arith.constant 0 : i32
      %dma_wait3A_715 = tpu.memref_slice %arg35[%dma_wait3A_712, %dma_wait3A_713, %dma_wait3A_714] : memref<40x16x128xf32, #tpu.memory_space<vmem>> -> memref<1x16x128xf32, #tpu.memory_space<vmem>>
      %dma_wait3A_716 = tpu.memref_squeeze %dma_wait3A_715 : memref<1x16x128xf32, #tpu.memory_space<vmem>> -> memref<16x128xf32, #tpu.memory_space<vmem>>
      %dma_wait3A_717 = tpu.memref_slice %arg32[%add3A_326] : memref<1024xi32, #tpu.memory_space<vmem>> -> memref<16xi32, #tpu.memory_space<vmem>>
      %dma_wait3A_718 = arith.constant 0 : i32
      %dma_wait3A_719 = arith.constant 0 : i32
      %dma_wait3A_720 = tpu.memref_slice %arg23[%dma_wait3A_718, %dma_wait3A_719] : memref<50000x128xf32, #tpu.memory_space<hbm>> -> memref<50000x128xf32, #tpu.memory_space<hbm>>
      tpu.wait_indirect_dma semaphore(%arg38 : memref<!tpu.dma_semaphore, #tpu.memory_space<semaphore_mem>>) src(%dma_wait3A_720 : memref<50000x128xf32, #tpu.memory_space<hbm>>) dst(%dma_wait3A_716 : memref<16x128xf32, #tpu.memory_space<vmem>>)
      %dma_wait3A_721 = arith.constant 16 : i32
      %dma_wait3A_722 = arith.constant 0 : i32
      %dma_wait3A_723 = arith.constant 0 : i32
      %dma_wait3A_724 = tpu.memref_slice %arg35[%dma_wait3A_721, %dma_wait3A_722, %dma_wait3A_723] : memref<40x16x128xf32, #tpu.memory_space<vmem>> -> memref<1x16x128xf32, #tpu.memory_space<vmem>>
      %dma_wait3A_725 = tpu.memref_squeeze %dma_wait3A_724 : memref<1x16x128xf32, #tpu.memory_space<vmem>> -> memref<16x128xf32, #tpu.memory_space<vmem>>
      %dma_wait3A_726 = tpu.memref_slice %arg32[%mul3A_16] : memref<1024xi32, #tpu.memory_space<vmem>> -> memref<16xi32, #tpu.memory_space<vmem>>
      %dma_wait3A_727 = arith.constant 0 : i32
      %dma_wait3A_728 = arith.constant 0 : i32
      %dma_wait3A_729 = tpu.memref_slice %arg24[%dma_wait3A_727, %dma_wait3A_728] : memref<50000x128xf32, #tpu.memory_space<hbm>> -> memref<50000x128xf32, #tpu.memory_space<hbm>>
      tpu.wait_indirect_dma semaphore(%arg38 : memref<!tpu.dma_semaphore, #tpu.memory_space<semaphore_mem>>) src(%dma_wait3A_729 : memref<50000x128xf32, #tpu.memory_space<hbm>>) dst(%dma_wait3A_725 : memref<16x128xf32, #tpu.memory_space<vmem>>)
      %dma_wait3A_730 = arith.constant 36 : i32
      %dma_wait3A_731 = arith.constant 0 : i32
      %dma_wait3A_732 = arith.constant 0 : i32
      %dma_wait3A_733 = tpu.memref_slice %arg35[%dma_wait3A_730, %dma_wait3A_731, %dma_wait3A_732] : memref<40x16x128xf32, #tpu.memory_space<vmem>> -> memref<1x16x128xf32, #tpu.memory_space<vmem>>
      %dma_wait3A_734 = tpu.memref_squeeze %dma_wait3A_733 : memref<1x16x128xf32, #tpu.memory_space<vmem>> -> memref<16x128xf32, #tpu.memory_space<vmem>>
      %dma_wait3A_735 = tpu.memref_slice %arg32[%add3A_346] : memref<1024xi32, #tpu.memory_space<vmem>> -> memref<16xi32, #tpu.memory_space<vmem>>
      %dma_wait3A_736 = arith.constant 0 : i32
      %dma_wait3A_737 = arith.constant 0 : i32
      %dma_wait3A_738 = tpu.memref_slice %arg24[%dma_wait3A_736, %dma_wait3A_737] : memref<50000x128xf32, #tpu.memory_space<hbm>> -> memref<50000x128xf32, #tpu.memory_space<hbm>>
      tpu.wait_indirect_dma semaphore(%arg38 : memref<!tpu.dma_semaphore, #tpu.memory_space<semaphore_mem>>) src(%dma_wait3A_738 : memref<50000x128xf32, #tpu.memory_space<hbm>>) dst(%dma_wait3A_734 : memref<16x128xf32, #tpu.memory_space<vmem>>)
      %dma_wait3A_739 = arith.constant 17 : i32
      %dma_wait3A_740 = arith.constant 0 : i32
      %dma_wait3A_741 = arith.constant 0 : i32
      %dma_wait3A_742 = tpu.memref_slice %arg35[%dma_wait3A_739, %dma_wait3A_740, %dma_wait3A_741] : memref<40x16x128xf32, #tpu.memory_space<vmem>> -> memref<1x16x128xf32, #tpu.memory_space<vmem>>
      %dma_wait3A_743 = tpu.memref_squeeze %dma_wait3A_742 : memref<1x16x128xf32, #tpu.memory_space<vmem>> -> memref<16x128xf32, #tpu.memory_space<vmem>>
      %dma_wait3A_744 = tpu.memref_slice %arg32[%mul3A_16] : memref<1024xi32, #tpu.memory_space<vmem>> -> memref<16xi32, #tpu.memory_space<vmem>>
      %dma_wait3A_745 = arith.constant 0 : i32
      %dma_wait3A_746 = arith.constant 0 : i32
      %dma_wait3A_747 = tpu.memref_slice %arg25[%dma_wait3A_745, %dma_wait3A_746] : memref<50000x128xf32, #tpu.memory_space<hbm>> -> memref<50000x128xf32, #tpu.memory_space<hbm>>
      tpu.wait_indirect_dma semaphore(%arg38 : memref<!tpu.dma_semaphore, #tpu.memory_space<semaphore_mem>>) src(%dma_wait3A_747 : memref<50000x128xf32, #tpu.memory_space<hbm>>) dst(%dma_wait3A_743 : memref<16x128xf32, #tpu.memory_space<vmem>>)
      %dma_wait3A_748 = arith.constant 37 : i32
      %dma_wait3A_749 = arith.constant 0 : i32
      %dma_wait3A_750 = arith.constant 0 : i32
      %dma_wait3A_751 = tpu.memref_slice %arg35[%dma_wait3A_748, %dma_wait3A_749, %dma_wait3A_750] : memref<40x16x128xf32, #tpu.memory_space<vmem>> -> memref<1x16x128xf32, #tpu.memory_space<vmem>>
      %dma_wait3A_752 = tpu.memref_squeeze %dma_wait3A_751 : memref<1x16x128xf32, #tpu.memory_space<vmem>> -> memref<16x128xf32, #tpu.memory_space<vmem>>
      %dma_wait3A_753 = tpu.memref_slice %arg32[%add3A_366] : memref<1024xi32, #tpu.memory_space<vmem>> -> memref<16xi32, #tpu.memory_space<vmem>>
      %dma_wait3A_754 = arith.constant 0 : i32
      %dma_wait3A_755 = arith.constant 0 : i32
      %dma_wait3A_756 = tpu.memref_slice %arg25[%dma_wait3A_754, %dma_wait3A_755] : memref<50000x128xf32, #tpu.memory_space<hbm>> -> memref<50000x128xf32, #tpu.memory_space<hbm>>
      tpu.wait_indirect_dma semaphore(%arg38 : memref<!tpu.dma_semaphore, #tpu.memory_space<semaphore_mem>>) src(%dma_wait3A_756 : memref<50000x128xf32, #tpu.memory_space<hbm>>) dst(%dma_wait3A_752 : memref<16x128xf32, #tpu.memory_space<vmem>>)
      %dma_wait3A_757 = arith.constant 18 : i32
      %dma_wait3A_758 = arith.constant 0 : i32
      %dma_wait3A_759 = arith.constant 0 : i32
      %dma_wait3A_760 = tpu.memref_slice %arg35[%dma_wait3A_757, %dma_wait3A_758, %dma_wait3A_759] : memref<40x16x128xf32, #tpu.memory_space<vmem>> -> memref<1x16x128xf32, #tpu.memory_space<vmem>>
      %dma_wait3A_761 = tpu.memref_squeeze %dma_wait3A_760 : memref<1x16x128xf32, #tpu.memory_space<vmem>> -> memref<16x128xf32, #tpu.memory_space<vmem>>
      %dma_wait3A_762 = tpu.memref_slice %arg32[%mul3A_16] : memref<1024xi32, #tpu.memory_space<vmem>> -> memref<16xi32, #tpu.memory_space<vmem>>
      %dma_wait3A_763 = arith.constant 0 : i32
      %dma_wait3A_764 = arith.constant 0 : i32
      %dma_wait3A_765 = tpu.memref_slice %arg26[%dma_wait3A_763, %dma_wait3A_764] : memref<50000x128xf32, #tpu.memory_space<hbm>> -> memref<50000x128xf32, #tpu.memory_space<hbm>>
      tpu.wait_indirect_dma semaphore(%arg38 : memref<!tpu.dma_semaphore, #tpu.memory_space<semaphore_mem>>) src(%dma_wait3A_765 : memref<50000x128xf32, #tpu.memory_space<hbm>>) dst(%dma_wait3A_761 : memref<16x128xf32, #tpu.memory_space<vmem>>)
      %dma_wait3A_766 = arith.constant 38 : i32
      %dma_wait3A_767 = arith.constant 0 : i32
      %dma_wait3A_768 = arith.constant 0 : i32
      %dma_wait3A_769 = tpu.memref_slice %arg35[%dma_wait3A_766, %dma_wait3A_767, %dma_wait3A_768] : memref<40x16x128xf32, #tpu.memory_space<vmem>> -> memref<1x16x128xf32, #tpu.memory_space<vmem>>
      %dma_wait3A_770 = tpu.memref_squeeze %dma_wait3A_769 : memref<1x16x128xf32, #tpu.memory_space<vmem>> -> memref<16x128xf32, #tpu.memory_space<vmem>>
      %dma_wait3A_771 = tpu.memref_slice %arg32[%add3A_386] : memref<1024xi32, #tpu.memory_space<vmem>> -> memref<16xi32, #tpu.memory_space<vmem>>
      %dma_wait3A_772 = arith.constant 0 : i32
      %dma_wait3A_773 = arith.constant 0 : i32
      %dma_wait3A_774 = tpu.memref_slice %arg26[%dma_wait3A_772, %dma_wait3A_773] : memref<50000x128xf32, #tpu.memory_space<hbm>> -> memref<50000x128xf32, #tpu.memory_space<hbm>>
      tpu.wait_indirect_dma semaphore(%arg38 : memref<!tpu.dma_semaphore, #tpu.memory_space<semaphore_mem>>) src(%dma_wait3A_774 : memref<50000x128xf32, #tpu.memory_space<hbm>>) dst(%dma_wait3A_770 : memref<16x128xf32, #tpu.memory_space<vmem>>)
      %dma_wait3A_775 = arith.constant 19 : i32
      %dma_wait3A_776 = arith.constant 0 : i32
      %dma_wait3A_777 = arith.constant 0 : i32
      %dma_wait3A_778 = tpu.memref_slice %arg35[%dma_wait3A_775, %dma_wait3A_776, %dma_wait3A_777] : memref<40x16x128xf32, #tpu.memory_space<vmem>> -> memref<1x16x128xf32, #tpu.memory_space<vmem>>
      %dma_wait3A_779 = tpu.memref_squeeze %dma_wait3A_778 : memref<1x16x128xf32, #tpu.memory_space<vmem>> -> memref<16x128xf32, #tpu.memory_space<vmem>>
      %dma_wait3A_780 = tpu.memref_slice %arg32[%mul3A_16] : memref<1024xi32, #tpu.memory_space<vmem>> -> memref<16xi32, #tpu.memory_space<vmem>>
      %dma_wait3A_781 = arith.constant 0 : i32
      %dma_wait3A_782 = arith.constant 0 : i32
      %dma_wait3A_783 = tpu.memref_slice %arg27[%dma_wait3A_781, %dma_wait3A_782] : memref<50000x128xf32, #tpu.memory_space<hbm>> -> memref<50000x128xf32, #tpu.memory_space<hbm>>
      tpu.wait_indirect_dma semaphore(%arg38 : memref<!tpu.dma_semaphore, #tpu.memory_space<semaphore_mem>>) src(%dma_wait3A_783 : memref<50000x128xf32, #tpu.memory_space<hbm>>) dst(%dma_wait3A_779 : memref<16x128xf32, #tpu.memory_space<vmem>>)
      %dma_wait3A_784 = arith.constant 39 : i32
      %dma_wait3A_785 = arith.constant 0 : i32
      %dma_wait3A_786 = arith.constant 0 : i32
      %dma_wait3A_787 = tpu.memref_slice %arg35[%dma_wait3A_784, %dma_wait3A_785, %dma_wait3A_786] : memref<40x16x128xf32, #tpu.memory_space<vmem>> -> memref<1x16x128xf32, #tpu.memory_space<vmem>>
      %dma_wait3A_788 = tpu.memref_squeeze %dma_wait3A_787 : memref<1x16x128xf32, #tpu.memory_space<vmem>> -> memref<16x128xf32, #tpu.memory_space<vmem>>
      %dma_wait3A_789 = tpu.memref_slice %arg32[%add3A_406] : memref<1024xi32, #tpu.memory_space<vmem>> -> memref<16xi32, #tpu.memory_space<vmem>>
      %dma_wait3A_790 = arith.constant 0 : i32
      %dma_wait3A_791 = arith.constant 0 : i32
      %dma_wait3A_792 = tpu.memref_slice %arg27[%dma_wait3A_790, %dma_wait3A_791] : memref<50000x128xf32, #tpu.memory_space<hbm>> -> memref<50000x128xf32, #tpu.memory_space<hbm>>
      tpu.wait_indirect_dma semaphore(%arg38 : memref<!tpu.dma_semaphore, #tpu.memory_space<semaphore_mem>>) src(%dma_wait3A_792 : memref<50000x128xf32, #tpu.memory_space<hbm>>) dst(%dma_wait3A_788 : memref<16x128xf32, #tpu.memory_space<vmem>>)
      %dma_wait3A_793 = arith.constant 0 : i32
      %dma_wait3A_794 = arith.constant 0 : i32
      %dma_wait3A_795 = arith.constant 0 : i32
      %dma_wait3A_796 = tpu.memref_slice %arg36[%dma_wait3A_793, %dma_wait3A_794, %dma_wait3A_795] : memref<2x16x128xf32, #tpu.memory_space<vmem>> -> memref<1x16x128xf32, #tpu.memory_space<vmem>>
      %dma_wait3A_797 = tpu.memref_squeeze %dma_wait3A_796 : memref<1x16x128xf32, #tpu.memory_space<vmem>> -> memref<16x128xf32, #tpu.memory_space<vmem>>
      %dma_wait3A_798 = tpu.memref_slice %arg33[%mul3A_16] : memref<512xi32, #tpu.memory_space<vmem>> -> memref<16xi32, #tpu.memory_space<vmem>>
      %dma_wait3A_799 = arith.constant 0 : i32
      %dma_wait3A_800 = arith.constant 0 : i32
      %dma_wait3A_801 = tpu.memref_slice %arg28[%dma_wait3A_799, %dma_wait3A_800] : memref<500x128xf32, #tpu.memory_space<hbm>> -> memref<500x128xf32, #tpu.memory_space<hbm>>
      tpu.wait_indirect_dma semaphore(%arg38 : memref<!tpu.dma_semaphore, #tpu.memory_space<semaphore_mem>>) src(%dma_wait3A_801 : memref<500x128xf32, #tpu.memory_space<hbm>>) dst(%dma_wait3A_797 : memref<16x128xf32, #tpu.memory_space<vmem>>)
      %dma_wait3A_802 = arith.constant 1 : i32
      %dma_wait3A_803 = arith.constant 0 : i32
      %dma_wait3A_804 = arith.constant 0 : i32
      %dma_wait3A_805 = tpu.memref_slice %arg36[%dma_wait3A_802, %dma_wait3A_803, %dma_wait3A_804] : memref<2x16x128xf32, #tpu.memory_space<vmem>> -> memref<1x16x128xf32, #tpu.memory_space<vmem>>
      %dma_wait3A_806 = tpu.memref_squeeze %dma_wait3A_805 : memref<1x16x128xf32, #tpu.memory_space<vmem>> -> memref<16x128xf32, #tpu.memory_space<vmem>>
      %dma_wait3A_807 = tpu.memref_slice %arg33[%mul3A_16] : memref<512xi32, #tpu.memory_space<vmem>> -> memref<16xi32, #tpu.memory_space<vmem>>
      %dma_wait3A_808 = arith.constant 0 : i32
      %dma_wait3A_809 = arith.constant 0 : i32
      %dma_wait3A_810 = tpu.memref_slice %arg29[%dma_wait3A_808, %dma_wait3A_809] : memref<500x128xf32, #tpu.memory_space<hbm>> -> memref<500x128xf32, #tpu.memory_space<hbm>>
      tpu.wait_indirect_dma semaphore(%arg38 : memref<!tpu.dma_semaphore, #tpu.memory_space<semaphore_mem>>) src(%dma_wait3A_810 : memref<500x128xf32, #tpu.memory_space<hbm>>) dst(%dma_wait3A_806 : memref<16x128xf32, #tpu.memory_space<vmem>>)
      %add3A_811 = arith.constant 0 : i32
      %add3A_812 = arith.addi %add3A_811, %mul3A_16 : i32
      %get3A = arith.index_cast %add3A_812 : i32 to index
      %get3A_813 = tpu.vector_load %arg34[%get3A] {strides = array<i32>} : memref<1536xf32, #tpu.memory_space<vmem>>, vector<16xf32>,
      %add3A_814 = arith.constant 512 : i32
      %add3A_815 = arith.addi %add3A_814, %mul3A_16 : i32
      %get3A_816 = arith.index_cast %add3A_815 : i32 to index
      %get3A_817 = tpu.vector_load %arg34[%get3A_816] {strides = array<i32>} : memref<1536xf32, #tpu.memory_space<vmem>>, vector<16xf32>,
      %add3A_818 = arith.constant 1024 : i32
      %add3A_819 = arith.addi %add3A_818, %mul3A_16 : i32
      %get3A_820 = arith.index_cast %add3A_819 : i32 to index
      %get3A_821 = tpu.vector_load %arg34[%get3A_820] {strides = array<i32>} : memref<1536xf32, #tpu.memory_space<vmem>>, vector<16xf32>,
      %get3A_822 = arith.index_cast %mul3A_16 : i32 to index
      %get3A_823 = tpu.vector_load %arg31[%get3A_822] {strides = array<i32>} : memref<1024xi32, #tpu.memory_space<vmem>>, vector<16xi32>,
      %and3A = arith.constant 1 : i32
      %and3A_824 = vector.broadcast %and3A : i32 to vector<16xi32>
      %and3A_825 = arith.andi %get3A_823, %and3A_824 : vector<16xi32>
      %mul3A_826 = arith.constant 64 : i32
      %mul3A_827 = vector.broadcast %mul3A_826 : i32 to vector<16xi32>
      %mul3A_828 = arith.muli %and3A_825, %mul3A_827 : vector<16xi32>
      %add3A_829 = arith.constant 512 : i32
      %add3A_830 = arith.addi %add3A_829, %mul3A_16 : i32
      %get3A_831 = arith.index_cast %add3A_830 : i32 to index
      %get3A_832 = tpu.vector_load %arg31[%get3A_831] {strides = array<i32>} : memref<1024xi32, #tpu.memory_space<vmem>>, vector<16xi32>,
      %and3A_833 = arith.constant 1 : i32
      %and3A_834 = vector.broadcast %and3A_833 : i32 to vector<16xi32>
      %and3A_835 = arith.andi %get3A_832, %and3A_834 : vector<16xi32>
      %mul3A_836 = arith.constant 64 : i32
      %mul3A_837 = vector.broadcast %mul3A_836 : i32 to vector<16xi32>
      %mul3A_838 = arith.muli %and3A_835, %mul3A_837 : vector<16xi32>
      %broadcast_in_dim3A = arith.constant 0.000000e+00 : f32
      %broadcast_in_dim3A_839 = vector.broadcast %broadcast_in_dim3A : f32 to vector<16xf32>
      %scan3A_840 = arith.constant 0 : i32
      %scan3A_841 = arith.constant 16 : i32
      %scan3A_842 = arith.addi %scan3A_840, %scan3A_841 : i32
      %scan3A_843 = arith.constant 1 : i32
      %scan3A_844 = scf.for %scan3A_850 = %scan3A_840 to %scan3A_842 step %scan3A_843 iter_args(%scan3A_851 = %broadcast_in_dim3A_839) -> (vector<16xf32>)  : i32 {
        %eq3A = vector.broadcast %scan3A_850 : i32 to vector<16xi32>
        %eq3A_852 = arith.cmpi eq, %iota3A, %eq3A : vector<16xi32>
        %jit3A = arith.constant 0.000000e+00 : f32
        %broadcast_in_dim3A_853 = vector.broadcast %jit3A : f32 to vector<16xf32>
        %select_n3A = arith.select %eq3A_852, %get3A_813, %broadcast_in_dim3A_853 : vector<16xi1>, vector<16xf32>
        %reduce_sum3A = arith.constant true
        %reduce_sum3A_854 = vector.broadcast %reduce_sum3A : i1 to vector<16xi1>
        %reduce_sum3A_855 = tpu.scan <sum>, %select_n3A masked %reduce_sum3A_854 : vector<16xf32>, vector<16xi1> -> vector<16xf32>
        %reduce_sum3A_856 = vector.extract %reduce_sum3A_855[15] : f32 from vector<16xf32>
        %jit3A_857 = arith.constant 0.000000e+00 : f32
        %broadcast_in_dim3A_858 = vector.broadcast %jit3A_857 : f32 to vector<16xf32>
        %select_n3A_859 = arith.select %eq3A_852, %get3A_817, %broadcast_in_dim3A_858 : vector<16xi1>, vector<16xf32>
        %reduce_sum3A_860 = arith.constant true
        %reduce_sum3A_861 = vector.broadcast %reduce_sum3A_860 : i1 to vector<16xi1>
        %reduce_sum3A_862 = tpu.scan <sum>, %select_n3A_859 masked %reduce_sum3A_861 : vector<16xf32>, vector<16xi1> -> vector<16xf32>
        %reduce_sum3A_863 = vector.extract %reduce_sum3A_862[15] : f32 from vector<16xf32>
        %jit3A_864 = arith.constant 0.000000e+00 : f32
        %broadcast_in_dim3A_865 = vector.broadcast %jit3A_864 : f32 to vector<16xf32>
        %select_n3A_866 = arith.select %eq3A_852, %get3A_821, %broadcast_in_dim3A_865 : vector<16xi1>, vector<16xf32>
        %reduce_sum3A_867 = arith.constant true
        %reduce_sum3A_868 = vector.broadcast %reduce_sum3A_867 : i1 to vector<16xi1>
        %reduce_sum3A_869 = tpu.scan <sum>, %select_n3A_866 masked %reduce_sum3A_868 : vector<16xf32>, vector<16xi1> -> vector<16xf32>
        %reduce_sum3A_870 = vector.extract %reduce_sum3A_869[15] : f32 from vector<16xf32>
        %jit3A_871 = arith.constant 0 : i32
        %broadcast_in_dim3A_872 = vector.broadcast %jit3A_871 : i32 to vector<16xi32>
        %select_n3A_873 = arith.select %eq3A_852, %mul3A_828, %broadcast_in_dim3A_872 : vector<16xi1>, vector<16xi32>
        %reduce_sum3A_874 = arith.constant true
        %reduce_sum3A_875 = vector.broadcast %reduce_sum3A_874 : i1 to vector<16xi1>
        %reduce_sum3A_876 = tpu.scan <sum>, %select_n3A_873 masked %reduce_sum3A_875 : vector<16xi32>, vector<16xi1> -> vector<16xi32>
        %reduce_sum3A_877 = vector.extract %reduce_sum3A_876[15] : i32 from vector<16xi32>
        %jit3A_878 = arith.constant 0 : i32
        %broadcast_in_dim3A_879 = vector.broadcast %jit3A_878 : i32 to vector<16xi32>
        %select_n3A_880 = arith.select %eq3A_852, %mul3A_838, %broadcast_in_dim3A_879 : vector<16xi1>, vector<16xi32>
        %reduce_sum3A_881 = arith.constant true
        %reduce_sum3A_882 = vector.broadcast %reduce_sum3A_881 : i1 to vector<16xi1>
        %reduce_sum3A_883 = tpu.scan <sum>, %select_n3A_880 masked %reduce_sum3A_882 : vector<16xi32>, vector<16xi1> -> vector<16xi32>
        %reduce_sum3A_884 = vector.extract %reduce_sum3A_883[15] : i32 from vector<16xi32>
        %add3A_885 = arith.constant 0 : i32
        %add3A_886 = arith.addi %reduce_sum3A_877, %add3A_885 : i32
        %get3A_887 = arith.constant 0 : i32
        %get3A_888 = arith.index_cast %get3A_887 : i32 to index
        %get3A_889 = arith.index_cast %scan3A_850 : i32 to index
        %get3A_890 = arith.index_cast %add3A_886 : i32 to index
        %get3A_891 = tpu.vector_load %arg35[%get3A_888, %get3A_889, %get3A_890] {strides = array<i32>} : memref<40x16x128xf32, #tpu.memory_space<vmem>>, vector<16xf32>,
        %add3A_892 = arith.constant 0 : i32
        %add3A_893 = arith.addi %reduce_sum3A_877, %add3A_892 : i32
        %get3A_894 = arith.constant 1 : i32
        %get3A_895 = arith.index_cast %get3A_894 : i32 to index
        %get3A_896 = arith.index_cast %scan3A_850 : i32 to index
        %get3A_897 = arith.index_cast %add3A_893 : i32 to index
        %get3A_898 = tpu.vector_load %arg35[%get3A_895, %get3A_896, %get3A_897] {strides = array<i32>} : memref<40x16x128xf32, #tpu.memory_space<vmem>>, vector<16xf32>,
        %add3A_899 = arith.constant 0 : i32
        %add3A_900 = arith.addi %reduce_sum3A_884, %add3A_899 : i32
        %get3A_901 = arith.constant 20 : i32
        %get3A_902 = arith.index_cast %get3A_901 : i32 to index
        %get3A_903 = arith.index_cast %scan3A_850 : i32 to index
        %get3A_904 = arith.index_cast %add3A_900 : i32 to index
        %get3A_905 = tpu.vector_load %arg35[%get3A_902, %get3A_903, %get3A_904] {strides = array<i32>} : memref<40x16x128xf32, #tpu.memory_space<vmem>>, vector<16xf32>,
        %add3A_906 = arith.constant 0 : i32
        %add3A_907 = arith.addi %reduce_sum3A_884, %add3A_906 : i32
        %get3A_908 = arith.constant 21 : i32
        %get3A_909 = arith.index_cast %get3A_908 : i32 to index
        %get3A_910 = arith.index_cast %scan3A_850 : i32 to index
        %get3A_911 = arith.index_cast %add3A_907 : i32 to index
        %get3A_912 = tpu.vector_load %arg35[%get3A_909, %get3A_910, %get3A_911] {strides = array<i32>} : memref<40x16x128xf32, #tpu.memory_space<vmem>>, vector<16xf32>,
        %get3A_913 = arith.constant 0 : i32
        %get3A_914 = arith.index_cast %get3A_913 : i32 to index
        %get3A_915 = arith.index_cast %scan3A_850 : i32 to index
        %get3A_916 = arith.constant 0 : index
        %get3A_917 = tpu.vector_load %arg36[%get3A_914, %get3A_915, %get3A_916] {strides = array<i32>} : memref<2x16x128xf32, #tpu.memory_space<vmem>>, vector<16xf32>,
        %get3A_918 = arith.constant 0 : i32
        %get3A_919 = arith.index_cast %get3A_918 : i32 to index
        %get3A_920 = arith.index_cast %scan3A_850 : i32 to index
        %get3A_921 = arith.constant 64 : index
        %get3A_922 = tpu.vector_load %arg36[%get3A_919, %get3A_920, %get3A_921] {strides = array<i32>} : memref<2x16x128xf32, #tpu.memory_space<vmem>>, vector<16xf32>,
        %get3A_923 = arith.constant 1 : i32
        %get3A_924 = arith.index_cast %get3A_923 : i32 to index
        %get3A_925 = arith.index_cast %scan3A_850 : i32 to index
        %get3A_926 = arith.constant 0 : index
        %get3A_927 = tpu.vector_load %arg36[%get3A_924, %get3A_925, %get3A_926] {strides = array<i32>} : memref<2x16x128xf32, #tpu.memory_space<vmem>>, vector<16xf32>,
        %get3A_928 = arith.constant 1 : i32
        %get3A_929 = arith.index_cast %get3A_928 : i32 to index
        %get3A_930 = arith.index_cast %scan3A_850 : i32 to index
        %get3A_931 = arith.constant 64 : index
        %get3A_932 = tpu.vector_load %arg36[%get3A_929, %get3A_930, %get3A_931] {strides = array<i32>} : memref<2x16x128xf32, #tpu.memory_space<vmem>>, vector<16xf32>,
        %add3A_933 = arith.constant 0 : i32
        %add3A_934 = arith.addi %reduce_sum3A_877, %add3A_933 : i32
        %get3A_935 = arith.constant 2 : i32
        %get3A_936 = arith.index_cast %get3A_935 : i32 to index
        %get3A_937 = arith.index_cast %scan3A_850 : i32 to index
        %get3A_938 = arith.index_cast %add3A_934 : i32 to index
        %get3A_939 = tpu.vector_load %arg35[%get3A_936, %get3A_937, %get3A_938] {strides = array<i32>} : memref<40x16x128xf32, #tpu.memory_space<vmem>>, vector<16xf32>,
        %add3A_940 = arith.constant 0 : i32
        %add3A_941 = arith.addi %reduce_sum3A_877, %add3A_940 : i32
        %get3A_942 = arith.constant 3 : i32
        %get3A_943 = arith.index_cast %get3A_942 : i32 to index
        %get3A_944 = arith.index_cast %scan3A_850 : i32 to index
        %get3A_945 = arith.index_cast %add3A_941 : i32 to index
        %get3A_946 = tpu.vector_load %arg35[%get3A_943, %get3A_944, %get3A_945] {strides = array<i32>} : memref<40x16x128xf32, #tpu.memory_space<vmem>>, vector<16xf32>,
        %add3A_947 = arith.constant 0 : i32
        %add3A_948 = arith.addi %reduce_sum3A_877, %add3A_947 : i32
        %get3A_949 = arith.constant 4 : i32
        %get3A_950 = arith.index_cast %get3A_949 : i32 to index
        %get3A_951 = arith.index_cast %scan3A_850 : i32 to index
        %get3A_952 = arith.index_cast %add3A_948 : i32 to index
        %get3A_953 = tpu.vector_load %arg35[%get3A_950, %get3A_951, %get3A_952] {strides = array<i32>} : memref<40x16x128xf32, #tpu.memory_space<vmem>>, vector<16xf32>,
        %mul3A_954 = vector.broadcast %reduce_sum3A_856 : f32 to vector<16xf32>
        %mul3A_955 = arith.mulf %get3A_939, %mul3A_954 : vector<16xf32>
        %add3A_956 = arith.addf %mul3A_955, %get3A_946 : vector<16xf32>
        %mul3A_957 = arith.mulf %add3A_956, %add3A_956 : vector<16xf32>
        %mul3A_958 = arith.constant 0.00833333377 : f32
        %mul3A_959 = vector.broadcast %mul3A_958 : f32 to vector<16xf32>
        %mul3A_960 = arith.mulf %mul3A_957, %mul3A_959 : vector<16xf32>
        %add3A_961 = arith.constant -0.166666672 : f32
        %add3A_962 = vector.broadcast %add3A_961 : f32 to vector<16xf32>
        %add3A_963 = arith.addf %add3A_962, %mul3A_960 : vector<16xf32>
        %mul3A_964 = arith.mulf %mul3A_957, %add3A_963 : vector<16xf32>
        %add3A_965 = arith.constant 1.000000e+00 : f32
        %add3A_966 = vector.broadcast %add3A_965 : f32 to vector<16xf32>
        %add3A_967 = arith.addf %add3A_966, %mul3A_964 : vector<16xf32>
        %mul3A_968 = arith.mulf %add3A_956, %add3A_967 : vector<16xf32>
        %mul3A_969 = arith.mulf %get3A_953, %mul3A_968 : vector<16xf32>
        %add3A_970 = arith.constant 0 : i32
        %add3A_971 = arith.addi %reduce_sum3A_877, %add3A_970 : i32
        %get3A_972 = arith.constant 8 : i32
        %get3A_973 = arith.index_cast %get3A_972 : i32 to index
        %get3A_974 = arith.index_cast %scan3A_850 : i32 to index
        %get3A_975 = arith.index_cast %add3A_971 : i32 to index
        %get3A_976 = tpu.vector_load %arg35[%get3A_973, %get3A_974, %get3A_975] {strides = array<i32>} : memref<40x16x128xf32, #tpu.memory_space<vmem>>, vector<16xf32>,
        %add3A_977 = arith.constant 0 : i32
        %add3A_978 = arith.addi %reduce_sum3A_877, %add3A_977 : i32
        %get3A_979 = arith.constant 9 : i32
        %get3A_980 = arith.index_cast %get3A_979 : i32 to index
        %get3A_981 = arith.index_cast %scan3A_850 : i32 to index
        %get3A_982 = arith.index_cast %add3A_978 : i32 to index
        %get3A_983 = tpu.vector_load %arg35[%get3A_980, %get3A_981, %get3A_982] {strides = array<i32>} : memref<40x16x128xf32, #tpu.memory_space<vmem>>, vector<16xf32>,
        %add3A_984 = arith.constant 0 : i32
        %add3A_985 = arith.addi %reduce_sum3A_877, %add3A_984 : i32
        %get3A_986 = arith.constant 10 : i32
        %get3A_987 = arith.index_cast %get3A_986 : i32 to index
        %get3A_988 = arith.index_cast %scan3A_850 : i32 to index
        %get3A_989 = arith.index_cast %add3A_985 : i32 to index
        %get3A_990 = tpu.vector_load %arg35[%get3A_987, %get3A_988, %get3A_989] {strides = array<i32>} : memref<40x16x128xf32, #tpu.memory_space<vmem>>, vector<16xf32>,
        %mul3A_991 = vector.broadcast %reduce_sum3A_863 : f32 to vector<16xf32>
        %mul3A_992 = arith.mulf %get3A_976, %mul3A_991 : vector<16xf32>
        %add3A_993 = arith.addf %mul3A_992, %get3A_983 : vector<16xf32>
        %mul3A_994 = arith.mulf %add3A_993, %add3A_993 : vector<16xf32>
        %mul3A_995 = arith.constant 0.00833333377 : f32
        %mul3A_996 = vector.broadcast %mul3A_995 : f32 to vector<16xf32>
        %mul3A_997 = arith.mulf %mul3A_994, %mul3A_996 : vector<16xf32>
        %add3A_998 = arith.constant -0.166666672 : f32
        %add3A_999 = vector.broadcast %add3A_998 : f32 to vector<16xf32>
        %add3A_1000 = arith.addf %add3A_999, %mul3A_997 : vector<16xf32>
        %mul3A_1001 = arith.mulf %mul3A_994, %add3A_1000 : vector<16xf32>
        %add3A_1002 = arith.constant 1.000000e+00 : f32
        %add3A_1003 = vector.broadcast %add3A_1002 : f32 to vector<16xf32>
        %add3A_1004 = arith.addf %add3A_1003, %mul3A_1001 : vector<16xf32>
        %mul3A_1005 = arith.mulf %add3A_993, %add3A_1004 : vector<16xf32>
        %mul3A_1006 = arith.mulf %get3A_990, %mul3A_1005 : vector<16xf32>
        %add3A_1007 = arith.addf %mul3A_969, %mul3A_1006 : vector<16xf32>
        %add3A_1008 = arith.constant 0 : i32
        %add3A_1009 = arith.addi %reduce_sum3A_877, %add3A_1008 : i32
        %get3A_1010 = arith.constant 14 : i32
        %get3A_1011 = arith.index_cast %get3A_1010 : i32 to index
        %get3A_1012 = arith.index_cast %scan3A_850 : i32 to index
        %get3A_1013 = arith.index_cast %add3A_1009 : i32 to index
        %get3A_1014 = tpu.vector_load %arg35[%get3A_1011, %get3A_1012, %get3A_1013] {strides = array<i32>} : memref<40x16x128xf32, #tpu.memory_space<vmem>>, vector<16xf32>,
        %add3A_1015 = arith.constant 0 : i32
        %add3A_1016 = arith.addi %reduce_sum3A_877, %add3A_1015 : i32
        %get3A_1017 = arith.constant 15 : i32
        %get3A_1018 = arith.index_cast %get3A_1017 : i32 to index
        %get3A_1019 = arith.index_cast %scan3A_850 : i32 to index
        %get3A_1020 = arith.index_cast %add3A_1016 : i32 to index
        %get3A_1021 = tpu.vector_load %arg35[%get3A_1018, %get3A_1019, %get3A_1020] {strides = array<i32>} : memref<40x16x128xf32, #tpu.memory_space<vmem>>, vector<16xf32>,
        %add3A_1022 = arith.constant 0 : i32
        %add3A_1023 = arith.addi %reduce_sum3A_877, %add3A_1022 : i32
        %get3A_1024 = arith.constant 16 : i32
        %get3A_1025 = arith.index_cast %get3A_1024 : i32 to index
        %get3A_1026 = arith.index_cast %scan3A_850 : i32 to index
        %get3A_1027 = arith.index_cast %add3A_1023 : i32 to index
        %get3A_1028 = tpu.vector_load %arg35[%get3A_1025, %get3A_1026, %get3A_1027] {strides = array<i32>} : memref<40x16x128xf32, #tpu.memory_space<vmem>>, vector<16xf32>,
        %mul3A_1029 = vector.broadcast %reduce_sum3A_870 : f32 to vector<16xf32>
        %mul3A_1030 = arith.mulf %get3A_1014, %mul3A_1029 : vector<16xf32>
        %add3A_1031 = arith.addf %mul3A_1030, %get3A_1021 : vector<16xf32>
        %mul3A_1032 = arith.mulf %add3A_1031, %add3A_1031 : vector<16xf32>
        %mul3A_1033 = arith.constant 0.00833333377 : f32
        %mul3A_1034 = vector.broadcast %mul3A_1033 : f32 to vector<16xf32>
        %mul3A_1035 = arith.mulf %mul3A_1032, %mul3A_1034 : vector<16xf32>
        %add3A_1036 = arith.constant -0.166666672 : f32
        %add3A_1037 = vector.broadcast %add3A_1036 : f32 to vector<16xf32>
        %add3A_1038 = arith.addf %add3A_1037, %mul3A_1035 : vector<16xf32>
        %mul3A_1039 = arith.mulf %mul3A_1032, %add3A_1038 : vector<16xf32>
        %add3A_1040 = arith.constant 1.000000e+00 : f32
        %add3A_1041 = vector.broadcast %add3A_1040 : f32 to vector<16xf32>
        %add3A_1042 = arith.addf %add3A_1041, %mul3A_1039 : vector<16xf32>
        %mul3A_1043 = arith.mulf %add3A_1031, %add3A_1042 : vector<16xf32>
        %mul3A_1044 = arith.mulf %get3A_1028, %mul3A_1043 : vector<16xf32>
        %add3A_1045 = arith.addf %add3A_1007, %mul3A_1044 : vector<16xf32>
        %add3A_1046 = arith.constant 0 : i32
        %add3A_1047 = arith.addi %reduce_sum3A_884, %add3A_1046 : i32
        %get3A_1048 = arith.constant 25 : i32
        %get3A_1049 = arith.index_cast %get3A_1048 : i32 to index
        %get3A_1050 = arith.index_cast %scan3A_850 : i32 to index
        %get3A_1051 = arith.index_cast %add3A_1047 : i32 to index
        %get3A_1052 = tpu.vector_load %arg35[%get3A_1049, %get3A_1050, %get3A_1051] {strides = array<i32>} : memref<40x16x128xf32, #tpu.memory_space<vmem>>, vector<16xf32>,
        %add3A_1053 = arith.constant 0 : i32
        %add3A_1054 = arith.addi %reduce_sum3A_884, %add3A_1053 : i32
        %get3A_1055 = arith.constant 26 : i32
        %get3A_1056 = arith.index_cast %get3A_1055 : i32 to index
        %get3A_1057 = arith.index_cast %scan3A_850 : i32 to index
        %get3A_1058 = arith.index_cast %add3A_1054 : i32 to index
        %get3A_1059 = tpu.vector_load %arg35[%get3A_1056, %get3A_1057, %get3A_1058] {strides = array<i32>} : memref<40x16x128xf32, #tpu.memory_space<vmem>>, vector<16xf32>,
        %add3A_1060 = arith.constant 0 : i32
        %add3A_1061 = arith.addi %reduce_sum3A_884, %add3A_1060 : i32
        %get3A_1062 = arith.constant 27 : i32
        %get3A_1063 = arith.index_cast %get3A_1062 : i32 to index
        %get3A_1064 = arith.index_cast %scan3A_850 : i32 to index
        %get3A_1065 = arith.index_cast %add3A_1061 : i32 to index
        %get3A_1066 = tpu.vector_load %arg35[%get3A_1063, %get3A_1064, %get3A_1065] {strides = array<i32>} : memref<40x16x128xf32, #tpu.memory_space<vmem>>, vector<16xf32>,
        %mul3A_1067 = vector.broadcast %reduce_sum3A_856 : f32 to vector<16xf32>
        %mul3A_1068 = arith.mulf %get3A_1052, %mul3A_1067 : vector<16xf32>
        %add3A_1069 = arith.addf %mul3A_1068, %get3A_1059 : vector<16xf32>
        %mul3A_1070 = arith.mulf %add3A_1069, %add3A_1069 : vector<16xf32>
        %mul3A_1071 = arith.constant 0.00833333377 : f32
        %mul3A_1072 = vector.broadcast %mul3A_1071 : f32 to vector<16xf32>
        %mul3A_1073 = arith.mulf %mul3A_1070, %mul3A_1072 : vector<16xf32>
        %add3A_1074 = arith.constant -0.166666672 : f32
        %add3A_1075 = vector.broadcast %add3A_1074 : f32 to vector<16xf32>
        %add3A_1076 = arith.addf %add3A_1075, %mul3A_1073 : vector<16xf32>
        %mul3A_1077 = arith.mulf %mul3A_1070, %add3A_1076 : vector<16xf32>
        %add3A_1078 = arith.constant 1.000000e+00 : f32
        %add3A_1079 = vector.broadcast %add3A_1078 : f32 to vector<16xf32>
        %add3A_1080 = arith.addf %add3A_1079, %mul3A_1077 : vector<16xf32>
        %mul3A_1081 = arith.mulf %add3A_1069, %add3A_1080 : vector<16xf32>
        %mul3A_1082 = arith.mulf %get3A_1066, %mul3A_1081 : vector<16xf32>
        %add3A_1083 = arith.constant 0 : i32
        %add3A_1084 = arith.addi %reduce_sum3A_884, %add3A_1083 : i32
        %get3A_1085 = arith.constant 31 : i32
        %get3A_1086 = arith.index_cast %get3A_1085 : i32 to index
        %get3A_1087 = arith.index_cast %scan3A_850 : i32 to index
        %get3A_1088 = arith.index_cast %add3A_1084 : i32 to index
        %get3A_1089 = tpu.vector_load %arg35[%get3A_1086, %get3A_1087, %get3A_1088] {strides = array<i32>} : memref<40x16x128xf32, #tpu.memory_space<vmem>>, vector<16xf32>,
        %add3A_1090 = arith.constant 0 : i32
        %add3A_1091 = arith.addi %reduce_sum3A_884, %add3A_1090 : i32
        %get3A_1092 = arith.constant 32 : i32
        %get3A_1093 = arith.index_cast %get3A_1092 : i32 to index
        %get3A_1094 = arith.index_cast %scan3A_850 : i32 to index
        %get3A_1095 = arith.index_cast %add3A_1091 : i32 to index
        %get3A_1096 = tpu.vector_load %arg35[%get3A_1093, %get3A_1094, %get3A_1095] {strides = array<i32>} : memref<40x16x128xf32, #tpu.memory_space<vmem>>, vector<16xf32>,
        %add3A_1097 = arith.constant 0 : i32
        %add3A_1098 = arith.addi %reduce_sum3A_884, %add3A_1097 : i32
        %get3A_1099 = arith.constant 33 : i32
        %get3A_1100 = arith.index_cast %get3A_1099 : i32 to index
        %get3A_1101 = arith.index_cast %scan3A_850 : i32 to index
        %get3A_1102 = arith.index_cast %add3A_1098 : i32 to index
        %get3A_1103 = tpu.vector_load %arg35[%get3A_1100, %get3A_1101, %get3A_1102] {strides = array<i32>} : memref<40x16x128xf32, #tpu.memory_space<vmem>>, vector<16xf32>,
        %mul3A_1104 = vector.broadcast %reduce_sum3A_863 : f32 to vector<16xf32>
        %mul3A_1105 = arith.mulf %get3A_1089, %mul3A_1104 : vector<16xf32>
        %add3A_1106 = arith.addf %mul3A_1105, %get3A_1096 : vector<16xf32>
        %mul3A_1107 = arith.mulf %add3A_1106, %add3A_1106 : vector<16xf32>
        %mul3A_1108 = arith.constant 0.00833333377 : f32
        %mul3A_1109 = vector.broadcast %mul3A_1108 : f32 to vector<16xf32>
        %mul3A_1110 = arith.mulf %mul3A_1107, %mul3A_1109 : vector<16xf32>
        %add3A_1111 = arith.constant -0.166666672 : f32
        %add3A_1112 = vector.broadcast %add3A_1111 : f32 to vector<16xf32>
        %add3A_1113 = arith.addf %add3A_1112, %mul3A_1110 : vector<16xf32>
        %mul3A_1114 = arith.mulf %mul3A_1107, %add3A_1113 : vector<16xf32>
        %add3A_1115 = arith.constant 1.000000e+00 : f32
        %add3A_1116 = vector.broadcast %add3A_1115 : f32 to vector<16xf32>
        %add3A_1117 = arith.addf %add3A_1116, %mul3A_1114 : vector<16xf32>
        %mul3A_1118 = arith.mulf %add3A_1106, %add3A_1117 : vector<16xf32>
        %mul3A_1119 = arith.mulf %get3A_1103, %mul3A_1118 : vector<16xf32>
        %add3A_1120 = arith.addf %mul3A_1082, %mul3A_1119 : vector<16xf32>
        %add3A_1121 = arith.constant 0 : i32
        %add3A_1122 = arith.addi %reduce_sum3A_884, %add3A_1121 : i32
        %get3A_1123 = arith.constant 37 : i32
        %get3A_1124 = arith.index_cast %get3A_1123 : i32 to index
        %get3A_1125 = arith.index_cast %scan3A_850 : i32 to index
        %get3A_1126 = arith.index_cast %add3A_1122 : i32 to index
        %get3A_1127 = tpu.vector_load %arg35[%get3A_1124, %get3A_1125, %get3A_1126] {strides = array<i32>} : memref<40x16x128xf32, #tpu.memory_space<vmem>>, vector<16xf32>,
        %add3A_1128 = arith.constant 0 : i32
        %add3A_1129 = arith.addi %reduce_sum3A_884, %add3A_1128 : i32
        %get3A_1130 = arith.constant 38 : i32
        %get3A_1131 = arith.index_cast %get3A_1130 : i32 to index
        %get3A_1132 = arith.index_cast %scan3A_850 : i32 to index
        %get3A_1133 = arith.index_cast %add3A_1129 : i32 to index
        %get3A_1134 = tpu.vector_load %arg35[%get3A_1131, %get3A_1132, %get3A_1133] {strides = array<i32>} : memref<40x16x128xf32, #tpu.memory_space<vmem>>, vector<16xf32>,
        %add3A_1135 = arith.constant 0 : i32
        %add3A_1136 = arith.addi %reduce_sum3A_884, %add3A_1135 : i32
        %get3A_1137 = arith.constant 39 : i32
        %get3A_1138 = arith.index_cast %get3A_1137 : i32 to index
        %get3A_1139 = arith.index_cast %scan3A_850 : i32 to index
        %get3A_1140 = arith.index_cast %add3A_1136 : i32 to index
        %get3A_1141 = tpu.vector_load %arg35[%get3A_1138, %get3A_1139, %get3A_1140] {strides = array<i32>} : memref<40x16x128xf32, #tpu.memory_space<vmem>>, vector<16xf32>,
        %mul3A_1142 = vector.broadcast %reduce_sum3A_870 : f32 to vector<16xf32>
        %mul3A_1143 = arith.mulf %get3A_1127, %mul3A_1142 : vector<16xf32>
        %add3A_1144 = arith.addf %mul3A_1143, %get3A_1134 : vector<16xf32>
        %mul3A_1145 = arith.mulf %add3A_1144, %add3A_1144 : vector<16xf32>
        %mul3A_1146 = arith.constant 0.00833333377 : f32
        %mul3A_1147 = vector.broadcast %mul3A_1146 : f32 to vector<16xf32>
        %mul3A_1148 = arith.mulf %mul3A_1145, %mul3A_1147 : vector<16xf32>
        %add3A_1149 = arith.constant -0.166666672 : f32
        %add3A_1150 = vector.broadcast %add3A_1149 : f32 to vector<16xf32>
        %add3A_1151 = arith.addf %add3A_1150, %mul3A_1148 : vector<16xf32>
        %mul3A_1152 = arith.mulf %mul3A_1145, %add3A_1151 : vector<16xf32>
        %add3A_1153 = arith.constant 1.000000e+00 : f32
        %add3A_1154 = vector.broadcast %add3A_1153 : f32 to vector<16xf32>
        %add3A_1155 = arith.addf %add3A_1154, %mul3A_1152 : vector<16xf32>
        %mul3A_1156 = arith.mulf %add3A_1144, %add3A_1155 : vector<16xf32>
        %mul3A_1157 = arith.mulf %get3A_1141, %mul3A_1156 : vector<16xf32>
        %add3A_1158 = arith.addf %add3A_1120, %mul3A_1157 : vector<16xf32>
        %add3A_1159 = arith.constant 0 : i32
        %add3A_1160 = arith.addi %reduce_sum3A_884, %add3A_1159 : i32
        %get3A_1161 = arith.constant 22 : i32
        %get3A_1162 = arith.index_cast %get3A_1161 : i32 to index
        %get3A_1163 = arith.index_cast %scan3A_850 : i32 to index
        %get3A_1164 = arith.index_cast %add3A_1160 : i32 to index
        %get3A_1165 = tpu.vector_load %arg35[%get3A_1162, %get3A_1163, %get3A_1164] {strides = array<i32>} : memref<40x16x128xf32, #tpu.memory_space<vmem>>, vector<16xf32>,
        %add3A_1166 = arith.constant 0 : i32
        %add3A_1167 = arith.addi %reduce_sum3A_884, %add3A_1166 : i32
        %get3A_1168 = arith.constant 23 : i32
        %get3A_1169 = arith.index_cast %get3A_1168 : i32 to index
        %get3A_1170 = arith.index_cast %scan3A_850 : i32 to index
        %get3A_1171 = arith.index_cast %add3A_1167 : i32 to index
        %get3A_1172 = tpu.vector_load %arg35[%get3A_1169, %get3A_1170, %get3A_1171] {strides = array<i32>} : memref<40x16x128xf32, #tpu.memory_space<vmem>>, vector<16xf32>,
        %add3A_1173 = arith.constant 0 : i32
        %add3A_1174 = arith.addi %reduce_sum3A_884, %add3A_1173 : i32
        %get3A_1175 = arith.constant 24 : i32
        %get3A_1176 = arith.index_cast %get3A_1175 : i32 to index
        %get3A_1177 = arith.index_cast %scan3A_850 : i32 to index
        %get3A_1178 = arith.index_cast %add3A_1174 : i32 to index
        %get3A_1179 = tpu.vector_load %arg35[%get3A_1176, %get3A_1177, %get3A_1178] {strides = array<i32>} : memref<40x16x128xf32, #tpu.memory_space<vmem>>, vector<16xf32>,
        %mul3A_1180 = vector.broadcast %reduce_sum3A_856 : f32 to vector<16xf32>
        %mul3A_1181 = arith.mulf %get3A_1165, %mul3A_1180 : vector<16xf32>
        %add3A_1182 = arith.addf %mul3A_1181, %get3A_1172 : vector<16xf32>
        %mul3A_1183 = arith.mulf %add3A_1182, %add3A_1182 : vector<16xf32>
        %mul3A_1184 = arith.constant 0.00833333377 : f32
        %mul3A_1185 = vector.broadcast %mul3A_1184 : f32 to vector<16xf32>
        %mul3A_1186 = arith.mulf %mul3A_1183, %mul3A_1185 : vector<16xf32>
        %add3A_1187 = arith.constant -0.166666672 : f32
        %add3A_1188 = vector.broadcast %add3A_1187 : f32 to vector<16xf32>
        %add3A_1189 = arith.addf %add3A_1188, %mul3A_1186 : vector<16xf32>
        %mul3A_1190 = arith.mulf %mul3A_1183, %add3A_1189 : vector<16xf32>
        %add3A_1191 = arith.constant 1.000000e+00 : f32
        %add3A_1192 = vector.broadcast %add3A_1191 : f32 to vector<16xf32>
        %add3A_1193 = arith.addf %add3A_1192, %mul3A_1190 : vector<16xf32>
        %mul3A_1194 = arith.mulf %add3A_1182, %add3A_1193 : vector<16xf32>
        %mul3A_1195 = arith.mulf %get3A_1179, %mul3A_1194 : vector<16xf32>
        %add3A_1196 = arith.constant 0 : i32
        %add3A_1197 = arith.addi %reduce_sum3A_884, %add3A_1196 : i32
        %get3A_1198 = arith.constant 28 : i32
        %get3A_1199 = arith.index_cast %get3A_1198 : i32 to index
        %get3A_1200 = arith.index_cast %scan3A_850 : i32 to index
        %get3A_1201 = arith.index_cast %add3A_1197 : i32 to index
        %get3A_1202 = tpu.vector_load %arg35[%get3A_1199, %get3A_1200, %get3A_1201] {strides = array<i32>} : memref<40x16x128xf32, #tpu.memory_space<vmem>>, vector<16xf32>,
        %add3A_1203 = arith.constant 0 : i32
        %add3A_1204 = arith.addi %reduce_sum3A_884, %add3A_1203 : i32
        %get3A_1205 = arith.constant 29 : i32
        %get3A_1206 = arith.index_cast %get3A_1205 : i32 to index
        %get3A_1207 = arith.index_cast %scan3A_850 : i32 to index
        %get3A_1208 = arith.index_cast %add3A_1204 : i32 to index
        %get3A_1209 = tpu.vector_load %arg35[%get3A_1206, %get3A_1207, %get3A_1208] {strides = array<i32>} : memref<40x16x128xf32, #tpu.memory_space<vmem>>, vector<16xf32>,
        %add3A_1210 = arith.constant 0 : i32
        %add3A_1211 = arith.addi %reduce_sum3A_884, %add3A_1210 : i32
        %get3A_1212 = arith.constant 30 : i32
        %get3A_1213 = arith.index_cast %get3A_1212 : i32 to index
        %get3A_1214 = arith.index_cast %scan3A_850 : i32 to index
        %get3A_1215 = arith.index_cast %add3A_1211 : i32 to index
        %get3A_1216 = tpu.vector_load %arg35[%get3A_1213, %get3A_1214, %get3A_1215] {strides = array<i32>} : memref<40x16x128xf32, #tpu.memory_space<vmem>>, vector<16xf32>,
        %mul3A_1217 = vector.broadcast %reduce_sum3A_863 : f32 to vector<16xf32>
        %mul3A_1218 = arith.mulf %get3A_1202, %mul3A_1217 : vector<16xf32>
        %add3A_1219 = arith.addf %mul3A_1218, %get3A_1209 : vector<16xf32>
        %mul3A_1220 = arith.mulf %add3A_1219, %add3A_1219 : vector<16xf32>
        %mul3A_1221 = arith.constant 0.00833333377 : f32
        %mul3A_1222 = vector.broadcast %mul3A_1221 : f32 to vector<16xf32>
        %mul3A_1223 = arith.mulf %mul3A_1220, %mul3A_1222 : vector<16xf32>
        %add3A_1224 = arith.constant -0.166666672 : f32
        %add3A_1225 = vector.broadcast %add3A_1224 : f32 to vector<16xf32>
        %add3A_1226 = arith.addf %add3A_1225, %mul3A_1223 : vector<16xf32>
        %mul3A_1227 = arith.mulf %mul3A_1220, %add3A_1226 : vector<16xf32>
        %add3A_1228 = arith.constant 1.000000e+00 : f32
        %add3A_1229 = vector.broadcast %add3A_1228 : f32 to vector<16xf32>
        %add3A_1230 = arith.addf %add3A_1229, %mul3A_1227 : vector<16xf32>
        %mul3A_1231 = arith.mulf %add3A_1219, %add3A_1230 : vector<16xf32>
        %mul3A_1232 = arith.mulf %get3A_1216, %mul3A_1231 : vector<16xf32>
        %add3A_1233 = arith.addf %mul3A_1195, %mul3A_1232 : vector<16xf32>
        %add3A_1234 = arith.constant 0 : i32
        %add3A_1235 = arith.addi %reduce_sum3A_884, %add3A_1234 : i32
        %get3A_1236 = arith.constant 34 : i32
        %get3A_1237 = arith.index_cast %get3A_1236 : i32 to index
        %get3A_1238 = arith.index_cast %scan3A_850 : i32 to index
        %get3A_1239 = arith.index_cast %add3A_1235 : i32 to index
        %get3A_1240 = tpu.vector_load %arg35[%get3A_1237, %get3A_1238, %get3A_1239] {strides = array<i32>} : memref<40x16x128xf32, #tpu.memory_space<vmem>>, vector<16xf32>,
        %add3A_1241 = arith.constant 0 : i32
        %add3A_1242 = arith.addi %reduce_sum3A_884, %add3A_1241 : i32
        %get3A_1243 = arith.constant 35 : i32
        %get3A_1244 = arith.index_cast %get3A_1243 : i32 to index
        %get3A_1245 = arith.index_cast %scan3A_850 : i32 to index
        %get3A_1246 = arith.index_cast %add3A_1242 : i32 to index
        %get3A_1247 = tpu.vector_load %arg35[%get3A_1244, %get3A_1245, %get3A_1246] {strides = array<i32>} : memref<40x16x128xf32, #tpu.memory_space<vmem>>, vector<16xf32>,
        %add3A_1248 = arith.constant 0 : i32
        %add3A_1249 = arith.addi %reduce_sum3A_884, %add3A_1248 : i32
        %get3A_1250 = arith.constant 36 : i32
        %get3A_1251 = arith.index_cast %get3A_1250 : i32 to index
        %get3A_1252 = arith.index_cast %scan3A_850 : i32 to index
        %get3A_1253 = arith.index_cast %add3A_1249 : i32 to index
        %get3A_1254 = tpu.vector_load %arg35[%get3A_1251, %get3A_1252, %get3A_1253] {strides = array<i32>} : memref<40x16x128xf32, #tpu.memory_space<vmem>>, vector<16xf32>,
        %mul3A_1255 = vector.broadcast %reduce_sum3A_870 : f32 to vector<16xf32>
        %mul3A_1256 = arith.mulf %get3A_1240, %mul3A_1255 : vector<16xf32>
        %add3A_1257 = arith.addf %mul3A_1256, %get3A_1247 : vector<16xf32>
        %mul3A_1258 = arith.mulf %add3A_1257, %add3A_1257 : vector<16xf32>
        %mul3A_1259 = arith.constant 0.00833333377 : f32
        %mul3A_1260 = vector.broadcast %mul3A_1259 : f32 to vector<16xf32>
        %mul3A_1261 = arith.mulf %mul3A_1258, %mul3A_1260 : vector<16xf32>
        %add3A_1262 = arith.constant -0.166666672 : f32
        %add3A_1263 = vector.broadcast %add3A_1262 : f32 to vector<16xf32>
        %add3A_1264 = arith.addf %add3A_1263, %mul3A_1261 : vector<16xf32>
        %mul3A_1265 = arith.mulf %mul3A_1258, %add3A_1264 : vector<16xf32>
        %add3A_1266 = arith.constant 1.000000e+00 : f32
        %add3A_1267 = vector.broadcast %add3A_1266 : f32 to vector<16xf32>
        %add3A_1268 = arith.addf %add3A_1267, %mul3A_1265 : vector<16xf32>
        %mul3A_1269 = arith.mulf %add3A_1257, %add3A_1268 : vector<16xf32>
        %mul3A_1270 = arith.mulf %get3A_1254, %mul3A_1269 : vector<16xf32>
        %add3A_1271 = arith.addf %add3A_1233, %mul3A_1270 : vector<16xf32>
        %add3A_1272 = arith.constant 0 : i32
        %add3A_1273 = arith.addi %reduce_sum3A_877, %add3A_1272 : i32
        %get3A_1274 = arith.constant 5 : i32
        %get3A_1275 = arith.index_cast %get3A_1274 : i32 to index
        %get3A_1276 = arith.index_cast %scan3A_850 : i32 to index
        %get3A_1277 = arith.index_cast %add3A_1273 : i32 to index
        %get3A_1278 = tpu.vector_load %arg35[%get3A_1275, %get3A_1276, %get3A_1277] {strides = array<i32>} : memref<40x16x128xf32, #tpu.memory_space<vmem>>, vector<16xf32>,
        %add3A_1279 = arith.constant 0 : i32
        %add3A_1280 = arith.addi %reduce_sum3A_877, %add3A_1279 : i32
        %get3A_1281 = arith.constant 6 : i32
        %get3A_1282 = arith.index_cast %get3A_1281 : i32 to index
        %get3A_1283 = arith.index_cast %scan3A_850 : i32 to index
        %get3A_1284 = arith.index_cast %add3A_1280 : i32 to index
        %get3A_1285 = tpu.vector_load %arg35[%get3A_1282, %get3A_1283, %get3A_1284] {strides = array<i32>} : memref<40x16x128xf32, #tpu.memory_space<vmem>>, vector<16xf32>,
        %add3A_1286 = arith.constant 0 : i32
        %add3A_1287 = arith.addi %reduce_sum3A_877, %add3A_1286 : i32
        %get3A_1288 = arith.constant 7 : i32
        %get3A_1289 = arith.index_cast %get3A_1288 : i32 to index
        %get3A_1290 = arith.index_cast %scan3A_850 : i32 to index
        %get3A_1291 = arith.index_cast %add3A_1287 : i32 to index
        %get3A_1292 = tpu.vector_load %arg35[%get3A_1289, %get3A_1290, %get3A_1291] {strides = array<i32>} : memref<40x16x128xf32, #tpu.memory_space<vmem>>, vector<16xf32>,
        %mul3A_1293 = vector.broadcast %reduce_sum3A_856 : f32 to vector<16xf32>
        %mul3A_1294 = arith.mulf %get3A_1278, %mul3A_1293 : vector<16xf32>
        %add3A_1295 = arith.addf %mul3A_1294, %get3A_1285 : vector<16xf32>
        %mul3A_1296 = arith.mulf %add3A_1295, %add3A_1295 : vector<16xf32>
        %mul3A_1297 = arith.constant 0.00833333377 : f32
        %mul3A_1298 = vector.broadcast %mul3A_1297 : f32 to vector<16xf32>
        %mul3A_1299 = arith.mulf %mul3A_1296, %mul3A_1298 : vector<16xf32>
        %add3A_1300 = arith.constant -0.166666672 : f32
        %add3A_1301 = vector.broadcast %add3A_1300 : f32 to vector<16xf32>
        %add3A_1302 = arith.addf %add3A_1301, %mul3A_1299 : vector<16xf32>
        %mul3A_1303 = arith.mulf %mul3A_1296, %add3A_1302 : vector<16xf32>
        %add3A_1304 = arith.constant 1.000000e+00 : f32
        %add3A_1305 = vector.broadcast %add3A_1304 : f32 to vector<16xf32>
        %add3A_1306 = arith.addf %add3A_1305, %mul3A_1303 : vector<16xf32>
        %mul3A_1307 = arith.mulf %add3A_1295, %add3A_1306 : vector<16xf32>
        %mul3A_1308 = arith.mulf %get3A_1292, %mul3A_1307 : vector<16xf32>
        %add3A_1309 = arith.constant 0 : i32
        %add3A_1310 = arith.addi %reduce_sum3A_877, %add3A_1309 : i32
        %get3A_1311 = arith.constant 11 : i32
        %get3A_1312 = arith.index_cast %get3A_1311 : i32 to index
        %get3A_1313 = arith.index_cast %scan3A_850 : i32 to index
        %get3A_1314 = arith.index_cast %add3A_1310 : i32 to index
        %get3A_1315 = tpu.vector_load %arg35[%get3A_1312, %get3A_1313, %get3A_1314] {strides = array<i32>} : memref<40x16x128xf32, #tpu.memory_space<vmem>>, vector<16xf32>,
        %add3A_1316 = arith.constant 0 : i32
        %add3A_1317 = arith.addi %reduce_sum3A_877, %add3A_1316 : i32
        %get3A_1318 = arith.constant 12 : i32
        %get3A_1319 = arith.index_cast %get3A_1318 : i32 to index
        %get3A_1320 = arith.index_cast %scan3A_850 : i32 to index
        %get3A_1321 = arith.index_cast %add3A_1317 : i32 to index
        %get3A_1322 = tpu.vector_load %arg35[%get3A_1319, %get3A_1320, %get3A_1321] {strides = array<i32>} : memref<40x16x128xf32, #tpu.memory_space<vmem>>, vector<16xf32>,
        %add3A_1323 = arith.constant 0 : i32
        %add3A_1324 = arith.addi %reduce_sum3A_877, %add3A_1323 : i32
        %get3A_1325 = arith.constant 13 : i32
        %get3A_1326 = arith.index_cast %get3A_1325 : i32 to index
        %get3A_1327 = arith.index_cast %scan3A_850 : i32 to index
        %get3A_1328 = arith.index_cast %add3A_1324 : i32 to index
        %get3A_1329 = tpu.vector_load %arg35[%get3A_1326, %get3A_1327, %get3A_1328] {strides = array<i32>} : memref<40x16x128xf32, #tpu.memory_space<vmem>>, vector<16xf32>,
        %mul3A_1330 = vector.broadcast %reduce_sum3A_863 : f32 to vector<16xf32>
        %mul3A_1331 = arith.mulf %get3A_1315, %mul3A_1330 : vector<16xf32>
        %add3A_1332 = arith.addf %mul3A_1331, %get3A_1322 : vector<16xf32>
        %mul3A_1333 = arith.mulf %add3A_1332, %add3A_1332 : vector<16xf32>
        %mul3A_1334 = arith.constant 0.00833333377 : f32
        %mul3A_1335 = vector.broadcast %mul3A_1334 : f32 to vector<16xf32>
        %mul3A_1336 = arith.mulf %mul3A_1333, %mul3A_1335 : vector<16xf32>
        %add3A_1337 = arith.constant -0.166666672 : f32
        %add3A_1338 = vector.broadcast %add3A_1337 : f32 to vector<16xf32>
        %add3A_1339 = arith.addf %add3A_1338, %mul3A_1336 : vector<16xf32>
        %mul3A_1340 = arith.mulf %mul3A_1333, %add3A_1339 : vector<16xf32>
        %add3A_1341 = arith.constant 1.000000e+00 : f32
        %add3A_1342 = vector.broadcast %add3A_1341 : f32 to vector<16xf32>
        %add3A_1343 = arith.addf %add3A_1342, %mul3A_1340 : vector<16xf32>
        %mul3A_1344 = arith.mulf %add3A_1332, %add3A_1343 : vector<16xf32>
        %mul3A_1345 = arith.mulf %get3A_1329, %mul3A_1344 : vector<16xf32>
        %add3A_1346 = arith.addf %mul3A_1308, %mul3A_1345 : vector<16xf32>
        %add3A_1347 = arith.constant 0 : i32
        %add3A_1348 = arith.addi %reduce_sum3A_877, %add3A_1347 : i32
        %get3A_1349 = arith.constant 17 : i32
        %get3A_1350 = arith.index_cast %get3A_1349 : i32 to index
        %get3A_1351 = arith.index_cast %scan3A_850 : i32 to index
        %get3A_1352 = arith.index_cast %add3A_1348 : i32 to index
        %get3A_1353 = tpu.vector_load %arg35[%get3A_1350, %get3A_1351, %get3A_1352] {strides = array<i32>} : memref<40x16x128xf32, #tpu.memory_space<vmem>>, vector<16xf32>,
        %add3A_1354 = arith.constant 0 : i32
        %add3A_1355 = arith.addi %reduce_sum3A_877, %add3A_1354 : i32
        %get3A_1356 = arith.constant 18 : i32
        %get3A_1357 = arith.index_cast %get3A_1356 : i32 to index
        %get3A_1358 = arith.index_cast %scan3A_850 : i32 to index
        %get3A_1359 = arith.index_cast %add3A_1355 : i32 to index
        %get3A_1360 = tpu.vector_load %arg35[%get3A_1357, %get3A_1358, %get3A_1359] {strides = array<i32>} : memref<40x16x128xf32, #tpu.memory_space<vmem>>, vector<16xf32>,
        %add3A_1361 = arith.constant 0 : i32
        %add3A_1362 = arith.addi %reduce_sum3A_877, %add3A_1361 : i32
        %get3A_1363 = arith.constant 19 : i32
        %get3A_1364 = arith.index_cast %get3A_1363 : i32 to index
        %get3A_1365 = arith.index_cast %scan3A_850 : i32 to index
        %get3A_1366 = arith.index_cast %add3A_1362 : i32 to index
        %get3A_1367 = tpu.vector_load %arg35[%get3A_1364, %get3A_1365, %get3A_1366] {strides = array<i32>} : memref<40x16x128xf32, #tpu.memory_space<vmem>>, vector<16xf32>,
        %mul3A_1368 = vector.broadcast %reduce_sum3A_870 : f32 to vector<16xf32>
        %mul3A_1369 = arith.mulf %get3A_1353, %mul3A_1368 : vector<16xf32>
        %add3A_1370 = arith.addf %mul3A_1369, %get3A_1360 : vector<16xf32>
        %mul3A_1371 = arith.mulf %add3A_1370, %add3A_1370 : vector<16xf32>
        %mul3A_1372 = arith.constant 0.00833333377 : f32
        %mul3A_1373 = vector.broadcast %mul3A_1372 : f32 to vector<16xf32>
        %mul3A_1374 = arith.mulf %mul3A_1371, %mul3A_1373 : vector<16xf32>
        %add3A_1375 = arith.constant -0.166666672 : f32
        %add3A_1376 = vector.broadcast %add3A_1375 : f32 to vector<16xf32>
        %add3A_1377 = arith.addf %add3A_1376, %mul3A_1374 : vector<16xf32>
        %mul3A_1378 = arith.mulf %mul3A_1371, %add3A_1377 : vector<16xf32>
        %add3A_1379 = arith.constant 1.000000e+00 : f32
        %add3A_1380 = vector.broadcast %add3A_1379 : f32 to vector<16xf32>
        %add3A_1381 = arith.addf %add3A_1380, %mul3A_1378 : vector<16xf32>
        %mul3A_1382 = arith.mulf %add3A_1370, %add3A_1381 : vector<16xf32>
        %mul3A_1383 = arith.mulf %get3A_1367, %mul3A_1382 : vector<16xf32>
        %add3A_1384 = arith.addf %add3A_1346, %mul3A_1383 : vector<16xf32>
        %mul3A_1385 = arith.mulf %get3A_891, %get3A_917 : vector<16xf32>
        %mul3A_1386 = arith.mulf %mul3A_1385, %get3A_912 : vector<16xf32>
        %mul3A_1387 = arith.mulf %add3A_1045, %get3A_922 : vector<16xf32>
        %mul3A_1388 = arith.mulf %mul3A_1387, %add3A_1158 : vector<16xf32>
        %add3A_1389 = arith.addf %mul3A_1386, %mul3A_1388 : vector<16xf32>
        %mul3A_1390 = arith.mulf %get3A_905, %get3A_927 : vector<16xf32>
        %mul3A_1391 = arith.mulf %mul3A_1390, %get3A_898 : vector<16xf32>
        %add3A_1392 = arith.addf %add3A_1389, %mul3A_1391 : vector<16xf32>
        %mul3A_1393 = arith.mulf %add3A_1271, %get3A_932 : vector<16xf32>
        %mul3A_1394 = arith.mulf %mul3A_1393, %add3A_1384 : vector<16xf32>
        %add3A_1395 = arith.addf %add3A_1392, %mul3A_1394 : vector<16xf32>
        %add3A_1396 = arith.constant 16 : i32
        %add3A_1397 = arith.addi %reduce_sum3A_877, %add3A_1396 : i32
        %get3A_1398 = arith.constant 0 : i32
        %get3A_1399 = arith.index_cast %get3A_1398 : i32 to index
        %get3A_1400 = arith.index_cast %scan3A_850 : i32 to index
        %get3A_1401 = arith.index_cast %add3A_1397 : i32 to index
        %get3A_1402 = tpu.vector_load %arg35[%get3A_1399, %get3A_1400, %get3A_1401] {strides = array<i32>} : memref<40x16x128xf32, #tpu.memory_space<vmem>>, vector<16xf32>,
        %add3A_1403 = arith.constant 16 : i32
        %add3A_1404 = arith.addi %reduce_sum3A_877, %add3A_1403 : i32
        %get3A_1405 = arith.constant 1 : i32
        %get3A_1406 = arith.index_cast %get3A_1405 : i32 to index
        %get3A_1407 = arith.index_cast %scan3A_850 : i32 to index
        %get3A_1408 = arith.index_cast %add3A_1404 : i32 to index
        %get3A_1409 = tpu.vector_load %arg35[%get3A_1406, %get3A_1407, %get3A_1408] {strides = array<i32>} : memref<40x16x128xf32, #tpu.memory_space<vmem>>, vector<16xf32>,
        %add3A_1410 = arith.constant 16 : i32
        %add3A_1411 = arith.addi %reduce_sum3A_884, %add3A_1410 : i32
        %get3A_1412 = arith.constant 20 : i32
        %get3A_1413 = arith.index_cast %get3A_1412 : i32 to index
        %get3A_1414 = arith.index_cast %scan3A_850 : i32 to index
        %get3A_1415 = arith.index_cast %add3A_1411 : i32 to index
        %get3A_1416 = tpu.vector_load %arg35[%get3A_1413, %get3A_1414, %get3A_1415] {strides = array<i32>} : memref<40x16x128xf32, #tpu.memory_space<vmem>>, vector<16xf32>,
        %add3A_1417 = arith.constant 16 : i32
        %add3A_1418 = arith.addi %reduce_sum3A_884, %add3A_1417 : i32
        %get3A_1419 = arith.constant 21 : i32
        %get3A_1420 = arith.index_cast %get3A_1419 : i32 to index
        %get3A_1421 = arith.index_cast %scan3A_850 : i32 to index
        %get3A_1422 = arith.index_cast %add3A_1418 : i32 to index
        %get3A_1423 = tpu.vector_load %arg35[%get3A_1420, %get3A_1421, %get3A_1422] {strides = array<i32>} : memref<40x16x128xf32, #tpu.memory_space<vmem>>, vector<16xf32>,
        %get3A_1424 = arith.constant 0 : i32
        %get3A_1425 = arith.index_cast %get3A_1424 : i32 to index
        %get3A_1426 = arith.index_cast %scan3A_850 : i32 to index
        %get3A_1427 = arith.constant 16 : index
        %get3A_1428 = tpu.vector_load %arg36[%get3A_1425, %get3A_1426, %get3A_1427] {strides = array<i32>} : memref<2x16x128xf32, #tpu.memory_space<vmem>>, vector<16xf32>,
        %get3A_1429 = arith.constant 0 : i32
        %get3A_1430 = arith.index_cast %get3A_1429 : i32 to index
        %get3A_1431 = arith.index_cast %scan3A_850 : i32 to index
        %get3A_1432 = arith.constant 80 : index
        %get3A_1433 = tpu.vector_load %arg36[%get3A_1430, %get3A_1431, %get3A_1432] {strides = array<i32>} : memref<2x16x128xf32, #tpu.memory_space<vmem>>, vector<16xf32>,
        %get3A_1434 = arith.constant 1 : i32
        %get3A_1435 = arith.index_cast %get3A_1434 : i32 to index
        %get3A_1436 = arith.index_cast %scan3A_850 : i32 to index
        %get3A_1437 = arith.constant 16 : index
        %get3A_1438 = tpu.vector_load %arg36[%get3A_1435, %get3A_1436, %get3A_1437] {strides = array<i32>} : memref<2x16x128xf32, #tpu.memory_space<vmem>>, vector<16xf32>,
        %get3A_1439 = arith.constant 1 : i32
        %get3A_1440 = arith.index_cast %get3A_1439 : i32 to index
        %get3A_1441 = arith.index_cast %scan3A_850 : i32 to index
        %get3A_1442 = arith.constant 80 : index
        %get3A_1443 = tpu.vector_load %arg36[%get3A_1440, %get3A_1441, %get3A_1442] {strides = array<i32>} : memref<2x16x128xf32, #tpu.memory_space<vmem>>, vector<16xf32>,
        %add3A_1444 = arith.constant 16 : i32
        %add3A_1445 = arith.addi %reduce_sum3A_877, %add3A_1444 : i32
        %get3A_1446 = arith.constant 2 : i32
        %get3A_1447 = arith.index_cast %get3A_1446 : i32 to index
        %get3A_1448 = arith.index_cast %scan3A_850 : i32 to index
        %get3A_1449 = arith.index_cast %add3A_1445 : i32 to index
        %get3A_1450 = tpu.vector_load %arg35[%get3A_1447, %get3A_1448, %get3A_1449] {strides = array<i32>} : memref<40x16x128xf32, #tpu.memory_space<vmem>>, vector<16xf32>,
        %add3A_1451 = arith.constant 16 : i32
        %add3A_1452 = arith.addi %reduce_sum3A_877, %add3A_1451 : i32
        %get3A_1453 = arith.constant 3 : i32
        %get3A_1454 = arith.index_cast %get3A_1453 : i32 to index
        %get3A_1455 = arith.index_cast %scan3A_850 : i32 to index
        %get3A_1456 = arith.index_cast %add3A_1452 : i32 to index
        %get3A_1457 = tpu.vector_load %arg35[%get3A_1454, %get3A_1455, %get3A_1456] {strides = array<i32>} : memref<40x16x128xf32, #tpu.memory_space<vmem>>, vector<16xf32>,
        %add3A_1458 = arith.constant 16 : i32
        %add3A_1459 = arith.addi %reduce_sum3A_877, %add3A_1458 : i32
        %get3A_1460 = arith.constant 4 : i32
        %get3A_1461 = arith.index_cast %get3A_1460 : i32 to index
        %get3A_1462 = arith.index_cast %scan3A_850 : i32 to index
        %get3A_1463 = arith.index_cast %add3A_1459 : i32 to index
        %get3A_1464 = tpu.vector_load %arg35[%get3A_1461, %get3A_1462, %get3A_1463] {strides = array<i32>} : memref<40x16x128xf32, #tpu.memory_space<vmem>>, vector<16xf32>,
        %mul3A_1465 = vector.broadcast %reduce_sum3A_856 : f32 to vector<16xf32>
        %mul3A_1466 = arith.mulf %get3A_1450, %mul3A_1465 : vector<16xf32>
        %add3A_1467 = arith.addf %mul3A_1466, %get3A_1457 : vector<16xf32>
        %mul3A_1468 = arith.mulf %add3A_1467, %add3A_1467 : vector<16xf32>
        %mul3A_1469 = arith.constant 0.00833333377 : f32
        %mul3A_1470 = vector.broadcast %mul3A_1469 : f32 to vector<16xf32>
        %mul3A_1471 = arith.mulf %mul3A_1468, %mul3A_1470 : vector<16xf32>
        %add3A_1472 = arith.constant -0.166666672 : f32
        %add3A_1473 = vector.broadcast %add3A_1472 : f32 to vector<16xf32>
        %add3A_1474 = arith.addf %add3A_1473, %mul3A_1471 : vector<16xf32>
        %mul3A_1475 = arith.mulf %mul3A_1468, %add3A_1474 : vector<16xf32>
        %add3A_1476 = arith.constant 1.000000e+00 : f32
        %add3A_1477 = vector.broadcast %add3A_1476 : f32 to vector<16xf32>
        %add3A_1478 = arith.addf %add3A_1477, %mul3A_1475 : vector<16xf32>
        %mul3A_1479 = arith.mulf %add3A_1467, %add3A_1478 : vector<16xf32>
        %mul3A_1480 = arith.mulf %get3A_1464, %mul3A_1479 : vector<16xf32>
        %add3A_1481 = arith.constant 16 : i32
        %add3A_1482 = arith.addi %reduce_sum3A_877, %add3A_1481 : i32
        %get3A_1483 = arith.constant 8 : i32
        %get3A_1484 = arith.index_cast %get3A_1483 : i32 to index
        %get3A_1485 = arith.index_cast %scan3A_850 : i32 to index
        %get3A_1486 = arith.index_cast %add3A_1482 : i32 to index
        %get3A_1487 = tpu.vector_load %arg35[%get3A_1484, %get3A_1485, %get3A_1486] {strides = array<i32>} : memref<40x16x128xf32, #tpu.memory_space<vmem>>, vector<16xf32>,
        %add3A_1488 = arith.constant 16 : i32
        %add3A_1489 = arith.addi %reduce_sum3A_877, %add3A_1488 : i32
        %get3A_1490 = arith.constant 9 : i32
        %get3A_1491 = arith.index_cast %get3A_1490 : i32 to index
        %get3A_1492 = arith.index_cast %scan3A_850 : i32 to index
        %get3A_1493 = arith.index_cast %add3A_1489 : i32 to index
        %get3A_1494 = tpu.vector_load %arg35[%get3A_1491, %get3A_1492, %get3A_1493] {strides = array<i32>} : memref<40x16x128xf32, #tpu.memory_space<vmem>>, vector<16xf32>,
        %add3A_1495 = arith.constant 16 : i32
        %add3A_1496 = arith.addi %reduce_sum3A_877, %add3A_1495 : i32
        %get3A_1497 = arith.constant 10 : i32
        %get3A_1498 = arith.index_cast %get3A_1497 : i32 to index
        %get3A_1499 = arith.index_cast %scan3A_850 : i32 to index
        %get3A_1500 = arith.index_cast %add3A_1496 : i32 to index
        %get3A_1501 = tpu.vector_load %arg35[%get3A_1498, %get3A_1499, %get3A_1500] {strides = array<i32>} : memref<40x16x128xf32, #tpu.memory_space<vmem>>, vector<16xf32>,
        %mul3A_1502 = vector.broadcast %reduce_sum3A_863 : f32 to vector<16xf32>
        %mul3A_1503 = arith.mulf %get3A_1487, %mul3A_1502 : vector<16xf32>
        %add3A_1504 = arith.addf %mul3A_1503, %get3A_1494 : vector<16xf32>
        %mul3A_1505 = arith.mulf %add3A_1504, %add3A_1504 : vector<16xf32>
        %mul3A_1506 = arith.constant 0.00833333377 : f32
        %mul3A_1507 = vector.broadcast %mul3A_1506 : f32 to vector<16xf32>
        %mul3A_1508 = arith.mulf %mul3A_1505, %mul3A_1507 : vector<16xf32>
        %add3A_1509 = arith.constant -0.166666672 : f32
        %add3A_1510 = vector.broadcast %add3A_1509 : f32 to vector<16xf32>
        %add3A_1511 = arith.addf %add3A_1510, %mul3A_1508 : vector<16xf32>
        %mul3A_1512 = arith.mulf %mul3A_1505, %add3A_1511 : vector<16xf32>
        %add3A_1513 = arith.constant 1.000000e+00 : f32
        %add3A_1514 = vector.broadcast %add3A_1513 : f32 to vector<16xf32>
        %add3A_1515 = arith.addf %add3A_1514, %mul3A_1512 : vector<16xf32>
        %mul3A_1516 = arith.mulf %add3A_1504, %add3A_1515 : vector<16xf32>
        %mul3A_1517 = arith.mulf %get3A_1501, %mul3A_1516 : vector<16xf32>
        %add3A_1518 = arith.addf %mul3A_1480, %mul3A_1517 : vector<16xf32>
        %add3A_1519 = arith.constant 16 : i32
        %add3A_1520 = arith.addi %reduce_sum3A_877, %add3A_1519 : i32
        %get3A_1521 = arith.constant 14 : i32
        %get3A_1522 = arith.index_cast %get3A_1521 : i32 to index
        %get3A_1523 = arith.index_cast %scan3A_850 : i32 to index
        %get3A_1524 = arith.index_cast %add3A_1520 : i32 to index
        %get3A_1525 = tpu.vector_load %arg35[%get3A_1522, %get3A_1523, %get3A_1524] {strides = array<i32>} : memref<40x16x128xf32, #tpu.memory_space<vmem>>, vector<16xf32>,
        %add3A_1526 = arith.constant 16 : i32
        %add3A_1527 = arith.addi %reduce_sum3A_877, %add3A_1526 : i32
        %get3A_1528 = arith.constant 15 : i32
        %get3A_1529 = arith.index_cast %get3A_1528 : i32 to index
        %get3A_1530 = arith.index_cast %scan3A_850 : i32 to index
        %get3A_1531 = arith.index_cast %add3A_1527 : i32 to index
        %get3A_1532 = tpu.vector_load %arg35[%get3A_1529, %get3A_1530, %get3A_1531] {strides = array<i32>} : memref<40x16x128xf32, #tpu.memory_space<vmem>>, vector<16xf32>,
        %add3A_1533 = arith.constant 16 : i32
        %add3A_1534 = arith.addi %reduce_sum3A_877, %add3A_1533 : i32
        %get3A_1535 = arith.constant 16 : i32
        %get3A_1536 = arith.index_cast %get3A_1535 : i32 to index
        %get3A_1537 = arith.index_cast %scan3A_850 : i32 to index
        %get3A_1538 = arith.index_cast %add3A_1534 : i32 to index
        %get3A_1539 = tpu.vector_load %arg35[%get3A_1536, %get3A_1537, %get3A_1538] {strides = array<i32>} : memref<40x16x128xf32, #tpu.memory_space<vmem>>, vector<16xf32>,
        %mul3A_1540 = vector.broadcast %reduce_sum3A_870 : f32 to vector<16xf32>
        %mul3A_1541 = arith.mulf %get3A_1525, %mul3A_1540 : vector<16xf32>
        %add3A_1542 = arith.addf %mul3A_1541, %get3A_1532 : vector<16xf32>
        %mul3A_1543 = arith.mulf %add3A_1542, %add3A_1542 : vector<16xf32>
        %mul3A_1544 = arith.constant 0.00833333377 : f32
        %mul3A_1545 = vector.broadcast %mul3A_1544 : f32 to vector<16xf32>
        %mul3A_1546 = arith.mulf %mul3A_1543, %mul3A_1545 : vector<16xf32>
        %add3A_1547 = arith.constant -0.166666672 : f32
        %add3A_1548 = vector.broadcast %add3A_1547 : f32 to vector<16xf32>
        %add3A_1549 = arith.addf %add3A_1548, %mul3A_1546 : vector<16xf32>
        %mul3A_1550 = arith.mulf %mul3A_1543, %add3A_1549 : vector<16xf32>
        %add3A_1551 = arith.constant 1.000000e+00 : f32
        %add3A_1552 = vector.broadcast %add3A_1551 : f32 to vector<16xf32>
        %add3A_1553 = arith.addf %add3A_1552, %mul3A_1550 : vector<16xf32>
        %mul3A_1554 = arith.mulf %add3A_1542, %add3A_1553 : vector<16xf32>
        %mul3A_1555 = arith.mulf %get3A_1539, %mul3A_1554 : vector<16xf32>
        %add3A_1556 = arith.addf %add3A_1518, %mul3A_1555 : vector<16xf32>
        %add3A_1557 = arith.constant 16 : i32
        %add3A_1558 = arith.addi %reduce_sum3A_884, %add3A_1557 : i32
        %get3A_1559 = arith.constant 25 : i32
        %get3A_1560 = arith.index_cast %get3A_1559 : i32 to index
        %get3A_1561 = arith.index_cast %scan3A_850 : i32 to index
        %get3A_1562 = arith.index_cast %add3A_1558 : i32 to index
        %get3A_1563 = tpu.vector_load %arg35[%get3A_1560, %get3A_1561, %get3A_1562] {strides = array<i32>} : memref<40x16x128xf32, #tpu.memory_space<vmem>>, vector<16xf32>,
        %add3A_1564 = arith.constant 16 : i32
        %add3A_1565 = arith.addi %reduce_sum3A_884, %add3A_1564 : i32
        %get3A_1566 = arith.constant 26 : i32
        %get3A_1567 = arith.index_cast %get3A_1566 : i32 to index
        %get3A_1568 = arith.index_cast %scan3A_850 : i32 to index
        %get3A_1569 = arith.index_cast %add3A_1565 : i32 to index
        %get3A_1570 = tpu.vector_load %arg35[%get3A_1567, %get3A_1568, %get3A_1569] {strides = array<i32>} : memref<40x16x128xf32, #tpu.memory_space<vmem>>, vector<16xf32>,
        %add3A_1571 = arith.constant 16 : i32
        %add3A_1572 = arith.addi %reduce_sum3A_884, %add3A_1571 : i32
        %get3A_1573 = arith.constant 27 : i32
        %get3A_1574 = arith.index_cast %get3A_1573 : i32 to index
        %get3A_1575 = arith.index_cast %scan3A_850 : i32 to index
        %get3A_1576 = arith.index_cast %add3A_1572 : i32 to index
        %get3A_1577 = tpu.vector_load %arg35[%get3A_1574, %get3A_1575, %get3A_1576] {strides = array<i32>} : memref<40x16x128xf32, #tpu.memory_space<vmem>>, vector<16xf32>,
        %mul3A_1578 = vector.broadcast %reduce_sum3A_856 : f32 to vector<16xf32>
        %mul3A_1579 = arith.mulf %get3A_1563, %mul3A_1578 : vector<16xf32>
        %add3A_1580 = arith.addf %mul3A_1579, %get3A_1570 : vector<16xf32>
        %mul3A_1581 = arith.mulf %add3A_1580, %add3A_1580 : vector<16xf32>
        %mul3A_1582 = arith.constant 0.00833333377 : f32
        %mul3A_1583 = vector.broadcast %mul3A_1582 : f32 to vector<16xf32>
        %mul3A_1584 = arith.mulf %mul3A_1581, %mul3A_1583 : vector<16xf32>
        %add3A_1585 = arith.constant -0.166666672 : f32
        %add3A_1586 = vector.broadcast %add3A_1585 : f32 to vector<16xf32>
        %add3A_1587 = arith.addf %add3A_1586, %mul3A_1584 : vector<16xf32>
        %mul3A_1588 = arith.mulf %mul3A_1581, %add3A_1587 : vector<16xf32>
        %add3A_1589 = arith.constant 1.000000e+00 : f32
        %add3A_1590 = vector.broadcast %add3A_1589 : f32 to vector<16xf32>
        %add3A_1591 = arith.addf %add3A_1590, %mul3A_1588 : vector<16xf32>
        %mul3A_1592 = arith.mulf %add3A_1580, %add3A_1591 : vector<16xf32>
        %mul3A_1593 = arith.mulf %get3A_1577, %mul3A_1592 : vector<16xf32>
        %add3A_1594 = arith.constant 16 : i32
        %add3A_1595 = arith.addi %reduce_sum3A_884, %add3A_1594 : i32
        %get3A_1596 = arith.constant 31 : i32
        %get3A_1597 = arith.index_cast %get3A_1596 : i32 to index
        %get3A_1598 = arith.index_cast %scan3A_850 : i32 to index
        %get3A_1599 = arith.index_cast %add3A_1595 : i32 to index
        %get3A_1600 = tpu.vector_load %arg35[%get3A_1597, %get3A_1598, %get3A_1599] {strides = array<i32>} : memref<40x16x128xf32, #tpu.memory_space<vmem>>, vector<16xf32>,
        %add3A_1601 = arith.constant 16 : i32
        %add3A_1602 = arith.addi %reduce_sum3A_884, %add3A_1601 : i32
        %get3A_1603 = arith.constant 32 : i32
        %get3A_1604 = arith.index_cast %get3A_1603 : i32 to index
        %get3A_1605 = arith.index_cast %scan3A_850 : i32 to index
        %get3A_1606 = arith.index_cast %add3A_1602 : i32 to index
        %get3A_1607 = tpu.vector_load %arg35[%get3A_1604, %get3A_1605, %get3A_1606] {strides = array<i32>} : memref<40x16x128xf32, #tpu.memory_space<vmem>>, vector<16xf32>,
        %add3A_1608 = arith.constant 16 : i32
        %add3A_1609 = arith.addi %reduce_sum3A_884, %add3A_1608 : i32
        %get3A_1610 = arith.constant 33 : i32
        %get3A_1611 = arith.index_cast %get3A_1610 : i32 to index
        %get3A_1612 = arith.index_cast %scan3A_850 : i32 to index
        %get3A_1613 = arith.index_cast %add3A_1609 : i32 to index
        %get3A_1614 = tpu.vector_load %arg35[%get3A_1611, %get3A_1612, %get3A_1613] {strides = array<i32>} : memref<40x16x128xf32, #tpu.memory_space<vmem>>, vector<16xf32>,
        %mul3A_1615 = vector.broadcast %reduce_sum3A_863 : f32 to vector<16xf32>
        %mul3A_1616 = arith.mulf %get3A_1600, %mul3A_1615 : vector<16xf32>
        %add3A_1617 = arith.addf %mul3A_1616, %get3A_1607 : vector<16xf32>
        %mul3A_1618 = arith.mulf %add3A_1617, %add3A_1617 : vector<16xf32>
        %mul3A_1619 = arith.constant 0.00833333377 : f32
        %mul3A_1620 = vector.broadcast %mul3A_1619 : f32 to vector<16xf32>
        %mul3A_1621 = arith.mulf %mul3A_1618, %mul3A_1620 : vector<16xf32>
        %add3A_1622 = arith.constant -0.166666672 : f32
        %add3A_1623 = vector.broadcast %add3A_1622 : f32 to vector<16xf32>
        %add3A_1624 = arith.addf %add3A_1623, %mul3A_1621 : vector<16xf32>
        %mul3A_1625 = arith.mulf %mul3A_1618, %add3A_1624 : vector<16xf32>
        %add3A_1626 = arith.constant 1.000000e+00 : f32
        %add3A_1627 = vector.broadcast %add3A_1626 : f32 to vector<16xf32>
        %add3A_1628 = arith.addf %add3A_1627, %mul3A_1625 : vector<16xf32>
        %mul3A_1629 = arith.mulf %add3A_1617, %add3A_1628 : vector<16xf32>
        %mul3A_1630 = arith.mulf %get3A_1614, %mul3A_1629 : vector<16xf32>
        %add3A_1631 = arith.addf %mul3A_1593, %mul3A_1630 : vector<16xf32>
        %add3A_1632 = arith.constant 16 : i32
        %add3A_1633 = arith.addi %reduce_sum3A_884, %add3A_1632 : i32
        %get3A_1634 = arith.constant 37 : i32
        %get3A_1635 = arith.index_cast %get3A_1634 : i32 to index
        %get3A_1636 = arith.index_cast %scan3A_850 : i32 to index
        %get3A_1637 = arith.index_cast %add3A_1633 : i32 to index
        %get3A_1638 = tpu.vector_load %arg35[%get3A_1635, %get3A_1636, %get3A_1637] {strides = array<i32>} : memref<40x16x128xf32, #tpu.memory_space<vmem>>, vector<16xf32>,
        %add3A_1639 = arith.constant 16 : i32
        %add3A_1640 = arith.addi %reduce_sum3A_884, %add3A_1639 : i32
        %get3A_1641 = arith.constant 38 : i32
        %get3A_1642 = arith.index_cast %get3A_1641 : i32 to index
        %get3A_1643 = arith.index_cast %scan3A_850 : i32 to index
        %get3A_1644 = arith.index_cast %add3A_1640 : i32 to index
        %get3A_1645 = tpu.vector_load %arg35[%get3A_1642, %get3A_1643, %get3A_1644] {strides = array<i32>} : memref<40x16x128xf32, #tpu.memory_space<vmem>>, vector<16xf32>,
        %add3A_1646 = arith.constant 16 : i32
        %add3A_1647 = arith.addi %reduce_sum3A_884, %add3A_1646 : i32
        %get3A_1648 = arith.constant 39 : i32
        %get3A_1649 = arith.index_cast %get3A_1648 : i32 to index
        %get3A_1650 = arith.index_cast %scan3A_850 : i32 to index
        %get3A_1651 = arith.index_cast %add3A_1647 : i32 to index
        %get3A_1652 = tpu.vector_load %arg35[%get3A_1649, %get3A_1650, %get3A_1651] {strides = array<i32>} : memref<40x16x128xf32, #tpu.memory_space<vmem>>, vector<16xf32>,
        %mul3A_1653 = vector.broadcast %reduce_sum3A_870 : f32 to vector<16xf32>
        %mul3A_1654 = arith.mulf %get3A_1638, %mul3A_1653 : vector<16xf32>
        %add3A_1655 = arith.addf %mul3A_1654, %get3A_1645 : vector<16xf32>
        %mul3A_1656 = arith.mulf %add3A_1655, %add3A_1655 : vector<16xf32>
        %mul3A_1657 = arith.constant 0.00833333377 : f32
        %mul3A_1658 = vector.broadcast %mul3A_1657 : f32 to vector<16xf32>
        %mul3A_1659 = arith.mulf %mul3A_1656, %mul3A_1658 : vector<16xf32>
        %add3A_1660 = arith.constant -0.166666672 : f32
        %add3A_1661 = vector.broadcast %add3A_1660 : f32 to vector<16xf32>
        %add3A_1662 = arith.addf %add3A_1661, %mul3A_1659 : vector<16xf32>
        %mul3A_1663 = arith.mulf %mul3A_1656, %add3A_1662 : vector<16xf32>
        %add3A_1664 = arith.constant 1.000000e+00 : f32
        %add3A_1665 = vector.broadcast %add3A_1664 : f32 to vector<16xf32>
        %add3A_1666 = arith.addf %add3A_1665, %mul3A_1663 : vector<16xf32>
        %mul3A_1667 = arith.mulf %add3A_1655, %add3A_1666 : vector<16xf32>
        %mul3A_1668 = arith.mulf %get3A_1652, %mul3A_1667 : vector<16xf32>
        %add3A_1669 = arith.addf %add3A_1631, %mul3A_1668 : vector<16xf32>
        %add3A_1670 = arith.constant 16 : i32
        %add3A_1671 = arith.addi %reduce_sum3A_884, %add3A_1670 : i32
        %get3A_1672 = arith.constant 22 : i32
        %get3A_1673 = arith.index_cast %get3A_1672 : i32 to index
        %get3A_1674 = arith.index_cast %scan3A_850 : i32 to index
        %get3A_1675 = arith.index_cast %add3A_1671 : i32 to index
        %get3A_1676 = tpu.vector_load %arg35[%get3A_1673, %get3A_1674, %get3A_1675] {strides = array<i32>} : memref<40x16x128xf32, #tpu.memory_space<vmem>>, vector<16xf32>,
        %add3A_1677 = arith.constant 16 : i32
        %add3A_1678 = arith.addi %reduce_sum3A_884, %add3A_1677 : i32
        %get3A_1679 = arith.constant 23 : i32
        %get3A_1680 = arith.index_cast %get3A_1679 : i32 to index
        %get3A_1681 = arith.index_cast %scan3A_850 : i32 to index
        %get3A_1682 = arith.index_cast %add3A_1678 : i32 to index
        %get3A_1683 = tpu.vector_load %arg35[%get3A_1680, %get3A_1681, %get3A_1682] {strides = array<i32>} : memref<40x16x128xf32, #tpu.memory_space<vmem>>, vector<16xf32>,
        %add3A_1684 = arith.constant 16 : i32
        %add3A_1685 = arith.addi %reduce_sum3A_884, %add3A_1684 : i32
        %get3A_1686 = arith.constant 24 : i32
        %get3A_1687 = arith.index_cast %get3A_1686 : i32 to index
        %get3A_1688 = arith.index_cast %scan3A_850 : i32 to index
        %get3A_1689 = arith.index_cast %add3A_1685 : i32 to index
        %get3A_1690 = tpu.vector_load %arg35[%get3A_1687, %get3A_1688, %get3A_1689] {strides = array<i32>} : memref<40x16x128xf32, #tpu.memory_space<vmem>>, vector<16xf32>,
        %mul3A_1691 = vector.broadcast %reduce_sum3A_856 : f32 to vector<16xf32>
        %mul3A_1692 = arith.mulf %get3A_1676, %mul3A_1691 : vector<16xf32>
        %add3A_1693 = arith.addf %mul3A_1692, %get3A_1683 : vector<16xf32>
        %mul3A_1694 = arith.mulf %add3A_1693, %add3A_1693 : vector<16xf32>
        %mul3A_1695 = arith.constant 0.00833333377 : f32
        %mul3A_1696 = vector.broadcast %mul3A_1695 : f32 to vector<16xf32>
        %mul3A_1697 = arith.mulf %mul3A_1694, %mul3A_1696 : vector<16xf32>
        %add3A_1698 = arith.constant -0.166666672 : f32
        %add3A_1699 = vector.broadcast %add3A_1698 : f32 to vector<16xf32>
        %add3A_1700 = arith.addf %add3A_1699, %mul3A_1697 : vector<16xf32>
        %mul3A_1701 = arith.mulf %mul3A_1694, %add3A_1700 : vector<16xf32>
        %add3A_1702 = arith.constant 1.000000e+00 : f32
        %add3A_1703 = vector.broadcast %add3A_1702 : f32 to vector<16xf32>
        %add3A_1704 = arith.addf %add3A_1703, %mul3A_1701 : vector<16xf32>
        %mul3A_1705 = arith.mulf %add3A_1693, %add3A_1704 : vector<16xf32>
        %mul3A_1706 = arith.mulf %get3A_1690, %mul3A_1705 : vector<16xf32>
        %add3A_1707 = arith.constant 16 : i32
        %add3A_1708 = arith.addi %reduce_sum3A_884, %add3A_1707 : i32
        %get3A_1709 = arith.constant 28 : i32
        %get3A_1710 = arith.index_cast %get3A_1709 : i32 to index
        %get3A_1711 = arith.index_cast %scan3A_850 : i32 to index
        %get3A_1712 = arith.index_cast %add3A_1708 : i32 to index
        %get3A_1713 = tpu.vector_load %arg35[%get3A_1710, %get3A_1711, %get3A_1712] {strides = array<i32>} : memref<40x16x128xf32, #tpu.memory_space<vmem>>, vector<16xf32>,
        %add3A_1714 = arith.constant 16 : i32
        %add3A_1715 = arith.addi %reduce_sum3A_884, %add3A_1714 : i32
        %get3A_1716 = arith.constant 29 : i32
        %get3A_1717 = arith.index_cast %get3A_1716 : i32 to index
        %get3A_1718 = arith.index_cast %scan3A_850 : i32 to index
        %get3A_1719 = arith.index_cast %add3A_1715 : i32 to index
        %get3A_1720 = tpu.vector_load %arg35[%get3A_1717, %get3A_1718, %get3A_1719] {strides = array<i32>} : memref<40x16x128xf32, #tpu.memory_space<vmem>>, vector<16xf32>,
        %add3A_1721 = arith.constant 16 : i32
        %add3A_1722 = arith.addi %reduce_sum3A_884, %add3A_1721 : i32
        %get3A_1723 = arith.constant 30 : i32
        %get3A_1724 = arith.index_cast %get3A_1723 : i32 to index
        %get3A_1725 = arith.index_cast %scan3A_850 : i32 to index
        %get3A_1726 = arith.index_cast %add3A_1722 : i32 to index
        %get3A_1727 = tpu.vector_load %arg35[%get3A_1724, %get3A_1725, %get3A_1726] {strides = array<i32>} : memref<40x16x128xf32, #tpu.memory_space<vmem>>, vector<16xf32>,
        %mul3A_1728 = vector.broadcast %reduce_sum3A_863 : f32 to vector<16xf32>
        %mul3A_1729 = arith.mulf %get3A_1713, %mul3A_1728 : vector<16xf32>
        %add3A_1730 = arith.addf %mul3A_1729, %get3A_1720 : vector<16xf32>
        %mul3A_1731 = arith.mulf %add3A_1730, %add3A_1730 : vector<16xf32>
        %mul3A_1732 = arith.constant 0.00833333377 : f32
        %mul3A_1733 = vector.broadcast %mul3A_1732 : f32 to vector<16xf32>
        %mul3A_1734 = arith.mulf %mul3A_1731, %mul3A_1733 : vector<16xf32>
        %add3A_1735 = arith.constant -0.166666672 : f32
        %add3A_1736 = vector.broadcast %add3A_1735 : f32 to vector<16xf32>
        %add3A_1737 = arith.addf %add3A_1736, %mul3A_1734 : vector<16xf32>
        %mul3A_1738 = arith.mulf %mul3A_1731, %add3A_1737 : vector<16xf32>
        %add3A_1739 = arith.constant 1.000000e+00 : f32
        %add3A_1740 = vector.broadcast %add3A_1739 : f32 to vector<16xf32>
        %add3A_1741 = arith.addf %add3A_1740, %mul3A_1738 : vector<16xf32>
        %mul3A_1742 = arith.mulf %add3A_1730, %add3A_1741 : vector<16xf32>
        %mul3A_1743 = arith.mulf %get3A_1727, %mul3A_1742 : vector<16xf32>
        %add3A_1744 = arith.addf %mul3A_1706, %mul3A_1743 : vector<16xf32>
        %add3A_1745 = arith.constant 16 : i32
        %add3A_1746 = arith.addi %reduce_sum3A_884, %add3A_1745 : i32
        %get3A_1747 = arith.constant 34 : i32
        %get3A_1748 = arith.index_cast %get3A_1747 : i32 to index
        %get3A_1749 = arith.index_cast %scan3A_850 : i32 to index
        %get3A_1750 = arith.index_cast %add3A_1746 : i32 to index
        %get3A_1751 = tpu.vector_load %arg35[%get3A_1748, %get3A_1749, %get3A_1750] {strides = array<i32>} : memref<40x16x128xf32, #tpu.memory_space<vmem>>, vector<16xf32>,
        %add3A_1752 = arith.constant 16 : i32
        %add3A_1753 = arith.addi %reduce_sum3A_884, %add3A_1752 : i32
        %get3A_1754 = arith.constant 35 : i32
        %get3A_1755 = arith.index_cast %get3A_1754 : i32 to index
        %get3A_1756 = arith.index_cast %scan3A_850 : i32 to index
        %get3A_1757 = arith.index_cast %add3A_1753 : i32 to index
        %get3A_1758 = tpu.vector_load %arg35[%get3A_1755, %get3A_1756, %get3A_1757] {strides = array<i32>} : memref<40x16x128xf32, #tpu.memory_space<vmem>>, vector<16xf32>,
        %add3A_1759 = arith.constant 16 : i32
        %add3A_1760 = arith.addi %reduce_sum3A_884, %add3A_1759 : i32
        %get3A_1761 = arith.constant 36 : i32
        %get3A_1762 = arith.index_cast %get3A_1761 : i32 to index
        %get3A_1763 = arith.index_cast %scan3A_850 : i32 to index
        %get3A_1764 = arith.index_cast %add3A_1760 : i32 to index
        %get3A_1765 = tpu.vector_load %arg35[%get3A_1762, %get3A_1763, %get3A_1764] {strides = array<i32>} : memref<40x16x128xf32, #tpu.memory_space<vmem>>, vector<16xf32>,
        %mul3A_1766 = vector.broadcast %reduce_sum3A_870 : f32 to vector<16xf32>
        %mul3A_1767 = arith.mulf %get3A_1751, %mul3A_1766 : vector<16xf32>
        %add3A_1768 = arith.addf %mul3A_1767, %get3A_1758 : vector<16xf32>
        %mul3A_1769 = arith.mulf %add3A_1768, %add3A_1768 : vector<16xf32>
        %mul3A_1770 = arith.constant 0.00833333377 : f32
        %mul3A_1771 = vector.broadcast %mul3A_1770 : f32 to vector<16xf32>
        %mul3A_1772 = arith.mulf %mul3A_1769, %mul3A_1771 : vector<16xf32>
        %add3A_1773 = arith.constant -0.166666672 : f32
        %add3A_1774 = vector.broadcast %add3A_1773 : f32 to vector<16xf32>
        %add3A_1775 = arith.addf %add3A_1774, %mul3A_1772 : vector<16xf32>
        %mul3A_1776 = arith.mulf %mul3A_1769, %add3A_1775 : vector<16xf32>
        %add3A_1777 = arith.constant 1.000000e+00 : f32
        %add3A_1778 = vector.broadcast %add3A_1777 : f32 to vector<16xf32>
        %add3A_1779 = arith.addf %add3A_1778, %mul3A_1776 : vector<16xf32>
        %mul3A_1780 = arith.mulf %add3A_1768, %add3A_1779 : vector<16xf32>
        %mul3A_1781 = arith.mulf %get3A_1765, %mul3A_1780 : vector<16xf32>
        %add3A_1782 = arith.addf %add3A_1744, %mul3A_1781 : vector<16xf32>
        %add3A_1783 = arith.constant 16 : i32
        %add3A_1784 = arith.addi %reduce_sum3A_877, %add3A_1783 : i32
        %get3A_1785 = arith.constant 5 : i32
        %get3A_1786 = arith.index_cast %get3A_1785 : i32 to index
        %get3A_1787 = arith.index_cast %scan3A_850 : i32 to index
        %get3A_1788 = arith.index_cast %add3A_1784 : i32 to index
        %get3A_1789 = tpu.vector_load %arg35[%get3A_1786, %get3A_1787, %get3A_1788] {strides = array<i32>} : memref<40x16x128xf32, #tpu.memory_space<vmem>>, vector<16xf32>,
        %add3A_1790 = arith.constant 16 : i32
        %add3A_1791 = arith.addi %reduce_sum3A_877, %add3A_1790 : i32
        %get3A_1792 = arith.constant 6 : i32
        %get3A_1793 = arith.index_cast %get3A_1792 : i32 to index
        %get3A_1794 = arith.index_cast %scan3A_850 : i32 to index
        %get3A_1795 = arith.index_cast %add3A_1791 : i32 to index
        %get3A_1796 = tpu.vector_load %arg35[%get3A_1793, %get3A_1794, %get3A_1795] {strides = array<i32>} : memref<40x16x128xf32, #tpu.memory_space<vmem>>, vector<16xf32>,
        %add3A_1797 = arith.constant 16 : i32
        %add3A_1798 = arith.addi %reduce_sum3A_877, %add3A_1797 : i32
        %get3A_1799 = arith.constant 7 : i32
        %get3A_1800 = arith.index_cast %get3A_1799 : i32 to index
        %get3A_1801 = arith.index_cast %scan3A_850 : i32 to index
        %get3A_1802 = arith.index_cast %add3A_1798 : i32 to index
        %get3A_1803 = tpu.vector_load %arg35[%get3A_1800, %get3A_1801, %get3A_1802] {strides = array<i32>} : memref<40x16x128xf32, #tpu.memory_space<vmem>>, vector<16xf32>,
        %mul3A_1804 = vector.broadcast %reduce_sum3A_856 : f32 to vector<16xf32>
        %mul3A_1805 = arith.mulf %get3A_1789, %mul3A_1804 : vector<16xf32>
        %add3A_1806 = arith.addf %mul3A_1805, %get3A_1796 : vector<16xf32>
        %mul3A_1807 = arith.mulf %add3A_1806, %add3A_1806 : vector<16xf32>
        %mul3A_1808 = arith.constant 0.00833333377 : f32
        %mul3A_1809 = vector.broadcast %mul3A_1808 : f32 to vector<16xf32>
        %mul3A_1810 = arith.mulf %mul3A_1807, %mul3A_1809 : vector<16xf32>
        %add3A_1811 = arith.constant -0.166666672 : f32
        %add3A_1812 = vector.broadcast %add3A_1811 : f32 to vector<16xf32>
        %add3A_1813 = arith.addf %add3A_1812, %mul3A_1810 : vector<16xf32>
        %mul3A_1814 = arith.mulf %mul3A_1807, %add3A_1813 : vector<16xf32>
        %add3A_1815 = arith.constant 1.000000e+00 : f32
        %add3A_1816 = vector.broadcast %add3A_1815 : f32 to vector<16xf32>
        %add3A_1817 = arith.addf %add3A_1816, %mul3A_1814 : vector<16xf32>
        %mul3A_1818 = arith.mulf %add3A_1806, %add3A_1817 : vector<16xf32>
        %mul3A_1819 = arith.mulf %get3A_1803, %mul3A_1818 : vector<16xf32>
        %add3A_1820 = arith.constant 16 : i32
        %add3A_1821 = arith.addi %reduce_sum3A_877, %add3A_1820 : i32
        %get3A_1822 = arith.constant 11 : i32
        %get3A_1823 = arith.index_cast %get3A_1822 : i32 to index
        %get3A_1824 = arith.index_cast %scan3A_850 : i32 to index
        %get3A_1825 = arith.index_cast %add3A_1821 : i32 to index
        %get3A_1826 = tpu.vector_load %arg35[%get3A_1823, %get3A_1824, %get3A_1825] {strides = array<i32>} : memref<40x16x128xf32, #tpu.memory_space<vmem>>, vector<16xf32>,
        %add3A_1827 = arith.constant 16 : i32
        %add3A_1828 = arith.addi %reduce_sum3A_877, %add3A_1827 : i32
        %get3A_1829 = arith.constant 12 : i32
        %get3A_1830 = arith.index_cast %get3A_1829 : i32 to index
        %get3A_1831 = arith.index_cast %scan3A_850 : i32 to index
        %get3A_1832 = arith.index_cast %add3A_1828 : i32 to index
        %get3A_1833 = tpu.vector_load %arg35[%get3A_1830, %get3A_1831, %get3A_1832] {strides = array<i32>} : memref<40x16x128xf32, #tpu.memory_space<vmem>>, vector<16xf32>,
        %add3A_1834 = arith.constant 16 : i32
        %add3A_1835 = arith.addi %reduce_sum3A_877, %add3A_1834 : i32
        %get3A_1836 = arith.constant 13 : i32
        %get3A_1837 = arith.index_cast %get3A_1836 : i32 to index
        %get3A_1838 = arith.index_cast %scan3A_850 : i32 to index
        %get3A_1839 = arith.index_cast %add3A_1835 : i32 to index
        %get3A_1840 = tpu.vector_load %arg35[%get3A_1837, %get3A_1838, %get3A_1839] {strides = array<i32>} : memref<40x16x128xf32, #tpu.memory_space<vmem>>, vector<16xf32>,
        %mul3A_1841 = vector.broadcast %reduce_sum3A_863 : f32 to vector<16xf32>
        %mul3A_1842 = arith.mulf %get3A_1826, %mul3A_1841 : vector<16xf32>
        %add3A_1843 = arith.addf %mul3A_1842, %get3A_1833 : vector<16xf32>
        %mul3A_1844 = arith.mulf %add3A_1843, %add3A_1843 : vector<16xf32>
        %mul3A_1845 = arith.constant 0.00833333377 : f32
        %mul3A_1846 = vector.broadcast %mul3A_1845 : f32 to vector<16xf32>
        %mul3A_1847 = arith.mulf %mul3A_1844, %mul3A_1846 : vector<16xf32>
        %add3A_1848 = arith.constant -0.166666672 : f32
        %add3A_1849 = vector.broadcast %add3A_1848 : f32 to vector<16xf32>
        %add3A_1850 = arith.addf %add3A_1849, %mul3A_1847 : vector<16xf32>
        %mul3A_1851 = arith.mulf %mul3A_1844, %add3A_1850 : vector<16xf32>
        %add3A_1852 = arith.constant 1.000000e+00 : f32
        %add3A_1853 = vector.broadcast %add3A_1852 : f32 to vector<16xf32>
        %add3A_1854 = arith.addf %add3A_1853, %mul3A_1851 : vector<16xf32>
        %mul3A_1855 = arith.mulf %add3A_1843, %add3A_1854 : vector<16xf32>
        %mul3A_1856 = arith.mulf %get3A_1840, %mul3A_1855 : vector<16xf32>
        %add3A_1857 = arith.addf %mul3A_1819, %mul3A_1856 : vector<16xf32>
        %add3A_1858 = arith.constant 16 : i32
        %add3A_1859 = arith.addi %reduce_sum3A_877, %add3A_1858 : i32
        %get3A_1860 = arith.constant 17 : i32
        %get3A_1861 = arith.index_cast %get3A_1860 : i32 to index
        %get3A_1862 = arith.index_cast %scan3A_850 : i32 to index
        %get3A_1863 = arith.index_cast %add3A_1859 : i32 to index
        %get3A_1864 = tpu.vector_load %arg35[%get3A_1861, %get3A_1862, %get3A_1863] {strides = array<i32>} : memref<40x16x128xf32, #tpu.memory_space<vmem>>, vector<16xf32>,
        %add3A_1865 = arith.constant 16 : i32
        %add3A_1866 = arith.addi %reduce_sum3A_877, %add3A_1865 : i32
        %get3A_1867 = arith.constant 18 : i32
        %get3A_1868 = arith.index_cast %get3A_1867 : i32 to index
        %get3A_1869 = arith.index_cast %scan3A_850 : i32 to index
        %get3A_1870 = arith.index_cast %add3A_1866 : i32 to index
        %get3A_1871 = tpu.vector_load %arg35[%get3A_1868, %get3A_1869, %get3A_1870] {strides = array<i32>} : memref<40x16x128xf32, #tpu.memory_space<vmem>>, vector<16xf32>,
        %add3A_1872 = arith.constant 16 : i32
        %add3A_1873 = arith.addi %reduce_sum3A_877, %add3A_1872 : i32
        %get3A_1874 = arith.constant 19 : i32
        %get3A_1875 = arith.index_cast %get3A_1874 : i32 to index
        %get3A_1876 = arith.index_cast %scan3A_850 : i32 to index
        %get3A_1877 = arith.index_cast %add3A_1873 : i32 to index
        %get3A_1878 = tpu.vector_load %arg35[%get3A_1875, %get3A_1876, %get3A_1877] {strides = array<i32>} : memref<40x16x128xf32, #tpu.memory_space<vmem>>, vector<16xf32>,
        %mul3A_1879 = vector.broadcast %reduce_sum3A_870 : f32 to vector<16xf32>
        %mul3A_1880 = arith.mulf %get3A_1864, %mul3A_1879 : vector<16xf32>
        %add3A_1881 = arith.addf %mul3A_1880, %get3A_1871 : vector<16xf32>
        %mul3A_1882 = arith.mulf %add3A_1881, %add3A_1881 : vector<16xf32>
        %mul3A_1883 = arith.constant 0.00833333377 : f32
        %mul3A_1884 = vector.broadcast %mul3A_1883 : f32 to vector<16xf32>
        %mul3A_1885 = arith.mulf %mul3A_1882, %mul3A_1884 : vector<16xf32>
        %add3A_1886 = arith.constant -0.166666672 : f32
        %add3A_1887 = vector.broadcast %add3A_1886 : f32 to vector<16xf32>
        %add3A_1888 = arith.addf %add3A_1887, %mul3A_1885 : vector<16xf32>
        %mul3A_1889 = arith.mulf %mul3A_1882, %add3A_1888 : vector<16xf32>
        %add3A_1890 = arith.constant 1.000000e+00 : f32
        %add3A_1891 = vector.broadcast %add3A_1890 : f32 to vector<16xf32>
        %add3A_1892 = arith.addf %add3A_1891, %mul3A_1889 : vector<16xf32>
        %mul3A_1893 = arith.mulf %add3A_1881, %add3A_1892 : vector<16xf32>
        %mul3A_1894 = arith.mulf %get3A_1878, %mul3A_1893 : vector<16xf32>
        %add3A_1895 = arith.addf %add3A_1857, %mul3A_1894 : vector<16xf32>
        %mul3A_1896 = arith.mulf %get3A_1402, %get3A_1428 : vector<16xf32>
        %mul3A_1897 = arith.mulf %mul3A_1896, %get3A_1423 : vector<16xf32>
        %mul3A_1898 = arith.mulf %add3A_1556, %get3A_1433 : vector<16xf32>
        %mul3A_1899 = arith.mulf %mul3A_1898, %add3A_1669 : vector<16xf32>
        %add3A_1900 = arith.addf %mul3A_1897, %mul3A_1899 : vector<16xf32>
        %mul3A_1901 = arith.mulf %get3A_1416, %get3A_1438 : vector<16xf32>
        %mul3A_1902 = arith.mulf %mul3A_1901, %get3A_1409 : vector<16xf32>
        %add3A_1903 = arith.addf %add3A_1900, %mul3A_1902 : vector<16xf32>
        %mul3A_1904 = arith.mulf %add3A_1782, %get3A_1443 : vector<16xf32>
        %mul3A_1905 = arith.mulf %mul3A_1904, %add3A_1895 : vector<16xf32>
        %add3A_1906 = arith.addf %add3A_1903, %mul3A_1905 : vector<16xf32>
        %add3A_1907 = arith.addf %add3A_1395, %add3A_1906 : vector<16xf32>
        %add3A_1908 = arith.constant 32 : i32
        %add3A_1909 = arith.addi %reduce_sum3A_877, %add3A_1908 : i32
        %get3A_1910 = arith.constant 0 : i32
        %get3A_1911 = arith.index_cast %get3A_1910 : i32 to index
        %get3A_1912 = arith.index_cast %scan3A_850 : i32 to index
        %get3A_1913 = arith.index_cast %add3A_1909 : i32 to index
        %get3A_1914 = tpu.vector_load %arg35[%get3A_1911, %get3A_1912, %get3A_1913] {strides = array<i32>} : memref<40x16x128xf32, #tpu.memory_space<vmem>>, vector<16xf32>,
        %add3A_1915 = arith.constant 32 : i32
        %add3A_1916 = arith.addi %reduce_sum3A_877, %add3A_1915 : i32
        %get3A_1917 = arith.constant 1 : i32
        %get3A_1918 = arith.index_cast %get3A_1917 : i32 to index
        %get3A_1919 = arith.index_cast %scan3A_850 : i32 to index
        %get3A_1920 = arith.index_cast %add3A_1916 : i32 to index
        %get3A_1921 = tpu.vector_load %arg35[%get3A_1918, %get3A_1919, %get3A_1920] {strides = array<i32>} : memref<40x16x128xf32, #tpu.memory_space<vmem>>, vector<16xf32>,
        %add3A_1922 = arith.constant 32 : i32
        %add3A_1923 = arith.addi %reduce_sum3A_884, %add3A_1922 : i32
        %get3A_1924 = arith.constant 20 : i32
        %get3A_1925 = arith.index_cast %get3A_1924 : i32 to index
        %get3A_1926 = arith.index_cast %scan3A_850 : i32 to index
        %get3A_1927 = arith.index_cast %add3A_1923 : i32 to index
        %get3A_1928 = tpu.vector_load %arg35[%get3A_1925, %get3A_1926, %get3A_1927] {strides = array<i32>} : memref<40x16x128xf32, #tpu.memory_space<vmem>>, vector<16xf32>,
        %add3A_1929 = arith.constant 32 : i32
        %add3A_1930 = arith.addi %reduce_sum3A_884, %add3A_1929 : i32
        %get3A_1931 = arith.constant 21 : i32
        %get3A_1932 = arith.index_cast %get3A_1931 : i32 to index
        %get3A_1933 = arith.index_cast %scan3A_850 : i32 to index
        %get3A_1934 = arith.index_cast %add3A_1930 : i32 to index
        %get3A_1935 = tpu.vector_load %arg35[%get3A_1932, %get3A_1933, %get3A_1934] {strides = array<i32>} : memref<40x16x128xf32, #tpu.memory_space<vmem>>, vector<16xf32>,
        %get3A_1936 = arith.constant 0 : i32
        %get3A_1937 = arith.index_cast %get3A_1936 : i32 to index
        %get3A_1938 = arith.index_cast %scan3A_850 : i32 to index
        %get3A_1939 = arith.constant 32 : index
        %get3A_1940 = tpu.vector_load %arg36[%get3A_1937, %get3A_1938, %get3A_1939] {strides = array<i32>} : memref<2x16x128xf32, #tpu.memory_space<vmem>>, vector<16xf32>,
        %get3A_1941 = arith.constant 0 : i32
        %get3A_1942 = arith.index_cast %get3A_1941 : i32 to index
        %get3A_1943 = arith.index_cast %scan3A_850 : i32 to index
        %get3A_1944 = arith.constant 96 : index
        %get3A_1945 = tpu.vector_load %arg36[%get3A_1942, %get3A_1943, %get3A_1944] {strides = array<i32>} : memref<2x16x128xf32, #tpu.memory_space<vmem>>, vector<16xf32>,
        %get3A_1946 = arith.constant 1 : i32
        %get3A_1947 = arith.index_cast %get3A_1946 : i32 to index
        %get3A_1948 = arith.index_cast %scan3A_850 : i32 to index
        %get3A_1949 = arith.constant 32 : index
        %get3A_1950 = tpu.vector_load %arg36[%get3A_1947, %get3A_1948, %get3A_1949] {strides = array<i32>} : memref<2x16x128xf32, #tpu.memory_space<vmem>>, vector<16xf32>,
        %get3A_1951 = arith.constant 1 : i32
        %get3A_1952 = arith.index_cast %get3A_1951 : i32 to index
        %get3A_1953 = arith.index_cast %scan3A_850 : i32 to index
        %get3A_1954 = arith.constant 96 : index
        %get3A_1955 = tpu.vector_load %arg36[%get3A_1952, %get3A_1953, %get3A_1954] {strides = array<i32>} : memref<2x16x128xf32, #tpu.memory_space<vmem>>, vector<16xf32>,
        %add3A_1956 = arith.constant 32 : i32
        %add3A_1957 = arith.addi %reduce_sum3A_877, %add3A_1956 : i32
        %get3A_1958 = arith.constant 2 : i32
        %get3A_1959 = arith.index_cast %get3A_1958 : i32 to index
        %get3A_1960 = arith.index_cast %scan3A_850 : i32 to index
        %get3A_1961 = arith.index_cast %add3A_1957 : i32 to index
        %get3A_1962 = tpu.vector_load %arg35[%get3A_1959, %get3A_1960, %get3A_1961] {strides = array<i32>} : memref<40x16x128xf32, #tpu.memory_space<vmem>>, vector<16xf32>,
        %add3A_1963 = arith.constant 32 : i32
        %add3A_1964 = arith.addi %reduce_sum3A_877, %add3A_1963 : i32
        %get3A_1965 = arith.constant 3 : i32
        %get3A_1966 = arith.index_cast %get3A_1965 : i32 to index
        %get3A_1967 = arith.index_cast %scan3A_850 : i32 to index
        %get3A_1968 = arith.index_cast %add3A_1964 : i32 to index
        %get3A_1969 = tpu.vector_load %arg35[%get3A_1966, %get3A_1967, %get3A_1968] {strides = array<i32>} : memref<40x16x128xf32, #tpu.memory_space<vmem>>, vector<16xf32>,
        %add3A_1970 = arith.constant 32 : i32
        %add3A_1971 = arith.addi %reduce_sum3A_877, %add3A_1970 : i32
        %get3A_1972 = arith.constant 4 : i32
        %get3A_1973 = arith.index_cast %get3A_1972 : i32 to index
        %get3A_1974 = arith.index_cast %scan3A_850 : i32 to index
        %get3A_1975 = arith.index_cast %add3A_1971 : i32 to index
        %get3A_1976 = tpu.vector_load %arg35[%get3A_1973, %get3A_1974, %get3A_1975] {strides = array<i32>} : memref<40x16x128xf32, #tpu.memory_space<vmem>>, vector<16xf32>,
        %mul3A_1977 = vector.broadcast %reduce_sum3A_856 : f32 to vector<16xf32>
        %mul3A_1978 = arith.mulf %get3A_1962, %mul3A_1977 : vector<16xf32>
        %add3A_1979 = arith.addf %mul3A_1978, %get3A_1969 : vector<16xf32>
        %mul3A_1980 = arith.mulf %add3A_1979, %add3A_1979 : vector<16xf32>
        %mul3A_1981 = arith.constant 0.00833333377 : f32
        %mul3A_1982 = vector.broadcast %mul3A_1981 : f32 to vector<16xf32>
        %mul3A_1983 = arith.mulf %mul3A_1980, %mul3A_1982 : vector<16xf32>
        %add3A_1984 = arith.constant -0.166666672 : f32
        %add3A_1985 = vector.broadcast %add3A_1984 : f32 to vector<16xf32>
        %add3A_1986 = arith.addf %add3A_1985, %mul3A_1983 : vector<16xf32>
        %mul3A_1987 = arith.mulf %mul3A_1980, %add3A_1986 : vector<16xf32>
        %add3A_1988 = arith.constant 1.000000e+00 : f32
        %add3A_1989 = vector.broadcast %add3A_1988 : f32 to vector<16xf32>
        %add3A_1990 = arith.addf %add3A_1989, %mul3A_1987 : vector<16xf32>
        %mul3A_1991 = arith.mulf %add3A_1979, %add3A_1990 : vector<16xf32>
        %mul3A_1992 = arith.mulf %get3A_1976, %mul3A_1991 : vector<16xf32>
        %add3A_1993 = arith.constant 32 : i32
        %add3A_1994 = arith.addi %reduce_sum3A_877, %add3A_1993 : i32
        %get3A_1995 = arith.constant 8 : i32
        %get3A_1996 = arith.index_cast %get3A_1995 : i32 to index
        %get3A_1997 = arith.index_cast %scan3A_850 : i32 to index
        %get3A_1998 = arith.index_cast %add3A_1994 : i32 to index
        %get3A_1999 = tpu.vector_load %arg35[%get3A_1996, %get3A_1997, %get3A_1998] {strides = array<i32>} : memref<40x16x128xf32, #tpu.memory_space<vmem>>, vector<16xf32>,
        %add3A_2000 = arith.constant 32 : i32
        %add3A_2001 = arith.addi %reduce_sum3A_877, %add3A_2000 : i32
        %get3A_2002 = arith.constant 9 : i32
        %get3A_2003 = arith.index_cast %get3A_2002 : i32 to index
        %get3A_2004 = arith.index_cast %scan3A_850 : i32 to index
        %get3A_2005 = arith.index_cast %add3A_2001 : i32 to index
        %get3A_2006 = tpu.vector_load %arg35[%get3A_2003, %get3A_2004, %get3A_2005] {strides = array<i32>} : memref<40x16x128xf32, #tpu.memory_space<vmem>>, vector<16xf32>,
        %add3A_2007 = arith.constant 32 : i32
        %add3A_2008 = arith.addi %reduce_sum3A_877, %add3A_2007 : i32
        %get3A_2009 = arith.constant 10 : i32
        %get3A_2010 = arith.index_cast %get3A_2009 : i32 to index
        %get3A_2011 = arith.index_cast %scan3A_850 : i32 to index
        %get3A_2012 = arith.index_cast %add3A_2008 : i32 to index
        %get3A_2013 = tpu.vector_load %arg35[%get3A_2010, %get3A_2011, %get3A_2012] {strides = array<i32>} : memref<40x16x128xf32, #tpu.memory_space<vmem>>, vector<16xf32>,
        %mul3A_2014 = vector.broadcast %reduce_sum3A_863 : f32 to vector<16xf32>
        %mul3A_2015 = arith.mulf %get3A_1999, %mul3A_2014 : vector<16xf32>
        %add3A_2016 = arith.addf %mul3A_2015, %get3A_2006 : vector<16xf32>
        %mul3A_2017 = arith.mulf %add3A_2016, %add3A_2016 : vector<16xf32>
        %mul3A_2018 = arith.constant 0.00833333377 : f32
        %mul3A_2019 = vector.broadcast %mul3A_2018 : f32 to vector<16xf32>
        %mul3A_2020 = arith.mulf %mul3A_2017, %mul3A_2019 : vector<16xf32>
        %add3A_2021 = arith.constant -0.166666672 : f32
        %add3A_2022 = vector.broadcast %add3A_2021 : f32 to vector<16xf32>
        %add3A_2023 = arith.addf %add3A_2022, %mul3A_2020 : vector<16xf32>
        %mul3A_2024 = arith.mulf %mul3A_2017, %add3A_2023 : vector<16xf32>
        %add3A_2025 = arith.constant 1.000000e+00 : f32
        %add3A_2026 = vector.broadcast %add3A_2025 : f32 to vector<16xf32>
        %add3A_2027 = arith.addf %add3A_2026, %mul3A_2024 : vector<16xf32>
        %mul3A_2028 = arith.mulf %add3A_2016, %add3A_2027 : vector<16xf32>
        %mul3A_2029 = arith.mulf %get3A_2013, %mul3A_2028 : vector<16xf32>
        %add3A_2030 = arith.addf %mul3A_1992, %mul3A_2029 : vector<16xf32>
        %add3A_2031 = arith.constant 32 : i32
        %add3A_2032 = arith.addi %reduce_sum3A_877, %add3A_2031 : i32
        %get3A_2033 = arith.constant 14 : i32
        %get3A_2034 = arith.index_cast %get3A_2033 : i32 to index
        %get3A_2035 = arith.index_cast %scan3A_850 : i32 to index
        %get3A_2036 = arith.index_cast %add3A_2032 : i32 to index
        %get3A_2037 = tpu.vector_load %arg35[%get3A_2034, %get3A_2035, %get3A_2036] {strides = array<i32>} : memref<40x16x128xf32, #tpu.memory_space<vmem>>, vector<16xf32>,
        %add3A_2038 = arith.constant 32 : i32
        %add3A_2039 = arith.addi %reduce_sum3A_877, %add3A_2038 : i32
        %get3A_2040 = arith.constant 15 : i32
        %get3A_2041 = arith.index_cast %get3A_2040 : i32 to index
        %get3A_2042 = arith.index_cast %scan3A_850 : i32 to index
        %get3A_2043 = arith.index_cast %add3A_2039 : i32 to index
        %get3A_2044 = tpu.vector_load %arg35[%get3A_2041, %get3A_2042, %get3A_2043] {strides = array<i32>} : memref<40x16x128xf32, #tpu.memory_space<vmem>>, vector<16xf32>,
        %add3A_2045 = arith.constant 32 : i32
        %add3A_2046 = arith.addi %reduce_sum3A_877, %add3A_2045 : i32
        %get3A_2047 = arith.constant 16 : i32
        %get3A_2048 = arith.index_cast %get3A_2047 : i32 to index
        %get3A_2049 = arith.index_cast %scan3A_850 : i32 to index
        %get3A_2050 = arith.index_cast %add3A_2046 : i32 to index
        %get3A_2051 = tpu.vector_load %arg35[%get3A_2048, %get3A_2049, %get3A_2050] {strides = array<i32>} : memref<40x16x128xf32, #tpu.memory_space<vmem>>, vector<16xf32>,
        %mul3A_2052 = vector.broadcast %reduce_sum3A_870 : f32 to vector<16xf32>
        %mul3A_2053 = arith.mulf %get3A_2037, %mul3A_2052 : vector<16xf32>
        %add3A_2054 = arith.addf %mul3A_2053, %get3A_2044 : vector<16xf32>
        %mul3A_2055 = arith.mulf %add3A_2054, %add3A_2054 : vector<16xf32>
        %mul3A_2056 = arith.constant 0.00833333377 : f32
        %mul3A_2057 = vector.broadcast %mul3A_2056 : f32 to vector<16xf32>
        %mul3A_2058 = arith.mulf %mul3A_2055, %mul3A_2057 : vector<16xf32>
        %add3A_2059 = arith.constant -0.166666672 : f32
        %add3A_2060 = vector.broadcast %add3A_2059 : f32 to vector<16xf32>
        %add3A_2061 = arith.addf %add3A_2060, %mul3A_2058 : vector<16xf32>
        %mul3A_2062 = arith.mulf %mul3A_2055, %add3A_2061 : vector<16xf32>
        %add3A_2063 = arith.constant 1.000000e+00 : f32
        %add3A_2064 = vector.broadcast %add3A_2063 : f32 to vector<16xf32>
        %add3A_2065 = arith.addf %add3A_2064, %mul3A_2062 : vector<16xf32>
        %mul3A_2066 = arith.mulf %add3A_2054, %add3A_2065 : vector<16xf32>
        %mul3A_2067 = arith.mulf %get3A_2051, %mul3A_2066 : vector<16xf32>
        %add3A_2068 = arith.addf %add3A_2030, %mul3A_2067 : vector<16xf32>
        %add3A_2069 = arith.constant 32 : i32
        %add3A_2070 = arith.addi %reduce_sum3A_884, %add3A_2069 : i32
        %get3A_2071 = arith.constant 25 : i32
        %get3A_2072 = arith.index_cast %get3A_2071 : i32 to index
        %get3A_2073 = arith.index_cast %scan3A_850 : i32 to index
        %get3A_2074 = arith.index_cast %add3A_2070 : i32 to index
        %get3A_2075 = tpu.vector_load %arg35[%get3A_2072, %get3A_2073, %get3A_2074] {strides = array<i32>} : memref<40x16x128xf32, #tpu.memory_space<vmem>>, vector<16xf32>,
        %add3A_2076 = arith.constant 32 : i32
        %add3A_2077 = arith.addi %reduce_sum3A_884, %add3A_2076 : i32
        %get3A_2078 = arith.constant 26 : i32
        %get3A_2079 = arith.index_cast %get3A_2078 : i32 to index
        %get3A_2080 = arith.index_cast %scan3A_850 : i32 to index
        %get3A_2081 = arith.index_cast %add3A_2077 : i32 to index
        %get3A_2082 = tpu.vector_load %arg35[%get3A_2079, %get3A_2080, %get3A_2081] {strides = array<i32>} : memref<40x16x128xf32, #tpu.memory_space<vmem>>, vector<16xf32>,
        %add3A_2083 = arith.constant 32 : i32
        %add3A_2084 = arith.addi %reduce_sum3A_884, %add3A_2083 : i32
        %get3A_2085 = arith.constant 27 : i32
        %get3A_2086 = arith.index_cast %get3A_2085 : i32 to index
        %get3A_2087 = arith.index_cast %scan3A_850 : i32 to index
        %get3A_2088 = arith.index_cast %add3A_2084 : i32 to index
        %get3A_2089 = tpu.vector_load %arg35[%get3A_2086, %get3A_2087, %get3A_2088] {strides = array<i32>} : memref<40x16x128xf32, #tpu.memory_space<vmem>>, vector<16xf32>,
        %mul3A_2090 = vector.broadcast %reduce_sum3A_856 : f32 to vector<16xf32>
        %mul3A_2091 = arith.mulf %get3A_2075, %mul3A_2090 : vector<16xf32>
        %add3A_2092 = arith.addf %mul3A_2091, %get3A_2082 : vector<16xf32>
        %mul3A_2093 = arith.mulf %add3A_2092, %add3A_2092 : vector<16xf32>
        %mul3A_2094 = arith.constant 0.00833333377 : f32
        %mul3A_2095 = vector.broadcast %mul3A_2094 : f32 to vector<16xf32>
        %mul3A_2096 = arith.mulf %mul3A_2093, %mul3A_2095 : vector<16xf32>
        %add3A_2097 = arith.constant -0.166666672 : f32
        %add3A_2098 = vector.broadcast %add3A_2097 : f32 to vector<16xf32>
        %add3A_2099 = arith.addf %add3A_2098, %mul3A_2096 : vector<16xf32>
        %mul3A_2100 = arith.mulf %mul3A_2093, %add3A_2099 : vector<16xf32>
        %add3A_2101 = arith.constant 1.000000e+00 : f32
        %add3A_2102 = vector.broadcast %add3A_2101 : f32 to vector<16xf32>
        %add3A_2103 = arith.addf %add3A_2102, %mul3A_2100 : vector<16xf32>
        %mul3A_2104 = arith.mulf %add3A_2092, %add3A_2103 : vector<16xf32>
        %mul3A_2105 = arith.mulf %get3A_2089, %mul3A_2104 : vector<16xf32>
        %add3A_2106 = arith.constant 32 : i32
        %add3A_2107 = arith.addi %reduce_sum3A_884, %add3A_2106 : i32
        %get3A_2108 = arith.constant 31 : i32
        %get3A_2109 = arith.index_cast %get3A_2108 : i32 to index
        %get3A_2110 = arith.index_cast %scan3A_850 : i32 to index
        %get3A_2111 = arith.index_cast %add3A_2107 : i32 to index
        %get3A_2112 = tpu.vector_load %arg35[%get3A_2109, %get3A_2110, %get3A_2111] {strides = array<i32>} : memref<40x16x128xf32, #tpu.memory_space<vmem>>, vector<16xf32>,
        %add3A_2113 = arith.constant 32 : i32
        %add3A_2114 = arith.addi %reduce_sum3A_884, %add3A_2113 : i32
        %get3A_2115 = arith.constant 32 : i32
        %get3A_2116 = arith.index_cast %get3A_2115 : i32 to index
        %get3A_2117 = arith.index_cast %scan3A_850 : i32 to index
        %get3A_2118 = arith.index_cast %add3A_2114 : i32 to index
        %get3A_2119 = tpu.vector_load %arg35[%get3A_2116, %get3A_2117, %get3A_2118] {strides = array<i32>} : memref<40x16x128xf32, #tpu.memory_space<vmem>>, vector<16xf32>,
        %add3A_2120 = arith.constant 32 : i32
        %add3A_2121 = arith.addi %reduce_sum3A_884, %add3A_2120 : i32
        %get3A_2122 = arith.constant 33 : i32
        %get3A_2123 = arith.index_cast %get3A_2122 : i32 to index
        %get3A_2124 = arith.index_cast %scan3A_850 : i32 to index
        %get3A_2125 = arith.index_cast %add3A_2121 : i32 to index
        %get3A_2126 = tpu.vector_load %arg35[%get3A_2123, %get3A_2124, %get3A_2125] {strides = array<i32>} : memref<40x16x128xf32, #tpu.memory_space<vmem>>, vector<16xf32>,
        %mul3A_2127 = vector.broadcast %reduce_sum3A_863 : f32 to vector<16xf32>
        %mul3A_2128 = arith.mulf %get3A_2112, %mul3A_2127 : vector<16xf32>
        %add3A_2129 = arith.addf %mul3A_2128, %get3A_2119 : vector<16xf32>
        %mul3A_2130 = arith.mulf %add3A_2129, %add3A_2129 : vector<16xf32>
        %mul3A_2131 = arith.constant 0.00833333377 : f32
        %mul3A_2132 = vector.broadcast %mul3A_2131 : f32 to vector<16xf32>
        %mul3A_2133 = arith.mulf %mul3A_2130, %mul3A_2132 : vector<16xf32>
        %add3A_2134 = arith.constant -0.166666672 : f32
        %add3A_2135 = vector.broadcast %add3A_2134 : f32 to vector<16xf32>
        %add3A_2136 = arith.addf %add3A_2135, %mul3A_2133 : vector<16xf32>
        %mul3A_2137 = arith.mulf %mul3A_2130, %add3A_2136 : vector<16xf32>
        %add3A_2138 = arith.constant 1.000000e+00 : f32
        %add3A_2139 = vector.broadcast %add3A_2138 : f32 to vector<16xf32>
        %add3A_2140 = arith.addf %add3A_2139, %mul3A_2137 : vector<16xf32>
        %mul3A_2141 = arith.mulf %add3A_2129, %add3A_2140 : vector<16xf32>
        %mul3A_2142 = arith.mulf %get3A_2126, %mul3A_2141 : vector<16xf32>
        %add3A_2143 = arith.addf %mul3A_2105, %mul3A_2142 : vector<16xf32>
        %add3A_2144 = arith.constant 32 : i32
        %add3A_2145 = arith.addi %reduce_sum3A_884, %add3A_2144 : i32
        %get3A_2146 = arith.constant 37 : i32
        %get3A_2147 = arith.index_cast %get3A_2146 : i32 to index
        %get3A_2148 = arith.index_cast %scan3A_850 : i32 to index
        %get3A_2149 = arith.index_cast %add3A_2145 : i32 to index
        %get3A_2150 = tpu.vector_load %arg35[%get3A_2147, %get3A_2148, %get3A_2149] {strides = array<i32>} : memref<40x16x128xf32, #tpu.memory_space<vmem>>, vector<16xf32>,
        %add3A_2151 = arith.constant 32 : i32
        %add3A_2152 = arith.addi %reduce_sum3A_884, %add3A_2151 : i32
        %get3A_2153 = arith.constant 38 : i32
        %get3A_2154 = arith.index_cast %get3A_2153 : i32 to index
        %get3A_2155 = arith.index_cast %scan3A_850 : i32 to index
        %get3A_2156 = arith.index_cast %add3A_2152 : i32 to index
        %get3A_2157 = tpu.vector_load %arg35[%get3A_2154, %get3A_2155, %get3A_2156] {strides = array<i32>} : memref<40x16x128xf32, #tpu.memory_space<vmem>>, vector<16xf32>,
        %add3A_2158 = arith.constant 32 : i32
        %add3A_2159 = arith.addi %reduce_sum3A_884, %add3A_2158 : i32
        %get3A_2160 = arith.constant 39 : i32
        %get3A_2161 = arith.index_cast %get3A_2160 : i32 to index
        %get3A_2162 = arith.index_cast %scan3A_850 : i32 to index
        %get3A_2163 = arith.index_cast %add3A_2159 : i32 to index
        %get3A_2164 = tpu.vector_load %arg35[%get3A_2161, %get3A_2162, %get3A_2163] {strides = array<i32>} : memref<40x16x128xf32, #tpu.memory_space<vmem>>, vector<16xf32>,
        %mul3A_2165 = vector.broadcast %reduce_sum3A_870 : f32 to vector<16xf32>
        %mul3A_2166 = arith.mulf %get3A_2150, %mul3A_2165 : vector<16xf32>
        %add3A_2167 = arith.addf %mul3A_2166, %get3A_2157 : vector<16xf32>
        %mul3A_2168 = arith.mulf %add3A_2167, %add3A_2167 : vector<16xf32>
        %mul3A_2169 = arith.constant 0.00833333377 : f32
        %mul3A_2170 = vector.broadcast %mul3A_2169 : f32 to vector<16xf32>
        %mul3A_2171 = arith.mulf %mul3A_2168, %mul3A_2170 : vector<16xf32>
        %add3A_2172 = arith.constant -0.166666672 : f32
        %add3A_2173 = vector.broadcast %add3A_2172 : f32 to vector<16xf32>
        %add3A_2174 = arith.addf %add3A_2173, %mul3A_2171 : vector<16xf32>
        %mul3A_2175 = arith.mulf %mul3A_2168, %add3A_2174 : vector<16xf32>
        %add3A_2176 = arith.constant 1.000000e+00 : f32
        %add3A_2177 = vector.broadcast %add3A_2176 : f32 to vector<16xf32>
        %add3A_2178 = arith.addf %add3A_2177, %mul3A_2175 : vector<16xf32>
        %mul3A_2179 = arith.mulf %add3A_2167, %add3A_2178 : vector<16xf32>
        %mul3A_2180 = arith.mulf %get3A_2164, %mul3A_2179 : vector<16xf32>
        %add3A_2181 = arith.addf %add3A_2143, %mul3A_2180 : vector<16xf32>
        %add3A_2182 = arith.constant 32 : i32
        %add3A_2183 = arith.addi %reduce_sum3A_884, %add3A_2182 : i32
        %get3A_2184 = arith.constant 22 : i32
        %get3A_2185 = arith.index_cast %get3A_2184 : i32 to index
        %get3A_2186 = arith.index_cast %scan3A_850 : i32 to index
        %get3A_2187 = arith.index_cast %add3A_2183 : i32 to index
        %get3A_2188 = tpu.vector_load %arg35[%get3A_2185, %get3A_2186, %get3A_2187] {strides = array<i32>} : memref<40x16x128xf32, #tpu.memory_space<vmem>>, vector<16xf32>,
        %add3A_2189 = arith.constant 32 : i32
        %add3A_2190 = arith.addi %reduce_sum3A_884, %add3A_2189 : i32
        %get3A_2191 = arith.constant 23 : i32
        %get3A_2192 = arith.index_cast %get3A_2191 : i32 to index
        %get3A_2193 = arith.index_cast %scan3A_850 : i32 to index
        %get3A_2194 = arith.index_cast %add3A_2190 : i32 to index
        %get3A_2195 = tpu.vector_load %arg35[%get3A_2192, %get3A_2193, %get3A_2194] {strides = array<i32>} : memref<40x16x128xf32, #tpu.memory_space<vmem>>, vector<16xf32>,
        %add3A_2196 = arith.constant 32 : i32
        %add3A_2197 = arith.addi %reduce_sum3A_884, %add3A_2196 : i32
        %get3A_2198 = arith.constant 24 : i32
        %get3A_2199 = arith.index_cast %get3A_2198 : i32 to index
        %get3A_2200 = arith.index_cast %scan3A_850 : i32 to index
        %get3A_2201 = arith.index_cast %add3A_2197 : i32 to index
        %get3A_2202 = tpu.vector_load %arg35[%get3A_2199, %get3A_2200, %get3A_2201] {strides = array<i32>} : memref<40x16x128xf32, #tpu.memory_space<vmem>>, vector<16xf32>,
        %mul3A_2203 = vector.broadcast %reduce_sum3A_856 : f32 to vector<16xf32>
        %mul3A_2204 = arith.mulf %get3A_2188, %mul3A_2203 : vector<16xf32>
        %add3A_2205 = arith.addf %mul3A_2204, %get3A_2195 : vector<16xf32>
        %mul3A_2206 = arith.mulf %add3A_2205, %add3A_2205 : vector<16xf32>
        %mul3A_2207 = arith.constant 0.00833333377 : f32
        %mul3A_2208 = vector.broadcast %mul3A_2207 : f32 to vector<16xf32>
        %mul3A_2209 = arith.mulf %mul3A_2206, %mul3A_2208 : vector<16xf32>
        %add3A_2210 = arith.constant -0.166666672 : f32
        %add3A_2211 = vector.broadcast %add3A_2210 : f32 to vector<16xf32>
        %add3A_2212 = arith.addf %add3A_2211, %mul3A_2209 : vector<16xf32>
        %mul3A_2213 = arith.mulf %mul3A_2206, %add3A_2212 : vector<16xf32>
        %add3A_2214 = arith.constant 1.000000e+00 : f32
        %add3A_2215 = vector.broadcast %add3A_2214 : f32 to vector<16xf32>
        %add3A_2216 = arith.addf %add3A_2215, %mul3A_2213 : vector<16xf32>
        %mul3A_2217 = arith.mulf %add3A_2205, %add3A_2216 : vector<16xf32>
        %mul3A_2218 = arith.mulf %get3A_2202, %mul3A_2217 : vector<16xf32>
        %add3A_2219 = arith.constant 32 : i32
        %add3A_2220 = arith.addi %reduce_sum3A_884, %add3A_2219 : i32
        %get3A_2221 = arith.constant 28 : i32
        %get3A_2222 = arith.index_cast %get3A_2221 : i32 to index
        %get3A_2223 = arith.index_cast %scan3A_850 : i32 to index
        %get3A_2224 = arith.index_cast %add3A_2220 : i32 to index
        %get3A_2225 = tpu.vector_load %arg35[%get3A_2222, %get3A_2223, %get3A_2224] {strides = array<i32>} : memref<40x16x128xf32, #tpu.memory_space<vmem>>, vector<16xf32>,
        %add3A_2226 = arith.constant 32 : i32
        %add3A_2227 = arith.addi %reduce_sum3A_884, %add3A_2226 : i32
        %get3A_2228 = arith.constant 29 : i32
        %get3A_2229 = arith.index_cast %get3A_2228 : i32 to index
        %get3A_2230 = arith.index_cast %scan3A_850 : i32 to index
        %get3A_2231 = arith.index_cast %add3A_2227 : i32 to index
        %get3A_2232 = tpu.vector_load %arg35[%get3A_2229, %get3A_2230, %get3A_2231] {strides = array<i32>} : memref<40x16x128xf32, #tpu.memory_space<vmem>>, vector<16xf32>,
        %add3A_2233 = arith.constant 32 : i32
        %add3A_2234 = arith.addi %reduce_sum3A_884, %add3A_2233 : i32
        %get3A_2235 = arith.constant 30 : i32
        %get3A_2236 = arith.index_cast %get3A_2235 : i32 to index
        %get3A_2237 = arith.index_cast %scan3A_850 : i32 to index
        %get3A_2238 = arith.index_cast %add3A_2234 : i32 to index
        %get3A_2239 = tpu.vector_load %arg35[%get3A_2236, %get3A_2237, %get3A_2238] {strides = array<i32>} : memref<40x16x128xf32, #tpu.memory_space<vmem>>, vector<16xf32>,
        %mul3A_2240 = vector.broadcast %reduce_sum3A_863 : f32 to vector<16xf32>
        %mul3A_2241 = arith.mulf %get3A_2225, %mul3A_2240 : vector<16xf32>
        %add3A_2242 = arith.addf %mul3A_2241, %get3A_2232 : vector<16xf32>
        %mul3A_2243 = arith.mulf %add3A_2242, %add3A_2242 : vector<16xf32>
        %mul3A_2244 = arith.constant 0.00833333377 : f32
        %mul3A_2245 = vector.broadcast %mul3A_2244 : f32 to vector<16xf32>
        %mul3A_2246 = arith.mulf %mul3A_2243, %mul3A_2245 : vector<16xf32>
        %add3A_2247 = arith.constant -0.166666672 : f32
        %add3A_2248 = vector.broadcast %add3A_2247 : f32 to vector<16xf32>
        %add3A_2249 = arith.addf %add3A_2248, %mul3A_2246 : vector<16xf32>
        %mul3A_2250 = arith.mulf %mul3A_2243, %add3A_2249 : vector<16xf32>
        %add3A_2251 = arith.constant 1.000000e+00 : f32
        %add3A_2252 = vector.broadcast %add3A_2251 : f32 to vector<16xf32>
        %add3A_2253 = arith.addf %add3A_2252, %mul3A_2250 : vector<16xf32>
        %mul3A_2254 = arith.mulf %add3A_2242, %add3A_2253 : vector<16xf32>
        %mul3A_2255 = arith.mulf %get3A_2239, %mul3A_2254 : vector<16xf32>
        %add3A_2256 = arith.addf %mul3A_2218, %mul3A_2255 : vector<16xf32>
        %add3A_2257 = arith.constant 32 : i32
        %add3A_2258 = arith.addi %reduce_sum3A_884, %add3A_2257 : i32
        %get3A_2259 = arith.constant 34 : i32
        %get3A_2260 = arith.index_cast %get3A_2259 : i32 to index
        %get3A_2261 = arith.index_cast %scan3A_850 : i32 to index
        %get3A_2262 = arith.index_cast %add3A_2258 : i32 to index
        %get3A_2263 = tpu.vector_load %arg35[%get3A_2260, %get3A_2261, %get3A_2262] {strides = array<i32>} : memref<40x16x128xf32, #tpu.memory_space<vmem>>, vector<16xf32>,
        %add3A_2264 = arith.constant 32 : i32
        %add3A_2265 = arith.addi %reduce_sum3A_884, %add3A_2264 : i32
        %get3A_2266 = arith.constant 35 : i32
        %get3A_2267 = arith.index_cast %get3A_2266 : i32 to index
        %get3A_2268 = arith.index_cast %scan3A_850 : i32 to index
        %get3A_2269 = arith.index_cast %add3A_2265 : i32 to index
        %get3A_2270 = tpu.vector_load %arg35[%get3A_2267, %get3A_2268, %get3A_2269] {strides = array<i32>} : memref<40x16x128xf32, #tpu.memory_space<vmem>>, vector<16xf32>,
        %add3A_2271 = arith.constant 32 : i32
        %add3A_2272 = arith.addi %reduce_sum3A_884, %add3A_2271 : i32
        %get3A_2273 = arith.constant 36 : i32
        %get3A_2274 = arith.index_cast %get3A_2273 : i32 to index
        %get3A_2275 = arith.index_cast %scan3A_850 : i32 to index
        %get3A_2276 = arith.index_cast %add3A_2272 : i32 to index
        %get3A_2277 = tpu.vector_load %arg35[%get3A_2274, %get3A_2275, %get3A_2276] {strides = array<i32>} : memref<40x16x128xf32, #tpu.memory_space<vmem>>, vector<16xf32>,
        %mul3A_2278 = vector.broadcast %reduce_sum3A_870 : f32 to vector<16xf32>
        %mul3A_2279 = arith.mulf %get3A_2263, %mul3A_2278 : vector<16xf32>
        %add3A_2280 = arith.addf %mul3A_2279, %get3A_2270 : vector<16xf32>
        %mul3A_2281 = arith.mulf %add3A_2280, %add3A_2280 : vector<16xf32>
        %mul3A_2282 = arith.constant 0.00833333377 : f32
        %mul3A_2283 = vector.broadcast %mul3A_2282 : f32 to vector<16xf32>
        %mul3A_2284 = arith.mulf %mul3A_2281, %mul3A_2283 : vector<16xf32>
        %add3A_2285 = arith.constant -0.166666672 : f32
        %add3A_2286 = vector.broadcast %add3A_2285 : f32 to vector<16xf32>
        %add3A_2287 = arith.addf %add3A_2286, %mul3A_2284 : vector<16xf32>
        %mul3A_2288 = arith.mulf %mul3A_2281, %add3A_2287 : vector<16xf32>
        %add3A_2289 = arith.constant 1.000000e+00 : f32
        %add3A_2290 = vector.broadcast %add3A_2289 : f32 to vector<16xf32>
        %add3A_2291 = arith.addf %add3A_2290, %mul3A_2288 : vector<16xf32>
        %mul3A_2292 = arith.mulf %add3A_2280, %add3A_2291 : vector<16xf32>
        %mul3A_2293 = arith.mulf %get3A_2277, %mul3A_2292 : vector<16xf32>
        %add3A_2294 = arith.addf %add3A_2256, %mul3A_2293 : vector<16xf32>
        %add3A_2295 = arith.constant 32 : i32
        %add3A_2296 = arith.addi %reduce_sum3A_877, %add3A_2295 : i32
        %get3A_2297 = arith.constant 5 : i32
        %get3A_2298 = arith.index_cast %get3A_2297 : i32 to index
        %get3A_2299 = arith.index_cast %scan3A_850 : i32 to index
        %get3A_2300 = arith.index_cast %add3A_2296 : i32 to index
        %get3A_2301 = tpu.vector_load %arg35[%get3A_2298, %get3A_2299, %get3A_2300] {strides = array<i32>} : memref<40x16x128xf32, #tpu.memory_space<vmem>>, vector<16xf32>,
        %add3A_2302 = arith.constant 32 : i32
        %add3A_2303 = arith.addi %reduce_sum3A_877, %add3A_2302 : i32
        %get3A_2304 = arith.constant 6 : i32
        %get3A_2305 = arith.index_cast %get3A_2304 : i32 to index
        %get3A_2306 = arith.index_cast %scan3A_850 : i32 to index
        %get3A_2307 = arith.index_cast %add3A_2303 : i32 to index
        %get3A_2308 = tpu.vector_load %arg35[%get3A_2305, %get3A_2306, %get3A_2307] {strides = array<i32>} : memref<40x16x128xf32, #tpu.memory_space<vmem>>, vector<16xf32>,
        %add3A_2309 = arith.constant 32 : i32
        %add3A_2310 = arith.addi %reduce_sum3A_877, %add3A_2309 : i32
        %get3A_2311 = arith.constant 7 : i32
        %get3A_2312 = arith.index_cast %get3A_2311 : i32 to index
        %get3A_2313 = arith.index_cast %scan3A_850 : i32 to index
        %get3A_2314 = arith.index_cast %add3A_2310 : i32 to index
        %get3A_2315 = tpu.vector_load %arg35[%get3A_2312, %get3A_2313, %get3A_2314] {strides = array<i32>} : memref<40x16x128xf32, #tpu.memory_space<vmem>>, vector<16xf32>,
        %mul3A_2316 = vector.broadcast %reduce_sum3A_856 : f32 to vector<16xf32>
        %mul3A_2317 = arith.mulf %get3A_2301, %mul3A_2316 : vector<16xf32>
        %add3A_2318 = arith.addf %mul3A_2317, %get3A_2308 : vector<16xf32>
        %mul3A_2319 = arith.mulf %add3A_2318, %add3A_2318 : vector<16xf32>
        %mul3A_2320 = arith.constant 0.00833333377 : f32
        %mul3A_2321 = vector.broadcast %mul3A_2320 : f32 to vector<16xf32>
        %mul3A_2322 = arith.mulf %mul3A_2319, %mul3A_2321 : vector<16xf32>
        %add3A_2323 = arith.constant -0.166666672 : f32
        %add3A_2324 = vector.broadcast %add3A_2323 : f32 to vector<16xf32>
        %add3A_2325 = arith.addf %add3A_2324, %mul3A_2322 : vector<16xf32>
        %mul3A_2326 = arith.mulf %mul3A_2319, %add3A_2325 : vector<16xf32>
        %add3A_2327 = arith.constant 1.000000e+00 : f32
        %add3A_2328 = vector.broadcast %add3A_2327 : f32 to vector<16xf32>
        %add3A_2329 = arith.addf %add3A_2328, %mul3A_2326 : vector<16xf32>
        %mul3A_2330 = arith.mulf %add3A_2318, %add3A_2329 : vector<16xf32>
        %mul3A_2331 = arith.mulf %get3A_2315, %mul3A_2330 : vector<16xf32>
        %add3A_2332 = arith.constant 32 : i32
        %add3A_2333 = arith.addi %reduce_sum3A_877, %add3A_2332 : i32
        %get3A_2334 = arith.constant 11 : i32
        %get3A_2335 = arith.index_cast %get3A_2334 : i32 to index
        %get3A_2336 = arith.index_cast %scan3A_850 : i32 to index
        %get3A_2337 = arith.index_cast %add3A_2333 : i32 to index
        %get3A_2338 = tpu.vector_load %arg35[%get3A_2335, %get3A_2336, %get3A_2337] {strides = array<i32>} : memref<40x16x128xf32, #tpu.memory_space<vmem>>, vector<16xf32>,
        %add3A_2339 = arith.constant 32 : i32
        %add3A_2340 = arith.addi %reduce_sum3A_877, %add3A_2339 : i32
        %get3A_2341 = arith.constant 12 : i32
        %get3A_2342 = arith.index_cast %get3A_2341 : i32 to index
        %get3A_2343 = arith.index_cast %scan3A_850 : i32 to index
        %get3A_2344 = arith.index_cast %add3A_2340 : i32 to index
        %get3A_2345 = tpu.vector_load %arg35[%get3A_2342, %get3A_2343, %get3A_2344] {strides = array<i32>} : memref<40x16x128xf32, #tpu.memory_space<vmem>>, vector<16xf32>,
        %add3A_2346 = arith.constant 32 : i32
        %add3A_2347 = arith.addi %reduce_sum3A_877, %add3A_2346 : i32
        %get3A_2348 = arith.constant 13 : i32
        %get3A_2349 = arith.index_cast %get3A_2348 : i32 to index
        %get3A_2350 = arith.index_cast %scan3A_850 : i32 to index
        %get3A_2351 = arith.index_cast %add3A_2347 : i32 to index
        %get3A_2352 = tpu.vector_load %arg35[%get3A_2349, %get3A_2350, %get3A_2351] {strides = array<i32>} : memref<40x16x128xf32, #tpu.memory_space<vmem>>, vector<16xf32>,
        %mul3A_2353 = vector.broadcast %reduce_sum3A_863 : f32 to vector<16xf32>
        %mul3A_2354 = arith.mulf %get3A_2338, %mul3A_2353 : vector<16xf32>
        %add3A_2355 = arith.addf %mul3A_2354, %get3A_2345 : vector<16xf32>
        %mul3A_2356 = arith.mulf %add3A_2355, %add3A_2355 : vector<16xf32>
        %mul3A_2357 = arith.constant 0.00833333377 : f32
        %mul3A_2358 = vector.broadcast %mul3A_2357 : f32 to vector<16xf32>
        %mul3A_2359 = arith.mulf %mul3A_2356, %mul3A_2358 : vector<16xf32>
        %add3A_2360 = arith.constant -0.166666672 : f32
        %add3A_2361 = vector.broadcast %add3A_2360 : f32 to vector<16xf32>
        %add3A_2362 = arith.addf %add3A_2361, %mul3A_2359 : vector<16xf32>
        %mul3A_2363 = arith.mulf %mul3A_2356, %add3A_2362 : vector<16xf32>
        %add3A_2364 = arith.constant 1.000000e+00 : f32
        %add3A_2365 = vector.broadcast %add3A_2364 : f32 to vector<16xf32>
        %add3A_2366 = arith.addf %add3A_2365, %mul3A_2363 : vector<16xf32>
        %mul3A_2367 = arith.mulf %add3A_2355, %add3A_2366 : vector<16xf32>
        %mul3A_2368 = arith.mulf %get3A_2352, %mul3A_2367 : vector<16xf32>
        %add3A_2369 = arith.addf %mul3A_2331, %mul3A_2368 : vector<16xf32>
        %add3A_2370 = arith.constant 32 : i32
        %add3A_2371 = arith.addi %reduce_sum3A_877, %add3A_2370 : i32
        %get3A_2372 = arith.constant 17 : i32
        %get3A_2373 = arith.index_cast %get3A_2372 : i32 to index
        %get3A_2374 = arith.index_cast %scan3A_850 : i32 to index
        %get3A_2375 = arith.index_cast %add3A_2371 : i32 to index
        %get3A_2376 = tpu.vector_load %arg35[%get3A_2373, %get3A_2374, %get3A_2375] {strides = array<i32>} : memref<40x16x128xf32, #tpu.memory_space<vmem>>, vector<16xf32>,
        %add3A_2377 = arith.constant 32 : i32
        %add3A_2378 = arith.addi %reduce_sum3A_877, %add3A_2377 : i32
        %get3A_2379 = arith.constant 18 : i32
        %get3A_2380 = arith.index_cast %get3A_2379 : i32 to index
        %get3A_2381 = arith.index_cast %scan3A_850 : i32 to index
        %get3A_2382 = arith.index_cast %add3A_2378 : i32 to index
        %get3A_2383 = tpu.vector_load %arg35[%get3A_2380, %get3A_2381, %get3A_2382] {strides = array<i32>} : memref<40x16x128xf32, #tpu.memory_space<vmem>>, vector<16xf32>,
        %add3A_2384 = arith.constant 32 : i32
        %add3A_2385 = arith.addi %reduce_sum3A_877, %add3A_2384 : i32
        %get3A_2386 = arith.constant 19 : i32
        %get3A_2387 = arith.index_cast %get3A_2386 : i32 to index
        %get3A_2388 = arith.index_cast %scan3A_850 : i32 to index
        %get3A_2389 = arith.index_cast %add3A_2385 : i32 to index
        %get3A_2390 = tpu.vector_load %arg35[%get3A_2387, %get3A_2388, %get3A_2389] {strides = array<i32>} : memref<40x16x128xf32, #tpu.memory_space<vmem>>, vector<16xf32>,
        %mul3A_2391 = vector.broadcast %reduce_sum3A_870 : f32 to vector<16xf32>
        %mul3A_2392 = arith.mulf %get3A_2376, %mul3A_2391 : vector<16xf32>
        %add3A_2393 = arith.addf %mul3A_2392, %get3A_2383 : vector<16xf32>
        %mul3A_2394 = arith.mulf %add3A_2393, %add3A_2393 : vector<16xf32>
        %mul3A_2395 = arith.constant 0.00833333377 : f32
        %mul3A_2396 = vector.broadcast %mul3A_2395 : f32 to vector<16xf32>
        %mul3A_2397 = arith.mulf %mul3A_2394, %mul3A_2396 : vector<16xf32>
        %add3A_2398 = arith.constant -0.166666672 : f32
        %add3A_2399 = vector.broadcast %add3A_2398 : f32 to vector<16xf32>
        %add3A_2400 = arith.addf %add3A_2399, %mul3A_2397 : vector<16xf32>
        %mul3A_2401 = arith.mulf %mul3A_2394, %add3A_2400 : vector<16xf32>
        %add3A_2402 = arith.constant 1.000000e+00 : f32
        %add3A_2403 = vector.broadcast %add3A_2402 : f32 to vector<16xf32>
        %add3A_2404 = arith.addf %add3A_2403, %mul3A_2401 : vector<16xf32>
        %mul3A_2405 = arith.mulf %add3A_2393, %add3A_2404 : vector<16xf32>
        %mul3A_2406 = arith.mulf %get3A_2390, %mul3A_2405 : vector<16xf32>
        %add3A_2407 = arith.addf %add3A_2369, %mul3A_2406 : vector<16xf32>
        %mul3A_2408 = arith.mulf %get3A_1914, %get3A_1940 : vector<16xf32>
        %mul3A_2409 = arith.mulf %mul3A_2408, %get3A_1935 : vector<16xf32>
        %mul3A_2410 = arith.mulf %add3A_2068, %get3A_1945 : vector<16xf32>
        %mul3A_2411 = arith.mulf %mul3A_2410, %add3A_2181 : vector<16xf32>
        %add3A_2412 = arith.addf %mul3A_2409, %mul3A_2411 : vector<16xf32>
        %mul3A_2413 = arith.mulf %get3A_1928, %get3A_1950 : vector<16xf32>
        %mul3A_2414 = arith.mulf %mul3A_2413, %get3A_1921 : vector<16xf32>
        %add3A_2415 = arith.addf %add3A_2412, %mul3A_2414 : vector<16xf32>
        %mul3A_2416 = arith.mulf %add3A_2294, %get3A_1955 : vector<16xf32>
        %mul3A_2417 = arith.mulf %mul3A_2416, %add3A_2407 : vector<16xf32>
        %add3A_2418 = arith.addf %add3A_2415, %mul3A_2417 : vector<16xf32>
        %add3A_2419 = arith.addf %add3A_1907, %add3A_2418 : vector<16xf32>
        %add3A_2420 = arith.constant 48 : i32
        %add3A_2421 = arith.addi %reduce_sum3A_877, %add3A_2420 : i32
        %get3A_2422 = arith.constant 0 : i32
        %get3A_2423 = arith.index_cast %get3A_2422 : i32 to index
        %get3A_2424 = arith.index_cast %scan3A_850 : i32 to index
        %get3A_2425 = arith.index_cast %add3A_2421 : i32 to index
        %get3A_2426 = tpu.vector_load %arg35[%get3A_2423, %get3A_2424, %get3A_2425] {strides = array<i32>} : memref<40x16x128xf32, #tpu.memory_space<vmem>>, vector<16xf32>,
        %add3A_2427 = arith.constant 48 : i32
        %add3A_2428 = arith.addi %reduce_sum3A_877, %add3A_2427 : i32
        %get3A_2429 = arith.constant 1 : i32
        %get3A_2430 = arith.index_cast %get3A_2429 : i32 to index
        %get3A_2431 = arith.index_cast %scan3A_850 : i32 to index
        %get3A_2432 = arith.index_cast %add3A_2428 : i32 to index
        %get3A_2433 = tpu.vector_load %arg35[%get3A_2430, %get3A_2431, %get3A_2432] {strides = array<i32>} : memref<40x16x128xf32, #tpu.memory_space<vmem>>, vector<16xf32>,
        %add3A_2434 = arith.constant 48 : i32
        %add3A_2435 = arith.addi %reduce_sum3A_884, %add3A_2434 : i32
        %get3A_2436 = arith.constant 20 : i32
        %get3A_2437 = arith.index_cast %get3A_2436 : i32 to index
        %get3A_2438 = arith.index_cast %scan3A_850 : i32 to index
        %get3A_2439 = arith.index_cast %add3A_2435 : i32 to index
        %get3A_2440 = tpu.vector_load %arg35[%get3A_2437, %get3A_2438, %get3A_2439] {strides = array<i32>} : memref<40x16x128xf32, #tpu.memory_space<vmem>>, vector<16xf32>,
        %add3A_2441 = arith.constant 48 : i32
        %add3A_2442 = arith.addi %reduce_sum3A_884, %add3A_2441 : i32
        %get3A_2443 = arith.constant 21 : i32
        %get3A_2444 = arith.index_cast %get3A_2443 : i32 to index
        %get3A_2445 = arith.index_cast %scan3A_850 : i32 to index
        %get3A_2446 = arith.index_cast %add3A_2442 : i32 to index
        %get3A_2447 = tpu.vector_load %arg35[%get3A_2444, %get3A_2445, %get3A_2446] {strides = array<i32>} : memref<40x16x128xf32, #tpu.memory_space<vmem>>, vector<16xf32>,
        %get3A_2448 = arith.constant 0 : i32
        %get3A_2449 = arith.index_cast %get3A_2448 : i32 to index
        %get3A_2450 = arith.index_cast %scan3A_850 : i32 to index
        %get3A_2451 = arith.constant 48 : index
        %get3A_2452 = tpu.vector_load %arg36[%get3A_2449, %get3A_2450, %get3A_2451] {strides = array<i32>} : memref<2x16x128xf32, #tpu.memory_space<vmem>>, vector<16xf32>,
        %get3A_2453 = arith.constant 0 : i32
        %get3A_2454 = arith.index_cast %get3A_2453 : i32 to index
        %get3A_2455 = arith.index_cast %scan3A_850 : i32 to index
        %get3A_2456 = arith.constant 112 : index
        %get3A_2457 = tpu.vector_load %arg36[%get3A_2454, %get3A_2455, %get3A_2456] {strides = array<i32>} : memref<2x16x128xf32, #tpu.memory_space<vmem>>, vector<16xf32>,
        %get3A_2458 = arith.constant 1 : i32
        %get3A_2459 = arith.index_cast %get3A_2458 : i32 to index
        %get3A_2460 = arith.index_cast %scan3A_850 : i32 to index
        %get3A_2461 = arith.constant 48 : index
        %get3A_2462 = tpu.vector_load %arg36[%get3A_2459, %get3A_2460, %get3A_2461] {strides = array<i32>} : memref<2x16x128xf32, #tpu.memory_space<vmem>>, vector<16xf32>,
        %get3A_2463 = arith.constant 1 : i32
        %get3A_2464 = arith.index_cast %get3A_2463 : i32 to index
        %get3A_2465 = arith.index_cast %scan3A_850 : i32 to index
        %get3A_2466 = arith.constant 112 : index
        %get3A_2467 = tpu.vector_load %arg36[%get3A_2464, %get3A_2465, %get3A_2466] {strides = array<i32>} : memref<2x16x128xf32, #tpu.memory_space<vmem>>, vector<16xf32>,
        %add3A_2468 = arith.constant 48 : i32
        %add3A_2469 = arith.addi %reduce_sum3A_877, %add3A_2468 : i32
        %get3A_2470 = arith.constant 2 : i32
        %get3A_2471 = arith.index_cast %get3A_2470 : i32 to index
        %get3A_2472 = arith.index_cast %scan3A_850 : i32 to index
        %get3A_2473 = arith.index_cast %add3A_2469 : i32 to index
        %get3A_2474 = tpu.vector_load %arg35[%get3A_2471, %get3A_2472, %get3A_2473] {strides = array<i32>} : memref<40x16x128xf32, #tpu.memory_space<vmem>>, vector<16xf32>,
        %add3A_2475 = arith.constant 48 : i32
        %add3A_2476 = arith.addi %reduce_sum3A_877, %add3A_2475 : i32
        %get3A_2477 = arith.constant 3 : i32
        %get3A_2478 = arith.index_cast %get3A_2477 : i32 to index
        %get3A_2479 = arith.index_cast %scan3A_850 : i32 to index
        %get3A_2480 = arith.index_cast %add3A_2476 : i32 to index
        %get3A_2481 = tpu.vector_load %arg35[%get3A_2478, %get3A_2479, %get3A_2480] {strides = array<i32>} : memref<40x16x128xf32, #tpu.memory_space<vmem>>, vector<16xf32>,
        %add3A_2482 = arith.constant 48 : i32
        %add3A_2483 = arith.addi %reduce_sum3A_877, %add3A_2482 : i32
        %get3A_2484 = arith.constant 4 : i32
        %get3A_2485 = arith.index_cast %get3A_2484 : i32 to index
        %get3A_2486 = arith.index_cast %scan3A_850 : i32 to index
        %get3A_2487 = arith.index_cast %add3A_2483 : i32 to index
        %get3A_2488 = tpu.vector_load %arg35[%get3A_2485, %get3A_2486, %get3A_2487] {strides = array<i32>} : memref<40x16x128xf32, #tpu.memory_space<vmem>>, vector<16xf32>,
        %mul3A_2489 = vector.broadcast %reduce_sum3A_856 : f32 to vector<16xf32>
        %mul3A_2490 = arith.mulf %get3A_2474, %mul3A_2489 : vector<16xf32>
        %add3A_2491 = arith.addf %mul3A_2490, %get3A_2481 : vector<16xf32>
        %mul3A_2492 = arith.mulf %add3A_2491, %add3A_2491 : vector<16xf32>
        %mul3A_2493 = arith.constant 0.00833333377 : f32
        %mul3A_2494 = vector.broadcast %mul3A_2493 : f32 to vector<16xf32>
        %mul3A_2495 = arith.mulf %mul3A_2492, %mul3A_2494 : vector<16xf32>
        %add3A_2496 = arith.constant -0.166666672 : f32
        %add3A_2497 = vector.broadcast %add3A_2496 : f32 to vector<16xf32>
        %add3A_2498 = arith.addf %add3A_2497, %mul3A_2495 : vector<16xf32>
        %mul3A_2499 = arith.mulf %mul3A_2492, %add3A_2498 : vector<16xf32>
        %add3A_2500 = arith.constant 1.000000e+00 : f32
        %add3A_2501 = vector.broadcast %add3A_2500 : f32 to vector<16xf32>
        %add3A_2502 = arith.addf %add3A_2501, %mul3A_2499 : vector<16xf32>
        %mul3A_2503 = arith.mulf %add3A_2491, %add3A_2502 : vector<16xf32>
        %mul3A_2504 = arith.mulf %get3A_2488, %mul3A_2503 : vector<16xf32>
        %add3A_2505 = arith.constant 48 : i32
        %add3A_2506 = arith.addi %reduce_sum3A_877, %add3A_2505 : i32
        %get3A_2507 = arith.constant 8 : i32
        %get3A_2508 = arith.index_cast %get3A_2507 : i32 to index
        %get3A_2509 = arith.index_cast %scan3A_850 : i32 to index
        %get3A_2510 = arith.index_cast %add3A_2506 : i32 to index
        %get3A_2511 = tpu.vector_load %arg35[%get3A_2508, %get3A_2509, %get3A_2510] {strides = array<i32>} : memref<40x16x128xf32, #tpu.memory_space<vmem>>, vector<16xf32>,
        %add3A_2512 = arith.constant 48 : i32
        %add3A_2513 = arith.addi %reduce_sum3A_877, %add3A_2512 : i32
        %get3A_2514 = arith.constant 9 : i32
        %get3A_2515 = arith.index_cast %get3A_2514 : i32 to index
        %get3A_2516 = arith.index_cast %scan3A_850 : i32 to index
        %get3A_2517 = arith.index_cast %add3A_2513 : i32 to index
        %get3A_2518 = tpu.vector_load %arg35[%get3A_2515, %get3A_2516, %get3A_2517] {strides = array<i32>} : memref<40x16x128xf32, #tpu.memory_space<vmem>>, vector<16xf32>,
        %add3A_2519 = arith.constant 48 : i32
        %add3A_2520 = arith.addi %reduce_sum3A_877, %add3A_2519 : i32
        %get3A_2521 = arith.constant 10 : i32
        %get3A_2522 = arith.index_cast %get3A_2521 : i32 to index
        %get3A_2523 = arith.index_cast %scan3A_850 : i32 to index
        %get3A_2524 = arith.index_cast %add3A_2520 : i32 to index
        %get3A_2525 = tpu.vector_load %arg35[%get3A_2522, %get3A_2523, %get3A_2524] {strides = array<i32>} : memref<40x16x128xf32, #tpu.memory_space<vmem>>, vector<16xf32>,
        %mul3A_2526 = vector.broadcast %reduce_sum3A_863 : f32 to vector<16xf32>
        %mul3A_2527 = arith.mulf %get3A_2511, %mul3A_2526 : vector<16xf32>
        %add3A_2528 = arith.addf %mul3A_2527, %get3A_2518 : vector<16xf32>
        %mul3A_2529 = arith.mulf %add3A_2528, %add3A_2528 : vector<16xf32>
        %mul3A_2530 = arith.constant 0.00833333377 : f32
        %mul3A_2531 = vector.broadcast %mul3A_2530 : f32 to vector<16xf32>
        %mul3A_2532 = arith.mulf %mul3A_2529, %mul3A_2531 : vector<16xf32>
        %add3A_2533 = arith.constant -0.166666672 : f32
        %add3A_2534 = vector.broadcast %add3A_2533 : f32 to vector<16xf32>
        %add3A_2535 = arith.addf %add3A_2534, %mul3A_2532 : vector<16xf32>
        %mul3A_2536 = arith.mulf %mul3A_2529, %add3A_2535 : vector<16xf32>
        %add3A_2537 = arith.constant 1.000000e+00 : f32
        %add3A_2538 = vector.broadcast %add3A_2537 : f32 to vector<16xf32>
        %add3A_2539 = arith.addf %add3A_2538, %mul3A_2536 : vector<16xf32>
        %mul3A_2540 = arith.mulf %add3A_2528, %add3A_2539 : vector<16xf32>
        %mul3A_2541 = arith.mulf %get3A_2525, %mul3A_2540 : vector<16xf32>
        %add3A_2542 = arith.addf %mul3A_2504, %mul3A_2541 : vector<16xf32>
        %add3A_2543 = arith.constant 48 : i32
        %add3A_2544 = arith.addi %reduce_sum3A_877, %add3A_2543 : i32
        %get3A_2545 = arith.constant 14 : i32
        %get3A_2546 = arith.index_cast %get3A_2545 : i32 to index
        %get3A_2547 = arith.index_cast %scan3A_850 : i32 to index
        %get3A_2548 = arith.index_cast %add3A_2544 : i32 to index
        %get3A_2549 = tpu.vector_load %arg35[%get3A_2546, %get3A_2547, %get3A_2548] {strides = array<i32>} : memref<40x16x128xf32, #tpu.memory_space<vmem>>, vector<16xf32>,
        %add3A_2550 = arith.constant 48 : i32
        %add3A_2551 = arith.addi %reduce_sum3A_877, %add3A_2550 : i32
        %get3A_2552 = arith.constant 15 : i32
        %get3A_2553 = arith.index_cast %get3A_2552 : i32 to index
        %get3A_2554 = arith.index_cast %scan3A_850 : i32 to index
        %get3A_2555 = arith.index_cast %add3A_2551 : i32 to index
        %get3A_2556 = tpu.vector_load %arg35[%get3A_2553, %get3A_2554, %get3A_2555] {strides = array<i32>} : memref<40x16x128xf32, #tpu.memory_space<vmem>>, vector<16xf32>,
        %add3A_2557 = arith.constant 48 : i32
        %add3A_2558 = arith.addi %reduce_sum3A_877, %add3A_2557 : i32
        %get3A_2559 = arith.constant 16 : i32
        %get3A_2560 = arith.index_cast %get3A_2559 : i32 to index
        %get3A_2561 = arith.index_cast %scan3A_850 : i32 to index
        %get3A_2562 = arith.index_cast %add3A_2558 : i32 to index
        %get3A_2563 = tpu.vector_load %arg35[%get3A_2560, %get3A_2561, %get3A_2562] {strides = array<i32>} : memref<40x16x128xf32, #tpu.memory_space<vmem>>, vector<16xf32>,
        %mul3A_2564 = vector.broadcast %reduce_sum3A_870 : f32 to vector<16xf32>
        %mul3A_2565 = arith.mulf %get3A_2549, %mul3A_2564 : vector<16xf32>
        %add3A_2566 = arith.addf %mul3A_2565, %get3A_2556 : vector<16xf32>
        %mul3A_2567 = arith.mulf %add3A_2566, %add3A_2566 : vector<16xf32>
        %mul3A_2568 = arith.constant 0.00833333377 : f32
        %mul3A_2569 = vector.broadcast %mul3A_2568 : f32 to vector<16xf32>
        %mul3A_2570 = arith.mulf %mul3A_2567, %mul3A_2569 : vector<16xf32>
        %add3A_2571 = arith.constant -0.166666672 : f32
        %add3A_2572 = vector.broadcast %add3A_2571 : f32 to vector<16xf32>
        %add3A_2573 = arith.addf %add3A_2572, %mul3A_2570 : vector<16xf32>
        %mul3A_2574 = arith.mulf %mul3A_2567, %add3A_2573 : vector<16xf32>
        %add3A_2575 = arith.constant 1.000000e+00 : f32
        %add3A_2576 = vector.broadcast %add3A_2575 : f32 to vector<16xf32>
        %add3A_2577 = arith.addf %add3A_2576, %mul3A_2574 : vector<16xf32>
        %mul3A_2578 = arith.mulf %add3A_2566, %add3A_2577 : vector<16xf32>
        %mul3A_2579 = arith.mulf %get3A_2563, %mul3A_2578 : vector<16xf32>
        %add3A_2580 = arith.addf %add3A_2542, %mul3A_2579 : vector<16xf32>
        %add3A_2581 = arith.constant 48 : i32
        %add3A_2582 = arith.addi %reduce_sum3A_884, %add3A_2581 : i32
        %get3A_2583 = arith.constant 25 : i32
        %get3A_2584 = arith.index_cast %get3A_2583 : i32 to index
        %get3A_2585 = arith.index_cast %scan3A_850 : i32 to index
        %get3A_2586 = arith.index_cast %add3A_2582 : i32 to index
        %get3A_2587 = tpu.vector_load %arg35[%get3A_2584, %get3A_2585, %get3A_2586] {strides = array<i32>} : memref<40x16x128xf32, #tpu.memory_space<vmem>>, vector<16xf32>,
        %add3A_2588 = arith.constant 48 : i32
        %add3A_2589 = arith.addi %reduce_sum3A_884, %add3A_2588 : i32
        %get3A_2590 = arith.constant 26 : i32
        %get3A_2591 = arith.index_cast %get3A_2590 : i32 to index
        %get3A_2592 = arith.index_cast %scan3A_850 : i32 to index
        %get3A_2593 = arith.index_cast %add3A_2589 : i32 to index
        %get3A_2594 = tpu.vector_load %arg35[%get3A_2591, %get3A_2592, %get3A_2593] {strides = array<i32>} : memref<40x16x128xf32, #tpu.memory_space<vmem>>, vector<16xf32>,
        %add3A_2595 = arith.constant 48 : i32
        %add3A_2596 = arith.addi %reduce_sum3A_884, %add3A_2595 : i32
        %get3A_2597 = arith.constant 27 : i32
        %get3A_2598 = arith.index_cast %get3A_2597 : i32 to index
        %get3A_2599 = arith.index_cast %scan3A_850 : i32 to index
        %get3A_2600 = arith.index_cast %add3A_2596 : i32 to index
        %get3A_2601 = tpu.vector_load %arg35[%get3A_2598, %get3A_2599, %get3A_2600] {strides = array<i32>} : memref<40x16x128xf32, #tpu.memory_space<vmem>>, vector<16xf32>,
        %mul3A_2602 = vector.broadcast %reduce_sum3A_856 : f32 to vector<16xf32>
        %mul3A_2603 = arith.mulf %get3A_2587, %mul3A_2602 : vector<16xf32>
        %add3A_2604 = arith.addf %mul3A_2603, %get3A_2594 : vector<16xf32>
        %mul3A_2605 = arith.mulf %add3A_2604, %add3A_2604 : vector<16xf32>
        %mul3A_2606 = arith.constant 0.00833333377 : f32
        %mul3A_2607 = vector.broadcast %mul3A_2606 : f32 to vector<16xf32>
        %mul3A_2608 = arith.mulf %mul3A_2605, %mul3A_2607 : vector<16xf32>
        %add3A_2609 = arith.constant -0.166666672 : f32
        %add3A_2610 = vector.broadcast %add3A_2609 : f32 to vector<16xf32>
        %add3A_2611 = arith.addf %add3A_2610, %mul3A_2608 : vector<16xf32>
        %mul3A_2612 = arith.mulf %mul3A_2605, %add3A_2611 : vector<16xf32>
        %add3A_2613 = arith.constant 1.000000e+00 : f32
        %add3A_2614 = vector.broadcast %add3A_2613 : f32 to vector<16xf32>
        %add3A_2615 = arith.addf %add3A_2614, %mul3A_2612 : vector<16xf32>
        %mul3A_2616 = arith.mulf %add3A_2604, %add3A_2615 : vector<16xf32>
        %mul3A_2617 = arith.mulf %get3A_2601, %mul3A_2616 : vector<16xf32>
        %add3A_2618 = arith.constant 48 : i32
        %add3A_2619 = arith.addi %reduce_sum3A_884, %add3A_2618 : i32
        %get3A_2620 = arith.constant 31 : i32
        %get3A_2621 = arith.index_cast %get3A_2620 : i32 to index
        %get3A_2622 = arith.index_cast %scan3A_850 : i32 to index
        %get3A_2623 = arith.index_cast %add3A_2619 : i32 to index
        %get3A_2624 = tpu.vector_load %arg35[%get3A_2621, %get3A_2622, %get3A_2623] {strides = array<i32>} : memref<40x16x128xf32, #tpu.memory_space<vmem>>, vector<16xf32>,
        %add3A_2625 = arith.constant 48 : i32
        %add3A_2626 = arith.addi %reduce_sum3A_884, %add3A_2625 : i32
        %get3A_2627 = arith.constant 32 : i32
        %get3A_2628 = arith.index_cast %get3A_2627 : i32 to index
        %get3A_2629 = arith.index_cast %scan3A_850 : i32 to index
        %get3A_2630 = arith.index_cast %add3A_2626 : i32 to index
        %get3A_2631 = tpu.vector_load %arg35[%get3A_2628, %get3A_2629, %get3A_2630] {strides = array<i32>} : memref<40x16x128xf32, #tpu.memory_space<vmem>>, vector<16xf32>,
        %add3A_2632 = arith.constant 48 : i32
        %add3A_2633 = arith.addi %reduce_sum3A_884, %add3A_2632 : i32
        %get3A_2634 = arith.constant 33 : i32
        %get3A_2635 = arith.index_cast %get3A_2634 : i32 to index
        %get3A_2636 = arith.index_cast %scan3A_850 : i32 to index
        %get3A_2637 = arith.index_cast %add3A_2633 : i32 to index
        %get3A_2638 = tpu.vector_load %arg35[%get3A_2635, %get3A_2636, %get3A_2637] {strides = array<i32>} : memref<40x16x128xf32, #tpu.memory_space<vmem>>, vector<16xf32>,
        %mul3A_2639 = vector.broadcast %reduce_sum3A_863 : f32 to vector<16xf32>
        %mul3A_2640 = arith.mulf %get3A_2624, %mul3A_2639 : vector<16xf32>
        %add3A_2641 = arith.addf %mul3A_2640, %get3A_2631 : vector<16xf32>
        %mul3A_2642 = arith.mulf %add3A_2641, %add3A_2641 : vector<16xf32>
        %mul3A_2643 = arith.constant 0.00833333377 : f32
        %mul3A_2644 = vector.broadcast %mul3A_2643 : f32 to vector<16xf32>
        %mul3A_2645 = arith.mulf %mul3A_2642, %mul3A_2644 : vector<16xf32>
        %add3A_2646 = arith.constant -0.166666672 : f32
        %add3A_2647 = vector.broadcast %add3A_2646 : f32 to vector<16xf32>
        %add3A_2648 = arith.addf %add3A_2647, %mul3A_2645 : vector<16xf32>
        %mul3A_2649 = arith.mulf %mul3A_2642, %add3A_2648 : vector<16xf32>
        %add3A_2650 = arith.constant 1.000000e+00 : f32
        %add3A_2651 = vector.broadcast %add3A_2650 : f32 to vector<16xf32>
        %add3A_2652 = arith.addf %add3A_2651, %mul3A_2649 : vector<16xf32>
        %mul3A_2653 = arith.mulf %add3A_2641, %add3A_2652 : vector<16xf32>
        %mul3A_2654 = arith.mulf %get3A_2638, %mul3A_2653 : vector<16xf32>
        %add3A_2655 = arith.addf %mul3A_2617, %mul3A_2654 : vector<16xf32>
        %add3A_2656 = arith.constant 48 : i32
        %add3A_2657 = arith.addi %reduce_sum3A_884, %add3A_2656 : i32
        %get3A_2658 = arith.constant 37 : i32
        %get3A_2659 = arith.index_cast %get3A_2658 : i32 to index
        %get3A_2660 = arith.index_cast %scan3A_850 : i32 to index
        %get3A_2661 = arith.index_cast %add3A_2657 : i32 to index
        %get3A_2662 = tpu.vector_load %arg35[%get3A_2659, %get3A_2660, %get3A_2661] {strides = array<i32>} : memref<40x16x128xf32, #tpu.memory_space<vmem>>, vector<16xf32>,
        %add3A_2663 = arith.constant 48 : i32
        %add3A_2664 = arith.addi %reduce_sum3A_884, %add3A_2663 : i32
        %get3A_2665 = arith.constant 38 : i32
        %get3A_2666 = arith.index_cast %get3A_2665 : i32 to index
        %get3A_2667 = arith.index_cast %scan3A_850 : i32 to index
        %get3A_2668 = arith.index_cast %add3A_2664 : i32 to index
        %get3A_2669 = tpu.vector_load %arg35[%get3A_2666, %get3A_2667, %get3A_2668] {strides = array<i32>} : memref<40x16x128xf32, #tpu.memory_space<vmem>>, vector<16xf32>,
        %add3A_2670 = arith.constant 48 : i32
        %add3A_2671 = arith.addi %reduce_sum3A_884, %add3A_2670 : i32
        %get3A_2672 = arith.constant 39 : i32
        %get3A_2673 = arith.index_cast %get3A_2672 : i32 to index
        %get3A_2674 = arith.index_cast %scan3A_850 : i32 to index
        %get3A_2675 = arith.index_cast %add3A_2671 : i32 to index
        %get3A_2676 = tpu.vector_load %arg35[%get3A_2673, %get3A_2674, %get3A_2675] {strides = array<i32>} : memref<40x16x128xf32, #tpu.memory_space<vmem>>, vector<16xf32>,
        %mul3A_2677 = vector.broadcast %reduce_sum3A_870 : f32 to vector<16xf32>
        %mul3A_2678 = arith.mulf %get3A_2662, %mul3A_2677 : vector<16xf32>
        %add3A_2679 = arith.addf %mul3A_2678, %get3A_2669 : vector<16xf32>
        %mul3A_2680 = arith.mulf %add3A_2679, %add3A_2679 : vector<16xf32>
        %mul3A_2681 = arith.constant 0.00833333377 : f32
        %mul3A_2682 = vector.broadcast %mul3A_2681 : f32 to vector<16xf32>
        %mul3A_2683 = arith.mulf %mul3A_2680, %mul3A_2682 : vector<16xf32>
        %add3A_2684 = arith.constant -0.166666672 : f32
        %add3A_2685 = vector.broadcast %add3A_2684 : f32 to vector<16xf32>
        %add3A_2686 = arith.addf %add3A_2685, %mul3A_2683 : vector<16xf32>
        %mul3A_2687 = arith.mulf %mul3A_2680, %add3A_2686 : vector<16xf32>
        %add3A_2688 = arith.constant 1.000000e+00 : f32
        %add3A_2689 = vector.broadcast %add3A_2688 : f32 to vector<16xf32>
        %add3A_2690 = arith.addf %add3A_2689, %mul3A_2687 : vector<16xf32>
        %mul3A_2691 = arith.mulf %add3A_2679, %add3A_2690 : vector<16xf32>
        %mul3A_2692 = arith.mulf %get3A_2676, %mul3A_2691 : vector<16xf32>
        %add3A_2693 = arith.addf %add3A_2655, %mul3A_2692 : vector<16xf32>
        %add3A_2694 = arith.constant 48 : i32
        %add3A_2695 = arith.addi %reduce_sum3A_884, %add3A_2694 : i32
        %get3A_2696 = arith.constant 22 : i32
        %get3A_2697 = arith.index_cast %get3A_2696 : i32 to index
        %get3A_2698 = arith.index_cast %scan3A_850 : i32 to index
        %get3A_2699 = arith.index_cast %add3A_2695 : i32 to index
        %get3A_2700 = tpu.vector_load %arg35[%get3A_2697, %get3A_2698, %get3A_2699] {strides = array<i32>} : memref<40x16x128xf32, #tpu.memory_space<vmem>>, vector<16xf32>,
        %add3A_2701 = arith.constant 48 : i32
        %add3A_2702 = arith.addi %reduce_sum3A_884, %add3A_2701 : i32
        %get3A_2703 = arith.constant 23 : i32
        %get3A_2704 = arith.index_cast %get3A_2703 : i32 to index
        %get3A_2705 = arith.index_cast %scan3A_850 : i32 to index
        %get3A_2706 = arith.index_cast %add3A_2702 : i32 to index
        %get3A_2707 = tpu.vector_load %arg35[%get3A_2704, %get3A_2705, %get3A_2706] {strides = array<i32>} : memref<40x16x128xf32, #tpu.memory_space<vmem>>, vector<16xf32>,
        %add3A_2708 = arith.constant 48 : i32
        %add3A_2709 = arith.addi %reduce_sum3A_884, %add3A_2708 : i32
        %get3A_2710 = arith.constant 24 : i32
        %get3A_2711 = arith.index_cast %get3A_2710 : i32 to index
        %get3A_2712 = arith.index_cast %scan3A_850 : i32 to index
        %get3A_2713 = arith.index_cast %add3A_2709 : i32 to index
        %get3A_2714 = tpu.vector_load %arg35[%get3A_2711, %get3A_2712, %get3A_2713] {strides = array<i32>} : memref<40x16x128xf32, #tpu.memory_space<vmem>>, vector<16xf32>,
        %mul3A_2715 = vector.broadcast %reduce_sum3A_856 : f32 to vector<16xf32>
        %mul3A_2716 = arith.mulf %get3A_2700, %mul3A_2715 : vector<16xf32>
        %add3A_2717 = arith.addf %mul3A_2716, %get3A_2707 : vector<16xf32>
        %mul3A_2718 = arith.mulf %add3A_2717, %add3A_2717 : vector<16xf32>
        %mul3A_2719 = arith.constant 0.00833333377 : f32
        %mul3A_2720 = vector.broadcast %mul3A_2719 : f32 to vector<16xf32>
        %mul3A_2721 = arith.mulf %mul3A_2718, %mul3A_2720 : vector<16xf32>
        %add3A_2722 = arith.constant -0.166666672 : f32
        %add3A_2723 = vector.broadcast %add3A_2722 : f32 to vector<16xf32>
        %add3A_2724 = arith.addf %add3A_2723, %mul3A_2721 : vector<16xf32>
        %mul3A_2725 = arith.mulf %mul3A_2718, %add3A_2724 : vector<16xf32>
        %add3A_2726 = arith.constant 1.000000e+00 : f32
        %add3A_2727 = vector.broadcast %add3A_2726 : f32 to vector<16xf32>
        %add3A_2728 = arith.addf %add3A_2727, %mul3A_2725 : vector<16xf32>
        %mul3A_2729 = arith.mulf %add3A_2717, %add3A_2728 : vector<16xf32>
        %mul3A_2730 = arith.mulf %get3A_2714, %mul3A_2729 : vector<16xf32>
        %add3A_2731 = arith.constant 48 : i32
        %add3A_2732 = arith.addi %reduce_sum3A_884, %add3A_2731 : i32
        %get3A_2733 = arith.constant 28 : i32
        %get3A_2734 = arith.index_cast %get3A_2733 : i32 to index
        %get3A_2735 = arith.index_cast %scan3A_850 : i32 to index
        %get3A_2736 = arith.index_cast %add3A_2732 : i32 to index
        %get3A_2737 = tpu.vector_load %arg35[%get3A_2734, %get3A_2735, %get3A_2736] {strides = array<i32>} : memref<40x16x128xf32, #tpu.memory_space<vmem>>, vector<16xf32>,
        %add3A_2738 = arith.constant 48 : i32
        %add3A_2739 = arith.addi %reduce_sum3A_884, %add3A_2738 : i32
        %get3A_2740 = arith.constant 29 : i32
        %get3A_2741 = arith.index_cast %get3A_2740 : i32 to index
        %get3A_2742 = arith.index_cast %scan3A_850 : i32 to index
        %get3A_2743 = arith.index_cast %add3A_2739 : i32 to index
        %get3A_2744 = tpu.vector_load %arg35[%get3A_2741, %get3A_2742, %get3A_2743] {strides = array<i32>} : memref<40x16x128xf32, #tpu.memory_space<vmem>>, vector<16xf32>,
        %add3A_2745 = arith.constant 48 : i32
        %add3A_2746 = arith.addi %reduce_sum3A_884, %add3A_2745 : i32
        %get3A_2747 = arith.constant 30 : i32
        %get3A_2748 = arith.index_cast %get3A_2747 : i32 to index
        %get3A_2749 = arith.index_cast %scan3A_850 : i32 to index
        %get3A_2750 = arith.index_cast %add3A_2746 : i32 to index
        %get3A_2751 = tpu.vector_load %arg35[%get3A_2748, %get3A_2749, %get3A_2750] {strides = array<i32>} : memref<40x16x128xf32, #tpu.memory_space<vmem>>, vector<16xf32>,
        %mul3A_2752 = vector.broadcast %reduce_sum3A_863 : f32 to vector<16xf32>
        %mul3A_2753 = arith.mulf %get3A_2737, %mul3A_2752 : vector<16xf32>
        %add3A_2754 = arith.addf %mul3A_2753, %get3A_2744 : vector<16xf32>
        %mul3A_2755 = arith.mulf %add3A_2754, %add3A_2754 : vector<16xf32>
        %mul3A_2756 = arith.constant 0.00833333377 : f32
        %mul3A_2757 = vector.broadcast %mul3A_2756 : f32 to vector<16xf32>
        %mul3A_2758 = arith.mulf %mul3A_2755, %mul3A_2757 : vector<16xf32>
        %add3A_2759 = arith.constant -0.166666672 : f32
        %add3A_2760 = vector.broadcast %add3A_2759 : f32 to vector<16xf32>
        %add3A_2761 = arith.addf %add3A_2760, %mul3A_2758 : vector<16xf32>
        %mul3A_2762 = arith.mulf %mul3A_2755, %add3A_2761 : vector<16xf32>
        %add3A_2763 = arith.constant 1.000000e+00 : f32
        %add3A_2764 = vector.broadcast %add3A_2763 : f32 to vector<16xf32>
        %add3A_2765 = arith.addf %add3A_2764, %mul3A_2762 : vector<16xf32>
        %mul3A_2766 = arith.mulf %add3A_2754, %add3A_2765 : vector<16xf32>
        %mul3A_2767 = arith.mulf %get3A_2751, %mul3A_2766 : vector<16xf32>
        %add3A_2768 = arith.addf %mul3A_2730, %mul3A_2767 : vector<16xf32>
        %add3A_2769 = arith.constant 48 : i32
        %add3A_2770 = arith.addi %reduce_sum3A_884, %add3A_2769 : i32
        %get3A_2771 = arith.constant 34 : i32
        %get3A_2772 = arith.index_cast %get3A_2771 : i32 to index
        %get3A_2773 = arith.index_cast %scan3A_850 : i32 to index
        %get3A_2774 = arith.index_cast %add3A_2770 : i32 to index
        %get3A_2775 = tpu.vector_load %arg35[%get3A_2772, %get3A_2773, %get3A_2774] {strides = array<i32>} : memref<40x16x128xf32, #tpu.memory_space<vmem>>, vector<16xf32>,
        %add3A_2776 = arith.constant 48 : i32
        %add3A_2777 = arith.addi %reduce_sum3A_884, %add3A_2776 : i32
        %get3A_2778 = arith.constant 35 : i32
        %get3A_2779 = arith.index_cast %get3A_2778 : i32 to index
        %get3A_2780 = arith.index_cast %scan3A_850 : i32 to index
        %get3A_2781 = arith.index_cast %add3A_2777 : i32 to index
        %get3A_2782 = tpu.vector_load %arg35[%get3A_2779, %get3A_2780, %get3A_2781] {strides = array<i32>} : memref<40x16x128xf32, #tpu.memory_space<vmem>>, vector<16xf32>,
        %add3A_2783 = arith.constant 48 : i32
        %add3A_2784 = arith.addi %reduce_sum3A_884, %add3A_2783 : i32
        %get3A_2785 = arith.constant 36 : i32
        %get3A_2786 = arith.index_cast %get3A_2785 : i32 to index
        %get3A_2787 = arith.index_cast %scan3A_850 : i32 to index
        %get3A_2788 = arith.index_cast %add3A_2784 : i32 to index
        %get3A_2789 = tpu.vector_load %arg35[%get3A_2786, %get3A_2787, %get3A_2788] {strides = array<i32>} : memref<40x16x128xf32, #tpu.memory_space<vmem>>, vector<16xf32>,
        %mul3A_2790 = vector.broadcast %reduce_sum3A_870 : f32 to vector<16xf32>
        %mul3A_2791 = arith.mulf %get3A_2775, %mul3A_2790 : vector<16xf32>
        %add3A_2792 = arith.addf %mul3A_2791, %get3A_2782 : vector<16xf32>
        %mul3A_2793 = arith.mulf %add3A_2792, %add3A_2792 : vector<16xf32>
        %mul3A_2794 = arith.constant 0.00833333377 : f32
        %mul3A_2795 = vector.broadcast %mul3A_2794 : f32 to vector<16xf32>
        %mul3A_2796 = arith.mulf %mul3A_2793, %mul3A_2795 : vector<16xf32>
        %add3A_2797 = arith.constant -0.166666672 : f32
        %add3A_2798 = vector.broadcast %add3A_2797 : f32 to vector<16xf32>
        %add3A_2799 = arith.addf %add3A_2798, %mul3A_2796 : vector<16xf32>
        %mul3A_2800 = arith.mulf %mul3A_2793, %add3A_2799 : vector<16xf32>
        %add3A_2801 = arith.constant 1.000000e+00 : f32
        %add3A_2802 = vector.broadcast %add3A_2801 : f32 to vector<16xf32>
        %add3A_2803 = arith.addf %add3A_2802, %mul3A_2800 : vector<16xf32>
        %mul3A_2804 = arith.mulf %add3A_2792, %add3A_2803 : vector<16xf32>
        %mul3A_2805 = arith.mulf %get3A_2789, %mul3A_2804 : vector<16xf32>
        %add3A_2806 = arith.addf %add3A_2768, %mul3A_2805 : vector<16xf32>
        %add3A_2807 = arith.constant 48 : i32
        %add3A_2808 = arith.addi %reduce_sum3A_877, %add3A_2807 : i32
        %get3A_2809 = arith.constant 5 : i32
        %get3A_2810 = arith.index_cast %get3A_2809 : i32 to index
        %get3A_2811 = arith.index_cast %scan3A_850 : i32 to index
        %get3A_2812 = arith.index_cast %add3A_2808 : i32 to index
        %get3A_2813 = tpu.vector_load %arg35[%get3A_2810, %get3A_2811, %get3A_2812] {strides = array<i32>} : memref<40x16x128xf32, #tpu.memory_space<vmem>>, vector<16xf32>,
        %add3A_2814 = arith.constant 48 : i32
        %add3A_2815 = arith.addi %reduce_sum3A_877, %add3A_2814 : i32
        %get3A_2816 = arith.constant 6 : i32
        %get3A_2817 = arith.index_cast %get3A_2816 : i32 to index
        %get3A_2818 = arith.index_cast %scan3A_850 : i32 to index
        %get3A_2819 = arith.index_cast %add3A_2815 : i32 to index
        %get3A_2820 = tpu.vector_load %arg35[%get3A_2817, %get3A_2818, %get3A_2819] {strides = array<i32>} : memref<40x16x128xf32, #tpu.memory_space<vmem>>, vector<16xf32>,
        %add3A_2821 = arith.constant 48 : i32
        %add3A_2822 = arith.addi %reduce_sum3A_877, %add3A_2821 : i32
        %get3A_2823 = arith.constant 7 : i32
        %get3A_2824 = arith.index_cast %get3A_2823 : i32 to index
        %get3A_2825 = arith.index_cast %scan3A_850 : i32 to index
        %get3A_2826 = arith.index_cast %add3A_2822 : i32 to index
        %get3A_2827 = tpu.vector_load %arg35[%get3A_2824, %get3A_2825, %get3A_2826] {strides = array<i32>} : memref<40x16x128xf32, #tpu.memory_space<vmem>>, vector<16xf32>,
        %mul3A_2828 = vector.broadcast %reduce_sum3A_856 : f32 to vector<16xf32>
        %mul3A_2829 = arith.mulf %get3A_2813, %mul3A_2828 : vector<16xf32>
        %add3A_2830 = arith.addf %mul3A_2829, %get3A_2820 : vector<16xf32>
        %mul3A_2831 = arith.mulf %add3A_2830, %add3A_2830 : vector<16xf32>
        %mul3A_2832 = arith.constant 0.00833333377 : f32
        %mul3A_2833 = vector.broadcast %mul3A_2832 : f32 to vector<16xf32>
        %mul3A_2834 = arith.mulf %mul3A_2831, %mul3A_2833 : vector<16xf32>
        %add3A_2835 = arith.constant -0.166666672 : f32
        %add3A_2836 = vector.broadcast %add3A_2835 : f32 to vector<16xf32>
        %add3A_2837 = arith.addf %add3A_2836, %mul3A_2834 : vector<16xf32>
        %mul3A_2838 = arith.mulf %mul3A_2831, %add3A_2837 : vector<16xf32>
        %add3A_2839 = arith.constant 1.000000e+00 : f32
        %add3A_2840 = vector.broadcast %add3A_2839 : f32 to vector<16xf32>
        %add3A_2841 = arith.addf %add3A_2840, %mul3A_2838 : vector<16xf32>
        %mul3A_2842 = arith.mulf %add3A_2830, %add3A_2841 : vector<16xf32>
        %mul3A_2843 = arith.mulf %get3A_2827, %mul3A_2842 : vector<16xf32>
        %add3A_2844 = arith.constant 48 : i32
        %add3A_2845 = arith.addi %reduce_sum3A_877, %add3A_2844 : i32
        %get3A_2846 = arith.constant 11 : i32
        %get3A_2847 = arith.index_cast %get3A_2846 : i32 to index
        %get3A_2848 = arith.index_cast %scan3A_850 : i32 to index
        %get3A_2849 = arith.index_cast %add3A_2845 : i32 to index
        %get3A_2850 = tpu.vector_load %arg35[%get3A_2847, %get3A_2848, %get3A_2849] {strides = array<i32>} : memref<40x16x128xf32, #tpu.memory_space<vmem>>, vector<16xf32>,
        %add3A_2851 = arith.constant 48 : i32
        %add3A_2852 = arith.addi %reduce_sum3A_877, %add3A_2851 : i32
        %get3A_2853 = arith.constant 12 : i32
        %get3A_2854 = arith.index_cast %get3A_2853 : i32 to index
        %get3A_2855 = arith.index_cast %scan3A_850 : i32 to index
        %get3A_2856 = arith.index_cast %add3A_2852 : i32 to index
        %get3A_2857 = tpu.vector_load %arg35[%get3A_2854, %get3A_2855, %get3A_2856] {strides = array<i32>} : memref<40x16x128xf32, #tpu.memory_space<vmem>>, vector<16xf32>,
        %add3A_2858 = arith.constant 48 : i32
        %add3A_2859 = arith.addi %reduce_sum3A_877, %add3A_2858 : i32
        %get3A_2860 = arith.constant 13 : i32
        %get3A_2861 = arith.index_cast %get3A_2860 : i32 to index
        %get3A_2862 = arith.index_cast %scan3A_850 : i32 to index
        %get3A_2863 = arith.index_cast %add3A_2859 : i32 to index
        %get3A_2864 = tpu.vector_load %arg35[%get3A_2861, %get3A_2862, %get3A_2863] {strides = array<i32>} : memref<40x16x128xf32, #tpu.memory_space<vmem>>, vector<16xf32>,
        %mul3A_2865 = vector.broadcast %reduce_sum3A_863 : f32 to vector<16xf32>
        %mul3A_2866 = arith.mulf %get3A_2850, %mul3A_2865 : vector<16xf32>
        %add3A_2867 = arith.addf %mul3A_2866, %get3A_2857 : vector<16xf32>
        %mul3A_2868 = arith.mulf %add3A_2867, %add3A_2867 : vector<16xf32>
        %mul3A_2869 = arith.constant 0.00833333377 : f32
        %mul3A_2870 = vector.broadcast %mul3A_2869 : f32 to vector<16xf32>
        %mul3A_2871 = arith.mulf %mul3A_2868, %mul3A_2870 : vector<16xf32>
        %add3A_2872 = arith.constant -0.166666672 : f32
        %add3A_2873 = vector.broadcast %add3A_2872 : f32 to vector<16xf32>
        %add3A_2874 = arith.addf %add3A_2873, %mul3A_2871 : vector<16xf32>
        %mul3A_2875 = arith.mulf %mul3A_2868, %add3A_2874 : vector<16xf32>
        %add3A_2876 = arith.constant 1.000000e+00 : f32
        %add3A_2877 = vector.broadcast %add3A_2876 : f32 to vector<16xf32>
        %add3A_2878 = arith.addf %add3A_2877, %mul3A_2875 : vector<16xf32>
        %mul3A_2879 = arith.mulf %add3A_2867, %add3A_2878 : vector<16xf32>
        %mul3A_2880 = arith.mulf %get3A_2864, %mul3A_2879 : vector<16xf32>
        %add3A_2881 = arith.addf %mul3A_2843, %mul3A_2880 : vector<16xf32>
        %add3A_2882 = arith.constant 48 : i32
        %add3A_2883 = arith.addi %reduce_sum3A_877, %add3A_2882 : i32
        %get3A_2884 = arith.constant 17 : i32
        %get3A_2885 = arith.index_cast %get3A_2884 : i32 to index
        %get3A_2886 = arith.index_cast %scan3A_850 : i32 to index
        %get3A_2887 = arith.index_cast %add3A_2883 : i32 to index
        %get3A_2888 = tpu.vector_load %arg35[%get3A_2885, %get3A_2886, %get3A_2887] {strides = array<i32>} : memref<40x16x128xf32, #tpu.memory_space<vmem>>, vector<16xf32>,
        %add3A_2889 = arith.constant 48 : i32
        %add3A_2890 = arith.addi %reduce_sum3A_877, %add3A_2889 : i32
        %get3A_2891 = arith.constant 18 : i32
        %get3A_2892 = arith.index_cast %get3A_2891 : i32 to index
        %get3A_2893 = arith.index_cast %scan3A_850 : i32 to index
        %get3A_2894 = arith.index_cast %add3A_2890 : i32 to index
        %get3A_2895 = tpu.vector_load %arg35[%get3A_2892, %get3A_2893, %get3A_2894] {strides = array<i32>} : memref<40x16x128xf32, #tpu.memory_space<vmem>>, vector<16xf32>,
        %add3A_2896 = arith.constant 48 : i32
        %add3A_2897 = arith.addi %reduce_sum3A_877, %add3A_2896 : i32
        %get3A_2898 = arith.constant 19 : i32
        %get3A_2899 = arith.index_cast %get3A_2898 : i32 to index
        %get3A_2900 = arith.index_cast %scan3A_850 : i32 to index
        %get3A_2901 = arith.index_cast %add3A_2897 : i32 to index
        %get3A_2902 = tpu.vector_load %arg35[%get3A_2899, %get3A_2900, %get3A_2901] {strides = array<i32>} : memref<40x16x128xf32, #tpu.memory_space<vmem>>, vector<16xf32>,
        %mul3A_2903 = vector.broadcast %reduce_sum3A_870 : f32 to vector<16xf32>
        %mul3A_2904 = arith.mulf %get3A_2888, %mul3A_2903 : vector<16xf32>
        %add3A_2905 = arith.addf %mul3A_2904, %get3A_2895 : vector<16xf32>
        %mul3A_2906 = arith.mulf %add3A_2905, %add3A_2905 : vector<16xf32>
        %mul3A_2907 = arith.constant 0.00833333377 : f32
        %mul3A_2908 = vector.broadcast %mul3A_2907 : f32 to vector<16xf32>
        %mul3A_2909 = arith.mulf %mul3A_2906, %mul3A_2908 : vector<16xf32>
        %add3A_2910 = arith.constant -0.166666672 : f32
        %add3A_2911 = vector.broadcast %add3A_2910 : f32 to vector<16xf32>
        %add3A_2912 = arith.addf %add3A_2911, %mul3A_2909 : vector<16xf32>
        %mul3A_2913 = arith.mulf %mul3A_2906, %add3A_2912 : vector<16xf32>
        %add3A_2914 = arith.constant 1.000000e+00 : f32
        %add3A_2915 = vector.broadcast %add3A_2914 : f32 to vector<16xf32>
        %add3A_2916 = arith.addf %add3A_2915, %mul3A_2913 : vector<16xf32>
        %mul3A_2917 = arith.mulf %add3A_2905, %add3A_2916 : vector<16xf32>
        %mul3A_2918 = arith.mulf %get3A_2902, %mul3A_2917 : vector<16xf32>
        %add3A_2919 = arith.addf %add3A_2881, %mul3A_2918 : vector<16xf32>
        %mul3A_2920 = arith.mulf %get3A_2426, %get3A_2452 : vector<16xf32>
        %mul3A_2921 = arith.mulf %mul3A_2920, %get3A_2447 : vector<16xf32>
        %mul3A_2922 = arith.mulf %add3A_2580, %get3A_2457 : vector<16xf32>
        %mul3A_2923 = arith.mulf %mul3A_2922, %add3A_2693 : vector<16xf32>
        %add3A_2924 = arith.addf %mul3A_2921, %mul3A_2923 : vector<16xf32>
        %mul3A_2925 = arith.mulf %get3A_2440, %get3A_2462 : vector<16xf32>
        %mul3A_2926 = arith.mulf %mul3A_2925, %get3A_2433 : vector<16xf32>
        %add3A_2927 = arith.addf %add3A_2924, %mul3A_2926 : vector<16xf32>
        %mul3A_2928 = arith.mulf %add3A_2806, %get3A_2467 : vector<16xf32>
        %mul3A_2929 = arith.mulf %mul3A_2928, %add3A_2919 : vector<16xf32>
        %add3A_2930 = arith.addf %add3A_2927, %mul3A_2929 : vector<16xf32>
        %add3A_2931 = arith.addf %add3A_2419, %add3A_2930 : vector<16xf32>
        %eq3A_2932 = vector.broadcast %scan3A_850 : i32 to vector<16xi32>
        %eq3A_2933 = arith.cmpi eq, %iota3A, %eq3A_2932 : vector<16xi32>
        %reduce_sum3A_2934 = arith.constant true
        %reduce_sum3A_2935 = vector.broadcast %reduce_sum3A_2934 : i1 to vector<16xi1>
        %reduce_sum3A_2936 = tpu.scan <sum>, %add3A_2931 masked %reduce_sum3A_2935 : vector<16xf32>, vector<16xi1> -> vector<16xf32>
        %reduce_sum3A_2937 = vector.extract %reduce_sum3A_2936[15] : f32 from vector<16xf32>
        %broadcast_in_dim3A_2938 = vector.broadcast %reduce_sum3A_2937 : f32 to vector<16xf32>
        %select_n3A_2939 = arith.select %eq3A_2933, %broadcast_in_dim3A_2938, %scan3A_851 : vector<16xi1>, vector<16xf32>
        scf.yield %select_n3A_2939 : vector<16xf32>
      }
      %scan3A_845 = arith.constant 16 : i32
      %mul3A_846 = arith.constant 5.000000e-01 : f32
      %mul3A_847 = vector.broadcast %mul3A_846 : f32 to vector<16xf32>
      %mul3A_848 = arith.mulf %mul3A_847, %scan3A_844 : vector<16xf32>
      %swap3A = arith.index_cast %mul3A_16 : i32 to index
      %swap3A_849 = tpu.vector_load %arg37[%swap3A] {strides = array<i32>} : memref<512xf32, #tpu.memory_space<vmem>>, vector<16xf32>,
      tpu.vector_store %arg37[%swap3A], %mul3A_848 {strides = array<i32>} : memref<512xf32, #tpu.memory_space<vmem>>, vector<16xf32>,
    }
    %scan3A_13 = arith.constant 32 : i32
    "tpu.region"() ({
      %run_scoped3A = tpu.sem_alloc : memref<!tpu.dma_semaphore, #tpu.memory_space<semaphore_mem>>
      %dma_start3A = tpu.memref_slice %arg30[%mul3A_2] : memref<16384xf32, #tpu.memory_space<hbm>> -> memref<512xf32, #tpu.memory_space<hbm>>
      %dma_start3A_14 = tpu.memref_slice %arg30[%mul3A_2] : memref<16384xf32, #tpu.memory_space<hbm>> -> memref<512xf32, #tpu.memory_space<hbm>>
      tpu.enqueue_dma source(%arg37 : memref<512xf32, #tpu.memory_space<vmem>>) target(%dma_start3A_14 : memref<512xf32, #tpu.memory_space<hbm>>) target_semaphore(%run_scoped3A : memref<!tpu.dma_semaphore, #tpu.memory_space<semaphore_mem>>)
      %dma_wait3A = tpu.memref_slice %arg30[%mul3A_2] : memref<16384xf32, #tpu.memory_space<hbm>> -> memref<512xf32, #tpu.memory_space<hbm>>
      %dma_wait3A_15 = tpu.memref_slice %arg30[%mul3A_2] : memref<16384xf32, #tpu.memory_space<hbm>> -> memref<512xf32, #tpu.memory_space<hbm>>
      tpu.wait_dma2 semaphore(%run_scoped3A : memref<!tpu.dma_semaphore, #tpu.memory_space<semaphore_mem>>) src(%arg37 : memref<512xf32, #tpu.memory_space<vmem>>) dst(%dma_wait3A_15 : memref<512xf32, #tpu.memory_space<hbm>>)
      tpu.yield
    }) : () -> ()
    return
  }
}

</mosaic_0001>

<sc_bundles>
// kernel: kernel.3.cloned.1.call-start
scs
__scs_entry_jumppad:
0x0: {  	(pc) =	sbr.rel $0x88, $3  }
0x1: {  	(tag) =	ssettag $0x0;
	lr =	simm.s32 $0x1  }
0x2: {  	[smem:$0x3F85] =	sst lr;
	_ =	strace $0xD0000000  }
0x3: {  	_ = 	snop  }
0x4: {  	_ = 	snop  }
0x5: {  	_ = 	snop  }
0x6: {  	_ = 	snop  }
0x7: {  	_ = 	snop  }
__scs_overlays_trampoline_lowered:
0x8: {  	[smem:$0x3F94] =	sst s0  }
0x9: {  	[smem:$0x3F95] =	sst s1  }
0xa: {  	[smem:$0x3F96] =	sst s2  }
0xb: {  	[smem:$0x3F97] =	sst s3  }
0xc: {  	[smem:$0x3F98] =	sst s4  }
0xd: {  	[smem:$0x3F99] =	sst s5  }
0xe: {  	[smem:$0x3F9A] =	sst s6  }
0xf: {  	[smem:$0x3F9B] =	sst s7  }
0x10: {  	[smem:$0x3F9C] =	sst s8  }
0x11: {  	[smem:$0x3F9D] =	sst s9;
	s0 =	simm.s32 @!p0 $0x0  }
0x12: {  	s1 =	sld [smem:$0x3F83];
	s0 =	simm.s32 @p0 $0x1  }
0x13: {  	[smem:$0x3F9E] =	sst s0;
	s0 =	simm.s32 @!p1 $0x0  }
0x14: {  	s2 =	sld [smem:$0x3F82];
	s0 =	simm.s32 @p1 $0x1  }
0x15: {  	[smem:$0x3F9F] =	sst s0;
	s0 =	simm.s32 @!p2 $0x0  }
0x16: {  	s3 =	sld [smem:$0x3FDB];
	s0 =	simm.s32 @p2 $0x1  }
0x17: {  	s4 =	simm.s32 $0x1BF5;
	[smem:$0x3FA1] =	sst s0  }
0x18: {  	s0 =	sld [smem:$0x3F84];
	_ =	swait.ge [sflag:s4], $0x0  }
0x19: {  	s7 =	sld [smem:$0x3F85]  }
0x1a: {  	s8 =	sadd.s32 $0xFFFFE003, lr  }
0x1b: {  	s9 =	sadd.s32 $0xFFFFFEF7, lr;
	s5 =	simm.s32 $0xFFFFFFFF;
	p2 =	slt.u32 s8, $0xFFFFF086  }
0x1c: {  	p1 =	slt.u32 s9, $0xF7A;
	s5 =	simm.s32 @!p2 $0x0  }
0x1d: {  	s5 =	simm.s32 @p1 $0x1;
	p0 =	seq.s32 s7, s2  }
0x1e: {  	s7 =	smul.u32 @!p0 $0xF7A, s2;
	p2 =	seq.s32 @!p0 s5, $0x0  }
0x1f: {  	s9 =	smul.u32 $0xF7A, s1;
	s8 =	simm.s32 @!p0 $0x1BF5;
	p2 =	por !p2, p0  }
0x20: {  	[sflag:s8] =	ssyncset.s32 @!p0 $0xFFFFF086;
	s6 =	sadd.s32 @!p0 s3, s7;
	s7 =	simm.s32 @!p0 $0x108  }
0x21: {  	s3 =	sadd.s32 s3, s9;
	s6 =	sadd.s32 @!p0 $0x88, s6;
	s7 =	simm.s32 @p2 $0x1082  }
0x22: {  	[simem:s7], [sflag:s8] =	dma.local @!p0 [hbm:s6], $0xF7A  }
0x23: {  	s9 =	sor.u32 $0xD0000000, s2;
	s6 =	simm.s32 $0x108;
	_ =	swait.ge @!p0 [sflag:s8], $0x0  }
0x24: {  	s3 =	sadd.s32 $0x88, s3;
	s6 =	simm.s32 @!p1 $0x1082;
	[sflag:s4] =	ssyncset.s32 $0xFFFFF086  }
0x25: {  	[simem:s6], [sflag:s4] =	dma.local [hbm:s3], $0xF7A  }
0x26: {  	[smem:$0x3F85] =	sst s1;
	(tag) =	ssettag s2;
	_ =	strace s9  }
0x27: {  	s1 =	sld [smem:$0x3F95]  }
0x28: {  	s2 =	sld [smem:$0x3F96]  }
0x29: {  	s4 =	sld [smem:$0x3F98]  }
0x2a: {  	p0 =	seq.s32 s5, $0x0;
	s5 =	sld [smem:$0x3F99]  }
0x2b: {  	s6 =	sld [smem:$0x3F9A]  }
0x2c: {  	s7 =	sld [smem:$0x3F9B]  }
0x2d: {  	s3 =	simm.s32 $0x108;
	s8 =	sld [smem:$0x3F9C]  }
0x2e: {  	s3 =	simm.s32 @!p0 $0x1082;
	s9 =	sld [smem:$0x3F9D]  }
0x2f: {  	lr =	sadd.s32 s0, s3;
	s0 =	sld [smem:$0x3F94]  }
0x30: {  	s3 =	sld [smem:$0x3F97]  }
0x31: {  	[smem:$0x3FA0] =	sst s10  }
0x32: {  	s10 =	sld [smem:$0x3F9E];
	_ =	sdelay $0x3  }
0x33: {  	p0 =	seq.s32 s10, $0x1;
	s10 =	sld [smem:$0x3FA0];
	_ =	sdelay $0x3  }
0x34: {  	[smem:$0x3FA0] =	sst s10  }
0x35: {  	s10 =	sld [smem:$0x3F9F];
	_ =	sdelay $0x3  }
0x36: {  	p1 =	seq.s32 s10, $0x1;
	s10 =	sld [smem:$0x3FA0];
	_ =	sdelay $0x3  }
0x37: {  	[smem:$0x3FA0] =	sst s10  }
0x38: {  	s10 =	sld [smem:$0x3FA1]  }
0x39: {  	_ = 	snop;
	(pc) =	sbr.ind lr, $3  }
0x3a: {  	_ = 	snop  }
0x3b: {  	_ = 	snop  }
0x3c: {  	p2 =	seq.s32 s10, $0x1;
	s10 =	sld [smem:$0x3FA0]  }
0x3d: {  	_ =	shalt  }
0x3e: {  	_ =	shalt  }
0x3f: {  	_ =	shalt  }
0x40: {  	_ =	shalt  }
0x41: {  	_ =	shalt  }
0x42: {  	_ =	shalt  }
0x43: {  	_ =	shalt  }
0x44: {  	_ =	shalt  }
0x45: {  	_ =	shalt  }
0x46: {  	_ =	shalt  }
0x47: {  	_ =	shalt  }
0x48: {  	_ =	shalt  }
0x49: {  	_ =	shalt  }
0x4a: {  	_ =	shalt  }
0x4b: {  	_ =	shalt  }
0x4c: {  	_ =	shalt  }
0x4d: {  	_ =	shalt  }
0x4e: {  	_ =	shalt  }
0x4f: {  	_ =	shalt  }
0x50: {  	_ =	shalt  }
0x51: {  	_ =	shalt  }
0x52: {  	_ =	shalt  }
0x53: {  	_ =	shalt  }
0x54: {  	_ =	shalt  }
0x55: {  	_ =	shalt  }
0x56: {  	_ =	shalt  }
0x57: {  	_ =	shalt  }
0x58: {  	_ =	shalt  }
0x59: {  	_ =	shalt  }
0x5a: {  	_ =	shalt  }
0x5b: {  	_ =	shalt  }
0x5c: {  	_ =	shalt  }
0x5d: {  	_ =	shalt  }
0x5e: {  	_ =	shalt  }
0x5f: {  	_ =	shalt  }
0x60: {  	_ =	shalt  }
0x61: {  	_ =	shalt  }
0x62: {  	_ =	shalt  }
0x63: {  	_ =	shalt  }
0x64: {  	_ =	shalt  }
0x65: {  	_ =	shalt  }
0x66: {  	_ =	shalt  }
0x67: {  	_ =	shalt  }
0x68: {  	_ =	shalt  }
0x69: {  	_ =	shalt  }
0x6a: {  	_ =	shalt  }
0x6b: {  	_ =	shalt  }
0x6c: {  	_ =	shalt  }
0x6d: {  	_ =	shalt  }
0x6e: {  	_ =	shalt  }
0x6f: {  	_ =	shalt  }
0x70: {  	_ =	shalt  }
0x71: {  	_ =	shalt  }
0x72: {  	_ =	shalt  }
0x73: {  	_ =	shalt  }
0x74: {  	_ =	shalt  }
0x75: {  	_ =	shalt  }
0x76: {  	_ =	shalt  }
0x77: {  	_ =	shalt  }
0x78: {  	_ =	shalt  }
0x79: {  	_ =	shalt  }
0x7a: {  	_ =	shalt  }
0x7b: {  	_ =	shalt  }
0x7c: {  	_ =	shalt  }
0x7d: {  	_ =	shalt  }
0x7e: {  	_ =	shalt  }
0x7f: {  	_ =	shalt  }
0x80: {  	_ =	shalt  }
0x81: {  	_ =	shalt  }
0x82: {  	_ =	shalt  }
0x83: {  	_ =	shalt  }
0x84: {  	_ =	shalt  }
0x85: {  	_ =	shalt  }
0x86: {  	_ =	shalt  }
0x87: {  	_ =	shalt  }
.Lfunc_end0:
.L_simem_size_0:
called_computation_lowered:
.L_overlay_start_0:
0x88: {  	s2 =	sld [smem:$0x3FD9]  }
0x89: {  	s3 =	sld [smem:$0x3FFE];
	_ =	sdelay $0x1  }
0x8a: {  	s1 =	srdreg.scid  }
0x8b: {  	s0 =	sand.u32 $0x1, s1  }
0x8c: {  	s17 =	sshll.u32 s0, $0xA;
	s2 =	sadd.s32 s3, s2  }
0x8d: {  	s2 =	sadd.s32 s2, s17  }
0x8e: {  	[smem:$0x3FAC] =	sst s2  }
0x8f: {  	_ = 	snop  }
0x90: {  	s2 =	sld [smem:$0x3FC9]  }
0x91: {  	s18 =	sld [smem:$0x3FC8]  }
0x92: {  	s4 =	sld [smem:$0x3FC7]  }
0x93: {  	s5 =	sld [smem:$0x3FC6]  }
0x94: {  	s6 =	sld [smem:$0x3FC5]  }
0x95: {  	s7 =	sld [smem:$0x3FC4]  }
0x96: {  	s8 =	sld [smem:$0x3FB5]  }
0x97: {  	s9 =	sld [smem:$0x3FB4]  }
0x98: {  	s10 =	sld [smem:$0x3FD0];
	(tm) =	ssettm $0x1  }
0x99: {  	s11 =	sld [smem:$0x3FFB];
	_ =	sdelay $0x3  }
0x9a: {  	_ =	strace s11  }
0x9b: {  	s11 =	sld [smem:$0x3FFC];
	_ =	sdelay $0x3  }
0x9c: {  	_ =	strace s11  }
0x9d: {  	s11 =	sld [smem:$0x3FFD];
	_ =	sdelay $0x3  }
0x9e: {  	_ =	strace s11  }
0x9f: {  	_ =	strace $0x8FFFFFFF  }
0xa0: {  	s19 =	sld [smem:$0x3FDB];
	_ =	sdelay $0x1  }
0xa1: {  	s12 =	simm.s32 $_scs_section_size  }
0xa2: {  	s13 =	simm.s32 $_size__tile_overlayer_lowered;
	s14 =	simm.s32 $_tile_overlayer_lowered  }
0xa3: {  	s22 =	simm.s32 $0x1BFF;
	s21 =	sshll.u32 s14, $0x1;
	s11 =	sadd.s32 s12, s19  }
0xa4: {  	s15 =	simm.s32 $0x0;
	s20 =	sshll.u32 s13, $0x1;
	s13 =	sadd.s32 s21, s11  }
0xa5: {  	[timem:s15], [sflag:s22] =	dma.local [hbm:s13], s20  }
0xa6: {  	_ =	swait.ge [sflag:s22], s20  }
0xa7: {  	s12 =	ssub.s32 $0x0, s20;
	[sflag:s22] =	ssyncset.done $0x0  }
0xa8: {  	[sflag:s22] =	ssyncadd.s32 s12;
	_ =	sdelay $0x1  }
0xa9: {  	s23 =	simm.s32 $0x1B8B  }
0xaa: {  	_ =	swait.ge [sflag:s23], $0x1  }
0xab: {  	[sflag:s23] =	ssyncset.done $0x0  }
0xac: {  	s25 =	simm.s32 $0x1B8E;
	s24 =	sld [smem:$0x3FFE];
	[sflag:s23] =	ssyncadd.s32 $0xFFFFFFFF  }
0xad: {  	s26 =	simm.s32 $execute0_lowered;
	[smem:$0x3FD2] =	sst s25  }
0xae: {  	s13 =	sshll.u32 s26, $0x1;
	_ =	strace $0x80000046;
	[dreg:$0x1] =	wrdreg $0xFFFFFFFF  }
0xaf: {  	s28 =	simm.s32 $_size_execute0_lowered;
	s11 =	sadd.s32 s11, s13;
	[dreg:$0x0] =	wrdreg $0x0  }
0xb0: {  	s13 =	sshll.u32 s28, $0x1;
	[dreg:$0x2] =	wrdreg s11  }
0xb1: {  	[dreg:$0x3] =	wrdreg s13  }
0xb2: {  	[dreg:$0x4] =	wrdreg $0xC0  }
0xb3: {  	_ =	task [dreg:s15], $0x5FFFF  }
0xb4: {  	[dreg:$0x1] =	wrdreg $0xFFFFFFFF  }
0xb5: {  	[dreg:$0x0] =	wrdreg $0x60  }
0xb6: {  	[dreg:$0x2] =	wrdreg s2  }
0xb7: {  	[dreg:$0x3] =	wrdreg s18  }
0xb8: {  	[dreg:$0x4] =	wrdreg s4  }
0xb9: {  	[dreg:$0x5] =	wrdreg s5  }
0xba: {  	[dreg:$0x6] =	wrdreg s6  }
0xbb: {  	[dreg:$0x7] =	wrdreg s7  }
0xbc: {  	[dreg:$0x8] =	wrdreg s24  }
0xbd: {  	[dreg:$0x9] =	wrdreg s8  }
0xbe: {  	[dreg:$0xa] =	wrdreg s9  }
0xbf: {  	[dreg:$0xb] =	wrdreg s10  }
0xc0: {  	[dreg:$0xc] =	wrdreg $0x9  }
0xc1: {  	_ =	task.clear_ibuf [dreg:s15], $0xDFFFF;
	_ =	strace $0x90000046  }
0xc2: {  	s29 =	simm.s32 $0x9;
	_ =	strace $0x80000048  }
0xc3: {  	_ =	swait.ge [sflag:s29], $0x1  }
0xc4: {  	[sflag:s29] =	ssyncadd.s32 $0xFFFFFFFF  }
0xc5: {  	_ =	strace $0x90000048  }
0xc6: {  	_ =	sfence  }
0xc7: {  	s30 =	sld [smem:$0x0];
	_ =	sdelay $0x2  }
0xc8: {  	s31 =	sshll.u32 s1, $0xD;
	s1 =	sshrl.u32 s1, $0x2  }
0xc9: {  	s3 =	sand.u32 $0x4000, s31;
	s1 =	sadd.s32 s1, s30  }
0xca: {  	s0 =	sor.u32 s3, s0;
	s1 =	sshll.u32 s1, $0x11  }
0xcb: {  	s0 =	sor.u32 s1, s0  }
0xcc: {  	s0 =	sadd.s32 $0x8F2B, s0  }
0xcd: {  	[sflag:s0] =	ssyncadd.remote.s32 $0x1  }
0xce: {  	_ =	sfence.sel $0xFFFF  }
0xcf: {  	[dreg:$0x0] =	wrdreg $0xFFFFFFFF;
	(pc) =	sbr.abs _section_cstart, $3  }
0xd0: {  	[dreg:$0x1] =	wrdreg $0xFFFFFFFF  }
0xd1: {  	_ =	task.clear_ibuf [dreg:s15], $0x2FFFF;
	_ =	strace $0x9FFFFFFF  }
0xd2: {  	(tm) =	ssettm $0x7FFFFFFF  }
0xd3: {  	_ =	shalt  }
tec
execute0_lowered:
.L_overlay_start_1:
0x0: {  	(tag) =	ssettag $0x1  }
0x1: {  	s0 =	rddreg [dreg:$0x0]  }
0x2: {  	s1 =	rddreg [dreg:$0x1]  }
0x3: {  	s2 =	rddreg [dreg:$0x2]  }
0x4: {  	s3 =	rddreg [dreg:$0x3]  }
0x5: {  	s4 =	rddreg [dreg:$0x4]  }
0x6: {  	s5 =	rddreg [dreg:$0x5]  }
0x7: {  	s6 =	rddreg [dreg:$0x6]  }
0x8: {  	s7 =	rddreg [dreg:$0x9];
	s11 =	simm.s32 $0x0  }
0x9: {  	[smem:$0x7FF] =	sst s11;
	s8 =	sadd.s32 $0x6F0000, s6  }
0xa: {  	s19 =	sadd.s32 $0x62CA00, s6;
	_ =	strace $0x80000047;
	[dreg:$0xb] =	wrdreg s8  }
0xb: {  	s22 =	srdreg.scid;
	s20 =	sadd.s32 $0xE91C00, s6;
	[dreg:$0xc] =	wrdreg s19  }
0xc: {  	s12 =	stileid.u32;
	s21 =	sadd.s32 $0x1018800, s6;
	[dreg:$0xd] =	wrdreg s20  }
0xd: {  	s9 =	sadd.s32 $0xD0B000, s6;
	s23 =	sadd.s32 $0xDCE600, s6;
	[dreg:$0xe] =	wrdreg s21  }
0xe: {  	s24 =	sadd.s32 $0xF55200, s6;
	s25 =	sadd.s32 $0xC47A00, s6;
	[dreg:$0xf] =	wrdreg s9  }
0xf: {  	s10 =	sadd.s32 $0x9FD800, s6;
	s13 =	sshll.u32 s12, $0x7;
	[dreg:$0x10] =	wrdreg s23  }
0x10: {  	s14 =	sadd.s32 $0xB84400, s6;
	s15 =	sadd.s32 $0x876C00, s6;
	[dreg:$0x11] =	wrdreg s24  }
0x11: {  	s28 =	sadd.s32 $0x25BC00, s6;
	s30 =	sadd.s32 $0x31F200, s6;
	[dreg:$0x12] =	wrdreg s25  }
0x12: {  	s31 =	sadd.s32 $0x4A5E00, s6;
	s8 =	sand.u32 $0x1, s22;
	[dreg:$0x13] =	wrdreg s10  }
0x13: {  	[dreg:$0x14] =	wrdreg s14;
	s26 =	ssub.s32 $0x2, s8;
	s8 =	sshll.u32 s8, $0x6  }
0x14: {  	[dreg:$0x15] =	wrdreg s15;
	s20 =	sadd.s32 $0x93A200, s6;
	s8 =	sor.u32 s8, s13  }
0x15: {  	s21 =	sadd.s32 $0xAC0E00, s6;
	s23 =	sadd.s32 $0x7B3600, s6;
	s0 =	sadd.s32 s0, s8  }
0x16: {  	s24 =	sadd.s32 $0x3E2800, s6;
	s16 =	sadd.s32 s2, s8;
	[dreg:$0x16] =	wrdreg s0  }
0x17: {  	s29 =	sshrl.u32 s26, $0x1;
	s17 =	sadd.s32 s1, s8;
	[dreg:$0x17] =	wrdreg s16  }
0x18: {  	s9 =	ssub.s32 s26, s29;
	s18 =	sadd.s32 s3, s8;
	[dreg:$0x18] =	wrdreg s17  }
0x19: {  	s19 =	sadd.s32 s4, s8;
	s22 =	sadd.s32 s5, s8;
	[dreg:$0x19] =	wrdreg s18  }
0x1a: {  	s26 =	sadd.s32 $0x569400, s6;
	s25 =	sadd.s32 s7, s8;
	[dreg:$0x1a] =	wrdreg s19  }
0x1b: {  	s2 =	simm.s32 $0x2;
	s3 =	simm.s32 $0x0;
	[dreg:$0x1b] =	wrdreg s22  }
0x1c: {  	[dreg:$0x1c] =	wrdreg s25;
	s0 =	sadd.s32 $0x198600, s6;
	s29 =	smax.u32 s9, $0x1  }
0x1d: {  	v3 =	vlaneseq.u32;
	s17 =	simm.s32 $0x10;
	s22 =	simm.s32 $0x1;
	[dreg:$0x1d] =	wrdreg s29  }
.LBB2_1:
0x1e: {  	[dreg:$0x1e] =	wrdreg s3  }
0x1f: {  	s1 =	rddreg [dreg:$0x16]  }
0x20: {  	[tilespmem:s11], [sflag:$0x2] =	stream.linear.gather [hbm4b:s1+s11], $0x200, $0x38;
	[tilespmem:$0x16200] =	vst v63  }
0x21: {  	_ =	swait.ge [sflag:s2], $0x200  }
0x22: {  	[sflag:s2] =	ssyncset.done $0x0  }
0x23: {  	s12 =	simm.s32 $0x200;
	s10 =	rddreg [dreg:$0x17];
	[sflag:s2] =	ssyncadd.s32 $0xFFFFFE00  }
0x24: {  	[tilespmem:s12], [sflag:$0x2] =	stream.linear.gather [hbm4b:s10+s11], $0x200, $0x38;
	[tilespmem:$0x16200] =	vst v63  }
0x25: {  	_ =	swait.ge [sflag:s2], $0x200  }
0x26: {  	[sflag:s2] =	ssyncset.done $0x0  }
0x27: {  	s14 =	simm.s32 $0x800;
	s13 =	rddreg [dreg:$0x18];
	[sflag:s2] =	ssyncadd.s32 $0xFFFFFE00  }
0x28: {  	[tilespmem:s14], [sflag:$0x2] =	stream.linear.gather [hbm4b:s13+s11], $0x200, $0x38;
	[tilespmem:$0x16200] =	vst v63  }
0x29: {  	_ =	swait.ge [sflag:s2], $0x200  }
0x2a: {  	[sflag:s2] =	ssyncset.done $0x0  }
0x2b: {  	s16 =	simm.s32 $0xA00;
	s15 =	rddreg [dreg:$0x19];
	[sflag:s2] =	ssyncadd.s32 $0xFFFFFE00  }
0x2c: {  	[tilespmem:s16], [sflag:$0x2] =	stream.linear.gather [hbm4b:s15+s11], $0x200, $0x38;
	[tilespmem:$0x16200] =	vst v63  }
0x2d: {  	_ =	swait.ge [sflag:s2], $0x200  }
0x2e: {  	[sflag:s2] =	ssyncset.done $0x0  }
0x2f: {  	s19 =	simm.s32 $0xC00;
	s18 =	rddreg [dreg:$0x1a];
	[sflag:s2] =	ssyncadd.s32 $0xFFFFFE00  }
0x30: {  	[tilespmem:s19], [sflag:$0x2] =	stream.linear.gather [hbm4b:s18+s11], $0x200, $0x38;
	[tilespmem:$0x16200] =	vst v63  }
0x31: {  	_ =	swait.ge [sflag:s2], $0x200  }
0x32: {  	[sflag:s2] =	ssyncset.done $0x0  }
0x33: {  	s29 =	simm.s32 $0xE00;
	s25 =	rddreg [dreg:$0x1b];
	[sflag:s2] =	ssyncadd.s32 $0xFFFFFE00  }
0x34: {  	[tilespmem:s29], [sflag:$0x2] =	stream.linear.gather [hbm4b:s25+s11], $0x200, $0x38;
	[tilespmem:$0x16200] =	vst v63  }
0x35: {  	_ =	swait.ge [sflag:s2], $0x200  }
0x36: {  	[sflag:s2] =	ssyncset.done $0x0  }
0x37: {  	s1 =	simm.s32 $0x0;
	[sflag:s2] =	ssyncadd.s32 $0xFFFFFE00  }
0x38: {  	s2 =	simm.s32 $0x40;
	v0 =	vld [tilespmem:s1+$0x0]  }
.LBB2_2:
0x39: {  	p0 =	sne.s32 s2, $0xFC0  }
.Ltmp0:
0x3a: {  	_ = 	snop;
	(pc) =	sbr.rel @p0 .LBB2_2-.Ltmp0, $3  }
0x3b: {  	_ =	sdelay $0x1  }
0x3c: {  	s3 =	sshra.s32 s2, $0x2;
	s2 =	sadd.s32 $0x40, s2;
	v1 =	vshrl.u32 v0, $0x1  }
0x3d: {  	v0 =	vld [tilespmem:s3+$0x0];
	[tilespmem:s1+$0x400] =	vst v1;
	s1 =	smov.u32 s3  }
0x3e: {  	_ =	sdelay $0x3  }
0x3f: {  	v0 =	vshrl.u32 v0, $0x1  }
0x40: {  	s29 =	simm.s32 $0x0;
	[tilespmem:s1+$0x400] =	vst v0  }
.LBB2_4:
0x41: {  	s10 =	sshll.u32 s29, $0x4  }
0x42: {  	s3 =	rddreg [dreg:$0xb];
	s2 =	simm.s32 $0x1000;
	s1 =	sadd.s32 $0x400, s10  }
0x43: {  	[tilespmem:s2], [sflag:$0x1] =	stream.indirect.gather [hbm4b:s3+s17], $0x80, s1, s17, $0xb8;
	[tilespmem:$0x16200] =	vst v63  }
0x44: {  	s4 =	simm.s32 $0xB000;
	s2 =	sadd.s32 $0x600, s10  }
0x45: {  	[tilespmem:s4], [sflag:$0x1] =	stream.indirect.gather [hbm4b:s3+s17], $0x80, s2, s17, $0xb8;
	[tilespmem:$0x16200] =	vst v63  }
0x46: {  	s16 =	rddreg [dreg:$0xc];
	s18 =	simm.s32 $0x1800  }
0x47: {  	[tilespmem:s18], [sflag:$0x1] =	stream.indirect.gather [hbm4b:s16+s17], $0x80, s1, s17, $0xb8;
	[tilespmem:$0x16200] =	vst v63  }
0x48: {  	s19 =	simm.s32 $0xB800  }
0x49: {  	[tilespmem:s19], [sflag:$0x1] =	stream.indirect.gather [hbm4b:s16+s17], $0x80, s2, s17, $0xb8;
	[tilespmem:$0x16200] =	vst v63  }
0x4a: {  	s25 =	rddreg [dreg:$0xd];
	s5 =	simm.s32 $0x2000  }
0x4b: {  	[tilespmem:s5], [sflag:$0x1] =	stream.indirect.gather [hbm4b:s25+s17], $0x80, s1, s17, $0xb8;
	[tilespmem:$0x16200] =	vst v63  }
0x4c: {  	s6 =	simm.s32 $0xC000  }
0x4d: {  	[tilespmem:s6], [sflag:$0x1] =	stream.indirect.gather [hbm4b:s25+s17], $0x80, s2, s17, $0xb8;
	[tilespmem:$0x16200] =	vst v63  }
0x4e: {  	s7 =	rddreg [dreg:$0xe];
	s8 =	simm.s32 $0x2800  }
0x4f: {  	[tilespmem:s8], [sflag:$0x1] =	stream.indirect.gather [hbm4b:s7+s17], $0x80, s1, s17, $0xb8;
	[tilespmem:$0x16200] =	vst v63  }
0x50: {  	s9 =	simm.s32 $0xC800  }
0x51: {  	[tilespmem:s9], [sflag:$0x1] =	stream.indirect.gather [hbm4b:s7+s17], $0x80, s2, s17, $0xb8;
	[tilespmem:$0x16200] =	vst v63  }
0x52: {  	s11 =	rddreg [dreg:$0xf];
	s12 =	simm.s32 $0x3000  }
0x53: {  	[tilespmem:s12], [sflag:$0x1] =	stream.indirect.gather [hbm4b:s11+s17], $0x80, s1, s17, $0xb8;
	[tilespmem:$0x16200] =	vst v63  }
0x54: {  	s13 =	simm.s32 $0xD000  }
0x55: {  	[tilespmem:s13], [sflag:$0x1] =	stream.indirect.gather [hbm4b:s11+s17], $0x80, s2, s17, $0xb8;
	[tilespmem:$0x16200] =	vst v63  }
0x56: {  	s14 =	rddreg [dreg:$0x10];
	s15 =	simm.s32 $0x3800  }
0x57: {  	[tilespmem:s15], [sflag:$0x1] =	stream.indirect.gather [hbm4b:s14+s17], $0x80, s1, s17, $0xb8;
	[tilespmem:$0x16200] =	vst v63  }
0x58: {  	s16 =	simm.s32 $0xD800  }
0x59: {  	[tilespmem:s16], [sflag:$0x1] =	stream.indirect.gather [hbm4b:s14+s17], $0x80, s2, s17, $0xb8;
	[tilespmem:$0x16200] =	vst v63  }
0x5a: {  	s18 =	rddreg [dreg:$0x11];
	s19 =	simm.s32 $0x4000  }
0x5b: {  	[tilespmem:s19], [sflag:$0x1] =	stream.indirect.gather [hbm4b:s18+s17], $0x80, s1, s17, $0xb8;
	[tilespmem:$0x16200] =	vst v63  }
0x5c: {  	s25 =	simm.s32 $0xE000  }
0x5d: {  	[tilespmem:s25], [sflag:$0x1] =	stream.indirect.gather [hbm4b:s18+s17], $0x80, s2, s17, $0xb8;
	[tilespmem:$0x16200] =	vst v63  }
0x5e: {  	s5 =	rddreg [dreg:$0x12];
	s6 =	simm.s32 $0x4800  }
0x5f: {  	[tilespmem:s6], [sflag:$0x1] =	stream.indirect.gather [hbm4b:s5+s17], $0x80, s1, s17, $0xb8;
	[tilespmem:$0x16200] =	vst v63  }
0x60: {  	s7 =	simm.s32 $0xE800  }
0x61: {  	[tilespmem:s7], [sflag:$0x1] =	stream.indirect.gather [hbm4b:s5+s17], $0x80, s2, s17, $0xb8;
	[tilespmem:$0x16200] =	vst v63  }
0x62: {  	s8 =	rddreg [dreg:$0x13];
	s9 =	simm.s32 $0x5000  }
0x63: {  	[tilespmem:s9], [sflag:$0x1] =	stream.indirect.gather [hbm4b:s8+s17], $0x80, s1, s17, $0xb8;
	[tilespmem:$0x16200] =	vst v63  }
0x64: {  	s11 =	simm.s32 $0xF000  }
0x65: {  	[tilespmem:s11], [sflag:$0x1] =	stream.indirect.gather [hbm4b:s8+s17], $0x80, s2, s17, $0xb8;
	[tilespmem:$0x16200] =	vst v63  }
0x66: {  	s12 =	rddreg [dreg:$0x14];
	s13 =	simm.s32 $0x5800  }
0x67: {  	[tilespmem:s13], [sflag:$0x1] =	stream.indirect.gather [hbm4b:s12+s17], $0x80, s1, s17, $0xb8;
	[tilespmem:$0x16200] =	vst v63  }
0x68: {  	s14 =	simm.s32 $0xF800  }
0x69: {  	[tilespmem:s14], [sflag:$0x1] =	stream.indirect.gather [hbm4b:s12+s17], $0x80, s2, s17, $0xb8;
	[tilespmem:$0x16200] =	vst v63  }
0x6a: {  	s15 =	rddreg [dreg:$0x15];
	s16 =	simm.s32 $0x6000  }
0x6b: {  	[tilespmem:s16], [sflag:$0x1] =	stream.indirect.gather [hbm4b:s15+s17], $0x80, s1, s17, $0xb8;
	[tilespmem:$0x16200] =	vst v63  }
0x6c: {  	s18 =	simm.s32 $0x10000  }
0x6d: {  	[tilespmem:s18], [sflag:$0x1] =	stream.indirect.gather [hbm4b:s15+s17], $0x80, s2, s17, $0xb8;
	[tilespmem:$0x16200] =	vst v63  }
0x6e: {  	s19 =	simm.s32 $0x6800  }
0x6f: {  	[tilespmem:s19], [sflag:$0x1] =	stream.indirect.gather [hbm4b:s20+s17], $0x80, s1, s17, $0xb8;
	[tilespmem:$0x16200] =	vst v63  }
0x70: {  	s25 =	simm.s32 $0x10800  }
0x71: {  	[tilespmem:s25], [sflag:$0x1] =	stream.indirect.gather [hbm4b:s20+s17], $0x80, s2, s17, $0xb8;
	[tilespmem:$0x16200] =	vst v63  }
0x72: {  	s4 =	simm.s32 $0x7000  }
0x73: {  	[tilespmem:s4], [sflag:$0x1] =	stream.indirect.gather [hbm4b:s21+s17], $0x80, s1, s17, $0xb8;
	[tilespmem:$0x16200] =	vst v63  }
0x74: {  	s5 =	simm.s32 $0x11000  }
0x75: {  	[tilespmem:s5], [sflag:$0x1] =	stream.indirect.gather [hbm4b:s21+s17], $0x80, s2, s17, $0xb8;
	[tilespmem:$0x16200] =	vst v63  }
0x76: {  	s6 =	simm.s32 $0x7800  }
0x77: {  	[tilespmem:s6], [sflag:$0x1] =	stream.indirect.gather [hbm4b:s23+s17], $0x80, s1, s17, $0xb8;
	[tilespmem:$0x16200] =	vst v63  }
0x78: {  	s7 =	simm.s32 $0x11800  }
0x79: {  	[tilespmem:s7], [sflag:$0x1] =	stream.indirect.gather [hbm4b:s23+s17], $0x80, s2, s17, $0xb8;
	[tilespmem:$0x16200] =	vst v63  }
0x7a: {  	s8 =	simm.s32 $0x8000  }
0x7b: {  	[tilespmem:s8], [sflag:$0x1] =	stream.indirect.gather [hbm4b:s24+s17], $0x80, s1, s17, $0xb8;
	[tilespmem:$0x16200] =	vst v63  }
0x7c: {  	s9 =	simm.s32 $0x12000  }
0x7d: {  	[tilespmem:s9], [sflag:$0x1] =	stream.indirect.gather [hbm4b:s24+s17], $0x80, s2, s17, $0xb8;
	[tilespmem:$0x16200] =	vst v63  }
0x7e: {  	s11 =	simm.s32 $0x8800  }
0x7f: {  	[tilespmem:s11], [sflag:$0x1] =	stream.indirect.gather [hbm4b:s26+s17], $0x80, s1, s17, $0xb8;
	[tilespmem:$0x16200] =	vst v63  }
0x80: {  	s12 =	simm.s32 $0x12800  }
0x81: {  	[tilespmem:s12], [sflag:$0x1] =	stream.indirect.gather [hbm4b:s26+s17], $0x80, s2, s17, $0xb8;
	[tilespmem:$0x16200] =	vst v63  }
0x82: {  	s13 =	simm.s32 $0x9000  }
0x83: {  	[tilespmem:s13], [sflag:$0x1] =	stream.indirect.gather [hbm4b:s28+s17], $0x80, s1, s17, $0xb8;
	[tilespmem:$0x16200] =	vst v63  }
0x84: {  	s14 =	simm.s32 $0x13000  }
0x85: {  	[tilespmem:s14], [sflag:$0x1] =	stream.indirect.gather [hbm4b:s28+s17], $0x80, s2, s17, $0xb8;
	[tilespmem:$0x16200] =	vst v63  }
0x86: {  	s15 =	simm.s32 $0x9800  }
0x87: {  	[tilespmem:s15], [sflag:$0x1] =	stream.indirect.gather [hbm4b:s30+s17], $0x80, s1, s17, $0xb8;
	[tilespmem:$0x16200] =	vst v63  }
0x88: {  	s16 =	simm.s32 $0x13800  }
0x89: {  	[tilespmem:s16], [sflag:$0x1] =	stream.indirect.gather [hbm4b:s30+s17], $0x80, s2, s17, $0xb8;
	[tilespmem:$0x16200] =	vst v63  }
0x8a: {  	s18 =	simm.s32 $0xA000  }
0x8b: {  	[tilespmem:s18], [sflag:$0x1] =	stream.indirect.gather [hbm4b:s31+s17], $0x80, s1, s17, $0xb8;
	[tilespmem:$0x16200] =	vst v63  }
0x8c: {  	s19 =	simm.s32 $0x14000  }
0x8d: {  	[tilespmem:s19], [sflag:$0x1] =	stream.indirect.gather [hbm4b:s31+s17], $0x80, s2, s17, $0xb8;
	[tilespmem:$0x16200] =	vst v63  }
0x8e: {  	s25 =	simm.s32 $0xA800  }
0x8f: {  	[tilespmem:s25], [sflag:$0x1] =	stream.indirect.gather [hbm4b:s0+s17], $0x80, s1, s17, $0xb8;
	[tilespmem:$0x16200] =	vst v63  }
0x90: {  	s4 =	simm.s32 $0x14800  }
0x91: {  	[tilespmem:s4], [sflag:$0x1] =	stream.indirect.gather [hbm4b:s0+s17], $0x80, s2, s17, $0xb8;
	[tilespmem:$0x16200] =	vst v63  }
0x92: {  	s5 =	sadd.s32 $0x800, s10;
	s6 =	rddreg [dreg:$0x7];
	s7 =	simm.s32 $0x15000  }
0x93: {  	[tilespmem:s7], [sflag:$0x1] =	stream.indirect.gather [hbm4b:s6+s17], $0x80, s5, s17, $0xb8;
	[tilespmem:$0x16200] =	vst v63  }
0x94: {  	s8 =	rddreg [dreg:$0x8];
	s9 =	simm.s32 $0x15800  }
0x95: {  	[tilespmem:s9], [sflag:$0x1] =	stream.indirect.gather [hbm4b:s8+s17], $0x80, s5, s17, $0xb8;
	[tilespmem:$0x16200] =	vst v63  }
0x96: {  	_ =	swait.ge [sflag:s22], $0x800  }
0x97: {  	[sflag:s22] =	ssyncset.done $0x0  }
0x98: {  	[sflag:s22] =	ssyncadd.s32 $0xFFFFF800  }
0x99: {  	_ =	swait.ge [sflag:s22], $0x800  }
0x9a: {  	[sflag:s22] =	ssyncset.done $0x0  }
0x9b: {  	[sflag:s22] =	ssyncadd.s32 $0xFFFFF800  }
0x9c: {  	_ =	swait.ge [sflag:s22], $0x800  }
0x9d: {  	[sflag:s22] =	ssyncset.done $0x0  }
0x9e: {  	[sflag:s22] =	ssyncadd.s32 $0xFFFFF800  }
0x9f: {  	_ =	swait.ge [sflag:s22], $0x800  }
0xa0: {  	[sflag:s22] =	ssyncset.done $0x0  }
0xa1: {  	[sflag:s22] =	ssyncadd.s32 $0xFFFFF800  }
0xa2: {  	_ =	swait.ge [sflag:s22], $0x800  }
0xa3: {  	[sflag:s22] =	ssyncset.done $0x0  }
0xa4: {  	[sflag:s22] =	ssyncadd.s32 $0xFFFFF800  }
0xa5: {  	_ =	swait.ge [sflag:s22], $0x800  }
0xa6: {  	[sflag:s22] =	ssyncset.done $0x0  }
0xa7: {  	[sflag:s22] =	ssyncadd.s32 $0xFFFFF800  }
0xa8: {  	_ =	swait.ge [sflag:s22], $0x800  }
0xa9: {  	[sflag:s22] =	ssyncset.done $0x0  }
0xaa: {  	[sflag:s22] =	ssyncadd.s32 $0xFFFFF800  }
0xab: {  	_ =	swait.ge [sflag:s22], $0x800  }
0xac: {  	[sflag:s22] =	ssyncset.done $0x0  }
0xad: {  	[sflag:s22] =	ssyncadd.s32 $0xFFFFF800  }
0xae: {  	_ =	swait.ge [sflag:s22], $0x800  }
0xaf: {  	[sflag:s22] =	ssyncset.done $0x0  }
0xb0: {  	[sflag:s22] =	ssyncadd.s32 $0xFFFFF800  }
0xb1: {  	_ =	swait.ge [sflag:s22], $0x800  }
0xb2: {  	[sflag:s22] =	ssyncset.done $0x0  }
0xb3: {  	[sflag:s22] =	ssyncadd.s32 $0xFFFFF800  }
0xb4: {  	_ =	swait.ge [sflag:s22], $0x800  }
0xb5: {  	[sflag:s22] =	ssyncset.done $0x0  }
0xb6: {  	[sflag:s22] =	ssyncadd.s32 $0xFFFFF800  }
0xb7: {  	_ =	swait.ge [sflag:s22], $0x800  }
0xb8: {  	[sflag:s22] =	ssyncset.done $0x0  }
0xb9: {  	[sflag:s22] =	ssyncadd.s32 $0xFFFFF800  }
0xba: {  	_ =	swait.ge [sflag:s22], $0x800  }
0xbb: {  	[sflag:s22] =	ssyncset.done $0x0  }
0xbc: {  	[sflag:s22] =	ssyncadd.s32 $0xFFFFF800  }
0xbd: {  	_ =	swait.ge [sflag:s22], $0x800  }
0xbe: {  	[sflag:s22] =	ssyncset.done $0x0  }
0xbf: {  	[sflag:s22] =	ssyncadd.s32 $0xFFFFF800  }
0xc0: {  	_ =	swait.ge [sflag:s22], $0x800  }
0xc1: {  	[sflag:s22] =	ssyncset.done $0x0  }
0xc2: {  	[sflag:s22] =	ssyncadd.s32 $0xFFFFF800  }
0xc3: {  	_ =	swait.ge [sflag:s22], $0x800  }
0xc4: {  	[sflag:s22] =	ssyncset.done $0x0  }
0xc5: {  	[sflag:s22] =	ssyncadd.s32 $0xFFFFF800  }
0xc6: {  	_ =	swait.ge [sflag:s22], $0x800  }
0xc7: {  	[sflag:s22] =	ssyncset.done $0x0  }
0xc8: {  	[sflag:s22] =	ssyncadd.s32 $0xFFFFF800  }
0xc9: {  	_ =	swait.ge [sflag:s22], $0x800  }
0xca: {  	[sflag:s22] =	ssyncset.done $0x0  }
0xcb: {  	[sflag:s22] =	ssyncadd.s32 $0xFFFFF800  }
0xcc: {  	_ =	swait.ge [sflag:s22], $0x800  }
0xcd: {  	[sflag:s22] =	ssyncset.done $0x0  }
0xce: {  	[sflag:s22] =	ssyncadd.s32 $0xFFFFF800  }
0xcf: {  	_ =	swait.ge [sflag:s22], $0x800  }
0xd0: {  	[sflag:s22] =	ssyncset.done $0x0  }
0xd1: {  	[sflag:s22] =	ssyncadd.s32 $0xFFFFF800  }
0xd2: {  	_ =	swait.ge [sflag:s22], $0x800  }
0xd3: {  	[sflag:s22] =	ssyncset.done $0x0  }
0xd4: {  	[sflag:s22] =	ssyncadd.s32 $0xFFFFF800  }
0xd5: {  	_ =	swait.ge [sflag:s22], $0x800  }
0xd6: {  	[sflag:s22] =	ssyncset.done $0x0  }
0xd7: {  	[sflag:s22] =	ssyncadd.s32 $0xFFFFF800  }
0xd8: {  	_ =	swait.ge [sflag:s22], $0x800  }
0xd9: {  	[sflag:s22] =	ssyncset.done $0x0  }
0xda: {  	[sflag:s22] =	ssyncadd.s32 $0xFFFFF800  }
0xdb: {  	_ =	swait.ge [sflag:s22], $0x800  }
0xdc: {  	[sflag:s22] =	ssyncset.done $0x0  }
0xdd: {  	[sflag:s22] =	ssyncadd.s32 $0xFFFFF800  }
0xde: {  	_ =	swait.ge [sflag:s22], $0x800  }
0xdf: {  	[sflag:s22] =	ssyncset.done $0x0  }
0xe0: {  	[sflag:s22] =	ssyncadd.s32 $0xFFFFF800  }
0xe1: {  	_ =	swait.ge [sflag:s22], $0x800  }
0xe2: {  	[sflag:s22] =	ssyncset.done $0x0  }
0xe3: {  	[sflag:s22] =	ssyncadd.s32 $0xFFFFF800  }
0xe4: {  	_ =	swait.ge [sflag:s22], $0x800  }
0xe5: {  	[sflag:s22] =	ssyncset.done $0x0  }
0xe6: {  	[sflag:s22] =	ssyncadd.s32 $0xFFFFF800  }
0xe7: {  	_ =	swait.ge [sflag:s22], $0x800  }
0xe8: {  	[sflag:s22] =	ssyncset.done $0x0  }
0xe9: {  	[sflag:s22] =	ssyncadd.s32 $0xFFFFF800  }
0xea: {  	_ =	swait.ge [sflag:s22], $0x800  }
0xeb: {  	[sflag:s22] =	ssyncset.done $0x0  }
0xec: {  	[sflag:s22] =	ssyncadd.s32 $0xFFFFF800  }
0xed: {  	_ =	swait.ge [sflag:s22], $0x800  }
0xee: {  	[sflag:s22] =	ssyncset.done $0x0  }
0xef: {  	[sflag:s22] =	ssyncadd.s32 $0xFFFFF800  }
0xf0: {  	_ =	swait.ge [sflag:s22], $0x800  }
0xf1: {  	[sflag:s22] =	ssyncset.done $0x0  }
0xf2: {  	[sflag:s22] =	ssyncadd.s32 $0xFFFFF800  }
0xf3: {  	_ =	swait.ge [sflag:s22], $0x800  }
0xf4: {  	[sflag:s22] =	ssyncset.done $0x0  }
0xf5: {  	[sflag:s22] =	ssyncadd.s32 $0xFFFFF800  }
0xf6: {  	_ =	swait.ge [sflag:s22], $0x800  }
0xf7: {  	[sflag:s22] =	ssyncset.done $0x0  }
0xf8: {  	[sflag:s22] =	ssyncadd.s32 $0xFFFFF800  }
0xf9: {  	_ =	swait.ge [sflag:s22], $0x800  }
0xfa: {  	[sflag:s22] =	ssyncset.done $0x0  }
0xfb: {  	[sflag:s22] =	ssyncadd.s32 $0xFFFFF800  }
0xfc: {  	_ =	swait.ge [sflag:s22], $0x800  }
0xfd: {  	[sflag:s22] =	ssyncset.done $0x0  }
0xfe: {  	[sflag:s22] =	ssyncadd.s32 $0xFFFFF800  }
0xff: {  	_ =	swait.ge [sflag:s22], $0x800  }
0x100: {  	[sflag:s22] =	ssyncset.done $0x0  }
0x101: {  	[sflag:s22] =	ssyncadd.s32 $0xFFFFF800  }
0x102: {  	_ =	swait.ge [sflag:s22], $0x800  }
0x103: {  	[sflag:s22] =	ssyncset.done $0x0  }
0x104: {  	[sflag:s22] =	ssyncadd.s32 $0xFFFFF800  }
0x105: {  	_ =	swait.ge [sflag:s22], $0x800  }
0x106: {  	[sflag:s22] =	ssyncset.done $0x0  }
0x107: {  	[sflag:s22] =	ssyncadd.s32 $0xFFFFF800  }
0x108: {  	_ =	swait.ge [sflag:s22], $0x800  }
0x109: {  	[sflag:s22] =	ssyncset.done $0x0  }
0x10a: {  	[sflag:s22] =	ssyncadd.s32 $0xFFFFF800  }
0x10b: {  	_ =	swait.ge [sflag:s22], $0x800  }
0x10c: {  	[sflag:s22] =	ssyncset.done $0x0  }
0x10d: {  	[sflag:s22] =	ssyncadd.s32 $0xFFFFF800  }
0x10e: {  	_ =	swait.ge [sflag:s22], $0x800  }
0x10f: {  	[sflag:s22] =	ssyncset.done $0x0  }
0x110: {  	[sflag:s22] =	ssyncadd.s32 $0xFFFFF800  }
0x111: {  	_ =	swait.ge [sflag:s22], $0x800  }
0x112: {  	[sflag:s22] =	ssyncset.done $0x0  }
0x113: {  	s11 =	sor.u32 $0x200, s10;
	[sflag:s22] =	ssyncadd.s32 $0xFFFFF800  }
0x114: {  	v0 =	vld [tilespmem:s11+$0x0]  }
0x115: {  	v1 =	vld [tilespmem:s10+$0x0];
	_ =	sdelay $0x2  }
0x116: {  	s12 =	simm.s32 $0x0  }
0x117: {  	v2 =	vmov s12;
	v0 =	vshll.u32 v0, $0x6  }
0x118: {  	vm0 =	veq.s32 v2, v3;
	v1 =	vshll.u32 v1, $0x6;
	v0 =	vand.u32 $0x40, v0  }
0x119: {  	v1 =	vand.u32 $0x40, v1;
	[tilespmem:$0x1FB20] =	vst v0;
	v0 =	vnsel vm0, $0x0, v0  }
0x11a: {  	[tilespmem:$0x1FB30] =	vst v1;
	v1 =	vnsel vm0, $0x0, v1;
	(xrf0) =	vadd.scan.msk.s32 $0xffff, v0  }
0x11b: {  	(xrf0) =	vadd.scan.msk.s32 $0xffff, v1;
	_ =	sdelay $0x4  }
0x11c: {  	v0, _, _ =	vpop (xrf0)  }
0x11d: {  	v1, _, _ =	vpop (xrf0);
	(v2sf) =	vpush v0, $0xF  }
0x11e: {  	(v2sf) =	vpush v1, $0xF;
	_ =	sdelay $0x9  }
0x11f: {  	s13 =	sand.u32 $0x1F0, s10;
	v2 =	vld [tilespmem:s10+$0xC00]  }
0x120: {  	s3 =	simm.s32 $0x0;
	v3 =	vld [tilespmem:s13+$0xE00]  }
0x121: {  	v61 =	vld [tilespmem:s3+$0x15820]  }
0x122: {  	v4 =	vld [tilespmem:s3+$0x15030]  }
0x123: {  	v10 =	vld [tilespmem:s3+$0x15800];
	s14 =	spop (v2sf)  }
0x124: {  	v7 =	vld [tilespmem:s3+$0x15810];
	s15 =	spop (v2sf)  }
0x125: {  	v8 =	vld [tilespmem:s3+$0x15020];
	s6 =	sand.u32 $0x7F, s14;
	s7 =	sshll.u32 s14, $0x2;
	s16 =	sand.u32 $0x7F, s15  }
0x126: {  	v11 =	vld [tilespmem:s3+$0x15000];
	s5 =	sshll.u32 s15, $0x2;
	s18 =	sand.u32 $0xFFFFFE00, s7;
	s6 =	sshll.u32 s6, $0x2  }
0x127: {  	v9 =	vld [tilespmem:s3+$0x15010];
	s5 =	sand.u32 $0xFFFFFE00, s5;
	s4 =	sshll.u32 s16, $0x2;
	s6 =	sor.u32 s6, s18  }
0x128: {  	v0 =	vld [tilespmem:s3+$0x15830];
	s4 =	sor.u32 s4, s5;
	s5 =	sshra.s32 s6, $0x2  }
0x129: {  	v1 =	vld [tilespmem:s10+$0xA00];
	s6 =	sadd.s32 $0x0, s6;
	s5 =	sadd.s32 $0x0, s5  }
0x12a: {  	s6 =	sshra.s32 s6, $0x2;
	v12 =	vld [tilespmem:s5+$0xB000]  }
0x12b: {  	v20 =	vld [tilespmem:s6+$0xB800]  }
0x12c: {  	v17 =	vld [tilespmem:s5+$0x12800]  }
0x12d: {  	v6 =	vld [tilespmem:s5+$0x14000]  }
0x12e: {  	v18 =	vld [tilespmem:s5+$0xC800]  }
0x12f: {  	v21 =	vld [tilespmem:s5+$0x12000]  }
0x130: {  	v25 =	vld [tilespmem:s5+$0x13800]  }
0x131: {  	v31 =	vld [tilespmem:s6+$0xC000]  }
0x132: {  	s4 =	sshra.s32 s4, $0x2;
	v23 =	vld [tilespmem:s5+$0xF000]  }
0x133: {  	s4 =	sadd.s32 $0x0, s4;
	v32 =	vld [tilespmem:s5+$0xD800]  }
0x134: {  	v19 =	vld [tilespmem:s4+$0x1800]  }
0x135: {  	v13 =	vld [tilespmem:s4+$0x1000]  }
0x136: {  	v15 =	vld [tilespmem:s4+$0xA000]  }
0x137: {  	s19 =	sadd.s32 $0x20, s14;
	s9 =	sadd.s32 $0x30, s14;
	v14 =	vld [tilespmem:s4+$0x4000]  }
0x138: {  	s1 =	sadd.s32 $0x10, s14;
	s8 =	sadd.s32 $0x30, s15;
	s13 =	sand.u32 $0x7F, s9;
	v5 =	vld [tilespmem:s4+$0x7000]  }
0x139: {  	s9 =	sshll.u32 s9, $0x2;
	s7 =	sshll.u32 s19, $0x2;
	s12 =	sand.u32 $0x7F, s8;
	v16 =	vld [tilespmem:s4+$0x9800]  }
0x13a: {  	s16 =	sand.u32 $0x7F, s19;
	s8 =	sshll.u32 s8, $0x2;
	s18 =	sand.u32 $0x7F, s1;
	v24 =	vld [tilespmem:s4+$0x3800]  }
0x13b: {  	s19 =	sshll.u32 s1, $0x2;
	s8 =	sand.u32 $0xFFFFFE00, s8;
	s12 =	sshll.u32 s12, $0x2;
	v22 =	vld [tilespmem:s4+$0x6800]  }
0x13c: {  	s9 =	sand.u32 $0xFFFFFE00, s9;
	s13 =	sshll.u32 s13, $0x2;
	s1 =	sor.u32 s12, s8;
	v26 =	vld [tilespmem:s4+$0x8000]  }
0x13d: {  	s2 =	sadd.s32 $0x20, s15;
	s8 =	sor.u32 s13, s9;
	s1 =	sshra.s32 s1, $0x2;
	v34 =	vld [tilespmem:s4+$0x2000]  }
0x13e: {  	s25 =	sand.u32 $0x7F, s2;
	s9 =	sshra.s32 s8, $0x2;
	v33 =	vld [tilespmem:s4+$0x5000];
	s1 =	sadd.s32 $0x0, s1  }
0x13f: {  	s6 =	sshll.u32 s25, $0x2;
	s8 =	sadd.s32 $0x0, s8;
	s25 =	sadd.s32 $0x0, s9;
	v28 =	vld [tilespmem:s1+$0x1800]  }
0x140: {  	s8 =	sshra.s32 s8, $0x2;
	v27 =	vld [tilespmem:s25+$0xB000]  }
0x141: {  	v30 =	vld [tilespmem:s8+$0xB800]  }
0x142: {  	v36 =	vld [tilespmem:s1+$0x1000]  }
0x143: {  	v41 =	vld [tilespmem:s1+$0x9800]  }
0x144: {  	v42 =	vld [tilespmem:s25+$0x12000]  }
0x145: {  	vm0 =	vmmov vm0;
	s11 =	sadd.s32 $0x10, s15;
	s2 =	sshll.u32 s2, $0x2;
	s7 =	sand.u32 $0xFFFFFE00, s7;
	v43 =	vld [tilespmem:s1+$0x3800]  }
0x146: {  	v38 =	vnsel vm0, $0x0, v3;
	s2 =	sand.u32 $0xFFFFFE00, s2;
	s15 =	sshll.u32 s16, $0x2;
	s12 =	sand.u32 $0xFFFFFE00, s19;
	v44 =	vld [tilespmem:s1+$0x6800]  }
0x147: {  	(xrf2) =	vadd.scan.msk.f32 $0xffff, v38;
	v62 =	vnsel vm0, $0x0, v1;
	s13 =	sshll.u32 s18, $0x2;
	s2 =	sor.u32 s6, s2;
	s6 =	sor.u32 s15, s7;
	v50 =	vld [tilespmem:s25+$0x13800]  }
0x148: {  	v63 =	vnsel vm0, $0x0, v2;
	(xrf2) =	vadd.scan.msk.f32 $0xffff, v62;
	s15 =	sor.u32 s13, s12;
	s7 =	sshra.s32 s6, $0x2;
	v52 =	vld [tilespmem:s8+$0xC000]  }
0x149: {  	(xrf2) =	vadd.scan.msk.f32 $0xffff, v63;
	s2 =	sshra.s32 s2, $0x2;
	s12 =	sshra.s32 s15, $0x2;
	v54 =	vld [tilespmem:s25+$0xF000];
	s19 =	sadd.s32 $0x0, s7  }
0x14a: {  	s16 =	sadd.s32 $0x0, s2;
	s2 =	sadd.s32 $0x0, s12;
	v35 =	vld [tilespmem:s19+$0xB000]  }
0x14b: {  	v37 =	vld [tilespmem:s2+$0xB000]  }
0x14c: {  	v39 =	vld [tilespmem:s16+$0x1000]  }
0x14d: {  	v38 =	vld [tilespmem:s16+$0x9800]  }
0x14e: {  	s14 =	sand.u32 $0x7F, s11;
	s11 =	sshll.u32 s11, $0x2;
	v46 =	vld [tilespmem:s19+$0x12000]  }
0x14f: {  	s9 =	sand.u32 $0xFFFFFE00, s11;
	s11 =	sshll.u32 s14, $0x2;
	v47 =	vld [tilespmem:s16+$0x3800]  }
0x150: {  	s9 =	sor.u32 s11, s9;
	v48 =	vld [tilespmem:s16+$0x6800]  }
0x151: {  	v49, _, _ =	vpop (xrf2);
	[tilespmem:$0x1FB50] =	vst v1;
	s9 =	sshra.s32 s9, $0x2;
	v1 =	vld [tilespmem:s19+$0xF000]  }
0x152: {  	v51, _, _ =	vpop (xrf2);
	s18 =	sadd.s32 $0x0, s9;
	[tilespmem:$0x1FBA0] =	vst v18;
	v18 =	vld [tilespmem:s5+$0xF800]  }
0x153: {  	v49 =	vbroadcast v49, $0xF;
	v53, _, _ =	vpop (xrf2);
	v51 =	vbroadcast v51, $0xF;
	v40 =	vld [tilespmem:s18+$0x1000]  }
0x154: {  	v53 =	vbroadcast v53, $0xF;
	v45 =	vld [tilespmem:s18+$0x9800];
	v56 =	vmul.f32 v10, v12  }
0x155: {  	v57 =	vmul.f32 v21, v49;
	v10 =	vld [tilespmem:s18+$0x3800];
	v62 =	vmul.f32 v25, v49  }
0x156: {  	v60 =	vld [tilespmem:s18+$0x6800];
	v55 =	vmul.f32 v11, v13;
	v58 =	vmul.f32 v16, v49  }
0x157: {  	v12 =	vld [tilespmem:s19+$0x13800];
	v59 =	vmul.f32 v24, v51;
	v63 =	vmul.f32 v26, v49  }
0x158: {  	[tilespmem:$0x1FB40] =	vst v3;
	s6 =	sadd.s32 $0x0, s6;
	v11 =	vld [tilespmem:s2+$0x12000];
	v34 =	vmul.f32 v34, v51;
	v33 =	vmul.f32 v33, v53  }
0x159: {  	[tilespmem:$0x1FB60] =	vst v2;
	s13 =	sshra.s32 s6, $0x2;
	v13 =	vld [tilespmem:s1+$0x8000];
	v2 =	vmul.f32 v0, v27;
	v3 =	vmul.f32 v4, v36  }
0x15a: {  	v16 =	vld [tilespmem:s13+$0xC000];
	v41 =	vmul.f32 v41, v49;
	v42 =	vmul.f32 v42, v49  }
0x15b: {  	v4 =	vld [tilespmem:s2+$0x13800];
	v27 =	vmul.f32 v50, v49;
	v50 =	vmul.f32 v31, v51  }
0x15c: {  	v43 =	vmul.f32 v43, v51;
	v40 =	vmul.f32 v9, v40;
	v9 =	vld [tilespmem:s18+$0x8000]  }
0x15d: {  	s14 =	sadd.s32 $0x0, s15;
	v36 =	vld [tilespmem:s25+$0xD800];
	v31 =	vmul.f32 v52, v51;
	v35 =	vmul.f32 v61, v35  }
0x15e: {  	s15 =	sshra.s32 s14, $0x2;
	v61 =	vmul.f32 v7, v37;
	v39 =	vmul.f32 v8, v39;
	v7 =	vld [tilespmem:s16+$0x8000]  }
0x15f: {  	v38 =	vmul.f32 v38, v49;
	v37 =	vld [tilespmem:s15+$0xC000];
	v8 =	vmul.f32 v13, v49  }
0x160: {  	v13 =	vmul.f32 v32, v51;
	v32 =	vmul.f32 v47, v51;
	v47 =	vld [tilespmem:s18+$0x2000]  }
0x161: {  	v46 =	vmul.f32 v46, v49;
	v0 =	vmul.f32 v9, v49;
	v9 =	vld [tilespmem:s1+$0x2000]  }
0x162: {  	v45 =	vmul.f32 v45, v49;
	v21 =	vmul.f32 v12, v49;
	v12 =	vld [tilespmem:s2+$0xD800]  }
0x163: {  	v26 =	vmul.f32 v11, v49;
	v11 =	vld [tilespmem:s19+$0xD800];
	v24 =	vmul.f32 v16, v51  }
0x164: {  	v4 =	vmul.f32 v4, v49;
	v16 =	vmul.f32 v36, v51;
	[tilespmem:$0x1FDE0] =	vst v0;
	v0 =	vld [tilespmem:s16+$0x2000]  }
0x165: {  	v36 =	vld [tilespmem:s1+$0x5000];
	v7 =	vmul.f32 v7, v49;
	v52 =	vmul.f32 v37, v51  }
0x166: {  	s11 =	sadd.s32 $0x1000, s25;
	v37 =	vld [tilespmem:s2+$0xF000];
	v49 =	vmul.f32 v9, v51;
	v9 =	vmul.f32 v47, v51  }
0x167: {  	v54 =	vmul.f32 v54, v53;
	v25 =	vmul.f32 v10, v51;
	v47 =	vld [tilespmem:s11+$0xF800]  }
0x168: {  	s6 =	sadd.s32 $0x1000, s19;
	v12 =	vmul.f32 v12, v51;
	[tilespmem:$0x1FE40] =	vst v9;
	v9 =	vmul.f32 v56, v19;
	v19 =	vld [tilespmem:s16+$0x5000]  }
0x169: {  	s7 =	sadd.s32 $0x1000, s2;
	v0 =	vmul.f32 v0, v51;
	v56 =	vmul.f32 v44, v53;
	v44 =	vld [tilespmem:s6+$0xF800]  }
0x16a: {  	s12 =	sadd.s32 $0x1000, s5;
	v10 =	vmul.f32 v11, v51;
	v51 =	vmul.f32 v60, v53;
	v60 =	vld [tilespmem:s7+$0xF800]  }
0x16b: {  	v48 =	vmul.f32 v48, v53;
	v1 =	vmul.f32 v1, v53;
	[tilespmem:$0x1FE20] =	vst v0;
	v0 =	vld [tilespmem:s12+$0xF800]  }
0x16c: {  	[tilespmem:$0x1FB70] =	vst v9;
	v9 =	vmul.f32 v55, v20;
	v20 =	vmul.f32 v22, v53;
	v22 =	vld [tilespmem:s18+$0x5000]  }
0x16d: {  	v29 =	vld [tilespmem:s16+$0x1800];
	[tilespmem:$0x1FBF0] =	vst v18;
	v11 =	vmul.f32 v36, v53;
	v36 =	vadd.f32 v14, v59;
	v55 =	vmul.f32 v23, v53  }
0x16e: {  	v18 =	vld [tilespmem:s4+$0x8800];
	v23 =	vmul.f32 v37, v53;
	v47 =	vmul.f32 v47, v53;
	[tilespmem:$0x1FB80] =	vst v9;
	v9 =	vadd.f32 v17, v57  }
0x16f: {  	v14 =	vld [tilespmem:s15+$0xB800];
	v17 =	vadd.f32 v15, v58;
	v59 =	vadd.f32 v5, v20;
	v5 =	vmul.f32 v44, v53  }
0x170: {  	v15 =	vmul.f32 v0, v53;
	v0 =	vmul.f32 v19, v53;
	v19 =	vadd.f32 v6, v62;
	v6 =	vld [tilespmem:$0x1FBA0]  }
0x171: {  	v44 =	vmul.f32 v60, v53;
	v58 =	vmul.f32 v22, v53;
	v53 =	vmov v9;
	v9 =	vld [tilespmem:$0x1FBF0]  }
0x172: {  	v37 =	vld [tilespmem:s18+$0x1800]  }
0x173: {  	v2 =	vmul.f32 v2, v28;
	v57 =	vld [tilespmem:s13+$0xB800]  }
0x174: {  	v3 =	vmul.f32 v3, v30;
	[tilespmem:$0x1FEB0] =	vst v5;
	v5 =	vld [tilespmem:s4+$0x2800]  }
0x175: {  	[tilespmem:$0x1FB90] =	vst v2;
	v2 =	vld [tilespmem:s5+$0xE000];
	v63 =	vadd.f32 v18, v63;
	v62 =	vadd.f32 v6, v50;
	v6 =	vmul.f32 v35, v29  }
0x176: {  	[tilespmem:$0x1FBC0] =	vst v3;
	v18 =	vmul.f32 v36, v36;
	v35 =	vadd.f32 v9, v55;
	v9 =	vmul.f32 v40, v14  }
0x177: {  	[tilespmem:$0x1FBB0] =	vst v6;
	v6 =	vmul.f32 v61, v37  }
0x178: {  	v22 =	vmul.f32 $8.333333770e-03, v18;
	v14 =	vmul.f32 v53, v53;
	[tilespmem:$0x1FC00] =	vst v9  }
0x179: {  	v3 =	vld [tilespmem:s4+$0x5800];
	v9 =	vadd.f32 v5, v34;
	v5 =	vmul.f32 v17, v17;
	[tilespmem:$0x1FBD0] =	vst v6;
	v6 =	vmul.f32 v39, v57  }
0x17a: {  	v37 =	vadd.f32 v2, v13;
	v2 =	vmul.f32 v59, v59;
	v13 =	vmul.f32 v19, v19  }
0x17b: {  	v61 =	vmov v19;
	v20 =	vmul.f32 $8.333333770e-03, v14;
	v19 =	vmul.f32 $8.333333770e-03, v5;
	[tilespmem:$0x1FBE0] =	vst v6;
	v6 =	vld [tilespmem:s1+$0xA000]  }
0x17c: {  	v22 =	vadd.f32 $-1.666666720e-01, v22  }
0x17d: {  	v30 =	vmul.f32 $8.333333770e-03, v2;
	v20 =	vadd.f32 $-1.666666720e-01, v20;
	v19 =	vadd.f32 $-1.666666720e-01, v19  }
0x17e: {  	v57 =	vmovc v36;
	v36 =	vadd.f32 v3, v33;
	v3 =	vmul.f32 v62, v62;
	v29 =	vmul.f32 $8.333333770e-03, v13  }
0x17f: {  	v60 =	vmul.f32 v20, v14;
	v50 =	vmul.f32 v19, v5;
	v19 =	vadd.f32 $-1.666666720e-01, v30  }
0x180: {  	v55 =	vmovc v17;
	v14 =	vmul.f32 v22, v18;
	v17 =	vadd.f32 v6, v41;
	v41 =	vmul.f32 $8.333333770e-03, v3  }
0x181: {  	v5 =	vadd.f32 $-1.666666720e-01, v29;
	v2 =	vmul.f32 v19, v2;
	v6 =	vld [tilespmem:s16+$0xA000]  }
0x182: {  	v18 =	vld [tilespmem:s18+$0xA000];
	[tilespmem:$0x1FF30] =	vst v14;
	v14 =	vadd.f32 $-1.666666720e-01, v41  }
0x183: {  	v5 =	vmul.f32 v5, v13;
	[tilespmem:$0x1FF50] =	vst v2;
	v2 =	vld [tilespmem:s19+$0x12800]  }
0x184: {  	v3 =	vmul.f32 v14, v3  }
0x185: {  	v28 =	vld [tilespmem:s25+$0x12800];
	[tilespmem:$0x1FF40] =	vst v5;
	v5 =	vmul.f32 v35, v35  }
0x186: {  	v29 =	vld [tilespmem:s1+$0x7000];
	v13 =	vmul.f32 v37, v37;
	v20 =	vadd.f32 v6, v38;
	[tilespmem:$0x1FF60] =	vst v3;
	v3 =	vmul.f32 v63, v63  }
0x187: {  	v40 =	vld [tilespmem:s1+$0x4000];
	[tilespmem:$0x1FC30] =	vst v37;
	v37 =	vadd.f32 v18, v45;
	v19 =	vmul.f32 $8.333333770e-03, v5;
	v6 =	vmul.f32 v9, v9  }
0x188: {  	v14 =	vadd.f32 v2, v46;
	v2 =	vld [tilespmem:s16+$0x4000];
	[tilespmem:$0x1FC40] =	vst v20;
	v18 =	vmul.f32 v20, v20;
	v20 =	vmul.f32 $8.333333770e-03, v3  }
0x189: {  	v22 =	vmul.f32 $8.333333770e-03, v13;
	v19 =	vadd.f32 $-1.666666720e-01, v19;
	v30 =	vmul.f32 $8.333333770e-03, v6  }
0x18a: {  	v38 =	vadd.f32 v28, v42;
	v28 =	vmul.f32 v36, v36;
	v20 =	vadd.f32 $-1.666666720e-01, v20  }
0x18b: {  	[tilespmem:$0x1FC20] =	vst v9;
	v9 =	vadd.f32 v29, v56;
	v56 =	vmovc v36;
	v36 =	vmul.f32 v19, v5;
	v5 =	vadd.f32 $-1.666666720e-01, v30  }
0x18c: {  	v22 =	vadd.f32 $-1.666666720e-01, v22;
	v29 =	vld [tilespmem:s16+$0x7000];
	v45 =	vmul.f32 $8.333333770e-03, v28;
	v3 =	vmul.f32 v20, v3  }
0x18d: {  	v40 =	vadd.f32 v40, v43;
	v46 =	vld [tilespmem:s25+$0x14000];
	v20 =	vadd.f32 v2, v32;
	v2 =	vmul.f32 v5, v6  }
0x18e: {  	v43 =	vmul.f32 $8.333333770e-03, v18;
	v30 =	vadd.f32 $-1.666666720e-01, v45;
	v45 =	vld [tilespmem:s25+$0xC800];
	[tilespmem:$0x1FF70] =	vst v3;
	v3 =	vmul.f32 v22, v13  }
0x18f: {  	v5 =	vmul.f32 v38, v38;
	v6 =	vmul.f32 v40, v40;
	v13 =	vld [tilespmem:s2+$0x12800];
	[tilespmem:$0x1FF90] =	vst v2  }
0x190: {  	v39 =	vmul.f32 v30, v28;
	v2 =	vld [tilespmem:s25+$0xF800];
	[tilespmem:$0x1FF80] =	vst v3;
	v3 =	vadd.f32 $-1.666666720e-01, v43  }
0x191: {  	v19 =	vadd.f32 v29, v48;
	v28 =	vmul.f32 $8.333333770e-03, v5;
	v29 =	vmul.f32 $8.333333770e-03, v6  }
0x192: {  	v22 =	vadd.f32 v46, v27;
	v43 =	vmul.f32 v3, v18;
	v3 =	vmul.f32 v17, v17  }
0x193: {  	v27 =	vmul.f32 v37, v37;
	v28 =	vadd.f32 $-1.666666720e-01, v28;
	v29 =	vadd.f32 $-1.666666720e-01, v29  }
0x194: {  	[tilespmem:$0x1FC80] =	vst v9;
	v18 =	vmul.f32 v9, v9;
	v9 =	vadd.f32 v13, v26;
	v26 =	vmul.f32 $8.333333770e-03, v3  }
0x195: {  	[tilespmem:$0x1FC50] =	vst v17;
	v17 =	vadd.f32 v45, v31;
	v13 =	vmul.f32 v14, v14;
	v46 =	vadd.f32 v2, v54;
	v2 =	vld [tilespmem:s18+$0x4000]  }
0x196: {  	[tilespmem:$0x1FC60] =	vst v38;
	v38 =	vmul.f32 v28, v5;
	v31 =	vmul.f32 $8.333333770e-03, v18;
	v26 =	vadd.f32 $-1.666666720e-01, v26  }
0x197: {  	v5 =	vmul.f32 v29, v6;
	v45 =	vmul.f32 $8.333333770e-03, v13  }
0x198: {  	[tilespmem:$0x1FC70] =	vst v40;
	v48 =	vmul.f32 $8.333333770e-03, v27;
	v40 =	vmul.f32 v26, v3;
	v26 =	vadd.f32 $-1.666666720e-01, v31  }
0x199: {  	v6 =	vld [tilespmem:s19+$0xF800];
	[tilespmem:$0x1FFA0] =	vst v5;
	v5 =	vadd.f32 $-1.666666720e-01, v45  }
0x19a: {  	v54 =	vld [tilespmem:s19+$0x14000];
	v3 =	vadd.f32 $-1.666666720e-01, v48;
	v25 =	vadd.f32 v2, v25;
	v2 =	vmul.f32 v26, v18  }
0x19b: {  	[tilespmem:$0x1FCA0] =	vst v14;
	v31 =	vld [tilespmem:s19+$0xC800]  }
0x19c: {  	v34 =	vmul.f32 v3, v27;
	v3 =	vmul.f32 v5, v13;
	[tilespmem:$0x1FFC0] =	vst v2;
	v2 =	vld [tilespmem:s1+$0x8800]  }
0x19d: {  	[tilespmem:$0x1FCB0] =	vst v20;
	v14 =	vmul.f32 v17, v17;
	v5 =	vmul.f32 v19, v19  }
0x19e: {  	v13 =	vmul.f32 v22, v22;
	[tilespmem:$0x1FFD0] =	vst v3;
	v3 =	vmul.f32 v20, v20  }
0x19f: {  	[tilespmem:$0x1FCF0] =	vst v9;
	v20 =	vadd.f32 v54, v21;
	v21 =	vmul.f32 v9, v9;
	v9 =	vadd.f32 v6, v1  }
0x1a0: {  	[tilespmem:$0x1FCD0] =	vst v22;
	v1 =	vmul.f32 v46, v46;
	v22 =	vadd.f32 v31, v24;
	v6 =	vmul.f32 $8.333333770e-03, v3  }
0x1a1: {  	v30 =	vld [tilespmem:s18+$0x7000];
	[tilespmem:$0x1FCC0] =	vst v19;
	v24 =	vmul.f32 $8.333333770e-03, v13;
	v2 =	vadd.f32 v2, v8;
	v8 =	vmul.f32 $8.333333770e-03, v5  }
0x1a2: {  	[tilespmem:$0x1FCE0] =	vst v17;
	v17 =	vld [tilespmem:s25+$0xE000];
	v26 =	vmul.f32 $8.333333770e-03, v14;
	v27 =	vmul.f32 $8.333333770e-03, v1;
	v6 =	vadd.f32 $-1.666666720e-01, v6  }
0x1a3: {  	[tilespmem:$0x1FD00] =	vst v46;
	v19 =	vld [tilespmem:s2+$0x14000];
	v46 =	vmul.f32 $8.333333770e-03, v21;
	v24 =	vadd.f32 $-1.666666720e-01, v24;
	v8 =	vadd.f32 $-1.666666720e-01, v8  }
0x1a4: {  	v31 =	vmul.f32 v6, v3;
	v3 =	vadd.f32 $-1.666666720e-01, v26;
	v26 =	vadd.f32 $-1.666666720e-01, v27;
	v27 =	vld [tilespmem:s2+$0xF800]  }
0x1a5: {  	v54 =	vmul.f32 v8, v5;
	v5 =	vmul.f32 v24, v13;
	v24 =	vld [tilespmem:s16+$0x8800]  }
0x1a6: {  	v18 =	vadd.f32 v30, v51;
	v6 =	vmul.f32 v26, v1;
	v1 =	vld [tilespmem:s19+$0xE000]  }
0x1a7: {  	v51 =	vmul.f32 v3, v14;
	v13 =	vadd.f32 $-1.666666720e-01, v46  }
0x1a8: {  	v29 =	vld [tilespmem:s2+$0xC800];
	v28 =	vadd.f32 v17, v16;
	v3 =	vmul.f32 v18, v18;
	[tilespmem:$0x1FD10] =	vst v5;
	v5 =	vmul.f32 v25, v25  }
0x1a9: {  	[tilespmem:$0x1FD30] =	vst v18;
	v19 =	vadd.f32 v19, v4;
	v8 =	vmul.f32 v22, v22;
	v4 =	vmul.f32 v13, v21  }
0x1aa: {  	[tilespmem:$0x1FD40] =	vst v20;
	v13 =	vmul.f32 v20, v20;
	v20 =	vadd.f32 v24, v7;
	v7 =	vmul.f32 $8.333333770e-03, v5  }
0x1ab: {  	[tilespmem:$0x1FD70] =	vst v2;
	v18 =	vadd.f32 v27, v23;
	v23 =	vmul.f32 v2, v2;
	v2 =	vadd.f32 v1, v10;
	v1 =	vld [tilespmem:s1+$0x2800]  }
0x1ac: {  	v21 =	vmul.f32 v9, v9;
	v17 =	vmul.f32 $8.333333770e-03, v8;
	v7 =	vadd.f32 $-1.666666720e-01, v7  }
0x1ad: {  	v30 =	vadd.f32 v29, v52;
	v10 =	vmul.f32 $8.333333770e-03, v3;
	v16 =	vmul.f32 $8.333333770e-03, v13  }
0x1ae: {  	v14 =	vld [tilespmem:s1+$0x5800];
	v26 =	vmul.f32 $8.333333770e-03, v21;
	v52 =	vmul.f32 v7, v5;
	v7 =	vadd.f32 $-1.666666720e-01, v17  }
0x1af: {  	[tilespmem:$0x1FD60] =	vst v9;
	v48 =	vmul.f32 $8.333333770e-03, v23;
	v10 =	vadd.f32 $-1.666666720e-01, v10;
	v27 =	vadd.f32 $-1.666666720e-01, v16  }
0x1b0: {  	[tilespmem:$0x1FD50] =	vst v22;
	v16 =	vadd.f32 $-1.666666720e-01, v26;
	v22 =	vadd.f32 v1, v49;
	v1 =	vmul.f32 v7, v8  }
0x1b1: {  	[tilespmem:$0x1FDB0] =	vst v19;
	v26 =	vld [tilespmem:s18+$0x8800]  }
0x1b2: {  	v9 =	vmul.f32 v10, v3;
	v3 =	vadd.f32 $-1.666666720e-01, v48;
	v5 =	vld [tilespmem:s2+$0xE000];
	[tilespmem:$0x1FD80] =	vst v1;
	v1 =	vmul.f32 v16, v21  }
0x1b3: {  	[tilespmem:$0x1FE10] =	vst v2;
	v8 =	vadd.f32 v14, v11;
	v14 =	vmul.f32 v19, v19;
	v19 =	vmul.f32 v2, v2;
	v2 =	vld [tilespmem:$0x1FE20]  }
0x1b4: {  	v3 =	vmul.f32 v3, v23;
	[tilespmem:$0x1FD90] =	vst v1;
	v1 =	vld [tilespmem:s16+$0x2800]  }
0x1b5: {  	v7 =	vld [tilespmem:$0x1FDE0]  }
0x1b6: {  	v29 =	vld [tilespmem:s5+$0x11000];
	[tilespmem:$0x1FDA0] =	vst v3;
	v3 =	vmul.f32 v28, v28  }
0x1b7: {  	v21 =	vmul.f32 v18, v18  }
0x1b8: {  	[tilespmem:$0x1FE00] =	vst v20;
	v23 =	vmul.f32 v20, v20;
	v20 =	vadd.f32 v5, v12;
	v5 =	vmul.f32 $8.333333770e-03, v3  }
0x1b9: {  	v12 =	vmul.f32 $8.333333770e-03, v14;
	v17 =	vmul.f32 $8.333333770e-03, v21;
	v2 =	vadd.f32 v1, v2;
	v1 =	vld [tilespmem:s16+$0x5800]  }
0x1ba: {  	v24 =	vadd.f32 v26, v7;
	v5 =	vadd.f32 $-1.666666720e-01, v5;
	v26 =	vmul.f32 $8.333333770e-03, v23  }
0x1bb: {  	v10 =	vmul.f32 v27, v13;
	v27 =	vadd.f32 v29, v15;
	v12 =	vadd.f32 $-1.666666720e-01, v12  }
0x1bc: {  	v15 =	vmul.f32 v5, v3;
	v3 =	vadd.f32 $-1.666666720e-01, v17;
	v17 =	vadd.f32 $-1.666666720e-01, v26  }
0x1bd: {  	v16 =	vmul.f32 v30, v30  }
0x1be: {  	v11 =	vmul.f32 v12, v14;
	v14 =	vadd.f32 v1, v0;
	v0 =	vmul.f32 v17, v23  }
0x1bf: {  	v13 =	vld [tilespmem:s18+$0x2800];
	v7 =	vmul.f32 $8.333333770e-03, v16  }
0x1c0: {  	[tilespmem:$0x1FE30] =	vst v0;
	v0 =	vld [tilespmem:$0x1FE40]  }
0x1c1: {  	v49 =	vmul.f32 $8.333333770e-03, v19;
	v7 =	vadd.f32 $-1.666666720e-01, v7;
	_ =	sdelay $0x1  }
0x1c2: {  	v12 =	vmul.f32 v7, v16;
	v7 =	vadd.f32 $-1.666666720e-01, v49;
	_ =	sdelay $0x1  }
0x1c3: {  	[tilespmem:$0x1FDF0] =	vst v18;
	v18 =	vld [tilespmem:s25+$0x11000];
	v13 =	vadd.f32 v13, v0;
	v0 =	vmul.f32 v7, v19  }
0x1c4: {  	v5 =	vld [tilespmem:s19+$0x11000]  }
0x1c5: {  	[tilespmem:$0x1FE50] =	vst v0;
	v0 =	vld [tilespmem:$0x1FEB0]  }
0x1c6: {  	v26 =	vmul.f32 v3, v21;
	v3 =	vld [tilespmem:s2+$0x11000];
	_ =	sdelay $0x3  }
0x1c7: {  	[tilespmem:$0x1FE70] =	vst v8;
	v23 =	vmul.f32 v8, v8;
	v1 =	vadd.f32 v5, v0  }
0x1c8: {  	[tilespmem:$0x1FEC0] =	vst v2;
	v8 =	vadd.f32 v18, v47;
	v47 =	vmul.f32 v2, v2;
	v2 =	vadd.f32 v3, v44  }
0x1c9: {  	[tilespmem:$0x1FF10] =	vst v1;
	v21 =	vmul.f32 v1, v1;
	v1 =	vld [tilespmem:$0x1FF30]  }
0x1ca: {  	[tilespmem:$0x1FE60] =	vst v22;
	v17 =	vmul.f32 v22, v22;
	v22 =	vmul.f32 v2, v2;
	_ =	sdelay $0x1  }
0x1cb: {  	v46 =	vmul.f32 $8.333333770e-03, v22  }
0x1cc: {  	[tilespmem:$0x1FC90] =	vst v37;
	v37 =	vmul.f32 v24, v24;
	v3 =	vmul.f32 $8.333333770e-03, v23  }
0x1cd: {  	v45 =	vadd.f32 $-1.666666720e-01, v46;
	v46 =	vadd.f32 $1.000000000e+00, v1;
	v1 =	vld [tilespmem:$0x1FF40]  }
0x1ce: {  	v19 =	vadd.f32 $-1.666666720e-01, v3;
	v3 =	vmul.f32 $8.333333770e-03, v37;
	_ =	sdelay $0x1  }
0x1cf: {  	v49 =	vadd.f32 $-1.666666720e-01, v3;
	_ =	sdelay $0x1  }
0x1d0: {  	[tilespmem:$0x1FDC0] =	vst v28;
	v28 =	vmul.f32 v49, v37;
	v49 =	vadd.f32 $1.000000000e+00, v1;
	v1 =	vld [tilespmem:$0x1FF50];
	_ =	sdelay $0x3  }
0x1d1: {  	[tilespmem:$0x1FC10] =	vst v35;
	v35 =	vmul.f32 v27, v27  }
0x1d2: {  	v41 =	vadd.f32 $1.000000000e+00, v50;
	v50 =	vadd.f32 $1.000000000e+00, v1;
	v1 =	vld [tilespmem:$0x1FF60]  }
0x1d3: {  	v5 =	vmul.f32 $8.333333770e-03, v35;
	_ =	sdelay $0x1  }
0x1d4: {  	v29 =	vld [tilespmem:s18+$0x5800];
	[tilespmem:$0x1FEE0] =	vst v14;
	v48 =	vmul.f32 v14, v14;
	v14 =	vadd.f32 $-1.666666720e-01, v5;
	_ =	sdelay $0x1  }
0x1d5: {  	v14 =	vmul.f32 v14, v35;
	v35 =	vadd.f32 $1.000000000e+00, v1;
	v1 =	vld [tilespmem:$0x1FF70];
	_ =	sdelay $0x2  }
0x1d6: {  	v42 =	vmul.f32 v20, v20;
	v16 =	vadd.f32 v29, v58;
	v0 =	vmul.f32 $8.333333770e-03, v17  }
0x1d7: {  	[tilespmem:$0x1FEA0] =	vst v20;
	v29 =	vmul.f32 $8.333333770e-03, v47;
	v20 =	vmul.f32 $8.333333770e-03, v48  }
0x1d8: {  	v7 =	vadd.f32 $-1.666666720e-01, v0;
	v0 =	vmul.f32 v16, v16;
	v37 =	vadd.f32 $1.000000000e+00, v1;
	v1 =	vld [tilespmem:$0x1FF80]  }
0x1d9: {  	[tilespmem:$0x1FEF0] =	vst v16;
	v16 =	vmul.f32 v8, v8;
	v5 =	vmul.f32 $8.333333770e-03, v42  }
0x1da: {  	[tilespmem:$0x1FDD0] =	vst v30;
	v30 =	vadd.f32 $-1.666666720e-01, v20  }
0x1db: {  	v18 =	vadd.f32 $-1.666666720e-01, v5;
	v5 =	vadd.f32 $-1.666666720e-01, v29;
	v20 =	vmul.f32 $8.333333770e-03, v16;
	_ =	sdelay $0x1  }
0x1dc: {  	v58 =	vadd.f32 $-1.666666720e-01, v20;
	v20 =	vmul.f32 v5, v47;
	v47 =	vadd.f32 $1.000000000e+00, v1;
	v1 =	vld [tilespmem:$0x1FF90];
	_ =	sdelay $0x4  }
0x1dd: {  	[tilespmem:$0x1FE80] =	vst v27;
	v27 =	vmul.f32 v19, v23;
	v19 =	vmul.f32 v30, v48;
	v48 =	vadd.f32 $1.000000000e+00, v1;
	v1 =	vld [tilespmem:$0x1FFA0];
	_ =	sdelay $0x3  }
0x1de: {  	v23 =	vmul.f32 v18, v42;
	v42 =	vadd.f32 $1.000000000e+00, v39;
	v39 =	vadd.f32 $1.000000000e+00, v40  }
0x1df: {  	v40 =	vadd.f32 $1.000000000e+00, v38;
	v38 =	vadd.f32 $1.000000000e+00, v1;
	v1 =	vmul.f32 v58, v16;
	_ =	sdelay $0x1  }
0x1e0: {  	[tilespmem:$0x1FFB0] =	vst v1;
	v1 =	vld [tilespmem:$0x1FFC0];
	_ =	sdelay $0x2  }
0x1e1: {  	v33 =	vmul.f32 $8.333333770e-03, v0;
	_ =	sdelay $0x1  }
0x1e2: {  	v32 =	vadd.f32 $-1.666666720e-01, v33;
	v33 =	vadd.f32 $1.000000000e+00, v1;
	v1 =	vld [tilespmem:$0x1FFD0];
	_ =	sdelay $0x4  }
0x1e3: {  	[tilespmem:$0x1FED0] =	vst v13;
	v13 =	vmul.f32 v13, v13;
	v30 =	vadd.f32 $1.000000000e+00, v1;
	v1 =	vimm.f32 $0.0e+00  }
0x1e4: {  	[tilespmem:$0x1FFE0] =	vst v1;
	v1 =	vld [tilespmem:s3+$0x15870]  }
0x1e5: {  	[tilespmem:$0x1FD20] =	vst v25;
	v29 =	vmul.f32 $8.333333770e-03, v13  }
0x1e6: {  	v36 =	vadd.f32 $1.000000000e+00, v36;
	v43 =	vadd.f32 $1.000000000e+00, v43;
	[tilespmem:$0x1FE90] =	vst v24;
	v44 =	vmul.f32 $8.333333770e-03, v21  }
0x1e7: {  	v34 =	vadd.f32 $1.000000000e+00, v34;
	[tilespmem:$0x1FF00] =	vst v8;
	v3 =	vadd.f32 $-1.666666720e-01, v29  }
0x1e8: {  	[tilespmem:$0x1FF20] =	vst v2;
	v8 =	vmul.f32 v7, v17;
	v29 =	vadd.f32 $-1.666666720e-01, v44;
	v44 =	vadd.f32 $1.000000000e+00, v60  }
0x1e9: {  	s8 =	simm.s32 $0x200;
	s9 =	simm.s32 $0x0;
	v60 =	vmul.f32 v3, v13;
	v0 =	vmul.f32 v32, v0;
	v32 =	vadd.f32 $1.000000000e+00, v31;
	[tilespmem:$0x1FFF0] =	vst v1  }
.LBB2_5:
0x1ea: {  	v1 =	vld [tilespmem:s3+$0x15860];
	_ =	sdelay $0x4  }
0x1eb: {  	[tilespmem:$0x1F630] =	vst v1;
	v1 =	vmul.f32 v29, v21;
	_ =	sdelay $0x1  }
0x1ec: {  	[tilespmem:$0x1F5D0] =	vst v1;
	v1 =	vld [tilespmem:$0x1FD10];
	_ =	sdelay $0x3  }
0x1ed: {  	s13 =	sshra.s32 s8, $0x2  }
0x1ee: {  	v2 =	vadd.f32 $1.000000000e+00, v1;
	v1 =	vld [tilespmem:s13+$0x15830];
	_ =	sdelay $0x4  }
0x1ef: {  	[tilespmem:$0x1F650] =	vst v1;
	v1 =	vmul.f32 v45, v22;
	_ =	sdelay $0x1  }
0x1f0: {  	[tilespmem:$0x1F5E0] =	vst v1;
	v1 =	vld [tilespmem:s3+$0x15840];
	_ =	sdelay $0x4  }
0x1f1: {  	[tilespmem:$0x1F620] =	vst v1;
	v1 =	vld [tilespmem:s3+$0x15850];
	_ =	sdelay $0x4  }
0x1f2: {  	[tilespmem:$0x1F640] =	vst v1;
	v1 =	vld [tilespmem:$0x1FC10];
	_ =	sdelay $0x4  }
0x1f3: {  	v36 =	vmul.f32 v36, v1;
	v1 =	vld [tilespmem:$0x1FD80];
	_ =	sdelay $0x4  }
0x1f4: {  	v13 =	vadd.f32 $1.000000000e+00, v1;
	v1 =	vld [tilespmem:$0x1FC30];
	_ =	sdelay $0x4  }
0x1f5: {  	v47 =	vmul.f32 v47, v1;
	v1 =	vld [tilespmem:$0x1FD90];
	_ =	sdelay $0x4  }
0x1f6: {  	v7 =	vadd.f32 $1.000000000e+00, v10;
	v10 =	vadd.f32 $1.000000000e+00, v1;
	v1 =	vld [tilespmem:$0x1FC20];
	_ =	sdelay $0x4  }
0x1f7: {  	v48 =	vmul.f32 v48, v1;
	v1 =	vld [tilespmem:$0x1FDA0];
	_ =	sdelay $0x4  }
0x1f8: {  	v16 =	vadd.f32 $1.000000000e+00, v9;
	v9 =	vadd.f32 $1.000000000e+00, v1;
	v1 =	vld [tilespmem:$0x1FC40];
	_ =	sdelay $0x4  }
0x1f9: {  	v43 =	vmul.f32 v43, v1;
	v1 =	vld [tilespmem:$0x1FC50];
	_ =	sdelay $0x4  }
0x1fa: {  	v39 =	vmul.f32 v39, v1;
	v1 =	vld [tilespmem:$0x1FC60];
	_ =	sdelay $0x4  }
0x1fb: {  	v40 =	vmul.f32 v40, v1;
	v1 =	vld [tilespmem:$0x1FC70];
	_ =	sdelay $0x4  }
0x1fc: {  	v38 =	vmul.f32 v38, v1;
	v1 =	vld [tilespmem:$0x1FC90];
	_ =	sdelay $0x4  }
0x1fd: {  	v34 =	vmul.f32 v34, v1;
	v1 =	vld [tilespmem:$0x1FC80];
	_ =	sdelay $0x4  }
0x1fe: {  	v33 =	vmul.f32 v33, v1;
	v1 =	vld [tilespmem:$0x1FCA0];
	_ =	sdelay $0x4  }
0x1ff: {  	v45 =	vmul.f32 v30, v1;
	v1 =	vld [tilespmem:$0x1FCB0];
	_ =	sdelay $0x4  }
0x200: {  	v1 =	vmul.f32 v32, v1;
	_ =	sdelay $0x1  }
0x201: {  	[tilespmem:$0x1F5F0] =	vst v1;
	v1 =	vld [tilespmem:s5+$0x11800];
	_ =	sdelay $0x4  }
0x202: {  	[tilespmem:$0x1F600] =	vst v1;
	v1 =	vld [tilespmem:$0x1FE30];
	_ =	sdelay $0x3  }
0x203: {  	v17 =	vadd.f32 $1.000000000e+00, v15  }
0x204: {  	v15 =	vadd.f32 $1.000000000e+00, v12;
	v12 =	vadd.f32 $1.000000000e+00, v1;
	v1 =	vld [tilespmem:$0x1FCC0];
	_ =	sdelay $0x2  }
0x205: {  	v31 =	vadd.f32 $1.000000000e+00, v54;
	_ =	sdelay $0x1  }
0x206: {  	v31 =	vmul.f32 v31, v1;
	v1 =	vld [tilespmem:$0x1FCD0];
	_ =	sdelay $0x4  }
0x207: {  	v32 =	vmul.f32 v2, v1;
	v1 =	vld [tilespmem:$0x1FE50];
	_ =	sdelay $0x4  }
0x208: {  	v18 =	vadd.f32 $1.000000000e+00, v11;
	v11 =	vadd.f32 $1.000000000e+00, v1;
	v1 =	vld [tilespmem:$0x1FCE0];
	_ =	sdelay $0x2  }
0x209: {  	v3 =	vadd.f32 $1.000000000e+00, v51;
	_ =	sdelay $0x1  }
0x20a: {  	v30 =	vmul.f32 v3, v1;
	v1 =	vld [tilespmem:$0x1FD00];
	_ =	sdelay $0x2  }
0x20b: {  	v6 =	vadd.f32 $1.000000000e+00, v6;
	_ =	sdelay $0x1  }
0x20c: {  	v29 =	vmul.f32 v6, v1;
	v1 =	vld [tilespmem:$0x1FCF0];
	_ =	sdelay $0x2  }
0x20d: {  	v4 =	vadd.f32 $1.000000000e+00, v4;
	_ =	sdelay $0x1  }
0x20e: {  	v4 =	vmul.f32 v4, v1;
	v1 =	vld [tilespmem:$0x1FD20];
	_ =	sdelay $0x2  }
0x20f: {  	v51 =	vadd.f32 $1.000000000e+00, v52;
	_ =	sdelay $0x1  }
0x210: {  	v51 =	vmul.f32 v51, v1;
	v1 =	vld [tilespmem:$0x1FD30];
	_ =	sdelay $0x4  }
0x211: {  	v6 =	vmul.f32 v16, v1;
	v1 =	vld [tilespmem:$0x1FD40];
	_ =	sdelay $0x4  }
0x212: {  	v16 =	vmul.f32 v7, v1;
	v1 =	vld [tilespmem:$0x1FD50];
	_ =	sdelay $0x4  }
0x213: {  	v13 =	vmul.f32 v13, v1;
	v1 =	vld [tilespmem:$0x1FD60];
	_ =	sdelay $0x4  }
0x214: {  	v10 =	vmul.f32 v10, v1;
	v1 =	vld [tilespmem:$0x1FD70];
	_ =	sdelay $0x4  }
0x215: {  	v7 =	vadd.f32 $1.000000000e+00, v27;
	v27 =	vmul.f32 v9, v1;
	v1 =	vld [tilespmem:$0x1FDC0];
	_ =	sdelay $0x4  }
0x216: {  	v17 =	vmul.f32 v17, v1;
	v1 =	vld [tilespmem:$0x1FDB0];
	_ =	sdelay $0x4  }
0x217: {  	v1 =	vmul.f32 v18, v1;
	_ =	sdelay $0x1  }
0x218: {  	[tilespmem:$0x1F610] =	vst v1;
	v1 =	vld [tilespmem:$0x1FDD0];
	_ =	sdelay $0x4  }
0x219: {  	v15 =	vmul.f32 v15, v1;
	v1 =	vld [tilespmem:$0x1FDF0];
	_ =	sdelay $0x2  }
0x21a: {  	v49 =	vmul.f32 v49, v61;
	v61 =	vadd.f32 $1.000000000e+00, v26  }
0x21b: {  	v52 =	vld [tilespmem:s4+$0xA800]  }
0x21c: {  	v61 =	vmul.f32 v61, v1;
	v1 =	vld [tilespmem:$0x1FE00]  }
0x21d: {  	v54 =	vld [tilespmem:s4+$0x4800]  }
0x21e: {  	v58 =	vld [tilespmem:s4+$0x9000]  }
0x21f: {  	v25 =	vld [tilespmem:s1+$0xA800]  }
0x220: {  	v5 =	vld [tilespmem:s1+$0x7800]  }
0x221: {  	v12 =	vmul.f32 v12, v1;
	v1 =	vld [tilespmem:$0x1FE10]  }
0x222: {  	v24 =	vadd.f32 $1.000000000e+00, v8;
	v8 =	vld [tilespmem:s18+$0xA800]  }
0x223: {  	v44 =	vmul.f32 v44, v53;
	v53 =	vld [tilespmem:s5+$0x13000]  }
0x224: {  	v41 =	vmul.f32 v41, v55;
	v55 =	vld [tilespmem:s4+$0x7800]  }
0x225: {  	v18 =	vld [tilespmem:$0x1FFB0]  }
0x226: {  	v11 =	vmul.f32 v11, v1;
	v1 =	vld [tilespmem:$0x1FE60]  }
0x227: {  	v42 =	vmul.f32 v42, v56;
	v56 =	vld [tilespmem:s5+$0x14800]  }
0x228: {  	v46 =	vmul.f32 v46, v57;
	v57 =	vld [tilespmem:s5+$0xD000]  }
0x229: {  	v50 =	vmul.f32 v50, v59;
	v59 =	vld [tilespmem:s5+$0xE800]  }
0x22a: {  	v46 =	vmul.f32 v46, v54;
	v54 =	vadd.f32 $1.000000000e+00, v18;
	v18 =	vld [tilespmem:$0x1F5D0]  }
0x22b: {  	v24 =	vmul.f32 v24, v1;
	v1 =	vld [tilespmem:$0x1FE80]  }
0x22c: {  	v35 =	vmul.f32 v35, v62;
	v62 =	vld [tilespmem:s4+$0x3000]  }
0x22d: {  	v26 =	vadd.f32 $1.000000000e+00, v14;
	v14 =	vadd.f32 $1.000000000e+00, v28;
	v28 =	vld [tilespmem:s1+$0x4800]  }
0x22e: {  	v37 =	vmul.f32 v37, v63;
	v63 =	vadd.f32 $1.000000000e+00, v0;
	v0 =	vld [tilespmem:$0x1FE90]  }
0x22f: {  	v52 =	vmul.f32 v41, v52;
	v41 =	vmul.f32 v49, v56;
	v56 =	vadd.f32 $1.000000000e+00, v18;
	v18 =	vld [tilespmem:$0x1FF00]  }
0x230: {  	v21 =	vadd.f32 $1.000000000e+00, v20;
	v26 =	vmul.f32 v26, v1;
	v1 =	vld [tilespmem:$0x1FE70]  }
0x231: {  	v20 =	vadd.f32 $1.000000000e+00, v19;
	v19 =	vadd.f32 $1.000000000e+00, v60;
	v60 =	vld [tilespmem:s19+$0x13000]  }
0x232: {  	v37 =	vmul.f32 v37, v58;
	v58 =	vld [tilespmem:s18+$0x7800]  }
0x233: {  	v44 =	vmul.f32 v44, v53;
	v53 =	vld [tilespmem:s25+$0x14800]  }
0x234: {  	v54 =	vmul.f32 v54, v18;
	v18 =	vld [tilespmem:$0x1F5E0]  }
0x235: {  	v7 =	vmul.f32 v7, v1;
	v1 =	vld [tilespmem:$0x1FEC0]  }
0x236: {  	v22 =	vmul.f32 v14, v0;
	v0 =	vld [tilespmem:$0x1FEA0]  }
0x237: {  	v50 =	vmul.f32 v50, v55;
	v55 =	vld [tilespmem:s25+$0xD000]  }
0x238: {  	v49 =	vld [tilespmem:s2+$0x13000]  }
0x239: {  	v23 =	vadd.f32 $1.000000000e+00, v23;
	v35 =	vmul.f32 v35, v57;
	v57 =	vadd.f32 $1.000000000e+00, v18;
	v18 =	vld [tilespmem:$0x1FF10]  }
0x23a: {  	v21 =	vmul.f32 v21, v1;
	v1 =	vld [tilespmem:$0x1FEE0]  }
0x23b: {  	v23 =	vmul.f32 v23, v0;
	v0 =	vld [tilespmem:s12+$0xF000]  }
0x23c: {  	v14 =	vld [tilespmem:s16+$0x4800]  }
0x23d: {  	v3 =	vld [tilespmem:s4+$0x6000]  }
0x23e: {  	v56 =	vmul.f32 v56, v18;
	v18 =	vld [tilespmem:$0x1FF20]  }
0x23f: {  	v20 =	vmul.f32 v20, v1;
	v1 =	vld [tilespmem:$0x1FED0]  }
0x240: {  	v0 =	vmul.f32 v36, v0;
	v36 =	vld [tilespmem:s18+$0x4800]  }
0x241: {  	v9 =	vld [tilespmem:s25+$0x13000]  }
0x242: {  	s9 =	sadd.s32 $0x1, s9;
	v47 =	vmul.f32 v47, v59;
	v59 =	vld [tilespmem:s19+$0xD000]  }
0x243: {  	v48 =	vmul.f32 v48, v62;
	v62 =	vmov s9;
	v2 =	vld [tilespmem:s16+$0xA800];
	v3 =	vmul.f32 v42, v3  }
0x244: {  	v42 =	vmul.f32 v57, v18;
	v18 =	vlaneseq.u32;
	v19 =	vmul.f32 v19, v1;
	v1 =	vld [tilespmem:$0x1FEF0]  }
0x245: {  	vm1 =	veq.s32 v62, v18;
	v62 =	vld [tilespmem:$0x1FB20]  }
0x246: {  	v40 =	vmul.f32 v40, v9;
	v9 =	vld [tilespmem:$0x1FB30]  }
0x247: {  	v5 =	vmul.f32 v33, v5;
	v33 =	vld [tilespmem:s6+$0xF000]  }
0x248: {  	v2 =	vmul.f32 v43, v2;
	v43 =	vld [tilespmem:s11+$0xF000]  }
0x249: {  	v63 =	vmul.f32 v63, v1;
	v1 =	vld [tilespmem:s16+$0x7800]  }
0x24a: {  	v25 =	vmul.f32 v39, v25;
	v57 =	vld [tilespmem:s25+$0xE800];
	v39 =	vnsel vm1, $0x0, v62  }
0x24b: {  	v9 =	vnsel vm1, $0x0, v9;
	v62 =	vld [tilespmem:s2+$0xD000];
	(xrf0) =	vadd.scan.msk.s32 $0xffff, v39  }
0x24c: {  	(xrf0) =	vadd.scan.msk.s32 $0xffff, v9;
	v9 =	vld [tilespmem:$0x1F5F0]  }
0x24d: {  	v28 =	vmul.f32 v38, v28;
	v39 =	vld [tilespmem:s7+$0xF000]  }
0x24e: {  	v38 =	vmul.f32 v45, v60;
	v1 =	vmul.f32 v31, v1;
	v31 =	vld [tilespmem:s1+$0x3000]  }
0x24f: {  	v60 =	vld [tilespmem:s16+$0x3000];
	v30 =	vmul.f32 v30, v55;
	v29 =	vmul.f32 v29, v43  }
0x250: {  	v18 =	vld [tilespmem:$0x1F600];
	v17 =	vmul.f32 v17, v57;
	v15 =	vmul.f32 v15, v62  }
0x251: {  	v57 =	vld [tilespmem:s18+$0x3000];
	v14 =	vmul.f32 v9, v14;
	v9 =	vmul.f32 v32, v53  }
0x252: {  	v32 =	vmul.f32 v4, v49;
	v4 =	vmul.f32 v51, v36;
	v36 =	vld [tilespmem:s1+$0x6000]  }
0x253: {  	v39 =	vmul.f32 v61, v39;
	v24 =	vmul.f32 v24, v31;
	v31 =	vld [tilespmem:s18+$0x6000]  }
0x254: {  	v8 =	vmul.f32 v34, v8;
	v55 =	vld [tilespmem:s16+$0x6000];
	v1 =	vadd.f32 v1, v14  }
0x255: {  	v13 =	vmul.f32 v13, v59;
	v14 =	vadd.f32 v29, v30;
	v29 =	vadd.f32 v39, v15;
	v15 =	vld [tilespmem:s1+$0x9000]  }
0x256: {  	v34 =	vld [tilespmem:s19+$0xE800];
	v10 =	vmul.f32 v10, v33;
	v26 =	vmul.f32 v26, v18;
	v59, _, _ =	vpop (xrf0)  }
0x257: {  	(v2sf) =	vpush v59, $0xF;
	v59 =	vld [tilespmem:s25+$0x11800];
	v21 =	vmul.f32 v21, v60;
	v7 =	vmul.f32 v7, v36  }
0x258: {  	v10 =	vadd.f32 v10, v13;
	v60 =	vld [tilespmem:s19+$0x11800];
	v19 =	vmul.f32 v19, v57;
	v13 =	vmul.f32 v63, v31  }
0x259: {  	v6 =	vmul.f32 v6, v58;
	v7 =	vadd.f32 v7, v24;
	v24 =	vadd.f32 v26, v47;
	v26 =	vld [tilespmem:s18+$0x9000]  }
0x25a: {  	v20 =	vmul.f32 v20, v55;
	v15 =	vmul.f32 v27, v15;
	v13 =	vadd.f32 v13, v19;
	v19 =	vld [tilespmem:s16+$0x9000]  }
0x25b: {  	v0 =	vadd.f32 v0, v35;
	v4 =	vadd.f32 v6, v4;
	v6 =	vld [tilespmem:s19+$0x14800]  }
0x25c: {  	v20 =	vadd.f32 v20, v21;
	v21 =	vmul.f32 v54, v59;
	v7 =	vadd.f32 v15, v7;
	v15 =	vld [tilespmem:$0x1F620]  }
0x25d: {  	v0 =	vadd.f32 v44, v0;
	v11 =	vmul.f32 v11, v34;
	v53, _, _ =	vpop (xrf0)  }
0x25e: {  	(v2sf) =	vpush v53, $0xF;
	v21 =	vadd.f32 v21, v17;
	v17 =	vmul.f32 v22, v26;
	v22 =	vld [tilespmem:s3+$0x15060]  }
0x25f: {  	v8 =	vadd.f32 v8, v4;
	v31 =	vmul.f32 v56, v60;
	v4 =	vmul.f32 v12, v19  }
0x260: {  	v5 =	vadd.f32 v5, v28;
	v28 =	vld [tilespmem:s2+$0x11800];
	v6 =	vmul.f32 v16, v6  }
0x261: {  	v62 =	vld [tilespmem:s3+$0x15040];
	v11 =	vadd.f32 v31, v11;
	v19 =	vmul.f32 v0, v15;
	v0 =	vadd.f32 v4, v20  }
0x262: {  	v43 =	vld [tilespmem:s2+$0xE800];
	v3 =	vadd.f32 v3, v48  }
0x263: {  	v61 =	vld [tilespmem:s2+$0x14800];
	v6 =	vadd.f32 v6, v11;
	v0 =	vmul.f32 v0, v22  }
0x264: {  	v3 =	vadd.f32 v37, v3;
	v12 =	vadd.f32 v17, v13;
	v13 =	vld [tilespmem:$0x1F610]  }
0x265: {  	v6 =	vmul.f32 v6, v0;
	v0 =	vld [tilespmem:$0x1FB80]  }
0x266: {  	v18 =	vadd.f32 v41, v24;
	v31 =	vld [tilespmem:s3+$0x15050];
	v20 =	vmul.f32 v3, v62  }
0x267: {  	v23 =	vmul.f32 v23, v43;
	v28 =	vmul.f32 v42, v28  }
0x268: {  	v11 =	vmul.f32 v18, v20  }
0x269: {  	v23 =	vadd.f32 v28, v23;
	v13 =	vmul.f32 v13, v61  }
0x26a: {  	v11 =	vadd.f32 v11, v0;
	v0 =	vld [tilespmem:$0x1FC00]  }
0x26b: {  	v12 =	vmul.f32 v12, v31;
	v13 =	vadd.f32 v13, v23;
	_ =	sdelay $0x1  }
0x26c: {  	v28 =	vld [tilespmem:s13+$0x15820];
	s11 =	spop (v2sf);
	v12 =	vmul.f32 v13, v12  }
0x26d: {  	s12 =	spop (v2sf);
	v1 =	vadd.f32 v2, v1;
	v2 =	vadd.f32 v40, v14;
	v14 =	vld [tilespmem:s3+$0x15070]  }
0x26e: {  	s14 =	sshll.u32 s12, $0x2;
	s3 =	smov.u32 s13;
	s13 =	sand.u32 $0x7F, s12;
	v12 =	vadd.f32 v12, v0;
	v0 =	vld [tilespmem:$0x1F640]  }
0x26f: {  	s5 =	sand.u32 $0xFFFFFE00, s14;
	s4 =	sshll.u32 s13, $0x2  }
0x270: {  	s4 =	sor.u32 s4, s5  }
0x271: {  	s4 =	sshra.s32 s4, $0x2;
	v18 =	vadd.f32 v32, v29  }
0x272: {  	s4 =	sadd.s32 s3, s4  }
0x273: {  	v13 =	vmul.f32 v7, v14;
	v14 =	vmul.f32 v18, v0;
	v0 =	vld [tilespmem:s4+$0x1800];
	_ =	sdelay $0x4  }
0x274: {  	[tilespmem:$0x1F680] =	vst v0;
	v0 =	vld [tilespmem:$0x1FBE0];
	_ =	sdelay $0x4  }
0x275: {  	v6 =	vadd.f32 v6, v0;
	v0 =	vld [tilespmem:$0x1FB70];
	_ =	sdelay $0x4  }
0x276: {  	s15 =	sand.u32 $0x7F, s11;
	s16 =	sshll.u32 s11, $0x2;
	v11 =	vadd.f32 v11, v0;
	v0 =	vld [tilespmem:$0x1FBD0]  }
0x277: {  	s6 =	sshll.u32 s15, $0x2;
	s18 =	sand.u32 $0xFFFFFE00, s16  }
0x278: {  	s6 =	sor.u32 s6, s18  }
0x279: {  	s5 =	sshra.s32 s6, $0x2;
	s6 =	sadd.s32 s6, s8  }
0x27a: {  	s6 =	sshra.s32 s6, $0x2  }
0x27b: {  	v12 =	vadd.f32 v12, v0;
	v0 =	vld [tilespmem:s6+$0xB800];
	_ =	sdelay $0x4  }
0x27c: {  	[tilespmem:$0x1F6B0] =	vst v0;
	v0 =	vld [tilespmem:$0x1FBB0];
	_ =	sdelay $0x2  }
0x27d: {  	v9 =	vadd.f32 v9, v21;
	_ =	sdelay $0x1  }
0x27e: {  	v9 =	vmul.f32 v9, v13;
	v13 =	vmul.f32 v8, v14;
	v14 =	vadd.f32 v6, v0;
	v0 =	vld [tilespmem:$0x1FBC0];
	_ =	sdelay $0x4  }
0x27f: {  	v6 =	vadd.f32 v9, v0;
	v0 =	vld [tilespmem:$0x1FFF0];
	_ =	sdelay $0x2  }
0x280: {  	v58 =	vadd.f32 v50, v46;
	_ =	sdelay $0x1  }
0x281: {  	v30 =	vadd.f32 v52, v58;
	v2 =	vmul.f32 v2, v0;
	v0 =	vld [tilespmem:$0x1FB90];
	_ =	sdelay $0x1  }
0x282: {  	v18 =	vmul.f32 v30, v19;
	_ =	sdelay $0x1  }
0x283: {  	v9 =	vadd.f32 v18, v11  }
0x284: {  	v11 =	vadd.f32 v13, v12;
	v12 =	vadd.f32 v6, v0;
	v0 =	vld [tilespmem:s4+$0x4000];
	_ =	sdelay $0x4  }
0x285: {  	[tilespmem:$0x1F660] =	vst v0;
	v0 =	vld [tilespmem:s4+$0x7000];
	_ =	sdelay $0x3  }
0x286: {  	s5 =	sadd.s32 s3, s5  }
0x287: {  	[tilespmem:$0x1F670] =	vst v0;
	v0 =	vld [tilespmem:s5+$0x14000];
	_ =	sdelay $0x4  }
0x288: {  	[tilespmem:$0x1F690] =	vst v0;
	v0 =	vld [tilespmem:s5+$0xC800];
	_ =	sdelay $0x4  }
0x289: {  	[tilespmem:$0x1F6A0] =	vst v0;
	v0 =	vld [tilespmem:s5+$0xF800];
	_ =	sdelay $0x1  }
0x28a: {  	v3 =	vld [tilespmem:$0x1F630];
	_ =	sdelay $0x2  }
0x28b: {  	v10 =	vadd.f32 v38, v10;
	[tilespmem:$0x1F6D0] =	vst v0;
	v0 =	vld [tilespmem:s4+$0x8800];
	_ =	sdelay $0x1  }
0x28c: {  	v10 =	vmul.f32 v10, v3;
	_ =	sdelay $0x1  }
0x28d: {  	v5 =	vadd.f32 v25, v5;
	v10 =	vmul.f32 v1, v10  }
0x28e: {  	[tilespmem:$0x1F6C0] =	vst v0;
	v0 =	vld [tilespmem:s5+$0xE000]  }
0x28f: {  	v13 =	vadd.f32 v10, v14;
	v11 =	vadd.f32 v11, v9;
	v2 =	vmul.f32 v5, v2;
	_ =	sdelay $0x1  }
0x290: {  	v5 =	vadd.f32 v13, v11;
	v2 =	vadd.f32 v2, v12;
	_ =	sdelay $0x1  }
0x291: {  	v2 =	vadd.f32 v2, v5;
	[tilespmem:$0x1F6F0] =	vst v0;
	v0 =	vld [tilespmem:s4+$0x2800];
	_ =	sdelay $0x1  }
0x292: {  	(xrf2) =	vadd.scan.msk.f32 $0xffff, v2;
	_ =	sdelay $0x2  }
0x293: {  	[tilespmem:$0x1F6E0] =	vst v0;
	v0 =	vld [tilespmem:s4+$0x5800];
	_ =	sdelay $0x1  }
0x294: {  	s19 =	sadd.s32 $0x20, s11;
	s25 =	sadd.s32 $0x30, s12;
	s15 =	sadd.s32 $0x10, s12  }
0x295: {  	s2 =	sadd.s32 $0x20, s12;
	s7 =	sshll.u32 s19, $0x2;
	s14 =	sand.u32 $0x7F, s25  }
0x296: {  	s14 =	sshll.u32 s14, $0x2;
	s1 =	sadd.s32 $0x10, s11;
	s13 =	sadd.s32 $0x30, s11  }
0x297: {  	s11 =	sshll.u32 s25, $0x2;
	s25 =	sand.u32 $0x7F, s15;
	s16 =	sand.u32 $0x7F, s13;
	[tilespmem:$0x1F700] =	vst v0;
	v0 =	vld [tilespmem:$0x1FFE0]  }
0x298: {  	s12 =	sshll.u32 s13, $0x2;
	s13 =	sshll.u32 s15, $0x2;
	s15 =	sshll.u32 s1, $0x2  }
0x299: {  	v38 =	vld [tilespmem:s6+$0xC000];
	s6 =	sand.u32 $0x7F, s19;
	s19 =	sand.u32 $0x7F, s1;
	s1 =	sand.u32 $0xFFFFFE00, s11;
	v18, _, _ =	vpop (xrf2)  }
0x29a: {  	s1 =	sor.u32 s14, s1;
	v18 =	vbroadcast v18, $0xF  }
0x29b: {  	s1 =	sshra.s32 s1, $0x2  }
0x29c: {  	s1 =	sadd.s32 s3, s1;
	v0 =	vsel vm0, v18, v0  }
0x29d: {  	s18 =	sand.u32 $0x7F, s2;
	s2 =	sshll.u32 s2, $0x2;
	[tilespmem:$0x1FFE0] =	vst v0;
	v0 =	vld [tilespmem:s1+$0x1800]  }
0x29e: {  	s2 =	sand.u32 $0xFFFFFE00, s2;
	s18 =	sshll.u32 s18, $0x2  }
0x29f: {  	s2 =	sor.u32 s18, s2  }
0x2a0: {  	s2 =	sshra.s32 s2, $0x2  }
0x2a1: {  	s11 =	sand.u32 $0xFFFFFE00, s12;
	s12 =	sshll.u32 s16, $0x2;
	s16 =	sadd.s32 s3, s2  }
0x2a2: {  	[tilespmem:$0x1F710] =	vst v0;
	v0 =	vld [tilespmem:s16+$0x1800];
	_ =	sdelay $0x1  }
0x2a3: {  	s11 =	sor.u32 s12, s11  }
0x2a4: {  	s18 =	sshll.u32 s25, $0x2;
	s25 =	sshra.s32 s11, $0x2;
	s11 =	sadd.s32 s11, s8  }
0x2a5: {  	s11 =	sshra.s32 s11, $0x2  }
0x2a6: {  	[tilespmem:$0x1F720] =	vst v0;
	v0 =	vld [tilespmem:s11+$0xB800]  }
0x2a7: {  	s13 =	sand.u32 $0xFFFFFE00, s13  }
0x2a8: {  	s12 =	sor.u32 s18, s13  }
0x2a9: {  	s12 =	sshra.s32 s12, $0x2  }
0x2aa: {  	s18 =	sadd.s32 s3, s12  }
0x2ab: {  	[tilespmem:$0x1F740] =	vst v0;
	v0 =	vld [tilespmem:s18+$0x1800]  }
0x2ac: {  	s7 =	sand.u32 $0xFFFFFE00, s7;
	s6 =	sshll.u32 s6, $0x2  }
0x2ad: {  	s6 =	sor.u32 s6, s7  }
0x2ae: {  	s7 =	sshra.s32 s6, $0x2;
	s6 =	sadd.s32 s6, s8  }
0x2af: {  	s14 =	sshra.s32 s6, $0x2  }
0x2b0: {  	[tilespmem:$0x1F750] =	vst v0;
	v0 =	vld [tilespmem:s14+$0xB800]  }
0x2b1: {  	s13 =	sshll.u32 s19, $0x2;
	s12 =	sand.u32 $0xFFFFFE00, s15  }
0x2b2: {  	s12 =	sor.u32 s13, s12  }
0x2b3: {  	s15 =	sadd.s32 s12, s8  }
0x2b4: {  	s6 =	sshra.s32 s15, $0x2  }
0x2b5: {  	[tilespmem:$0x1F760] =	vst v0;
	v0 =	vld [tilespmem:s6+$0xB800];
	_ =	sdelay $0x1  }
0x2b6: {  	v24 =	vld [tilespmem:s3+$0x15000]  }
0x2b7: {  	v17 =	vld [tilespmem:s3+$0x15030]  }
0x2b8: {  	v15 =	vld [tilespmem:s3+$0x15800]  }
0x2b9: {  	[tilespmem:$0x1F780] =	vst v0;
	v0 =	vld [tilespmem:$0x1FB40]  }
0x2ba: {  	v25 =	vld [tilespmem:s5+$0xB000]  }
0x2bb: {  	v26 =	vld [tilespmem:s4+$0x1000]  }
0x2bc: {  	v33 =	vld [tilespmem:s4+$0x9800]  }
0x2bd: {  	v36 =	vld [tilespmem:s5+$0x12000];
	vm0 =	vmmov vm1  }
0x2be: {  	v27 =	vnsel vm0, $0x0, v0;
	v0 =	vld [tilespmem:$0x1FB50]  }
0x2bf: {  	v34 =	vld [tilespmem:s4+$0x3800]  }
0x2c0: {  	v35 =	vld [tilespmem:s4+$0x6800]  }
0x2c1: {  	v37 =	vld [tilespmem:s5+$0x13800]  }
0x2c2: {  	v39 =	vld [tilespmem:s5+$0xF000]  }
0x2c3: {  	(xrf2) =	vadd.scan.msk.f32 $0xffff, v27;
	v27 =	vnsel vm0, $0x0, v0;
	v0 =	vld [tilespmem:s1+$0x4000]  }
0x2c4: {  	v40 =	vld [tilespmem:s4+$0x8000]  }
0x2c5: {  	v41 =	vld [tilespmem:s5+$0xD800]  }
0x2c6: {  	v43 =	vld [tilespmem:s4+$0x2000]  }
0x2c7: {  	v44 =	vld [tilespmem:s4+$0x5000]  }
0x2c8: {  	[tilespmem:$0x1F730] =	vst v0;
	v0 =	vld [tilespmem:$0x1FB60]  }
0x2c9: {  	v4 =	vld [tilespmem:s3+$0x15020]  }
0x2ca: {  	v23 =	vld [tilespmem:s3+$0x15810]  }
0x2cb: {  	v3 =	vld [tilespmem:s3+$0x15010]  }
0x2cc: {  	v1 =	vld [tilespmem:$0x1F650]  }
0x2cd: {  	v19 =	vld [tilespmem:s4+$0xA000];
	(xrf2) =	vadd.scan.msk.f32 $0xffff, v27;
	v63 =	vnsel vm0, $0x0, v0  }
0x2ce: {  	v49 =	vld [tilespmem:s16+$0x1000];
	(xrf2) =	vadd.scan.msk.f32 $0xffff, v63  }
0x2cf: {  	v29 =	vld [tilespmem:s16+$0xA000]  }
0x2d0: {  	v52 =	vld [tilespmem:s16+$0x9800]  }
0x2d1: {  	v58 =	vld [tilespmem:s16+$0x3800]  }
0x2d2: {  	v60 =	vld [tilespmem:s16+$0x6800];
	s25 =	sadd.s32 s3, s25  }
0x2d3: {  	v45 =	vld [tilespmem:s25+$0xB000]  }
0x2d4: {  	v47 =	vld [tilespmem:s1+$0x1000]  }
0x2d5: {  	v50 =	vld [tilespmem:s18+$0x1000]  }
0x2d6: {  	v42, _, _ =	vpop (xrf2);
	v0 =	vld [tilespmem:s25+$0xF000]  }
0x2d7: {  	v31 =	vld [tilespmem:s25+$0x12800];
	v59, _, _ =	vpop (xrf2)  }
0x2d8: {  	v32 =	vld [tilespmem:s1+$0x7000];
	v62 =	vbroadcast v42, $0xF;
	v42, _, _ =	vpop (xrf2)  }
0x2d9: {  	v51 =	vld [tilespmem:s1+$0x9800];
	v42 =	vbroadcast v42, $0xF  }
0x2da: {  	v53 =	vld [tilespmem:s25+$0x12000]  }
0x2db: {  	v20 =	vmul.f32 v0, v42;
	v0 =	vld [tilespmem:s18+$0x2000]  }
0x2dc: {  	v54 =	vld [tilespmem:s1+$0x3800]  }
0x2dd: {  	v55 =	vld [tilespmem:s1+$0x6800]  }
0x2de: {  	v56 =	vld [tilespmem:s18+$0x9800];
	v59 =	vbroadcast v59, $0xF  }
0x2df: {  	v61 =	vld [tilespmem:s25+$0x13800]  }
0x2e0: {  	v24 =	vmul.f32 v24, v26;
	v26 =	vld [tilespmem:s18+$0x3800];
	v0 =	vmul.f32 v0, v59  }
0x2e1: {  	v18 =	vld [tilespmem:s14+$0xC000]  }
0x2e2: {  	[tilespmem:$0x1F7F0] =	vst v0;
	v0 =	vld [tilespmem:$0x1F660]  }
0x2e3: {  	s19 =	sadd.s32 s3, s7;
	v21 =	vld [tilespmem:s25+$0xD800]  }
0x2e4: {  	v46 =	vld [tilespmem:s19+$0xB000]  }
0x2e5: {  	v11 =	vmul.f32 v34, v59;
	v10 =	vmul.f32 v35, v42;
	v35 =	vld [tilespmem:s1+$0x2000]  }
0x2e6: {  	s2 =	sshra.s32 s12, $0x2;
	v57 =	vld [tilespmem:s19+$0x12000]  }
0x2e7: {  	s2 =	sadd.s32 s3, s2;
	v22 =	vmul.f32 v26, v59;
	v26 =	vmul.f32 v18, v59;
	v18 =	vadd.f32 v0, v11;
	v0 =	vld [tilespmem:$0x1F670]  }
0x2e8: {  	v48 =	vld [tilespmem:s2+$0xB000];
	v45 =	vmul.f32 v1, v45;
	v1 =	vmul.f32 v4, v49  }
0x2e9: {  	v8 =	vmul.f32 v15, v25;
	s12 =	sadd.s32 $0x1000, s5;
	v25 =	vld [tilespmem:s2+$0x12000]  }
0x2ea: {  	[tilespmem:$0x1F770] =	vst v1;
	v1 =	vmul.f32 v3, v50;
	v3 =	vld [tilespmem:s12+$0xF800];
	v15 =	vmul.f32 v35, v59  }
0x2eb: {  	v4 =	vld [tilespmem:s1+$0x5000]  }
0x2ec: {  	[tilespmem:$0x1F7B0] =	vst v15;
	v15 =	vadd.f32 v0, v10;
	v0 =	vld [tilespmem:$0x1F680]  }
0x2ed: {  	v50 =	vld [tilespmem:s2+$0xF000]  }
0x2ee: {  	[tilespmem:$0x1F790] =	vst v1;
	v1 =	vld [tilespmem:s16+$0x2000]  }
0x2ef: {  	v6 =	vld [tilespmem:s5+$0x12800];
	v3 =	vmul.f32 v3, v42  }
0x2f0: {  	v5 =	vld [tilespmem:s19+$0xD800]  }
0x2f1: {  	[tilespmem:$0x1F7D0] =	vst v3;
	v3 =	vmul.f32 v8, v0;
	v0 =	vld [tilespmem:$0x1F690]  }
0x2f2: {  	v47 =	vmul.f32 v17, v47;
	v46 =	vmul.f32 v28, v46;
	v2 =	vld [tilespmem:s18+$0x8000]  }
0x2f3: {  	v7 =	vmul.f32 v36, v62;
	v9 =	vmul.f32 v33, v62;
	v33 =	vld [tilespmem:s18+$0x6800]  }
0x2f4: {  	v48 =	vmul.f32 v23, v48;
	v37 =	vmul.f32 v37, v62;
	v36 =	vld [tilespmem:s19+$0xF000]  }
0x2f5: {  	v14 =	vmul.f32 v40, v62;
	v40 =	vld [tilespmem:s2+$0x13800];
	v49 =	vmul.f32 v51, v62;
	v17 =	vadd.f32 v6, v7  }
0x2f6: {  	v51 =	vmul.f32 v52, v62;
	v6 =	vadd.f32 v19, v9;
	v19 =	vadd.f32 v0, v37;
	v0 =	vld [tilespmem:$0x1F6A0]  }
0x2f7: {  	v52 =	vmul.f32 v53, v62;
	v53 =	vld [tilespmem:s16+$0x8000];
	v56 =	vmul.f32 v56, v62  }
0x2f8: {  	v57 =	vmul.f32 v57, v62;
	v61 =	vmul.f32 v61, v62;
	v34 =	vld [tilespmem:s19+$0x13800]  }
0x2f9: {  	s7 =	sadd.s32 $0x1000, s2;
	v25 =	vmul.f32 v25, v62;
	v63 =	vld [tilespmem:s11+$0xC000];
	v12 =	vmul.f32 v38, v59  }
0x2fa: {  	v7 =	vld [tilespmem:s7+$0xF800];
	v43 =	vmul.f32 v43, v59;
	v16 =	vmul.f32 v41, v59  }
0x2fb: {  	v54 =	vmul.f32 v54, v59;
	v58 =	vmul.f32 v58, v59;
	v8 =	vadd.f32 v0, v12;
	v0 =	vld [tilespmem:$0x1F6B0]  }
0x2fc: {  	v38 =	vld [tilespmem:s1+$0x8000];
	v21 =	vmul.f32 v21, v59;
	v53 =	vmul.f32 v53, v62  }
0x2fd: {  	v41 =	vld [tilespmem:s6+$0xC000];
	v1 =	vmul.f32 v1, v59;
	v34 =	vmul.f32 v34, v62  }
0x2fe: {  	v13 =	vmul.f32 v39, v42;
	v23 =	vmul.f32 v33, v42;
	v39 =	vld [tilespmem:s2+$0xD800]  }
0x2ff: {  	v27 =	vmul.f32 v36, v42;
	v33 =	vmul.f32 v40, v62;
	v36 =	vld [tilespmem:s16+$0x5000]  }
0x300: {  	s6 =	sadd.s32 $0x1000, s19;
	v40 =	vmul.f32 v50, v42;
	v50 =	vld [tilespmem:s18+$0x5000];
	[tilespmem:$0x1FB70] =	vst v3;
	v3 =	vmul.f32 v24, v0  }
0x301: {  	v28 =	vmul.f32 v38, v62;
	v62 =	vmul.f32 v2, v62;
	v2 =	vld [tilespmem:s6+$0xF800]  }
0x302: {  	s11 =	sadd.s32 $0x1000, s25;
	v5 =	vmul.f32 v5, v59;
	v4 =	vmul.f32 v4, v42;
	[tilespmem:$0x1FB80] =	vst v3;
	v3 =	vld [tilespmem:$0x1F6D0]  }
0x303: {  	v63 =	vmul.f32 v63, v59;
	[tilespmem:$0x1F7E0] =	vst v1;
	v1 =	vld [tilespmem:s11+$0xF800];
	v38 =	vmul.f32 v41, v59  }
0x304: {  	v44 =	vmul.f32 v44, v42;
	v55 =	vmul.f32 v55, v42;
	[tilespmem:$0x1F7C0] =	vst v4;
	v4 =	vld [tilespmem:s19+$0x12800]  }
0x305: {  	v60 =	vmul.f32 v60, v42;
	v7 =	vmul.f32 v7, v42  }
0x306: {  	v39 =	vmul.f32 v39, v59;
	v36 =	vmul.f32 v36, v42  }
0x307: {  	v50 =	vmul.f32 v50, v42;
	v59 =	vmul.f32 v2, v42;
	v37 =	vadd.f32 v3, v13  }
0x308: {  	v30 =	vld [tilespmem:s1+$0xA000];
	v3 =	vmul.f32 v1, v42;
	v42 =	vadd.f32 v29, v51;
	v29 =	vadd.f32 v31, v52  }
0x309: {  	v31 =	vadd.f32 v32, v55;
	v32 =	vadd.f32 v4, v57;
	v4 =	vld [tilespmem:$0x1F740]  }
0x30a: {  	v11 =	vld [tilespmem:$0x1F6E0]  }
0x30b: {  	v9 =	vld [tilespmem:s16+$0x4000]  }
0x30c: {  	v0 =	vld [tilespmem:$0x1F6C0]  }
0x30d: {  	[tilespmem:$0x1F7A0] =	vst v5;
	v5 =	vld [tilespmem:s18+$0xA000]  }
0x30e: {  	v10 =	vld [tilespmem:s16+$0x7000];
	v4 =	vmul.f32 v47, v4  }
0x30f: {  	v24 =	vadd.f32 v11, v43;
	v11 =	vld [tilespmem:$0x1F6F0]  }
0x310: {  	[tilespmem:$0x1FBC0] =	vst v4;
	v4 =	vld [tilespmem:$0x1F750]  }
0x311: {  	v0 =	vadd.f32 v0, v14;
	v14 =	vld [tilespmem:$0x1F720]  }
0x312: {  	[tilespmem:$0x1F800] =	vst v7;
	v7 =	vld [tilespmem:s25+$0xF800]  }
0x313: {  	v2 =	vld [tilespmem:$0x1F700]  }
0x314: {  	v43 =	vadd.f32 v11, v16;
	v11 =	vld [tilespmem:s25+$0xC800]  }
0x315: {  	v1 =	vld [tilespmem:s25+$0x14000];
	v4 =	vmul.f32 v48, v4  }
0x316: {  	v14 =	vmul.f32 v46, v14;
	v46 =	vadd.f32 v9, v58;
	v9 =	vadd.f32 v10, v60;
	v10 =	vld [tilespmem:$0x1F770]  }
0x317: {  	[tilespmem:$0x1FBD0] =	vst v4;
	v4 =	vld [tilespmem:$0x1F760]  }
0x318: {  	v13 =	vld [tilespmem:$0x1F710]  }
0x319: {  	[tilespmem:$0x1FBB0] =	vst v14;
	v14 =	vld [tilespmem:$0x1F730]  }
0x31a: {  	v12 =	vld [tilespmem:s2+$0x12800]  }
0x31b: {  	v35 =	vadd.f32 v1, v61;
	v1 =	vld [tilespmem:$0x1F780]  }
0x31c: {  	v4 =	vmul.f32 v10, v4;
	v10 =	vadd.f32 v11, v63;
	v11 =	vld [tilespmem:$0x1F790]  }
0x31d: {  	[tilespmem:$0x1FA30] =	vst v17;
	v52 =	vmul.f32 v17, v17;
	v17 =	vld [tilespmem:s1+$0x8800]  }
0x31e: {  	v2 =	vadd.f32 v2, v44;
	v13 =	vmul.f32 v45, v13;
	v44 =	vadd.f32 v14, v54;
	v14 =	vld [tilespmem:s18+$0x7000]  }
0x31f: {  	[tilespmem:$0x1FA40] =	vst v6;
	v45 =	vadd.f32 v5, v56;
	v5 =	vld [tilespmem:s19+$0x14000]  }
0x320: {  	[tilespmem:$0x1FB90] =	vst v13;
	v13 =	vld [tilespmem:s18+$0x4000]  }
0x321: {  	[tilespmem:$0x1FAF0] =	vst v0;
	v63 =	vmul.f32 v0, v0;
	v0 =	vld [tilespmem:$0x1F7A0];
	v1 =	vmul.f32 v11, v1  }
0x322: {  	[tilespmem:$0x1FAB0] =	vst v15;
	v11 =	vld [tilespmem:s19+$0xF800]  }
0x323: {  	[tilespmem:$0x1FC00] =	vst v1;
	v1 =	vadd.f32 v7, v20;
	v7 =	vadd.f32 v14, v23;
	v14 =	vld [tilespmem:s25+$0xE000]  }
0x324: {  	[tilespmem:$0x1FA20] =	vst v19;
	v20 =	vld [tilespmem:s19+$0xE000]  }
0x325: {  	v30 =	vadd.f32 v30, v49;
	v49 =	vmul.f32 v6, v6;
	[tilespmem:$0x1FAD0] =	vst v8;
	v57 =	vmul.f32 v19, v19;
	v19 =	vld [tilespmem:s16+$0x8800]  }
0x326: {  	[tilespmem:$0x1FC80] =	vst v31;
	v56 =	vmul.f32 v8, v8;
	v8 =	vadd.f32 v5, v34;
	v5 =	vld [tilespmem:s2+$0xC800];
	v6 =	vadd.f32 v13, v22  }
0x327: {  	v55 =	vmul.f32 v15, v15;
	[tilespmem:$0x1FBE0] =	vst v4;
	v4 =	vadd.f32 v12, v25;
	v25 =	vld [tilespmem:s2+$0xF800];
	v13 =	vadd.f32 v11, v27  }
0x328: {  	[tilespmem:$0x1FCA0] =	vst v32;
	v11 =	vadd.f32 v17, v28;
	v28 =	vmul.f32 v31, v31;
	v15 =	vadd.f32 v14, v21;
	v14 =	vld [tilespmem:s1+$0x2800]  }
0x329: {  	[tilespmem:$0x1FCF0] =	vst v4;
	v31 =	vmul.f32 v32, v32;
	v32 =	vmul.f32 v4, v4;
	v4 =	vadd.f32 v20, v0;
	v0 =	vld [tilespmem:$0x1F7B0];
	_ =	sdelay $0x1  }
0x32a: {  	[tilespmem:$0x1FA80] =	vst v18;
	v16 =	vld [tilespmem:s19+$0xC800]  }
0x32b: {  	[tilespmem:$0x1FCC0] =	vst v9;
	v54 =	vmul.f32 v18, v18;
	v22 =	vld [tilespmem:s2+$0x14000];
	v18 =	vadd.f32 v25, v40  }
0x32c: {  	[tilespmem:$0x1FCD0] =	vst v35;
	v25 =	vmul.f32 v9, v9;
	v9 =	vadd.f32 v19, v53;
	v17 =	vadd.f32 v5, v38;
	v5 =	vld [tilespmem:s1+$0x5800]  }
0x32d: {  	v53 =	vmul.f32 v35, v35;
	[tilespmem:$0x1FD00] =	vst v1;
	v35 =	vmul.f32 v1, v1;
	v1 =	vadd.f32 v14, v0;
	v0 =	vld [tilespmem:$0x1F7C0];
	_ =	sdelay $0x3  }
0x32e: {  	[tilespmem:$0x1FC50] =	vst v30;
	v12 =	vadd.f32 v16, v26;
	v16 =	vadd.f32 v22, v33;
	v22 =	vld [tilespmem:s5+$0x11000]  }
0x32f: {  	v41 =	vmul.f32 v30, v30;
	[tilespmem:$0x1FD20] =	vst v6;
	v30 =	vmul.f32 v6, v6;
	v6 =	vadd.f32 v5, v0;
	v0 =	vld [tilespmem:$0x1F7D0];
	_ =	sdelay $0x3  }
0x330: {  	v20 =	vld [tilespmem:s16+$0x2800]  }
0x331: {  	[tilespmem:$0x1FD40] =	vst v8;
	v47 =	vmul.f32 v8, v8;
	v8 =	vadd.f32 v22, v0;
	v0 =	vld [tilespmem:$0x1F7E0]  }
0x332: {  	[tilespmem:$0x1FC20] =	vst v24  }
0x333: {  	[tilespmem:$0x1F820] =	vst v52  }
0x334: {  	[tilespmem:$0x1F850] =	vst v55  }
0x335: {  	[tilespmem:$0x1FC10] =	vst v37;
	v5 =	vld [tilespmem:s18+$0x2800]  }
0x336: {  	v37 =	vmul.f32 v37, v37;
	[tilespmem:$0x1FCE0] =	vst v10;
	v34 =	vmul.f32 v10, v10;
	v10 =	vadd.f32 v20, v0;
	v0 =	vld [tilespmem:$0x1F7F0]  }
0x337: {  	[tilespmem:$0x1FC40] =	vst v42;
	v60 =	vmul.f32 v43, v43  }
0x338: {  	[tilespmem:$0x1F870] =	vst v37  }
0x339: {  	[tilespmem:$0x1F890] =	vst v60;
	v19 =	vld [tilespmem:s2+$0xE000]  }
0x33a: {  	v61 =	vmul.f32 v24, v24;
	[tilespmem:$0x1FD60] =	vst v13;
	v14 =	vld [tilespmem:s16+$0x5800]  }
0x33b: {  	v40 =	vmul.f32 v13, v13;
	[tilespmem:$0x1FE60] =	vst v1;
	v13 =	vmul.f32 v1, v1;
	v1 =	vadd.f32 v5, v0;
	v5 =	vld [tilespmem:s19+$0x11000]  }
0x33c: {  	v24 =	vmul.f32 v46, v46;
	[tilespmem:$0x1F860] =	vst v56;
	v48 =	vmul.f32 v42, v42;
	v22 =	vld [tilespmem:s18+$0x5800]  }
0x33d: {  	[tilespmem:$0x1FE00] =	vst v9;
	v33 =	vmul.f32 v9, v9;
	v38 =	vmul.f32 v11, v11  }
0x33e: {  	[tilespmem:$0x1FD70] =	vst v11;
	v11 =	vadd.f32 v19, v39;
	v19 =	vmul.f32 $8.333333770e-03, v56;
	v56 =	vmul.f32 $8.333333770e-03, v60  }
0x33f: {  	v60 =	vmul.f32 $8.333333770e-03, v53;
	[tilespmem:$0x1FE10] =	vst v4;
	v9 =	vmul.f32 v4, v4  }
0x340: {  	v4 =	vadd.f32 v14, v36;
	[tilespmem:$0x1FED0] =	vst v1;
	v26 =	vmul.f32 v1, v1;
	v1 =	vadd.f32 v5, v59  }
0x341: {  	[tilespmem:$0x1FE70] =	vst v6;
	v14 =	vmul.f32 v6, v6;
	v6 =	vadd.f32 v22, v50;
	v22 =	vmul.f32 $8.333333770e-03, v57  }
0x342: {  	[tilespmem:$0x1FF10] =	vst v1;
	v42 =	vmul.f32 v1, v1;
	v1 =	vmul.f32 $8.333333770e-03, v24  }
0x343: {  	[tilespmem:$0x1F900] =	vst v53;
	v50 =	vmul.f32 $8.333333770e-03, v52;
	v52 =	vmul.f32 $8.333333770e-03, v54  }
0x344: {  	[tilespmem:$0x1FA10] =	vst v14;
	v53 =	vadd.f32 $-1.666666720e-01, v22;
	v22 =	vmul.f32 $8.333333770e-03, v14;
	v14 =	vadd.f32 $-1.666666720e-01, v1;
	v1 =	vld [tilespmem:$0x1F870]  }
0x345: {  	[tilespmem:$0x1F830] =	vst v54;
	v54 =	vmul.f32 $8.333333770e-03, v55;
	v55 =	vmul.f32 $8.333333770e-03, v37;
	_ =	sdelay $0x1  }
0x346: {  	v55 =	vadd.f32 $-1.666666720e-01, v55  }
0x347: {  	[tilespmem:$0x1F880] =	vst v63;
	v0 =	vld [tilespmem:s25+$0x11000]  }
0x348: {  	v55 =	vmul.f32 v55, v1;
	v1 =	vld [tilespmem:$0x1F880]  }
0x349: {  	v5 =	vmul.f32 $8.333333770e-03, v63  }
0x34a: {  	[tilespmem:$0x1FCB0] =	vst v46;
	v46 =	vld [tilespmem:s2+$0x11000]  }
0x34b: {  	[tilespmem:$0x1F8A0] =	vst v41;
	v23 =	vld [tilespmem:s18+$0x8800];
	v5 =	vadd.f32 $-1.666666720e-01, v5  }
0x34c: {  	[tilespmem:$0x1FA60] =	vst v2;
	v3 =	vadd.f32 v0, v3;
	v0 =	vld [tilespmem:$0x1F800]  }
0x34d: {  	[tilespmem:$0x1FC30] =	vst v43;
	v5 =	vmul.f32 v5, v1;
	v1 =	vld [tilespmem:$0x1F890]  }
0x34e: {  	[tilespmem:$0x1F840] =	vst v57;
	v58 =	vmul.f32 v2, v2  }
0x34f: {  	[tilespmem:$0x1FC70] =	vst v44;
	v43 =	vmul.f32 v44, v44;
	v44 =	vmul.f32 v45, v45  }
0x350: {  	[tilespmem:$0x1FC90] =	vst v45;
	v51 =	vmul.f32 v7, v7;
	v27 =	vmul.f32 v29, v29;
	v56 =	vadd.f32 $-1.666666720e-01, v56  }
0x351: {  	[tilespmem:$0x1FD30] =	vst v7;
	v21 =	vmul.f32 v12, v12;
	v7 =	vadd.f32 v23, v62;
	v62 =	vmul.f32 v18, v18  }
0x352: {  	[tilespmem:$0x1FDF0] =	vst v18;
	v18 =	vmul.f32 $8.333333770e-03, v47;
	v2 =	vadd.f32 v46, v0;
	v56 =	vmul.f32 v56, v1;
	v1 =	vld [tilespmem:$0x1F8A0]  }
0x353: {  	v45 =	vmov v58;
	[tilespmem:$0x1F8B0] =	vst v27;
	v57 =	vmul.f32 $8.333333770e-03, v58;
	v58 =	vmul.f32 $8.333333770e-03, v41  }
0x354: {  	[tilespmem:$0x1FF20] =	vst v2;
	v0 =	vmul.f32 v2, v2;
	v2 =	vmul.f32 $8.333333770e-03, v44  }
0x355: {  	[tilespmem:$0x1FEC0] =	vst v10;
	v36 =	vmul.f32 v10, v10;
	v10 =	vmul.f32 $8.333333770e-03, v31;
	v58 =	vadd.f32 $-1.666666720e-01, v58  }
0x356: {  	v23 =	vmul.f32 $8.333333770e-03, v49;
	[tilespmem:$0x1F970] =	vst v21;
	v20 =	vmul.f32 $8.333333770e-03, v21;
	v21 =	vadd.f32 $-1.666666720e-01, v2  }
0x357: {  	v2 =	vadd.f32 $-1.666666720e-01, v10;
	v10 =	vadd.f32 $-1.666666720e-01, v18;
	v18 =	vmul.f32 v58, v1;
	v1 =	vld [tilespmem:$0x1F8B0]  }
0x358: {  	[tilespmem:$0x1F810] =	vst v49;
	v49 =	vmul.f32 $8.333333770e-03, v61;
	v46 =	vmov v61;
	v61 =	vmul.f32 $8.333333770e-03, v27;
	_ =	sdelay $0x1  }
0x359: {  	v61 =	vadd.f32 $-1.666666720e-01, v61  }
0x35a: {  	[tilespmem:$0x1F8C0] =	vst v28  }
0x35b: {  	v58 =	vmul.f32 v61, v1;
	v1 =	vld [tilespmem:$0x1F8C0]  }
0x35c: {  	v63 =	vmul.f32 $8.333333770e-03, v28;
	_ =	sdelay $0x1  }
0x35d: {  	v63 =	vadd.f32 $-1.666666720e-01, v63  }
0x35e: {  	[tilespmem:$0x1F8D0] =	vst v31  }
0x35f: {  	[tilespmem:$0x1F8E0] =	vst v24;
	v63 =	vmul.f32 v63, v1;
	v1 =	vld [tilespmem:$0x1F8D0]  }
0x360: {  	[tilespmem:$0x1F940] =	vst v30  }
0x361: {  	[tilespmem:$0x1FD50] =	vst v12  }
0x362: {  	[tilespmem:$0x1F8F0] =	vst v25  }
0x363: {  	[tilespmem:$0x1F950] =	vst v51  }
0x364: {  	[tilespmem:$0x1FDC0] =	vst v15;
	v1 =	vmul.f32 v2, v1;
	v2 =	vld [tilespmem:$0x1F8E0]  }
0x365: {  	v12 =	vmul.f32 v15, v15;
	[tilespmem:$0x1FEA0] =	vst v11;
	v15 =	vmul.f32 v8, v8  }
0x366: {  	[tilespmem:$0x1FE80] =	vst v8;
	v8 =	vmul.f32 v11, v11;
	v11 =	vmul.f32 $8.333333770e-03, v30  }
0x367: {  	[tilespmem:$0x1F9D0] =	vst v62  }
0x368: {  	[tilespmem:$0x1FA70] =	vst v8;
	v37 =	vmul.f32 $8.333333770e-03, v8;
	v8 =	vadd.f32 $-1.666666720e-01, v11;
	v11 =	vadd.f32 $-1.666666720e-01, v20  }
0x369: {  	[tilespmem:$0x1FA90] =	vst v36;
	v20 =	vadd.f32 $-1.666666720e-01, v22;
	v28 =	vmul.f32 $8.333333770e-03, v25;
	v22 =	vmul.f32 v14, v2;
	v2 =	vld [tilespmem:$0x1F8F0]  }
0x36a: {  	[tilespmem:$0x1FF00] =	vst v3;
	v3 =	vmul.f32 v3, v3;
	v27 =	vmul.f32 $8.333333770e-03, v43  }
0x36b: {  	v30 =	vmul.f32 $8.333333770e-03, v51;
	v51 =	vmul.f32 $8.333333770e-03, v62;
	[tilespmem:$0x1FAC0] =	vst v26;
	v28 =	vadd.f32 $-1.666666720e-01, v28  }
0x36c: {  	[tilespmem:$0x1FB10] =	vst v3;
	v62 =	vadd.f32 $-1.666666720e-01, v27;
	v27 =	vmul.f32 $8.333333770e-03, v36;
	v36 =	vmul.f32 $8.333333770e-03, v26  }
0x36d: {  	v26 =	vmul.f32 $8.333333770e-03, v3;
	v3 =	vadd.f32 $-1.666666720e-01, v30;
	[tilespmem:$0x1FB00] =	vst v0;
	v30 =	vmul.f32 $8.333333770e-03, v0;
	v0 =	vld [tilespmem:$0x1F810]  }
0x36e: {  	v28 =	vmul.f32 v28, v2;
	v2 =	vld [tilespmem:$0x1F900];
	_ =	sdelay $0x1  }
0x36f: {  	v23 =	vadd.f32 $-1.666666720e-01, v23  }
0x370: {  	v60 =	vadd.f32 $-1.666666720e-01, v60  }
0x371: {  	[tilespmem:$0x1F910] =	vst v34;
	v23 =	vmul.f32 v23, v0;
	v0 =	vld [tilespmem:$0x1F820]  }
0x372: {  	v14 =	vmul.f32 v60, v2;
	v2 =	vld [tilespmem:$0x1F910]  }
0x373: {  	v31 =	vmul.f32 $8.333333770e-03, v34  }
0x374: {  	v50 =	vadd.f32 $-1.666666720e-01, v50  }
0x375: {  	[tilespmem:$0x1FC60] =	vst v29;
	v31 =	vadd.f32 $-1.666666720e-01, v31  }
0x376: {  	[tilespmem:$0x1F920] =	vst v35;
	v50 =	vmul.f32 v50, v0;
	v0 =	vld [tilespmem:$0x1F830]  }
0x377: {  	[tilespmem:$0x1FD10] =	vst v14;
	v14 =	vmul.f32 v31, v2;
	v2 =	vld [tilespmem:$0x1F920]  }
0x378: {  	[tilespmem:$0x1FEF0] =	vst v6;
	v29 =	vmul.f32 v6, v6;
	v6 =	vmul.f32 $8.333333770e-03, v35  }
0x379: {  	v52 =	vadd.f32 $-1.666666720e-01, v52  }
0x37a: {  	v6 =	vadd.f32 $-1.666666720e-01, v6  }
0x37b: {  	[tilespmem:$0x1F930] =	vst v32;
	v52 =	vmul.f32 v52, v0;
	v0 =	vld [tilespmem:$0x1F840]  }
0x37c: {  	[tilespmem:$0x1FDD0] =	vst v17;
	v39 =	vmul.f32 v17, v17;
	v6 =	vmul.f32 v6, v2;
	v2 =	vld [tilespmem:$0x1F930]  }
0x37d: {  	v17 =	vmul.f32 $8.333333770e-03, v32;
	[tilespmem:$0x1FEE0] =	vst v4;
	v4 =	vmul.f32 v4, v4  }
0x37e: {  	[tilespmem:$0x1F980] =	vst v40  }
0x37f: {  	[tilespmem:$0x1FAA0] =	vst v4;
	v41 =	vmul.f32 $8.333333770e-03, v40;
	v40 =	vmul.f32 $8.333333770e-03, v4;
	v4 =	vadd.f32 $-1.666666720e-01, v17  }
0x380: {  	v53 =	vmul.f32 v53, v0;
	v0 =	vld [tilespmem:$0x1F850]  }
0x381: {  	v4 =	vmul.f32 v4, v2;
	v2 =	vld [tilespmem:$0x1F940];
	_ =	sdelay $0x1  }
0x382: {  	v32 =	vmul.f32 $8.333333770e-03, v39;
	v54 =	vadd.f32 $-1.666666720e-01, v54  }
0x383: {  	[tilespmem:$0x1F9C0] =	vst v39;
	v39 =	vmul.f32 $8.333333770e-03, v9;
	v24 =	vmul.f32 $8.333333770e-03, v38  }
0x384: {  	[tilespmem:$0x1F9F0] =	vst v9;
	v9 =	vadd.f32 $-1.666666720e-01, v19;
	v19 =	vmul.f32 $8.333333770e-03, v13;
	v54 =	vmul.f32 v54, v0;
	v0 =	vld [tilespmem:$0x1F860]  }
0x385: {  	[tilespmem:$0x1FA00] =	vst v13;
	v13 =	vadd.f32 $-1.666666720e-01, v24;
	v24 =	vadd.f32 $-1.666666720e-01, v37;
	v37 =	vmul.f32 v8, v2;
	v2 =	vld [tilespmem:$0x1F950];
	_ =	sdelay $0x3  }
0x386: {  	[tilespmem:$0x1F960] =	vst v47  }
0x387: {  	v0 =	vmul.f32 v9, v0;
	v9 =	vmul.f32 v3, v2;
	v2 =	vld [tilespmem:$0x1F960];
	_ =	sdelay $0x4  }
0x388: {  	v10 =	vmul.f32 v10, v2;
	v2 =	vld [tilespmem:$0x1F970];
	_ =	sdelay $0x4  }
0x389: {  	v2 =	vmul.f32 v11, v2  }
0x38a: {  	[tilespmem:$0x1FDB0] =	vst v16  }
0x38b: {  	v16 =	vmul.f32 v16, v16;
	[tilespmem:$0x1FD80] =	vst v2;
	v2 =	vld [tilespmem:$0x1F980];
	_ =	sdelay $0x1  }
0x38c: {  	[tilespmem:$0x1F9B0] =	vst v16  }
0x38d: {  	[tilespmem:$0x1F9A0] =	vst v12;
	v25 =	vmul.f32 $8.333333770e-03, v16;
	v16 =	vmul.f32 $8.333333770e-03, v12;
	v12 =	vadd.f32 $-1.666666720e-01, v41  }
0x38e: {  	[tilespmem:$0x1F990] =	vst v38  }
0x38f: {  	v8 =	vmul.f32 v12, v2;
	v2 =	vld [tilespmem:$0x1F990];
	_ =	sdelay $0x4  }
0x390: {  	[tilespmem:$0x1FD90] =	vst v8;
	v8 =	vmul.f32 v13, v2;
	v2 =	vld [tilespmem:$0x1F9A0];
	_ =	sdelay $0x2  }
0x391: {  	[tilespmem:$0x1F9E0] =	vst v33;
	v47 =	vmovc v15;
	v38 =	vmul.f32 $8.333333770e-03, v33;
	v33 =	vmul.f32 $8.333333770e-03, v15;
	v15 =	vadd.f32 $-1.666666720e-01, v16;
	_ =	sdelay $0x1  }
0x392: {  	v15 =	vmul.f32 v15, v2;
	v2 =	vld [tilespmem:$0x1F9B0]  }
0x393: {  	[tilespmem:$0x1FE90] =	vst v7;
	v7 =	vmul.f32 v7, v7;
	_ =	sdelay $0x1  }
0x394: {  	[tilespmem:$0x1FA50] =	vst v7;
	v35 =	vmul.f32 $8.333333770e-03, v7;
	v7 =	vadd.f32 $-1.666666720e-01, v25;
	_ =	sdelay $0x1  }
0x395: {  	v11 =	vmul.f32 v7, v2;
	v2 =	vld [tilespmem:$0x1F9C0];
	_ =	sdelay $0x2  }
0x396: {  	v16 =	vadd.f32 $-1.666666720e-01, v32;
	_ =	sdelay $0x1  }
0x397: {  	v12 =	vmul.f32 v16, v2;
	v2 =	vld [tilespmem:$0x1F9D0];
	_ =	sdelay $0x2  }
0x398: {  	v51 =	vadd.f32 $-1.666666720e-01, v51;
	_ =	sdelay $0x1  }
0x399: {  	v13 =	vadd.f32 $-1.666666720e-01, v26;
	v26 =	vmul.f32 v51, v2;
	v2 =	vld [tilespmem:$0x1F9E0];
	_ =	sdelay $0x2  }
0x39a: {  	v17 =	vadd.f32 $-1.666666720e-01, v38  }
0x39b: {  	v25 =	vmul.f32 v21, v44;
	v21 =	vadd.f32 $-1.666666720e-01, v35;
	v35 =	vadd.f32 $1.000000000e+00, v0;
	v0 =	vld [tilespmem:$0x1FA50]  }
0x39c: {  	v7 =	vmul.f32 v17, v2;
	v2 =	vld [tilespmem:$0x1F9F0]  }
0x39d: {  	v49 =	vadd.f32 $-1.666666720e-01, v49;
	_ =	sdelay $0x1  }
0x39e: {  	v32 =	vmul.f32 v49, v46;
	v49 =	vadd.f32 $-1.666666720e-01, v39  }
0x39f: {  	v44 =	vadd.f32 $1.000000000e+00, v50;
	v50 =	vadd.f32 $1.000000000e+00, v54;
	v54 =	vmovc v28;
	v28 =	vmul.f32 v21, v0;
	v0 =	vld [tilespmem:$0x1FA70]  }
0x3a0: {  	[tilespmem:$0x1FE30] =	vst v7;
	v7 =	vmul.f32 v49, v2;
	v2 =	vld [tilespmem:$0x1FA00];
	_ =	sdelay $0x2  }
0x3a1: {  	v19 =	vadd.f32 $-1.666666720e-01, v19  }
0x3a2: {  	v41 =	vadd.f32 $1.000000000e+00, v23;
	v23 =	vmul.f32 v24, v0;
	v0 =	vld [tilespmem:$0x1FA90]  }
0x3a3: {  	[tilespmem:$0x1FDA0] =	vst v8;
	v8 =	vmul.f32 v19, v2;
	v2 =	vld [tilespmem:$0x1FA10];
	_ =	sdelay $0x2  }
0x3a4: {  	v59 =	vmul.f32 $8.333333770e-03, v48;
	v60 =	vadd.f32 $-1.666666720e-01, v27  }
0x3a5: {  	v57 =	vadd.f32 $-1.666666720e-01, v57  }
0x3a6: {  	v59 =	vadd.f32 $-1.666666720e-01, v59;
	v27 =	vmul.f32 v20, v2;
	v20 =	vmul.f32 v60, v0;
	v0 =	vld [tilespmem:$0x1FAA0]  }
0x3a7: {  	v57 =	vmul.f32 v57, v45  }
0x3a8: {  	v59 =	vmul.f32 v59, v48;
	v45 =	vadd.f32 $-1.666666720e-01, v30;
	v30 =	vadd.f32 $1.000000000e+00, v1;
	v1 =	vld [tilespmem:s3+$0x15870]  }
0x3a9: {  	v31 =	vadd.f32 $-1.666666720e-01, v40  }
0x3aa: {  	v62 =	vmul.f32 v62, v43;
	v43 =	vadd.f32 $1.000000000e+00, v59;
	v59 =	vld [tilespmem:$0x1FAB0]  }
0x3ab: {  	v19 =	vmul.f32 v31, v0;
	v0 =	vld [tilespmem:$0x1FAC0]  }
0x3ac: {  	v38 =	vadd.f32 $1.000000000e+00, v62;
	v62 =	vld [tilespmem:$0x1FAD0]  }
0x3ad: {  	v34 =	vmul.f32 $8.333333770e-03, v29;
	v61 =	vadd.f32 $-1.666666720e-01, v33;
	[tilespmem:$0x1FFF0] =	vst v1;
	v1 =	vld [tilespmem:$0x1FB10]  }
0x3ae: {  	[tilespmem:$0x1FAE0] =	vst v29;
	v29 =	vmul.f32 $8.333333770e-03, v42;
	v33 =	vadd.f32 $-1.666666720e-01, v36;
	v36 =	vadd.f32 $1.000000000e+00, v55;
	v55 =	vld [tilespmem:$0x1FA40]  }
0x3af: {  	v48 =	vadd.f32 $1.000000000e+00, v32;
	v32 =	vadd.f32 $1.000000000e+00, v22;
	v22 =	vld [tilespmem:$0x1FB00]  }
0x3b0: {  	p0 =	sne.s32 s8, $0x1E00;
	v29 =	vadd.f32 $-1.666666720e-01, v29;
	v46 =	vadd.f32 $1.000000000e+00, v52;
	v60 =	vmul.f32 v33, v0;
	v0 =	vld [tilespmem:$0x1FAE0]  }
.Ltmp1:
0x3b1: {  	v39 =	vadd.f32 $1.000000000e+00, v18;
	v21 =	vmov v42;
	v42 =	vadd.f32 $1.000000000e+00, v57;
	v57 =	vld [tilespmem:$0x1FA80];
	(pc) =	sbr.rel @p0 .LBB2_5-.Ltmp1, $4  }
0x3b2: {  	v40 =	vadd.f32 $1.000000000e+00, v58;
	v1 =	vmul.f32 v13, v1;
	v51 =	vmovc v14;
	v14 =	vmul.f32 v61, v47;
	v61 =	vld [tilespmem:$0x1FA20]  }
0x3b3: {  	v3 =	vadd.f32 $-1.666666720e-01, v34;
	v47 =	vadd.f32 $1.000000000e+00, v56;
	v56 =	vld [tilespmem:$0x1FA60]  }
0x3b4: {  	v52 =	vmov v37;
	v37 =	vadd.f32 $1.000000000e+00, v5;
	[tilespmem:$0x1FFB0] =	vst v1;
	v49 =	vadd.f32 $1.000000000e+00, v53;
	v53 =	vld [tilespmem:$0x1FA30]  }
0x3b5: {  	s8 =	sadd.s32 $0x200, s8;
	v34 =	vadd.f32 $1.000000000e+00, v25;
	[tilespmem:$0x1FE50] =	vst v7;
	v33 =	vadd.f32 $1.000000000e+00, v63;
	v63 =	vld [tilespmem:$0x1FAF0];
	v0 =	vmul.f32 v3, v0  }
0x3b6: {  	v1 =	vld [tilespmem:$0x1FC10];
	_ =	sdelay $0x4  }
0x3b7: {  	v7 =	vmul.f32 v29, v21;
	v29 =	vmul.f32 v36, v1;
	v1 =	vld [tilespmem:$0x1FC30];
	_ =	sdelay $0x4  }
0x3b8: {  	v24 =	vmul.f32 v35, v62;
	v35 =	vmul.f32 v47, v1;
	v1 =	vld [tilespmem:$0x1FC20];
	_ =	sdelay $0x4  }
0x3b9: {  	v36 =	vmul.f32 v48, v1;
	v1 =	vld [tilespmem:s3+$0x15860];
	_ =	sdelay $0x4  }
0x3ba: {  	[tilespmem:$0x1F5C0] =	vst v1;
	v1 =	vld [tilespmem:$0x1FC40];
	_ =	sdelay $0x4  }
0x3bb: {  	v16 =	vmul.f32 v41, v55;
	v41 =	vmul.f32 v43, v1;
	v1 =	vld [tilespmem:s3+$0x15840];
	_ =	sdelay $0x4  }
0x3bc: {  	[tilespmem:$0x1F5B0] =	vst v1;
	v1 =	vld [tilespmem:$0x1FC50];
	_ =	sdelay $0x4  }
0x3bd: {  	v39 =	vmul.f32 v39, v1;
	v1 =	vld [tilespmem:$0x1FC60];
	_ =	sdelay $0x1  }
0x3be: {  	v2 =	vld [tilespmem:$0x1FD10];
	_ =	sdelay $0x2  }
0x3bf: {  	v40 =	vmul.f32 v40, v1;
	v1 =	vld [tilespmem:$0x1FC70];
	_ =	sdelay $0x1  }
0x3c0: {  	v5 =	vadd.f32 $1.000000000e+00, v2;
	v2 =	vld [tilespmem:$0x1FCA0];
	_ =	sdelay $0x2  }
0x3c1: {  	v38 =	vmul.f32 v38, v1;
	v1 =	vld [tilespmem:$0x1FC90];
	_ =	sdelay $0x1  }
0x3c2: {  	v30 =	vmul.f32 v30, v2;
	v2 =	vld [tilespmem:$0x1FCB0];
	_ =	sdelay $0x2  }
0x3c3: {  	v34 =	vmul.f32 v34, v1;
	v1 =	vld [tilespmem:$0x1FC80];
	_ =	sdelay $0x1  }
0x3c4: {  	v32 =	vmul.f32 v32, v2;
	v2 =	vld [tilespmem:$0x1FCC0];
	_ =	sdelay $0x2  }
0x3c5: {  	v33 =	vmul.f32 v33, v1;
	v1 =	vadd.f32 $1.000000000e+00, v54;
	_ =	sdelay $0x1  }
0x3c6: {  	v47 =	vmul.f32 v1, v2;
	v2 =	vld [tilespmem:$0x1FCE0];
	_ =	sdelay $0x2  }
0x3c7: {  	v58 =	vadd.f32 $1.000000000e+00, v51;
	v1 =	vld [tilespmem:$0x1FCD0];
	_ =	sdelay $0x1  }
0x3c8: {  	v13 =	vmul.f32 v45, v22;
	v45 =	vmul.f32 v58, v2;
	v2 =	vld [tilespmem:$0x1FD00];
	_ =	sdelay $0x2  }
0x3c9: {  	v48 =	vmul.f32 v5, v1;
	v1 =	vadd.f32 $1.000000000e+00, v6;
	_ =	sdelay $0x1  }
0x3ca: {  	v51 =	vmul.f32 v1, v2;
	v2 =	vld [tilespmem:$0x1FCF0];
	_ =	sdelay $0x2  }
0x3cb: {  	v4 =	vadd.f32 $1.000000000e+00, v4;
	_ =	sdelay $0x1  }
0x3cc: {  	v25 =	vmul.f32 v4, v2;
	v2 =	vld [tilespmem:$0x1FD20];
	_ =	sdelay $0x2  }
0x3cd: {  	v5 =	vadd.f32 $1.000000000e+00, v52;
	_ =	sdelay $0x1  }
0x3ce: {  	v52 =	vmul.f32 v5, v2;
	v2 =	vld [tilespmem:$0x1FD80];
	_ =	sdelay $0x4  }
0x3cf: {  	v5 =	vadd.f32 $1.000000000e+00, v2;
	v2 =	vld [tilespmem:$0x1FD30];
	_ =	sdelay $0x2  }
0x3d0: {  	v1 =	vadd.f32 $1.000000000e+00, v9;
	_ =	sdelay $0x1  }
0x3d1: {  	v17 =	vmul.f32 v44, v53;
	v53 =	vmul.f32 v1, v2;
	v2 =	vld [tilespmem:$0x1FD50]  }
0x3d2: {  	v1 =	vld [tilespmem:$0x1FD40];
	_ =	sdelay $0x2  }
0x3d3: {  	v22 =	vmul.f32 v50, v59;
	v59 =	vadd.f32 $1.000000000e+00, v10  }
0x3d4: {  	v55 =	vmul.f32 v5, v2;
	v2 =	vld [tilespmem:$0x1FDA0]  }
0x3d5: {  	v1 =	vmul.f32 v59, v1;
	_ =	sdelay $0x1  }
0x3d6: {  	[tilespmem:$0x1F570] =	vst v1;
	v1 =	vld [tilespmem:$0x1FD90];
	_ =	sdelay $0x1  }
0x3d7: {  	v5 =	vadd.f32 $1.000000000e+00, v2;
	v2 =	vld [tilespmem:$0x1FD60];
	_ =	sdelay $0x2  }
0x3d8: {  	v1 =	vadd.f32 $1.000000000e+00, v1  }
0x3d9: {  	v31 =	vmul.f32 v37, v63  }
0x3da: {  	v37 =	vmul.f32 v42, v56;
	v56 =	vmul.f32 v1, v2;
	v2 =	vld [tilespmem:$0x1FD70];
	_ =	sdelay $0x4  }
0x3db: {  	v2 =	vmul.f32 v5, v2;
	_ =	sdelay $0x1  }
0x3dc: {  	[tilespmem:$0x1F580] =	vst v2;
	v2 =	vld [tilespmem:$0x1FDC0];
	_ =	sdelay $0x2  }
0x3dd: {  	v21 =	vmul.f32 v49, v61;
	v61 =	vadd.f32 $1.000000000e+00, v15;
	_ =	sdelay $0x1  }
0x3de: {  	v18 =	vmul.f32 v46, v57;
	v57 =	vmul.f32 v61, v2;
	v2 =	vld [tilespmem:$0x1FDB0];
	_ =	sdelay $0x2  }
0x3df: {  	v1 =	vadd.f32 $1.000000000e+00, v11;
	_ =	sdelay $0x1  }
0x3e0: {  	v1 =	vmul.f32 v1, v2;
	_ =	sdelay $0x1  }
0x3e1: {  	[tilespmem:$0x1F5A0] =	vst v1;
	v1 =	vld [tilespmem:$0x1FDD0];
	_ =	sdelay $0x2  }
0x3e2: {  	v62 =	vadd.f32 $1.000000000e+00, v12;
	_ =	sdelay $0x1  }
0x3e3: {  	v11 =	vmul.f32 v62, v1;
	v1 =	vld [tilespmem:$0x1FE30];
	_ =	sdelay $0x3  }
0x3e4: {  	v46 =	vld [tilespmem:s4+$0x7800]  }
0x3e5: {  	v58 =	vadd.f32 $1.000000000e+00, v1;
	v1 =	vld [tilespmem:$0x1FDF0]  }
0x3e6: {  	v50 =	vld [tilespmem:s5+$0xD000]  }
0x3e7: {  	v10 =	vld [tilespmem:s5+$0xE800]  }
0x3e8: {  	v12 =	vld [tilespmem:s4+$0x6000];
	v63 =	vadd.f32 $1.000000000e+00, v26  }
0x3e9: {  	v3 =	vld [tilespmem:s19+$0x13000]  }
0x3ea: {  	v61 =	vmul.f32 v63, v1;
	v1 =	vld [tilespmem:$0x1FE50]  }
0x3eb: {  	v49 =	vld [tilespmem:s5+$0x14800]  }
0x3ec: {  	v15 =	vld [tilespmem:s4+$0x3000]  }
0x3ed: {  	v44 =	vld [tilespmem:s4+$0x4800]  }
0x3ee: {  	v42 =	vld [tilespmem:s4+$0xA800]  }
0x3ef: {  	v62 =	vadd.f32 $1.000000000e+00, v1;
	v1 =	vld [tilespmem:$0x1FE00]  }
0x3f0: {  	v26 =	vld [tilespmem:s1+$0xA800]  }
0x3f1: {  	v22 =	vmul.f32 v22, v46;
	v46 =	vld [tilespmem:$0x1FFB0]  }
0x3f2: {  	v21 =	vmul.f32 v21, v49;
	v49 =	vld [tilespmem:$0x1FF20]  }
0x3f3: {  	v24 =	vmul.f32 v24, v50;
	v50 =	vld [tilespmem:$0x1FF00]  }
0x3f4: {  	v18 =	vmul.f32 v18, v44;
	v44 =	vld [tilespmem:s25+$0xD000];
	v1 =	vmul.f32 v58, v1  }
0x3f5: {  	v13 =	vadd.f32 $1.000000000e+00, v13;
	v16 =	vmul.f32 v16, v42;
	v42 =	vld [tilespmem:s25+$0x14800]  }
0x3f6: {  	[tilespmem:$0x1F590] =	vst v1;
	v1 =	vld [tilespmem:$0x1FE10]  }
0x3f7: {  	v13 =	vmul.f32 v13, v49;
	v49 =	vld [tilespmem:s1+$0x6000]  }
0x3f8: {  	v10 =	vmul.f32 v35, v10;
	v35 =	vld [tilespmem:s19+$0xD000]  }
0x3f9: {  	v15 =	vmul.f32 v36, v15;
	v36 =	vld [tilespmem:$0x1FF10]  }
0x3fa: {  	v43 =	vld [tilespmem:s5+$0x13000]  }
0x3fb: {  	v62 =	vmul.f32 v62, v1;
	v1 =	vld [tilespmem:$0x1FE60]  }
0x3fc: {  	v7 =	vadd.f32 $1.000000000e+00, v7;
	v9 =	vld [tilespmem:s4+$0x9000]  }
0x3fd: {  	v6 =	vld [tilespmem:$0x1FED0]  }
0x3fe: {  	v8 =	vadd.f32 $1.000000000e+00, v8;
	v7 =	vmul.f32 v7, v36;
	v36 =	vld [tilespmem:s25+$0xE800]  }
0x3ff: {  	v17 =	vmul.f32 v17, v43;
	v43 =	vadd.f32 $1.000000000e+00, v46;
	v46 =	vld [tilespmem:s2+$0x13000]  }
0x400: {  	v60 =	vadd.f32 $1.000000000e+00, v60;
	v8 =	vmul.f32 v8, v1;
	v1 =	vld [tilespmem:$0x1FE80]  }
0x401: {  	v9 =	vmul.f32 v31, v9;
	v31 =	vld [tilespmem:s18+$0x7800]  }
0x402: {  	v60 =	vmul.f32 v60, v6;
	v6 =	vld [tilespmem:$0x1FEF0]  }
0x403: {  	v14 =	vadd.f32 $1.000000000e+00, v14;
	v54 =	vld [tilespmem:s5+$0x11800]  }
0x404: {  	v4 =	vld [tilespmem:s18+$0xA800]  }
0x405: {  	v0 =	vadd.f32 $1.000000000e+00, v0;
	v14 =	vmul.f32 v14, v1;
	v1 =	vld [tilespmem:$0x1FE70]  }
0x406: {  	v31 =	vmul.f32 v53, v31;
	v53 =	vld [tilespmem:s18+$0x3000]  }
0x407: {  	v6 =	vmul.f32 v0, v6;
	v0 =	vld [tilespmem:s16+$0x7800]  }
0x408: {  	v27 =	vadd.f32 $1.000000000e+00, v27;
	v25 =	vmul.f32 v25, v46;
	v46 =	vld [tilespmem:s3+$0x15060]  }
0x409: {  	v59 =	vld [tilespmem:s16+$0xA800]  }
0x40a: {  	v27 =	vmul.f32 v27, v1;
	v1 =	vld [tilespmem:$0x1FE90]  }
0x40b: {  	v60 =	vmul.f32 v60, v53;
	v53 =	vld [tilespmem:$0x1F5C0]  }
0x40c: {  	v5 =	vld [tilespmem:s1+$0x7800]  }
0x40d: {  	v28 =	vadd.f32 $1.000000000e+00, v28;
	v2 =	vld [tilespmem:s16+$0x4800]  }
0x40e: {  	v12 =	vmul.f32 v37, v12;
	v37 =	vmul.f32 v41, v59;
	v41 =	vld [tilespmem:s2+$0xD000]  }
0x40f: {  	v28 =	vmul.f32 v28, v1;
	v1 =	vld [tilespmem:$0x1FEA0]  }
0x410: {  	v59 =	vld [tilespmem:s7+$0xF000]  }
0x411: {  	v5 =	vmul.f32 v33, v5;
	v33 =	vld [tilespmem:s19+$0xE800]  }
0x412: {  	v23 =	vadd.f32 $1.000000000e+00, v23;
	v2 =	vmul.f32 v32, v2;
	v32 =	vmul.f32 v48, v42;
	v48 =	vld [tilespmem:s1+$0x3000]  }
0x413: {  	v42 =	vld [tilespmem:$0x1F570]  }
0x414: {  	v23 =	vmul.f32 v23, v1;
	v1 =	vld [tilespmem:$0x1FEC0]  }
0x415: {  	v11 =	vmul.f32 v11, v41;
	v41 =	vld [tilespmem:s2+$0x14800]  }
0x416: {  	v63 =	vld [tilespmem:s25+$0x13000]  }
0x417: {  	v20 =	vadd.f32 $1.000000000e+00, v20;
	v4 =	vmul.f32 v34, v4;
	v34 =	vmul.f32 v61, v59;
	v59 =	vld [tilespmem:s2+$0x11800]  }
0x418: {  	v58 =	vld [tilespmem:s1+$0x4800]  }
0x419: {  	v20 =	vmul.f32 v20, v1;
	v1 =	vld [tilespmem:$0x1FEE0]  }
0x41a: {  	v61 =	vld [tilespmem:s19+$0x14800]  }
0x41b: {  	v11 =	vadd.f32 v34, v11;
	v34 =	vld [tilespmem:s18+$0x9000]  }
0x41c: {  	v19 =	vadd.f32 $1.000000000e+00, v19;
	v40 =	vmul.f32 v40, v63;
	v63 =	vmul.f32 v45, v44;
	v44 =	vld [tilespmem:$0x1F580]  }
0x41d: {  	v38 =	vmul.f32 v38, v58;
	v58 =	vld [tilespmem:s6+$0xF000]  }
0x41e: {  	v19 =	vmul.f32 v19, v1;
	v1 =	vld [tilespmem:s12+$0xF000]  }
0x41f: {  	v45 =	vld [tilespmem:s3+$0x15050]  }
0x420: {  	v13 =	vmul.f32 v13, v59;
	v59 =	vld [tilespmem:$0x1FB70]  }
0x421: {  	v0 =	vmul.f32 v47, v0;
	v47 =	vld [tilespmem:$0x1F590]  }
0x422: {  	v18 =	vadd.f32 v22, v18;
	v3 =	vmul.f32 v30, v3;
	v30 =	vmul.f32 v56, v58;
	v58 =	vld [tilespmem:s19+$0x11800]  }
0x423: {  	v1 =	vmul.f32 v29, v1;
	v29 =	vmul.f32 v43, v50;
	v50 =	vld [tilespmem:s11+$0xF000]  }
0x424: {  	v16 =	vadd.f32 v16, v18;
	v12 =	vadd.f32 v12, v15;
	v35 =	vmul.f32 v55, v35;
	v43 =	vld [tilespmem:s18+$0x4800]  }
0x425: {  	v26 =	vmul.f32 v39, v26;
	v0 =	vadd.f32 v0, v2;
	v33 =	vmul.f32 v62, v33;
	v62 =	vld [tilespmem:s1+$0x9000]  }
0x426: {  	v9 =	vadd.f32 v9, v12;
	v36 =	vmul.f32 v57, v36;
	v56 =	vld [tilespmem:s25+$0x11800];
	v30 =	vadd.f32 v30, v35  }
0x427: {  	v0 =	vadd.f32 v37, v0;
	v12 =	vmul.f32 v42, v61;
	v14 =	vmul.f32 v14, v54;
	v54 =	vld [tilespmem:s18+$0x6000]  }
0x428: {  	v3 =	vadd.f32 v3, v30;
	v7 =	vmul.f32 v7, v58;
	v39 =	vmul.f32 v51, v50;
	v51 =	vld [tilespmem:s16+$0x3000]  }
0x429: {  	v5 =	vadd.f32 v5, v38;
	v8 =	vmul.f32 v8, v48;
	v43 =	vmul.f32 v52, v43;
	v52 =	vld [tilespmem:s16+$0x6000]  }
0x42a: {  	v48 =	vld [tilespmem:$0x1F5A0];
	v3 =	vmul.f32 v3, v53;
	v7 =	vadd.f32 v7, v33;
	v10 =	vadd.f32 v14, v10  }
0x42b: {  	v5 =	vadd.f32 v26, v5;
	v22 =	vmul.f32 v44, v62;
	v27 =	vmul.f32 v27, v49;
	v50 =	vld [tilespmem:s2+$0xE800]  }
0x42c: {  	v0 =	vmul.f32 v0, v3;
	v7 =	vadd.f32 v12, v7;
	v10 =	vadd.f32 v21, v10;
	v49 =	vld [tilespmem:s3+$0x15070]  }
0x42d: {  	v6 =	vmul.f32 v6, v54;
	v8 =	vadd.f32 v27, v8;
	v2 =	vadd.f32 v39, v63;
	v39 =	vld [tilespmem:s16+$0x9000]  }
0x42e: {  	v31 =	vadd.f32 v31, v43;
	v43 =	vld [tilespmem:s3+$0x15040];
	v57 =	vmul.f32 v20, v51;
	v19 =	vmul.f32 v19, v52  }
0x42f: {  	v61 =	vld [tilespmem:$0x1FBB0];
	v6 =	vadd.f32 v6, v60;
	v1 =	vadd.f32 v1, v24;
	v29 =	vmul.f32 v29, v56  }
0x430: {  	v56 =	vld [tilespmem:$0x1FB80];
	v55 =	vmul.f32 v23, v50;
	v63 =	vadd.f32 v19, v57;
	v19 =	vmul.f32 v28, v34  }
0x431: {  	v8 =	vadd.f32 v22, v8;
	v1 =	vadd.f32 v17, v1;
	v17 =	vmul.f32 v48, v41;
	v50 =	vld [tilespmem:$0x1F5B0]  }
0x432: {  	v51 =	vld [tilespmem:s3+$0x15850];
	v13 =	vadd.f32 v13, v55;
	v18 =	vmul.f32 v47, v39;
	v6 =	vadd.f32 v19, v6  }
0x433: {  	v54 =	vadd.f32 v25, v11;
	v8 =	vmul.f32 v8, v49;
	v9 =	vmul.f32 v9, v43;
	v57 =	vld [tilespmem:$0x1FC00]  }
0x434: {  	v58 =	vld [tilespmem:$0x1FBE0];
	v14 =	vadd.f32 v18, v63;
	v13 =	vadd.f32 v17, v13;
	v6 =	vmul.f32 v6, v45  }
0x435: {  	v60 =	vld [tilespmem:$0x1FBD0];
	v15 =	vadd.f32 v29, v36;
	v2 =	vadd.f32 v40, v2;
	v9 =	vmul.f32 v10, v9  }
0x436: {  	v62 =	vld [tilespmem:$0x1FBC0];
	v4 =	vadd.f32 v4, v31;
	v52 =	vmul.f32 v14, v46;
	v6 =	vmul.f32 v13, v6  }
0x437: {  	v55 =	vadd.f32 v32, v15;
	v63 =	vld [tilespmem:$0x1FFF0];
	v1 =	vmul.f32 v1, v50;
	v9 =	vadd.f32 v9, v56  }
0x438: {  	v3 =	vld [tilespmem:$0x1FB90];
	v10 =	vmul.f32 v54, v51;
	v7 =	vmul.f32 v7, v52;
	v6 =	vadd.f32 v6, v57  }
0x439: {  	v8 =	vmul.f32 v55, v8;
	v1 =	vmul.f32 v16, v1;
	v9 =	vadd.f32 v9, v59  }
0x43a: {  	v4 =	vmul.f32 v4, v10;
	v7 =	vadd.f32 v7, v58;
	v6 =	vadd.f32 v6, v60  }
0x43b: {  	v8 =	vadd.f32 v8, v62;
	v1 =	vadd.f32 v1, v9  }
0x43c: {  	v2 =	vmul.f32 v2, v63;
	v7 =	vadd.f32 v7, v61;
	v4 =	vadd.f32 v4, v6  }
0x43d: {  	v3 =	vadd.f32 v8, v3  }
0x43e: {  	v2 =	vmul.f32 v5, v2;
	v0 =	vadd.f32 v0, v7;
	v1 =	vadd.f32 v4, v1;
	_ =	sdelay $0x1  }
0x43f: {  	v0 =	vadd.f32 v0, v1;
	v1 =	vadd.f32 v2, v3;
	_ =	sdelay $0x1  }
0x440: {  	v0 =	vadd.f32 v1, v0;
	_ =	sdelay $0x1  }
0x441: {  	(xrf2) =	vadd.scan.msk.f32 $0xffff, v0;
	_ =	sdelay $0x7  }
0x442: {  	v1 =	vld [tilespmem:$0x1FFE0];
	_ =	sdelay $0x1  }
0x443: {  	s29 =	sadd.s32 $0x1, s29;
	v0, _, _ =	vpop (xrf2)  }
0x444: {  	p0 =	sne.s32 s29, $0x20;
	v0 =	vbroadcast v0, $0xF  }
.Ltmp2:
0x445: {  	_ = 	snop;
	(pc) =	sbr.rel @p0 .LBB2_4-.Ltmp2, $3  }
0x446: {  	v0 =	vsel vm0, v0, v1  }
0x447: {  	v0 =	vmul.f32 $5.000000000e-01, v0;
	_ =	sdelay $0x1  }
0x448: {  	v3 =	vlaneseq.u32;
	[tilespmem:s10+$0x16000] =	vst v0  }
0x449: {  	s11 =	simm.s32 $0x0;
	s1 =	rddreg [dreg:$0x1c];
	s2 =	simm.s32 $0x16000  }
0x44a: {  	[hbm4b:s1+s11] =	stream.linear.scatter [tilespmem:s2], [sflag:$0x2], $0x200, $0x38;
	[tilespmem:$0x16200] =	vst v63  }
0x44b: {  	s2 =	simm.s32 $0x2  }
0x44c: {  	_ =	swait.ge [sflag:s2], $0x200  }
0x44d: {  	s3 =	rddreg [dreg:$0x1e]  }
0x44e: {  	s29 =	rddreg [dreg:$0x1d];
	s3 =	sadd.s32 $0x1, s3  }
0x44f: {  	p0 =	sne.s32 s3, s29  }
.Ltmp3:
0x450: {  	_ = 	snop;
	(pc) =	sbr.rel @p0 .LBB2_1-.Ltmp3, $3  }
0x451: {  	_ =	sdelay $0x1  }
0x452: {  	[sflag:s2] =	ssyncset.done $0x0  }
0x453: {  	[sflag:s2] =	ssyncadd.s32 $0xFFFFFE00  }
0x454: {  	_ =	sfence.sel $0x180000  }
0x455: {  	[bflag:$0x0] =	sbarrier.arrive $0xFFFF  }
0x456: {  	_ =	strace $0x90000047  }
0x457: {  	s0 =	stileid.u32;
	[bflag:$0x2] =	sbarrier.arrive $0xFFFF  }
0x458: {  	p0 =	sne.s32 s0, $0x0;
	s0 =	rddreg [dreg:$0xa]  }
0x459: {  	s0 =	sadd.s32 @!p0 $0x100000, s0  }
0x45a: {  	[sflag:s0] =	ssyncadd.tile.s32 @!p0 $0x1;
	_ =	shalt  }
.Lfunc_end2:
_tile_overlayer_lowered:
.L_overlay_start_2:
0x45b: {  	(tag) =	ssettag $0x2  }
0x45c: {  	s0 =	rddreg [dreg:$0x0];
	s2 =	stileid.u32  }
0x45d: {  	s1 =	rddreg [dreg:$0x1];
	p0 =	sne.s32 s2, $0x0  }
0x45e: {  	s3 =	rddreg [dreg:$0x2];
	[bflag:$0x3] =	sbarrier.arrive $0xFFFF;
	s2 =	simm.s32 @!p0 $0x1C02  }
0x45f: {  	[timem:s3], [sflag:s2] =	dma.local @!p0 [hbm:s0], s1  }
0x460: {  	s0 =	simm.s32 @!p0 $0x2  }
0x461: {  	_ =	swait.ge @!p0 [sflag:s0], s1  }
0x462: {  	s1 =	ssub.s32 @!p0 $0x0, s1;
	[sflag:s0] =	ssyncset.done @!p0 $0x0  }
0x463: {  	[sflag:s0] =	ssyncadd.s32 @!p0 s1  }
0x464: {  	[bflag:$0x3] =	sbarrier.arrive $0xFFFF  }
0x465: {  	_ =	shalt  }

</sc_bundles>
